<compile_context>
chip_gen: v7x
topology: tpu7x:2x2x1
jax: 0.10.2.dev20260603
libtpu: 0.0.44.dev20260713+nightly
codegen_flags: <defaults>
</compile_context>

<pallas_src>
import functools

import jax
import jax.numpy as jnp
from jax import lax
from jax.experimental import pallas as pl
from jax.experimental.pallas import tpu as pltpu
from jax.experimental.pallas import tpu_sc as plsc

NUM_CORES = 2
NUM_SUBCORES = 16
NUM_WORKERS = NUM_CORES * NUM_SUBCORES
LANES = 16

BATCH = 4096
HIST = 200
DIM = 64
CHUNK = 128
SCALE = 8.0
NBUF = 5
DSUB = DIM // 8
PSTRIDE = 131

_mesh = plsc.VectorSubcoreMesh(core_axis_name="c", subcore_axis_name="s")


@functools.partial(
    pl.kernel,
    out_type=jax.ShapeDtypeStruct((HIST, 8, NUM_WORKERS, 8, CHUNK),
                                  jnp.float32),
    mesh=_mesh,
    scratch_types=[
        pltpu.VMEM((HIST, CHUNK), jnp.int32),
        pltpu.VMEM((NBUF, CHUNK, DIM), jnp.float32),
        pltpu.VMEM((DIM, PSTRIDE), jnp.float32),
        pltpu.VMEM((NBUF, 8, DSUB, CHUNK), jnp.float32),
        pltpu.SemaphoreType.DMA((NBUF,)),
        pltpu.SemaphoreType.DMA((NBUF,)),
    ],
    compiler_params=pltpu.CompilerParams(use_tc_tiling_on_sc=False,
                                         needs_layout_passes=False),
)
def _embed_sc(idx_hbm, table_hbm, out_hbm, idx_v, in_v, p_v, out_v, gsem, ssem):
    wid = lax.axis_index("s") * NUM_CORES + lax.axis_index("c")
    pltpu.sync_copy(idx_hbm.at[wid], idx_v)
    lane = lax.iota(jnp.int32, LANES)

    def start_gather(b, h):
        pltpu.async_copy(table_hbm.at[idx_v.at[h]], in_v.at[b], gsem.at[b])

    def wait_gather(b, h):
        pltpu.make_async_copy(table_hbm.at[idx_v.at[h]], in_v.at[b],
                              gsem.at[b]).wait()

    def start_store(b, h):
        pltpu.async_copy(out_v.at[b], out_hbm.at[h, :, wid], ssem.at[b])

    def wait_store(b, h):
        pltpu.make_async_copy(out_v.at[b], out_hbm.at[h, :, wid],
                              ssem.at[b]).wait()

    d_lists = [lane + (c * LANES) for c in range(DIM // LANES)]

    def transpose_scale(b):
        def br_body(br, carry):
            cols = jnp.full((LANES,), br, jnp.int32)
            vs = [in_v[b, br, pl.ds(c * LANES, LANES)] * SCALE
                  for c in range(DIM // LANES)]
            for c, v in enumerate(vs):
                plsc.store_scatter(p_v, [d_lists[c], cols], v)
            return carry

        lax.fori_loop(0, CHUNK, br_body, 0, unroll=4)

        def d_body(d, carry):
            dt = d // DSUB
            dr = d % DSUB
            vs = [p_v[d, pl.ds(c * LANES, LANES)]
                  for c in range(CHUNK // LANES)]
            for c, v in enumerate(vs):
                out_v[b, dt, dr, pl.ds(c * LANES, LANES)] = v
            return carry

        lax.fori_loop(0, DIM, d_body, 0, unroll=4)

    for b in range(NBUF):
        start_gather(b, b)

    n_blocks = HIST // NBUF

    def block_body(h0, carry):
        for b in range(NBUF):
            h = h0 * NBUF + b
            wait_gather(b, h)

            @pl.when(h0 > 0)
            def _():
                wait_store(b, h - NBUF)

            transpose_scale(b)

            @pl.when(h0 < n_blocks - 1)
            def _():
                start_gather(b, h + NBUF)

            start_store(b, h)
        return carry

    lax.fori_loop(0, n_blocks, block_body, 0)

    for b in range(NBUF):
        wait_store(b, HIST - NBUF + b)


def kernel(x, embedding):
    xt = (x.astype(jnp.int32).T
          .reshape(HIST, NUM_WORKERS, CHUNK)
          .transpose(1, 0, 2))
    r = _embed_sc(xt, embedding)
    return r.transpose(2, 4, 0, 1, 3).reshape(BATCH, HIST, DIM)

# --- scband reference (transcript-rebuilt; emitter-appended) ---
"""Pipeline reference for scband-embedding-80204219285919 (READ-ONLY COPY).

The authoritative reference and input builder live on the scoring server;
editing this copy changes nothing except your own understanding.
"""

import jax, jax.numpy as jnp
import numpy as np

NUM_VOCAB = 1000000
MODEL_DIM = 64
BATCH = 4096
HIST = 200

def setup_inputs(seed: int = 0) -> dict:
    key = jax.random.key(seed)
    k_idx, k_emb = jax.random.split(key)
    x = jax.random.randint(k_idx, (BATCH, HIST), 0, NUM_VOCAB, dtype=jnp.int64 if jax.config.jax_enable_x64 else jnp.int32)
    embedding = jax.random.normal(k_emb, (NUM_VOCAB, MODEL_DIM), dtype=jnp.float32) * 0.02
    return {"x": x, "embedding": embedding}

def reference(x, embedding):
    # Faithful translation of flax nn.Embed lookup followed by sqrt(dim) scaling.
    out = jnp.take(embedding, x, axis=0)
    return out * jnp.sqrt(jnp.asarray(MODEL_DIM, dtype=out.dtype))

if __name__ == "__main__":
    import jax
    _d = setup_inputs()
    print(jax.jit(kernel)(*tuple(_d.values())))

</pallas_src>

<mosaic_0001>
#map = affine_map<(d0, d1) -> (0, 0, 0)>
#map1 = affine_map<(d0, d1) -> (0, 0)>
#map2 = affine_map<(d0, d1) -> (0, 0, 0, 0, 0)>
module attributes {stable_mosaic.version = 14 : i64} {
  func.func @_embed_sc(%arg0: i32, %arg1: i32, %arg2: memref<32x200x128xi32, #tpu.memory_space<hbm>>, %arg3: memref<1000000x64xf32, #tpu.memory_space<hbm>>, %arg4: memref<200x8x32x8x128xf32, #tpu.memory_space<hbm>>, %arg5: memref<200x128xi32, #tpu.memory_space<vmem>>, %arg6: memref<5x128x64xf32, #tpu.memory_space<vmem>>, %arg7: memref<64x131xf32, #tpu.memory_space<vmem>>, %arg8: memref<5x8x8x128xf32, #tpu.memory_space<vmem>>, %arg9: memref<5x!tpu.dma_semaphore, #tpu.memory_space<semaphore_mem>>, %arg10: memref<5x!tpu.dma_semaphore, #tpu.memory_space<semaphore_mem>>) attributes {dimension_semantics = [#tpu.dimension_semantics<core_parallel>, #tpu.dimension_semantics<subcore_parallel>], iteration_bounds = array<i64: 2, 16>, scalar_prefetch = 0 : i64, scratch_operands = 6 : i64, tpu.core_type = #tpu.core_type<sc_vector_subcore>, window_params = [{transform_indices = #map}, {transform_indices = #map1}, {transform_indices = #map2}]} {
    %mul3A = arith.constant 2 : i32
    %mul3A_0 = arith.muli %arg1, %mul3A : i32
    %add3A = arith.addi %mul3A_0, %arg0 : i32
    "tpu.region"() ({
      %run_scoped3A = tpu.sem_alloc : memref<!tpu.dma_semaphore, #tpu.memory_space<semaphore_mem>>
      %dma_start3A_216 = arith.constant 0 : i32
      %dma_start3A_217 = arith.constant 0 : i32
      %dma_start3A_218 = tpu.memref_slice %arg2[%add3A, %dma_start3A_216, %dma_start3A_217] : memref<32x200x128xi32, #tpu.memory_space<hbm>> -> memref<1x200x128xi32, #tpu.memory_space<hbm>>
      %dma_start3A_219 = tpu.memref_squeeze %dma_start3A_218 : memref<1x200x128xi32, #tpu.memory_space<hbm>> -> memref<200x128xi32, #tpu.memory_space<hbm>>
      %dma_start3A_220 = arith.constant 0 : i32
      %dma_start3A_221 = arith.constant 0 : i32
      %dma_start3A_222 = tpu.memref_slice %arg2[%add3A, %dma_start3A_220, %dma_start3A_221] : memref<32x200x128xi32, #tpu.memory_space<hbm>> -> memref<1x200x128xi32, #tpu.memory_space<hbm>>
      %dma_start3A_223 = tpu.memref_squeeze %dma_start3A_222 : memref<1x200x128xi32, #tpu.memory_space<hbm>> -> memref<200x128xi32, #tpu.memory_space<hbm>>
      tpu.enqueue_dma source(%dma_start3A_223 : memref<200x128xi32, #tpu.memory_space<hbm>>) target(%arg5 : memref<200x128xi32, #tpu.memory_space<vmem>>) target_semaphore(%run_scoped3A : memref<!tpu.dma_semaphore, #tpu.memory_space<semaphore_mem>>)
      %dma_wait3A_224 = arith.constant 0 : i32
      %dma_wait3A_225 = arith.constant 0 : i32
      %dma_wait3A_226 = tpu.memref_slice %arg2[%add3A, %dma_wait3A_224, %dma_wait3A_225] : memref<32x200x128xi32, #tpu.memory_space<hbm>> -> memref<1x200x128xi32, #tpu.memory_space<hbm>>
      %dma_wait3A_227 = tpu.memref_squeeze %dma_wait3A_226 : memref<1x200x128xi32, #tpu.memory_space<hbm>> -> memref<200x128xi32, #tpu.memory_space<hbm>>
      %dma_wait3A_228 = arith.constant 0 : i32
      %dma_wait3A_229 = arith.constant 0 : i32
      %dma_wait3A_230 = tpu.memref_slice %arg2[%add3A, %dma_wait3A_228, %dma_wait3A_229] : memref<32x200x128xi32, #tpu.memory_space<hbm>> -> memref<1x200x128xi32, #tpu.memory_space<hbm>>
      %dma_wait3A_231 = tpu.memref_squeeze %dma_wait3A_230 : memref<1x200x128xi32, #tpu.memory_space<hbm>> -> memref<200x128xi32, #tpu.memory_space<hbm>>
      tpu.wait_dma2 semaphore(%run_scoped3A : memref<!tpu.dma_semaphore, #tpu.memory_space<semaphore_mem>>) src(%dma_wait3A_231 : memref<200x128xi32, #tpu.memory_space<hbm>>) dst(%arg5 : memref<200x128xi32, #tpu.memory_space<vmem>>)
      tpu.yield
    }) : () -> ()
    %iota3A = tpu.iota {dimensions = array<i32: 0>} : vector<16xi32>
    %add3A_1 = arith.constant 0 : i32
    %add3A_2 = vector.broadcast %add3A_1 : i32 to vector<16xi32>
    %add3A_3 = arith.addi %iota3A, %add3A_2 : vector<16xi32>
    %add3A_4 = arith.constant 16 : i32
    %add3A_5 = vector.broadcast %add3A_4 : i32 to vector<16xi32>
    %add3A_6 = arith.addi %iota3A, %add3A_5 : vector<16xi32>
    %add3A_7 = arith.constant 32 : i32
    %add3A_8 = vector.broadcast %add3A_7 : i32 to vector<16xi32>
    %add3A_9 = arith.addi %iota3A, %add3A_8 : vector<16xi32>
    %add3A_10 = arith.constant 48 : i32
    %add3A_11 = vector.broadcast %add3A_10 : i32 to vector<16xi32>
    %add3A_12 = arith.addi %iota3A, %add3A_11 : vector<16xi32>
    %dma_start3A = arith.constant 0 : i32
    %dma_start3A_13 = arith.constant 0 : i32
    %dma_start3A_14 = arith.constant 0 : i32
    %dma_start3A_15 = arith.constant 0 : i32
    %dma_start3A_16 = arith.constant 0 : i32
    %dma_start3A_17 = tpu.memref_slice %arg6[%dma_start3A_13, %dma_start3A_15, %dma_start3A_16] : memref<5x128x64xf32, #tpu.memory_space<vmem>> -> memref<1x128x64xf32, #tpu.memory_space<vmem>>
    %dma_start3A_18 = tpu.memref_squeeze %dma_start3A_17 : memref<1x128x64xf32, #tpu.memory_space<vmem>> -> memref<128x64xf32, #tpu.memory_space<vmem>>
    %dma_start3A_19 = arith.constant 0 : i32
    %dma_start3A_20 = tpu.memref_slice %arg5[%dma_start3A, %dma_start3A_19] : memref<200x128xi32, #tpu.memory_space<vmem>> -> memref<1x128xi32, #tpu.memory_space<vmem>>
    %dma_start3A_21 = tpu.memref_squeeze %dma_start3A_20 : memref<1x128xi32, #tpu.memory_space<vmem>> -> memref<128xi32, #tpu.memory_space<vmem>>
    %dma_start3A_22 = arith.constant 0 : i32
    %dma_start3A_23 = arith.constant 0 : i32
    %dma_start3A_24 = tpu.memref_slice %arg3[%dma_start3A_22, %dma_start3A_23] : memref<1000000x64xf32, #tpu.memory_space<hbm>> -> memref<1000000x64xf32, #tpu.memory_space<hbm>>
    %dma_start3A_25 = tpu.memref_slice %arg9[%dma_start3A_14] : memref<5x!tpu.dma_semaphore, #tpu.memory_space<semaphore_mem>> -> memref<1x!tpu.dma_semaphore, #tpu.memory_space<semaphore_mem>>
    %dma_start3A_26 = tpu.memref_squeeze %dma_start3A_25 : memref<1x!tpu.dma_semaphore, #tpu.memory_space<semaphore_mem>> -> memref<!tpu.dma_semaphore, #tpu.memory_space<semaphore_mem>>
    tpu.enqueue_indirect_dma source(%dma_start3A_24 : memref<1000000x64xf32, #tpu.memory_space<hbm>>) target(%dma_start3A_18 : memref<128x64xf32, #tpu.memory_space<vmem>>) offsets(%dma_start3A_21 : memref<128xi32, #tpu.memory_space<vmem>>) semaphore(%dma_start3A_26 : memref<!tpu.dma_semaphore, #tpu.memory_space<semaphore_mem>>)
    %dma_start3A_27 = arith.constant 1 : i32
    %dma_start3A_28 = arith.constant 1 : i32
    %dma_start3A_29 = arith.constant 1 : i32
    %dma_start3A_30 = arith.constant 0 : i32
    %dma_start3A_31 = arith.constant 0 : i32
    %dma_start3A_32 = tpu.memref_slice %arg6[%dma_start3A_28, %dma_start3A_30, %dma_start3A_31] : memref<5x128x64xf32, #tpu.memory_space<vmem>> -> memref<1x128x64xf32, #tpu.memory_space<vmem>>
    %dma_start3A_33 = tpu.memref_squeeze %dma_start3A_32 : memref<1x128x64xf32, #tpu.memory_space<vmem>> -> memref<128x64xf32, #tpu.memory_space<vmem>>
    %dma_start3A_34 = arith.constant 0 : i32
    %dma_start3A_35 = tpu.memref_slice %arg5[%dma_start3A_27, %dma_start3A_34] : memref<200x128xi32, #tpu.memory_space<vmem>> -> memref<1x128xi32, #tpu.memory_space<vmem>>
    %dma_start3A_36 = tpu.memref_squeeze %dma_start3A_35 : memref<1x128xi32, #tpu.memory_space<vmem>> -> memref<128xi32, #tpu.memory_space<vmem>>
    %dma_start3A_37 = arith.constant 0 : i32
    %dma_start3A_38 = arith.constant 0 : i32
    %dma_start3A_39 = tpu.memref_slice %arg3[%dma_start3A_37, %dma_start3A_38] : memref<1000000x64xf32, #tpu.memory_space<hbm>> -> memref<1000000x64xf32, #tpu.memory_space<hbm>>
    %dma_start3A_40 = tpu.memref_slice %arg9[%dma_start3A_29] : memref<5x!tpu.dma_semaphore, #tpu.memory_space<semaphore_mem>> -> memref<1x!tpu.dma_semaphore, #tpu.memory_space<semaphore_mem>>
    %dma_start3A_41 = tpu.memref_squeeze %dma_start3A_40 : memref<1x!tpu.dma_semaphore, #tpu.memory_space<semaphore_mem>> -> memref<!tpu.dma_semaphore, #tpu.memory_space<semaphore_mem>>
    tpu.enqueue_indirect_dma source(%dma_start3A_39 : memref<1000000x64xf32, #tpu.memory_space<hbm>>) target(%dma_start3A_33 : memref<128x64xf32, #tpu.memory_space<vmem>>) offsets(%dma_start3A_36 : memref<128xi32, #tpu.memory_space<vmem>>) semaphore(%dma_start3A_41 : memref<!tpu.dma_semaphore, #tpu.memory_space<semaphore_mem>>)
    %dma_start3A_42 = arith.constant 2 : i32
    %dma_start3A_43 = arith.constant 2 : i32
    %dma_start3A_44 = arith.constant 2 : i32
    %dma_start3A_45 = arith.constant 0 : i32
    %dma_start3A_46 = arith.constant 0 : i32
    %dma_start3A_47 = tpu.memref_slice %arg6[%dma_start3A_43, %dma_start3A_45, %dma_start3A_46] : memref<5x128x64xf32, #tpu.memory_space<vmem>> -> memref<1x128x64xf32, #tpu.memory_space<vmem>>
    %dma_start3A_48 = tpu.memref_squeeze %dma_start3A_47 : memref<1x128x64xf32, #tpu.memory_space<vmem>> -> memref<128x64xf32, #tpu.memory_space<vmem>>
    %dma_start3A_49 = arith.constant 0 : i32
    %dma_start3A_50 = tpu.memref_slice %arg5[%dma_start3A_42, %dma_start3A_49] : memref<200x128xi32, #tpu.memory_space<vmem>> -> memref<1x128xi32, #tpu.memory_space<vmem>>
    %dma_start3A_51 = tpu.memref_squeeze %dma_start3A_50 : memref<1x128xi32, #tpu.memory_space<vmem>> -> memref<128xi32, #tpu.memory_space<vmem>>
    %dma_start3A_52 = arith.constant 0 : i32
    %dma_start3A_53 = arith.constant 0 : i32
    %dma_start3A_54 = tpu.memref_slice %arg3[%dma_start3A_52, %dma_start3A_53] : memref<1000000x64xf32, #tpu.memory_space<hbm>> -> memref<1000000x64xf32, #tpu.memory_space<hbm>>
    %dma_start3A_55 = tpu.memref_slice %arg9[%dma_start3A_44] : memref<5x!tpu.dma_semaphore, #tpu.memory_space<semaphore_mem>> -> memref<1x!tpu.dma_semaphore, #tpu.memory_space<semaphore_mem>>
    %dma_start3A_56 = tpu.memref_squeeze %dma_start3A_55 : memref<1x!tpu.dma_semaphore, #tpu.memory_space<semaphore_mem>> -> memref<!tpu.dma_semaphore, #tpu.memory_space<semaphore_mem>>
    tpu.enqueue_indirect_dma source(%dma_start3A_54 : memref<1000000x64xf32, #tpu.memory_space<hbm>>) target(%dma_start3A_48 : memref<128x64xf32, #tpu.memory_space<vmem>>) offsets(%dma_start3A_51 : memref<128xi32, #tpu.memory_space<vmem>>) semaphore(%dma_start3A_56 : memref<!tpu.dma_semaphore, #tpu.memory_space<semaphore_mem>>)
    %dma_start3A_57 = arith.constant 3 : i32
    %dma_start3A_58 = arith.constant 3 : i32
    %dma_start3A_59 = arith.constant 3 : i32
    %dma_start3A_60 = arith.constant 0 : i32
    %dma_start3A_61 = arith.constant 0 : i32
    %dma_start3A_62 = tpu.memref_slice %arg6[%dma_start3A_58, %dma_start3A_60, %dma_start3A_61] : memref<5x128x64xf32, #tpu.memory_space<vmem>> -> memref<1x128x64xf32, #tpu.memory_space<vmem>>
    %dma_start3A_63 = tpu.memref_squeeze %dma_start3A_62 : memref<1x128x64xf32, #tpu.memory_space<vmem>> -> memref<128x64xf32, #tpu.memory_space<vmem>>
    %dma_start3A_64 = arith.constant 0 : i32
    %dma_start3A_65 = tpu.memref_slice %arg5[%dma_start3A_57, %dma_start3A_64] : memref<200x128xi32, #tpu.memory_space<vmem>> -> memref<1x128xi32, #tpu.memory_space<vmem>>
    %dma_start3A_66 = tpu.memref_squeeze %dma_start3A_65 : memref<1x128xi32, #tpu.memory_space<vmem>> -> memref<128xi32, #tpu.memory_space<vmem>>
    %dma_start3A_67 = arith.constant 0 : i32
    %dma_start3A_68 = arith.constant 0 : i32
    %dma_start3A_69 = tpu.memref_slice %arg3[%dma_start3A_67, %dma_start3A_68] : memref<1000000x64xf32, #tpu.memory_space<hbm>> -> memref<1000000x64xf32, #tpu.memory_space<hbm>>
    %dma_start3A_70 = tpu.memref_slice %arg9[%dma_start3A_59] : memref<5x!tpu.dma_semaphore, #tpu.memory_space<semaphore_mem>> -> memref<1x!tpu.dma_semaphore, #tpu.memory_space<semaphore_mem>>
    %dma_start3A_71 = tpu.memref_squeeze %dma_start3A_70 : memref<1x!tpu.dma_semaphore, #tpu.memory_space<semaphore_mem>> -> memref<!tpu.dma_semaphore, #tpu.memory_space<semaphore_mem>>
    tpu.enqueue_indirect_dma source(%dma_start3A_69 : memref<1000000x64xf32, #tpu.memory_space<hbm>>) target(%dma_start3A_63 : memref<128x64xf32, #tpu.memory_space<vmem>>) offsets(%dma_start3A_66 : memref<128xi32, #tpu.memory_space<vmem>>) semaphore(%dma_start3A_71 : memref<!tpu.dma_semaphore, #tpu.memory_space<semaphore_mem>>)
    %dma_start3A_72 = arith.constant 4 : i32
    %dma_start3A_73 = arith.constant 4 : i32
    %dma_start3A_74 = arith.constant 4 : i32
    %dma_start3A_75 = arith.constant 0 : i32
    %dma_start3A_76 = arith.constant 0 : i32
    %dma_start3A_77 = tpu.memref_slice %arg6[%dma_start3A_73, %dma_start3A_75, %dma_start3A_76] : memref<5x128x64xf32, #tpu.memory_space<vmem>> -> memref<1x128x64xf32, #tpu.memory_space<vmem>>
    %dma_start3A_78 = tpu.memref_squeeze %dma_start3A_77 : memref<1x128x64xf32, #tpu.memory_space<vmem>> -> memref<128x64xf32, #tpu.memory_space<vmem>>
    %dma_start3A_79 = arith.constant 0 : i32
    %dma_start3A_80 = tpu.memref_slice %arg5[%dma_start3A_72, %dma_start3A_79] : memref<200x128xi32, #tpu.memory_space<vmem>> -> memref<1x128xi32, #tpu.memory_space<vmem>>
    %dma_start3A_81 = tpu.memref_squeeze %dma_start3A_80 : memref<1x128xi32, #tpu.memory_space<vmem>> -> memref<128xi32, #tpu.memory_space<vmem>>
    %dma_start3A_82 = arith.constant 0 : i32
    %dma_start3A_83 = arith.constant 0 : i32
    %dma_start3A_84 = tpu.memref_slice %arg3[%dma_start3A_82, %dma_start3A_83] : memref<1000000x64xf32, #tpu.memory_space<hbm>> -> memref<1000000x64xf32, #tpu.memory_space<hbm>>
    %dma_start3A_85 = tpu.memref_slice %arg9[%dma_start3A_74] : memref<5x!tpu.dma_semaphore, #tpu.memory_space<semaphore_mem>> -> memref<1x!tpu.dma_semaphore, #tpu.memory_space<semaphore_mem>>
    %dma_start3A_86 = tpu.memref_squeeze %dma_start3A_85 : memref<1x!tpu.dma_semaphore, #tpu.memory_space<semaphore_mem>> -> memref<!tpu.dma_semaphore, #tpu.memory_space<semaphore_mem>>
    tpu.enqueue_indirect_dma source(%dma_start3A_84 : memref<1000000x64xf32, #tpu.memory_space<hbm>>) target(%dma_start3A_78 : memref<128x64xf32, #tpu.memory_space<vmem>>) offsets(%dma_start3A_81 : memref<128xi32, #tpu.memory_space<vmem>>) semaphore(%dma_start3A_86 : memref<!tpu.dma_semaphore, #tpu.memory_space<semaphore_mem>>)
    %scan3A = arith.constant 0 : i32
    %scan3A_87 = arith.constant 0 : i32
    %scan3A_88 = arith.constant 40 : i32
    %scan3A_89 = arith.addi %scan3A_87, %scan3A_88 : i32
    %scan3A_90 = arith.constant 1 : i32
    scf.for %scan3A_216 = %scan3A_87 to %scan3A_89 step %scan3A_90  : i32 {
      %mul3A_217 = arith.constant 5 : i32
      %mul3A_218 = arith.muli %scan3A_216, %mul3A_217 : i32
      %add3A_219 = arith.constant 0 : i32
      %add3A_220 = arith.addi %mul3A_218, %add3A_219 : i32
      %dma_wait3A_221 = arith.constant 0 : i32
      %dma_wait3A_222 = arith.constant 0 : i32
      %dma_wait3A_223 = arith.constant 0 : i32
      %dma_wait3A_224 = arith.constant 0 : i32
      %dma_wait3A_225 = tpu.memref_slice %arg6[%dma_wait3A_221, %dma_wait3A_223, %dma_wait3A_224] : memref<5x128x64xf32, #tpu.memory_space<vmem>> -> memref<1x128x64xf32, #tpu.memory_space<vmem>>
      %dma_wait3A_226 = tpu.memref_squeeze %dma_wait3A_225 : memref<1x128x64xf32, #tpu.memory_space<vmem>> -> memref<128x64xf32, #tpu.memory_space<vmem>>
      %dma_wait3A_227 = arith.constant 0 : i32
      %dma_wait3A_228 = tpu.memref_slice %arg5[%add3A_220, %dma_wait3A_227] : memref<200x128xi32, #tpu.memory_space<vmem>> -> memref<1x128xi32, #tpu.memory_space<vmem>>
      %dma_wait3A_229 = tpu.memref_squeeze %dma_wait3A_228 : memref<1x128xi32, #tpu.memory_space<vmem>> -> memref<128xi32, #tpu.memory_space<vmem>>
      %dma_wait3A_230 = arith.constant 0 : i32
      %dma_wait3A_231 = arith.constant 0 : i32
      %dma_wait3A_232 = tpu.memref_slice %arg3[%dma_wait3A_230, %dma_wait3A_231] : memref<1000000x64xf32, #tpu.memory_space<hbm>> -> memref<1000000x64xf32, #tpu.memory_space<hbm>>
      %dma_wait3A_233 = tpu.memref_slice %arg9[%dma_wait3A_222] : memref<5x!tpu.dma_semaphore, #tpu.memory_space<semaphore_mem>> -> memref<1x!tpu.dma_semaphore, #tpu.memory_space<semaphore_mem>>
      %dma_wait3A_234 = tpu.memref_squeeze %dma_wait3A_233 : memref<1x!tpu.dma_semaphore, #tpu.memory_space<semaphore_mem>> -> memref<!tpu.dma_semaphore, #tpu.memory_space<semaphore_mem>>
      tpu.wait_indirect_dma semaphore(%dma_wait3A_234 : memref<!tpu.dma_semaphore, #tpu.memory_space<semaphore_mem>>) src(%dma_wait3A_232 : memref<1000000x64xf32, #tpu.memory_space<hbm>>) dst(%dma_wait3A_226 : memref<128x64xf32, #tpu.memory_space<vmem>>)
      %gt3A = arith.constant 0 : i32
      %gt3A_235 = arith.cmpi sgt, %scan3A_216, %gt3A : i32
      %convert_element_type3A = arith.extui %gt3A_235 : i1 to i32
      %cond3A = arith.constant 0 : i32
      %cond3A_236 = arith.cmpi ne, %convert_element_type3A, %cond3A : i32
      scf.if %cond3A_236 {
        %sub3A = arith.constant 5 : i32
        %sub3A_533 = arith.subi %add3A_220, %sub3A : i32
        %dma_wait3A_534 = arith.constant 0 : i32
        %dma_wait3A_535 = arith.constant 0 : i32
        %dma_wait3A_536 = arith.constant 0 : i32
        %dma_wait3A_537 = arith.constant 0 : i32
        %dma_wait3A_538 = arith.constant 0 : i32
        %dma_wait3A_539 = tpu.memref_slice %arg8[%dma_wait3A_534, %dma_wait3A_536, %dma_wait3A_537, %dma_wait3A_538] : memref<5x8x8x128xf32, #tpu.memory_space<vmem>> -> memref<1x8x8x128xf32, #tpu.memory_space<vmem>>
        %dma_wait3A_540 = tpu.memref_squeeze %dma_wait3A_539 : memref<1x8x8x128xf32, #tpu.memory_space<vmem>> -> memref<8x8x128xf32, #tpu.memory_space<vmem>>
        %dma_wait3A_541 = arith.constant 0 : i32
        %dma_wait3A_542 = arith.constant 0 : i32
        %dma_wait3A_543 = arith.constant 0 : i32
        %dma_wait3A_544 = tpu.memref_slice %arg4[%sub3A_533, %dma_wait3A_541, %add3A, %dma_wait3A_542, %dma_wait3A_543] : memref<200x8x32x8x128xf32, #tpu.memory_space<hbm>> -> memref<1x8x1x8x128xf32, #tpu.memory_space<hbm>>
        %dma_wait3A_545 = tpu.memref_squeeze %dma_wait3A_544 : memref<1x8x1x8x128xf32, #tpu.memory_space<hbm>> -> memref<8x8x128xf32, #tpu.memory_space<hbm>>
        %dma_wait3A_546 = tpu.memref_slice %arg10[%dma_wait3A_535] : memref<5x!tpu.dma_semaphore, #tpu.memory_space<semaphore_mem>> -> memref<1x!tpu.dma_semaphore, #tpu.memory_space<semaphore_mem>>
        %dma_wait3A_547 = tpu.memref_squeeze %dma_wait3A_546 : memref<1x!tpu.dma_semaphore, #tpu.memory_space<semaphore_mem>> -> memref<!tpu.dma_semaphore, #tpu.memory_space<semaphore_mem>>
        %dma_wait3A_548 = arith.constant 0 : i32
        %dma_wait3A_549 = arith.constant 0 : i32
        %dma_wait3A_550 = arith.constant 0 : i32
        %dma_wait3A_551 = tpu.memref_slice %arg4[%sub3A_533, %dma_wait3A_548, %add3A, %dma_wait3A_549, %dma_wait3A_550] : memref<200x8x32x8x128xf32, #tpu.memory_space<hbm>> -> memref<1x8x1x8x128xf32, #tpu.memory_space<hbm>>
        %dma_wait3A_552 = tpu.memref_squeeze %dma_wait3A_551 : memref<1x8x1x8x128xf32, #tpu.memory_space<hbm>> -> memref<8x8x128xf32, #tpu.memory_space<hbm>>
        %dma_wait3A_553 = arith.constant 0 : i32
        %dma_wait3A_554 = arith.constant 0 : i32
        %dma_wait3A_555 = arith.constant 0 : i32
        %dma_wait3A_556 = tpu.memref_slice %arg8[%dma_wait3A_534, %dma_wait3A_553, %dma_wait3A_554, %dma_wait3A_555] : memref<5x8x8x128xf32, #tpu.memory_space<vmem>> -> memref<1x8x8x128xf32, #tpu.memory_space<vmem>>
        %dma_wait3A_557 = tpu.memref_squeeze %dma_wait3A_556 : memref<1x8x8x128xf32, #tpu.memory_space<vmem>> -> memref<8x8x128xf32, #tpu.memory_space<vmem>>
        tpu.wait_dma2 semaphore(%dma_wait3A_547 : memref<!tpu.dma_semaphore, #tpu.memory_space<semaphore_mem>>) src(%dma_wait3A_557 : memref<8x8x128xf32, #tpu.memory_space<vmem>>) dst(%dma_wait3A_552 : memref<8x8x128xf32, #tpu.memory_space<hbm>>)
      } else {
      }
      %scan3A_237 = arith.constant 0 : i32
      %scan3A_238 = arith.constant 0 : i32
      %scan3A_239 = arith.constant 128 : i32
      %scan3A_240 = arith.addi %scan3A_238, %scan3A_239 : i32
      %scan3A_241 = arith.constant 4 : i32
      scf.for %scan3A_533 = %scan3A_238 to %scan3A_240 step %scan3A_241  : i32 {
        %broadcast_in_dim3A = vector.broadcast %scan3A_533 : i32 to vector<16xi32>
        %get3A = arith.constant 0 : i32
        %get3A_534 = arith.index_cast %get3A : i32 to index
        %get3A_535 = arith.index_cast %scan3A_533 : i32 to index
        %get3A_536 = arith.constant 0 : index
        %get3A_537 = tpu.vector_load %arg6[%get3A_534, %get3A_535, %get3A_536] {strides = array<i32>} : memref<5x128x64xf32, #tpu.memory_space<vmem>>, vector<16xf32>,
        %mul3A_538 = arith.constant 8.000000e+00 : f32
        %mul3A_539 = vector.broadcast %mul3A_538 : f32 to vector<16xf32>
        %mul3A_540 = arith.mulf %get3A_537, %mul3A_539 : vector<16xf32>
        %get3A_541 = arith.constant 0 : i32
        %get3A_542 = arith.index_cast %get3A_541 : i32 to index
        %get3A_543 = arith.index_cast %scan3A_533 : i32 to index
        %get3A_544 = arith.constant 16 : index
        %get3A_545 = tpu.vector_load %arg6[%get3A_542, %get3A_543, %get3A_544] {strides = array<i32>} : memref<5x128x64xf32, #tpu.memory_space<vmem>>, vector<16xf32>,
        %mul3A_546 = arith.constant 8.000000e+00 : f32
        %mul3A_547 = vector.broadcast %mul3A_546 : f32 to vector<16xf32>
        %mul3A_548 = arith.mulf %get3A_545, %mul3A_547 : vector<16xf32>
        %get3A_549 = arith.constant 0 : i32
        %get3A_550 = arith.index_cast %get3A_549 : i32 to index
        %get3A_551 = arith.index_cast %scan3A_533 : i32 to index
        %get3A_552 = arith.constant 32 : index
        %get3A_553 = tpu.vector_load %arg6[%get3A_550, %get3A_551, %get3A_552] {strides = array<i32>} : memref<5x128x64xf32, #tpu.memory_space<vmem>>, vector<16xf32>,
        %mul3A_554 = arith.constant 8.000000e+00 : f32
        %mul3A_555 = vector.broadcast %mul3A_554 : f32 to vector<16xf32>
        %mul3A_556 = arith.mulf %get3A_553, %mul3A_555 : vector<16xf32>
        %get3A_557 = arith.constant 0 : i32
        %get3A_558 = arith.index_cast %get3A_557 : i32 to index
        %get3A_559 = arith.index_cast %scan3A_533 : i32 to index
        %get3A_560 = arith.constant 48 : index
        %get3A_561 = tpu.vector_load %arg6[%get3A_558, %get3A_559, %get3A_560] {strides = array<i32>} : memref<5x128x64xf32, #tpu.memory_space<vmem>>, vector<16xf32>,
        %mul3A_562 = arith.constant 8.000000e+00 : f32
        %mul3A_563 = vector.broadcast %mul3A_562 : f32 to vector<16xf32>
        %mul3A_564 = arith.mulf %get3A_561, %mul3A_563 : vector<16xf32>
        tpu.vector_store_idx %arg7[%add3A_3, %broadcast_in_dim3A], %mul3A_540 : memref<64x131xf32, #tpu.memory_space<vmem>>[vector<16xi32>, vector<16xi32>], vector<16xf32>,
        tpu.vector_store_idx %arg7[%add3A_6, %broadcast_in_dim3A], %mul3A_548 : memref<64x131xf32, #tpu.memory_space<vmem>>[vector<16xi32>, vector<16xi32>], vector<16xf32>,
        tpu.vector_store_idx %arg7[%add3A_9, %broadcast_in_dim3A], %mul3A_556 : memref<64x131xf32, #tpu.memory_space<vmem>>[vector<16xi32>, vector<16xi32>], vector<16xf32>,
        tpu.vector_store_idx %arg7[%add3A_12, %broadcast_in_dim3A], %mul3A_564 : memref<64x131xf32, #tpu.memory_space<vmem>>[vector<16xi32>, vector<16xi32>], vector<16xf32>,
        %scan3A_565 = arith.constant 1 : i32
        %scan3A_566 = arith.addi %scan3A_533, %scan3A_565 : i32
        %broadcast_in_dim3A_567 = vector.broadcast %scan3A_566 : i32 to vector<16xi32>
        %get3A_568 = arith.constant 0 : i32
        %get3A_569 = arith.index_cast %get3A_568 : i32 to index
        %get3A_570 = arith.index_cast %scan3A_566 : i32 to index
        %get3A_571 = arith.constant 0 : index
        %get3A_572 = tpu.vector_load %arg6[%get3A_569, %get3A_570, %get3A_571] {strides = array<i32>} : memref<5x128x64xf32, #tpu.memory_space<vmem>>, vector<16xf32>,
        %mul3A_573 = arith.constant 8.000000e+00 : f32
        %mul3A_574 = vector.broadcast %mul3A_573 : f32 to vector<16xf32>
        %mul3A_575 = arith.mulf %get3A_572, %mul3A_574 : vector<16xf32>
        %get3A_576 = arith.constant 0 : i32
        %get3A_577 = arith.index_cast %get3A_576 : i32 to index
        %get3A_578 = arith.index_cast %scan3A_566 : i32 to index
        %get3A_579 = arith.constant 16 : index
        %get3A_580 = tpu.vector_load %arg6[%get3A_577, %get3A_578, %get3A_579] {strides = array<i32>} : memref<5x128x64xf32, #tpu.memory_space<vmem>>, vector<16xf32>,
        %mul3A_581 = arith.constant 8.000000e+00 : f32
        %mul3A_582 = vector.broadcast %mul3A_581 : f32 to vector<16xf32>
        %mul3A_583 = arith.mulf %get3A_580, %mul3A_582 : vector<16xf32>
        %get3A_584 = arith.constant 0 : i32
        %get3A_585 = arith.index_cast %get3A_584 : i32 to index
        %get3A_586 = arith.index_cast %scan3A_566 : i32 to index
        %get3A_587 = arith.constant 32 : index
        %get3A_588 = tpu.vector_load %arg6[%get3A_585, %get3A_586, %get3A_587] {strides = array<i32>} : memref<5x128x64xf32, #tpu.memory_space<vmem>>, vector<16xf32>,
        %mul3A_589 = arith.constant 8.000000e+00 : f32
        %mul3A_590 = vector.broadcast %mul3A_589 : f32 to vector<16xf32>
        %mul3A_591 = arith.mulf %get3A_588, %mul3A_590 : vector<16xf32>
        %get3A_592 = arith.constant 0 : i32
        %get3A_593 = arith.index_cast %get3A_592 : i32 to index
        %get3A_594 = arith.index_cast %scan3A_566 : i32 to index
        %get3A_595 = arith.constant 48 : index
        %get3A_596 = tpu.vector_load %arg6[%get3A_593, %get3A_594, %get3A_595] {strides = array<i32>} : memref<5x128x64xf32, #tpu.memory_space<vmem>>, vector<16xf32>,
        %mul3A_597 = arith.constant 8.000000e+00 : f32
        %mul3A_598 = vector.broadcast %mul3A_597 : f32 to vector<16xf32>
        %mul3A_599 = arith.mulf %get3A_596, %mul3A_598 : vector<16xf32>
        tpu.vector_store_idx %arg7[%add3A_3, %broadcast_in_dim3A_567], %mul3A_575 : memref<64x131xf32, #tpu.memory_space<vmem>>[vector<16xi32>, vector<16xi32>], vector<16xf32>,
        tpu.vector_store_idx %arg7[%add3A_6, %broadcast_in_dim3A_567], %mul3A_583 : memref<64x131xf32, #tpu.memory_space<vmem>>[vector<16xi32>, vector<16xi32>], vector<16xf32>,
        tpu.vector_store_idx %arg7[%add3A_9, %broadcast_in_dim3A_567], %mul3A_591 : memref<64x131xf32, #tpu.memory_space<vmem>>[vector<16xi32>, vector<16xi32>], vector<16xf32>,
        tpu.vector_store_idx %arg7[%add3A_12, %broadcast_in_dim3A_567], %mul3A_599 : memref<64x131xf32, #tpu.memory_space<vmem>>[vector<16xi32>, vector<16xi32>], vector<16xf32>,
        %scan3A_600 = arith.constant 2 : i32
        %scan3A_601 = arith.addi %scan3A_533, %scan3A_600 : i32
        %broadcast_in_dim3A_602 = vector.broadcast %scan3A_601 : i32 to vector<16xi32>
        %get3A_603 = arith.constant 0 : i32
        %get3A_604 = arith.index_cast %get3A_603 : i32 to index
        %get3A_605 = arith.index_cast %scan3A_601 : i32 to index
        %get3A_606 = arith.constant 0 : index
        %get3A_607 = tpu.vector_load %arg6[%get3A_604, %get3A_605, %get3A_606] {strides = array<i32>} : memref<5x128x64xf32, #tpu.memory_space<vmem>>, vector<16xf32>,
        %mul3A_608 = arith.constant 8.000000e+00 : f32
        %mul3A_609 = vector.broadcast %mul3A_608 : f32 to vector<16xf32>
        %mul3A_610 = arith.mulf %get3A_607, %mul3A_609 : vector<16xf32>
        %get3A_611 = arith.constant 0 : i32
        %get3A_612 = arith.index_cast %get3A_611 : i32 to index
        %get3A_613 = arith.index_cast %scan3A_601 : i32 to index
        %get3A_614 = arith.constant 16 : index
        %get3A_615 = tpu.vector_load %arg6[%get3A_612, %get3A_613, %get3A_614] {strides = array<i32>} : memref<5x128x64xf32, #tpu.memory_space<vmem>>, vector<16xf32>,
        %mul3A_616 = arith.constant 8.000000e+00 : f32
        %mul3A_617 = vector.broadcast %mul3A_616 : f32 to vector<16xf32>
        %mul3A_618 = arith.mulf %get3A_615, %mul3A_617 : vector<16xf32>
        %get3A_619 = arith.constant 0 : i32
        %get3A_620 = arith.index_cast %get3A_619 : i32 to index
        %get3A_621 = arith.index_cast %scan3A_601 : i32 to index
        %get3A_622 = arith.constant 32 : index
        %get3A_623 = tpu.vector_load %arg6[%get3A_620, %get3A_621, %get3A_622] {strides = array<i32>} : memref<5x128x64xf32, #tpu.memory_space<vmem>>, vector<16xf32>,
        %mul3A_624 = arith.constant 8.000000e+00 : f32
        %mul3A_625 = vector.broadcast %mul3A_624 : f32 to vector<16xf32>
        %mul3A_626 = arith.mulf %get3A_623, %mul3A_625 : vector<16xf32>
        %get3A_627 = arith.constant 0 : i32
        %get3A_628 = arith.index_cast %get3A_627 : i32 to index
        %get3A_629 = arith.index_cast %scan3A_601 : i32 to index
        %get3A_630 = arith.constant 48 : index
        %get3A_631 = tpu.vector_load %arg6[%get3A_628, %get3A_629, %get3A_630] {strides = array<i32>} : memref<5x128x64xf32, #tpu.memory_space<vmem>>, vector<16xf32>,
        %mul3A_632 = arith.constant 8.000000e+00 : f32
        %mul3A_633 = vector.broadcast %mul3A_632 : f32 to vector<16xf32>
        %mul3A_634 = arith.mulf %get3A_631, %mul3A_633 : vector<16xf32>
        tpu.vector_store_idx %arg7[%add3A_3, %broadcast_in_dim3A_602], %mul3A_610 : memref<64x131xf32, #tpu.memory_space<vmem>>[vector<16xi32>, vector<16xi32>], vector<16xf32>,
        tpu.vector_store_idx %arg7[%add3A_6, %broadcast_in_dim3A_602], %mul3A_618 : memref<64x131xf32, #tpu.memory_space<vmem>>[vector<16xi32>, vector<16xi32>], vector<16xf32>,
        tpu.vector_store_idx %arg7[%add3A_9, %broadcast_in_dim3A_602], %mul3A_626 : memref<64x131xf32, #tpu.memory_space<vmem>>[vector<16xi32>, vector<16xi32>], vector<16xf32>,
        tpu.vector_store_idx %arg7[%add3A_12, %broadcast_in_dim3A_602], %mul3A_634 : memref<64x131xf32, #tpu.memory_space<vmem>>[vector<16xi32>, vector<16xi32>], vector<16xf32>,
        %scan3A_635 = arith.constant 3 : i32
        %scan3A_636 = arith.addi %scan3A_533, %scan3A_635 : i32
        %broadcast_in_dim3A_637 = vector.broadcast %scan3A_636 : i32 to vector<16xi32>
        %get3A_638 = arith.constant 0 : i32
        %get3A_639 = arith.index_cast %get3A_638 : i32 to index
        %get3A_640 = arith.index_cast %scan3A_636 : i32 to index
        %get3A_641 = arith.constant 0 : index
        %get3A_642 = tpu.vector_load %arg6[%get3A_639, %get3A_640, %get3A_641] {strides = array<i32>} : memref<5x128x64xf32, #tpu.memory_space<vmem>>, vector<16xf32>,
        %mul3A_643 = arith.constant 8.000000e+00 : f32
        %mul3A_644 = vector.broadcast %mul3A_643 : f32 to vector<16xf32>
        %mul3A_645 = arith.mulf %get3A_642, %mul3A_644 : vector<16xf32>
        %get3A_646 = arith.constant 0 : i32
        %get3A_647 = arith.index_cast %get3A_646 : i32 to index
        %get3A_648 = arith.index_cast %scan3A_636 : i32 to index
        %get3A_649 = arith.constant 16 : index
        %get3A_650 = tpu.vector_load %arg6[%get3A_647, %get3A_648, %get3A_649] {strides = array<i32>} : memref<5x128x64xf32, #tpu.memory_space<vmem>>, vector<16xf32>,
        %mul3A_651 = arith.constant 8.000000e+00 : f32
        %mul3A_652 = vector.broadcast %mul3A_651 : f32 to vector<16xf32>
        %mul3A_653 = arith.mulf %get3A_650, %mul3A_652 : vector<16xf32>
        %get3A_654 = arith.constant 0 : i32
        %get3A_655 = arith.index_cast %get3A_654 : i32 to index
        %get3A_656 = arith.index_cast %scan3A_636 : i32 to index
        %get3A_657 = arith.constant 32 : index
        %get3A_658 = tpu.vector_load %arg6[%get3A_655, %get3A_656, %get3A_657] {strides = array<i32>} : memref<5x128x64xf32, #tpu.memory_space<vmem>>, vector<16xf32>,
        %mul3A_659 = arith.constant 8.000000e+00 : f32
        %mul3A_660 = vector.broadcast %mul3A_659 : f32 to vector<16xf32>
        %mul3A_661 = arith.mulf %get3A_658, %mul3A_660 : vector<16xf32>
        %get3A_662 = arith.constant 0 : i32
        %get3A_663 = arith.index_cast %get3A_662 : i32 to index
        %get3A_664 = arith.index_cast %scan3A_636 : i32 to index
        %get3A_665 = arith.constant 48 : index
        %get3A_666 = tpu.vector_load %arg6[%get3A_663, %get3A_664, %get3A_665] {strides = array<i32>} : memref<5x128x64xf32, #tpu.memory_space<vmem>>, vector<16xf32>,
        %mul3A_667 = arith.constant 8.000000e+00 : f32
        %mul3A_668 = vector.broadcast %mul3A_667 : f32 to vector<16xf32>
        %mul3A_669 = arith.mulf %get3A_666, %mul3A_668 : vector<16xf32>
        tpu.vector_store_idx %arg7[%add3A_3, %broadcast_in_dim3A_637], %mul3A_645 : memref<64x131xf32, #tpu.memory_space<vmem>>[vector<16xi32>, vector<16xi32>], vector<16xf32>,
        tpu.vector_store_idx %arg7[%add3A_6, %broadcast_in_dim3A_637], %mul3A_653 : memref<64x131xf32, #tpu.memory_space<vmem>>[vector<16xi32>, vector<16xi32>], vector<16xf32>,
        tpu.vector_store_idx %arg7[%add3A_9, %broadcast_in_dim3A_637], %mul3A_661 : memref<64x131xf32, #tpu.memory_space<vmem>>[vector<16xi32>, vector<16xi32>], vector<16xf32>,
        tpu.vector_store_idx %arg7[%add3A_12, %broadcast_in_dim3A_637], %mul3A_669 : memref<64x131xf32, #tpu.memory_space<vmem>>[vector<16xi32>, vector<16xi32>], vector<16xf32>,
      }
      %scan3A_242 = arith.constant 128 : i32
      %scan3A_243 = arith.constant 0 : i32
      %scan3A_244 = arith.constant 0 : i32
      %scan3A_245 = arith.constant 64 : i32
      %scan3A_246 = arith.addi %scan3A_244, %scan3A_245 : i32
      %scan3A_247 = arith.constant 4 : i32
      scf.for %scan3A_533 = %scan3A_244 to %scan3A_246 step %scan3A_247  : i32 {
        %jit3A = arith.constant 8 : i32
        %div3A = arith.divsi %scan3A_533, %jit3A : i32
        %sign3A = arith.constant 0 : i32
        %sign3A_534 = arith.cmpi sgt, %scan3A_533, %sign3A : i32
        %sign3A_535 = arith.extui %sign3A_534 : i1 to i32
        %sign3A_536 = arith.constant 0 : i32
        %sign3A_537 = arith.cmpi slt, %scan3A_533, %sign3A_536 : i32
        %sign3A_538 = arith.extui %sign3A_537 : i1 to i32
        %sign3A_539 = arith.subi %sign3A_535, %sign3A_538 : i32
        %sign3A_540 = arith.constant 0 : i32
        %sign3A_541 = arith.cmpi sgt, %jit3A, %sign3A_540 : i32
        %sign3A_542 = arith.extui %sign3A_541 : i1 to i32
        %sign3A_543 = arith.constant 0 : i32
        %sign3A_544 = arith.cmpi slt, %jit3A, %sign3A_543 : i32
        %sign3A_545 = arith.extui %sign3A_544 : i1 to i32
        %sign3A_546 = arith.subi %sign3A_542, %sign3A_545 : i32
        %ne3A = arith.cmpi ne, %sign3A_539, %sign3A_546 : i32
        %rem3A = arith.remsi %scan3A_533, %jit3A : i32
        %ne3A_547 = arith.constant 0 : i32
        %ne3A_548 = arith.cmpi ne, %rem3A, %ne3A_547 : i32
        %and3A = arith.andi %ne3A, %ne3A_548 : i1
        %sub3A = arith.constant 1 : i32
        %sub3A_549 = arith.subi %div3A, %sub3A : i32
        %select_n3A = arith.select %and3A, %sub3A_549, %div3A : i32
        %jit3A_550 = arith.constant 8 : i32
        %eq3A = arith.constant 0 : i32
        %eq3A_551 = arith.cmpi eq, %jit3A_550, %eq3A : i32
        %jit3A_552 = arith.constant 1 : i32
        %select_n3A_553 = arith.select %eq3A_551, %jit3A_552, %jit3A_550 : i32
        %rem3A_554 = arith.remsi %scan3A_533, %select_n3A_553 : i32
        %ne3A_555 = arith.constant 0 : i32
        %ne3A_556 = arith.cmpi ne, %rem3A_554, %ne3A_555 : i32
        %lt3A_557 = arith.constant 0 : i32
        %lt3A_558 = arith.cmpi slt, %rem3A_554, %lt3A_557 : i32
        %lt3A_559 = arith.constant 0 : i32
        %lt3A_560 = arith.cmpi slt, %select_n3A_553, %lt3A_559 : i32
        %ne3A_561 = arith.xori %lt3A_558, %lt3A_560 : i1
        %and3A_562 = arith.andi %ne3A_561, %ne3A_556 : i1
        %add3A_563 = arith.addi %rem3A_554, %select_n3A_553 : i32
        %select_n3A_564 = arith.select %and3A_562, %add3A_563, %rem3A_554 : i32
        %get3A = arith.index_cast %scan3A_533 : i32 to index
        %get3A_565 = arith.constant 0 : index
        %get3A_566 = tpu.vector_load %arg7[%get3A, %get3A_565] {strides = array<i32>} : memref<64x131xf32, #tpu.memory_space<vmem>>, vector<16xf32>,
        %get3A_567 = arith.index_cast %scan3A_533 : i32 to index
        %get3A_568 = arith.constant 16 : index
        %get3A_569 = tpu.vector_load %arg7[%get3A_567, %get3A_568] {strides = array<i32>} : memref<64x131xf32, #tpu.memory_space<vmem>>, vector<16xf32>,
        %get3A_570 = arith.index_cast %scan3A_533 : i32 to index
        %get3A_571 = arith.constant 32 : index
        %get3A_572 = tpu.vector_load %arg7[%get3A_570, %get3A_571] {strides = array<i32>} : memref<64x131xf32, #tpu.memory_space<vmem>>, vector<16xf32>,
        %get3A_573 = arith.index_cast %scan3A_533 : i32 to index
        %get3A_574 = arith.constant 48 : index
        %get3A_575 = tpu.vector_load %arg7[%get3A_573, %get3A_574] {strides = array<i32>} : memref<64x131xf32, #tpu.memory_space<vmem>>, vector<16xf32>,
        %get3A_576 = arith.index_cast %scan3A_533 : i32 to index
        %get3A_577 = arith.constant 64 : index
        %get3A_578 = tpu.vector_load %arg7[%get3A_576, %get3A_577] {strides = array<i32>} : memref<64x131xf32, #tpu.memory_space<vmem>>, vector<16xf32>,
        %get3A_579 = arith.index_cast %scan3A_533 : i32 to index
        %get3A_580 = arith.constant 80 : index
        %get3A_581 = tpu.vector_load %arg7[%get3A_579, %get3A_580] {strides = array<i32>} : memref<64x131xf32, #tpu.memory_space<vmem>>, vector<16xf32>,
        %get3A_582 = arith.index_cast %scan3A_533 : i32 to index
        %get3A_583 = arith.constant 96 : index
        %get3A_584 = tpu.vector_load %arg7[%get3A_582, %get3A_583] {strides = array<i32>} : memref<64x131xf32, #tpu.memory_space<vmem>>, vector<16xf32>,
        %get3A_585 = arith.index_cast %scan3A_533 : i32 to index
        %get3A_586 = arith.constant 112 : index
        %get3A_587 = tpu.vector_load %arg7[%get3A_585, %get3A_586] {strides = array<i32>} : memref<64x131xf32, #tpu.memory_space<vmem>>, vector<16xf32>,
        %swap3A = arith.constant 0 : i32
        %swap3A_588 = arith.index_cast %swap3A : i32 to index
        %swap3A_589 = arith.index_cast %select_n3A : i32 to index
        %swap3A_590 = arith.index_cast %select_n3A_564 : i32 to index
        %swap3A_591 = arith.constant 0 : index
        %swap3A_592 = tpu.vector_load %arg8[%swap3A_588, %swap3A_589, %swap3A_590, %swap3A_591] {strides = array<i32>} : memref<5x8x8x128xf32, #tpu.memory_space<vmem>>, vector<16xf32>,
        tpu.vector_store %arg8[%swap3A_588, %swap3A_589, %swap3A_590, %swap3A_591], %get3A_566 {strides = array<i32>} : memref<5x8x8x128xf32, #tpu.memory_space<vmem>>, vector<16xf32>,
        %swap3A_593 = arith.constant 0 : i32
        %swap3A_594 = arith.index_cast %swap3A_593 : i32 to index
        %swap3A_595 = arith.index_cast %select_n3A : i32 to index
        %swap3A_596 = arith.index_cast %select_n3A_564 : i32 to index
        %swap3A_597 = arith.constant 16 : index
        %swap3A_598 = tpu.vector_load %arg8[%swap3A_594, %swap3A_595, %swap3A_596, %swap3A_597] {strides = array<i32>} : memref<5x8x8x128xf32, #tpu.memory_space<vmem>>, vector<16xf32>,
        tpu.vector_store %arg8[%swap3A_594, %swap3A_595, %swap3A_596, %swap3A_597], %get3A_569 {strides = array<i32>} : memref<5x8x8x128xf32, #tpu.memory_space<vmem>>, vector<16xf32>,
        %swap3A_599 = arith.constant 0 : i32
        %swap3A_600 = arith.index_cast %swap3A_599 : i32 to index
        %swap3A_601 = arith.index_cast %select_n3A : i32 to index
        %swap3A_602 = arith.index_cast %select_n3A_564 : i32 to index
        %swap3A_603 = arith.constant 32 : index
        %swap3A_604 = tpu.vector_load %arg8[%swap3A_600, %swap3A_601, %swap3A_602, %swap3A_603] {strides = array<i32>} : memref<5x8x8x128xf32, #tpu.memory_space<vmem>>, vector<16xf32>,
        tpu.vector_store %arg8[%swap3A_600, %swap3A_601, %swap3A_602, %swap3A_603], %get3A_572 {strides = array<i32>} : memref<5x8x8x128xf32, #tpu.memory_space<vmem>>, vector<16xf32>,
        %swap3A_605 = arith.constant 0 : i32
        %swap3A_606 = arith.index_cast %swap3A_605 : i32 to index
        %swap3A_607 = arith.index_cast %select_n3A : i32 to index
        %swap3A_608 = arith.index_cast %select_n3A_564 : i32 to index
        %swap3A_609 = arith.constant 48 : index
        %swap3A_610 = tpu.vector_load %arg8[%swap3A_606, %swap3A_607, %swap3A_608, %swap3A_609] {strides = array<i32>} : memref<5x8x8x128xf32, #tpu.memory_space<vmem>>, vector<16xf32>,
        tpu.vector_store %arg8[%swap3A_606, %swap3A_607, %swap3A_608, %swap3A_609], %get3A_575 {strides = array<i32>} : memref<5x8x8x128xf32, #tpu.memory_space<vmem>>, vector<16xf32>,
        %swap3A_611 = arith.constant 0 : i32
        %swap3A_612 = arith.index_cast %swap3A_611 : i32 to index
        %swap3A_613 = arith.index_cast %select_n3A : i32 to index
        %swap3A_614 = arith.index_cast %select_n3A_564 : i32 to index
        %swap3A_615 = arith.constant 64 : index
        %swap3A_616 = tpu.vector_load %arg8[%swap3A_612, %swap3A_613, %swap3A_614, %swap3A_615] {strides = array<i32>} : memref<5x8x8x128xf32, #tpu.memory_space<vmem>>, vector<16xf32>,
        tpu.vector_store %arg8[%swap3A_612, %swap3A_613, %swap3A_614, %swap3A_615], %get3A_578 {strides = array<i32>} : memref<5x8x8x128xf32, #tpu.memory_space<vmem>>, vector<16xf32>,
        %swap3A_617 = arith.constant 0 : i32
        %swap3A_618 = arith.index_cast %swap3A_617 : i32 to index
        %swap3A_619 = arith.index_cast %select_n3A : i32 to index
        %swap3A_620 = arith.index_cast %select_n3A_564 : i32 to index
        %swap3A_621 = arith.constant 80 : index
        %swap3A_622 = tpu.vector_load %arg8[%swap3A_618, %swap3A_619, %swap3A_620, %swap3A_621] {strides = array<i32>} : memref<5x8x8x128xf32, #tpu.memory_space<vmem>>, vector<16xf32>,
        tpu.vector_store %arg8[%swap3A_618, %swap3A_619, %swap3A_620, %swap3A_621], %get3A_581 {strides = array<i32>} : memref<5x8x8x128xf32, #tpu.memory_space<vmem>>, vector<16xf32>,
        %swap3A_623 = arith.constant 0 : i32
        %swap3A_624 = arith.index_cast %swap3A_623 : i32 to index
        %swap3A_625 = arith.index_cast %select_n3A : i32 to index
        %swap3A_626 = arith.index_cast %select_n3A_564 : i32 to index
        %swap3A_627 = arith.constant 96 : index
        %swap3A_628 = tpu.vector_load %arg8[%swap3A_624, %swap3A_625, %swap3A_626, %swap3A_627] {strides = array<i32>} : memref<5x8x8x128xf32, #tpu.memory_space<vmem>>, vector<16xf32>,
        tpu.vector_store %arg8[%swap3A_624, %swap3A_625, %swap3A_626, %swap3A_627], %get3A_584 {strides = array<i32>} : memref<5x8x8x128xf32, #tpu.memory_space<vmem>>, vector<16xf32>,
        %swap3A_629 = arith.constant 0 : i32
        %swap3A_630 = arith.index_cast %swap3A_629 : i32 to index
        %swap3A_631 = arith.index_cast %select_n3A : i32 to index
        %swap3A_632 = arith.index_cast %select_n3A_564 : i32 to index
        %swap3A_633 = arith.constant 112 : index
        %swap3A_634 = tpu.vector_load %arg8[%swap3A_630, %swap3A_631, %swap3A_632, %swap3A_633] {strides = array<i32>} : memref<5x8x8x128xf32, #tpu.memory_space<vmem>>, vector<16xf32>,
        tpu.vector_store %arg8[%swap3A_630, %swap3A_631, %swap3A_632, %swap3A_633], %get3A_587 {strides = array<i32>} : memref<5x8x8x128xf32, #tpu.memory_space<vmem>>, vector<16xf32>,
        %scan3A_635 = arith.constant 1 : i32
        %scan3A_636 = arith.addi %scan3A_533, %scan3A_635 : i32
        %jit3A_637 = arith.constant 8 : i32
        %div3A_638 = arith.divsi %scan3A_636, %jit3A_637 : i32
        %sign3A_639 = arith.constant 0 : i32
        %sign3A_640 = arith.cmpi sgt, %scan3A_636, %sign3A_639 : i32
        %sign3A_641 = arith.extui %sign3A_640 : i1 to i32
        %sign3A_642 = arith.constant 0 : i32
        %sign3A_643 = arith.cmpi slt, %scan3A_636, %sign3A_642 : i32
        %sign3A_644 = arith.extui %sign3A_643 : i1 to i32
        %sign3A_645 = arith.subi %sign3A_641, %sign3A_644 : i32
        %sign3A_646 = arith.constant 0 : i32
        %sign3A_647 = arith.cmpi sgt, %jit3A_637, %sign3A_646 : i32
        %sign3A_648 = arith.extui %sign3A_647 : i1 to i32
        %sign3A_649 = arith.constant 0 : i32
        %sign3A_650 = arith.cmpi slt, %jit3A_637, %sign3A_649 : i32
        %sign3A_651 = arith.extui %sign3A_650 : i1 to i32
        %sign3A_652 = arith.subi %sign3A_648, %sign3A_651 : i32
        %ne3A_653 = arith.cmpi ne, %sign3A_645, %sign3A_652 : i32
        %rem3A_654 = arith.remsi %scan3A_636, %jit3A_637 : i32
        %ne3A_655 = arith.constant 0 : i32
        %ne3A_656 = arith.cmpi ne, %rem3A_654, %ne3A_655 : i32
        %and3A_657 = arith.andi %ne3A_653, %ne3A_656 : i1
        %sub3A_658 = arith.constant 1 : i32
        %sub3A_659 = arith.subi %div3A_638, %sub3A_658 : i32
        %select_n3A_660 = arith.select %and3A_657, %sub3A_659, %div3A_638 : i32
        %jit3A_661 = arith.constant 8 : i32
        %eq3A_662 = arith.constant 0 : i32
        %eq3A_663 = arith.cmpi eq, %jit3A_661, %eq3A_662 : i32
        %jit3A_664 = arith.constant 1 : i32
        %select_n3A_665 = arith.select %eq3A_663, %jit3A_664, %jit3A_661 : i32
        %rem3A_666 = arith.remsi %scan3A_636, %select_n3A_665 : i32
        %ne3A_667 = arith.constant 0 : i32
        %ne3A_668 = arith.cmpi ne, %rem3A_666, %ne3A_667 : i32
        %lt3A_669 = arith.constant 0 : i32
        %lt3A_670 = arith.cmpi slt, %rem3A_666, %lt3A_669 : i32
        %lt3A_671 = arith.constant 0 : i32
        %lt3A_672 = arith.cmpi slt, %select_n3A_665, %lt3A_671 : i32
        %ne3A_673 = arith.xori %lt3A_670, %lt3A_672 : i1
        %and3A_674 = arith.andi %ne3A_673, %ne3A_668 : i1
        %add3A_675 = arith.addi %rem3A_666, %select_n3A_665 : i32
        %select_n3A_676 = arith.select %and3A_674, %add3A_675, %rem3A_666 : i32
        %get3A_677 = arith.index_cast %scan3A_636 : i32 to index
        %get3A_678 = arith.constant 0 : index
        %get3A_679 = tpu.vector_load %arg7[%get3A_677, %get3A_678] {strides = array<i32>} : memref<64x131xf32, #tpu.memory_space<vmem>>, vector<16xf32>,
        %get3A_680 = arith.index_cast %scan3A_636 : i32 to index
        %get3A_681 = arith.constant 16 : index
        %get3A_682 = tpu.vector_load %arg7[%get3A_680, %get3A_681] {strides = array<i32>} : memref<64x131xf32, #tpu.memory_space<vmem>>, vector<16xf32>,
        %get3A_683 = arith.index_cast %scan3A_636 : i32 to index
        %get3A_684 = arith.constant 32 : index
        %get3A_685 = tpu.vector_load %arg7[%get3A_683, %get3A_684] {strides = array<i32>} : memref<64x131xf32, #tpu.memory_space<vmem>>, vector<16xf32>,
        %get3A_686 = arith.index_cast %scan3A_636 : i32 to index
        %get3A_687 = arith.constant 48 : index
        %get3A_688 = tpu.vector_load %arg7[%get3A_686, %get3A_687] {strides = array<i32>} : memref<64x131xf32, #tpu.memory_space<vmem>>, vector<16xf32>,
        %get3A_689 = arith.index_cast %scan3A_636 : i32 to index
        %get3A_690 = arith.constant 64 : index
        %get3A_691 = tpu.vector_load %arg7[%get3A_689, %get3A_690] {strides = array<i32>} : memref<64x131xf32, #tpu.memory_space<vmem>>, vector<16xf32>,
        %get3A_692 = arith.index_cast %scan3A_636 : i32 to index
        %get3A_693 = arith.constant 80 : index
        %get3A_694 = tpu.vector_load %arg7[%get3A_692, %get3A_693] {strides = array<i32>} : memref<64x131xf32, #tpu.memory_space<vmem>>, vector<16xf32>,
        %get3A_695 = arith.index_cast %scan3A_636 : i32 to index
        %get3A_696 = arith.constant 96 : index
        %get3A_697 = tpu.vector_load %arg7[%get3A_695, %get3A_696] {strides = array<i32>} : memref<64x131xf32, #tpu.memory_space<vmem>>, vector<16xf32>,
        %get3A_698 = arith.index_cast %scan3A_636 : i32 to index
        %get3A_699 = arith.constant 112 : index
        %get3A_700 = tpu.vector_load %arg7[%get3A_698, %get3A_699] {strides = array<i32>} : memref<64x131xf32, #tpu.memory_space<vmem>>, vector<16xf32>,
        %swap3A_701 = arith.constant 0 : i32
        %swap3A_702 = arith.index_cast %swap3A_701 : i32 to index
        %swap3A_703 = arith.index_cast %select_n3A_660 : i32 to index
        %swap3A_704 = arith.index_cast %select_n3A_676 : i32 to index
        %swap3A_705 = arith.constant 0 : index
        %swap3A_706 = tpu.vector_load %arg8[%swap3A_702, %swap3A_703, %swap3A_704, %swap3A_705] {strides = array<i32>} : memref<5x8x8x128xf32, #tpu.memory_space<vmem>>, vector<16xf32>,
        tpu.vector_store %arg8[%swap3A_702, %swap3A_703, %swap3A_704, %swap3A_705], %get3A_679 {strides = array<i32>} : memref<5x8x8x128xf32, #tpu.memory_space<vmem>>, vector<16xf32>,
        %swap3A_707 = arith.constant 0 : i32
        %swap3A_708 = arith.index_cast %swap3A_707 : i32 to index
        %swap3A_709 = arith.index_cast %select_n3A_660 : i32 to index
        %swap3A_710 = arith.index_cast %select_n3A_676 : i32 to index
        %swap3A_711 = arith.constant 16 : index
        %swap3A_712 = tpu.vector_load %arg8[%swap3A_708, %swap3A_709, %swap3A_710, %swap3A_711] {strides = array<i32>} : memref<5x8x8x128xf32, #tpu.memory_space<vmem>>, vector<16xf32>,
        tpu.vector_store %arg8[%swap3A_708, %swap3A_709, %swap3A_710, %swap3A_711], %get3A_682 {strides = array<i32>} : memref<5x8x8x128xf32, #tpu.memory_space<vmem>>, vector<16xf32>,
        %swap3A_713 = arith.constant 0 : i32
        %swap3A_714 = arith.index_cast %swap3A_713 : i32 to index
        %swap3A_715 = arith.index_cast %select_n3A_660 : i32 to index
        %swap3A_716 = arith.index_cast %select_n3A_676 : i32 to index
        %swap3A_717 = arith.constant 32 : index
        %swap3A_718 = tpu.vector_load %arg8[%swap3A_714, %swap3A_715, %swap3A_716, %swap3A_717] {strides = array<i32>} : memref<5x8x8x128xf32, #tpu.memory_space<vmem>>, vector<16xf32>,
        tpu.vector_store %arg8[%swap3A_714, %swap3A_715, %swap3A_716, %swap3A_717], %get3A_685 {strides = array<i32>} : memref<5x8x8x128xf32, #tpu.memory_space<vmem>>, vector<16xf32>,
        %swap3A_719 = arith.constant 0 : i32
        %swap3A_720 = arith.index_cast %swap3A_719 : i32 to index
        %swap3A_721 = arith.index_cast %select_n3A_660 : i32 to index
        %swap3A_722 = arith.index_cast %select_n3A_676 : i32 to index
        %swap3A_723 = arith.constant 48 : index
        %swap3A_724 = tpu.vector_load %arg8[%swap3A_720, %swap3A_721, %swap3A_722, %swap3A_723] {strides = array<i32>} : memref<5x8x8x128xf32, #tpu.memory_space<vmem>>, vector<16xf32>,
        tpu.vector_store %arg8[%swap3A_720, %swap3A_721, %swap3A_722, %swap3A_723], %get3A_688 {strides = array<i32>} : memref<5x8x8x128xf32, #tpu.memory_space<vmem>>, vector<16xf32>,
        %swap3A_725 = arith.constant 0 : i32
        %swap3A_726 = arith.index_cast %swap3A_725 : i32 to index
        %swap3A_727 = arith.index_cast %select_n3A_660 : i32 to index
        %swap3A_728 = arith.index_cast %select_n3A_676 : i32 to index
        %swap3A_729 = arith.constant 64 : index
        %swap3A_730 = tpu.vector_load %arg8[%swap3A_726, %swap3A_727, %swap3A_728, %swap3A_729] {strides = array<i32>} : memref<5x8x8x128xf32, #tpu.memory_space<vmem>>, vector<16xf32>,
        tpu.vector_store %arg8[%swap3A_726, %swap3A_727, %swap3A_728, %swap3A_729], %get3A_691 {strides = array<i32>} : memref<5x8x8x128xf32, #tpu.memory_space<vmem>>, vector<16xf32>,
        %swap3A_731 = arith.constant 0 : i32
        %swap3A_732 = arith.index_cast %swap3A_731 : i32 to index
        %swap3A_733 = arith.index_cast %select_n3A_660 : i32 to index
        %swap3A_734 = arith.index_cast %select_n3A_676 : i32 to index
        %swap3A_735 = arith.constant 80 : index
        %swap3A_736 = tpu.vector_load %arg8[%swap3A_732, %swap3A_733, %swap3A_734, %swap3A_735] {strides = array<i32>} : memref<5x8x8x128xf32, #tpu.memory_space<vmem>>, vector<16xf32>,
        tpu.vector_store %arg8[%swap3A_732, %swap3A_733, %swap3A_734, %swap3A_735], %get3A_694 {strides = array<i32>} : memref<5x8x8x128xf32, #tpu.memory_space<vmem>>, vector<16xf32>,
        %swap3A_737 = arith.constant 0 : i32
        %swap3A_738 = arith.index_cast %swap3A_737 : i32 to index
        %swap3A_739 = arith.index_cast %select_n3A_660 : i32 to index
        %swap3A_740 = arith.index_cast %select_n3A_676 : i32 to index
        %swap3A_741 = arith.constant 96 : index
        %swap3A_742 = tpu.vector_load %arg8[%swap3A_738, %swap3A_739, %swap3A_740, %swap3A_741] {strides = array<i32>} : memref<5x8x8x128xf32, #tpu.memory_space<vmem>>, vector<16xf32>,
        tpu.vector_store %arg8[%swap3A_738, %swap3A_739, %swap3A_740, %swap3A_741], %get3A_697 {strides = array<i32>} : memref<5x8x8x128xf32, #tpu.memory_space<vmem>>, vector<16xf32>,
        %swap3A_743 = arith.constant 0 : i32
        %swap3A_744 = arith.index_cast %swap3A_743 : i32 to index
        %swap3A_745 = arith.index_cast %select_n3A_660 : i32 to index
        %swap3A_746 = arith.index_cast %select_n3A_676 : i32 to index
        %swap3A_747 = arith.constant 112 : index
        %swap3A_748 = tpu.vector_load %arg8[%swap3A_744, %swap3A_745, %swap3A_746, %swap3A_747] {strides = array<i32>} : memref<5x8x8x128xf32, #tpu.memory_space<vmem>>, vector<16xf32>,
        tpu.vector_store %arg8[%swap3A_744, %swap3A_745, %swap3A_746, %swap3A_747], %get3A_700 {strides = array<i32>} : memref<5x8x8x128xf32, #tpu.memory_space<vmem>>, vector<16xf32>,
        %scan3A_749 = arith.constant 2 : i32
        %scan3A_750 = arith.addi %scan3A_533, %scan3A_749 : i32
        %jit3A_751 = arith.constant 8 : i32
        %div3A_752 = arith.divsi %scan3A_750, %jit3A_751 : i32
        %sign3A_753 = arith.constant 0 : i32
        %sign3A_754 = arith.cmpi sgt, %scan3A_750, %sign3A_753 : i32
        %sign3A_755 = arith.extui %sign3A_754 : i1 to i32
        %sign3A_756 = arith.constant 0 : i32
        %sign3A_757 = arith.cmpi slt, %scan3A_750, %sign3A_756 : i32
        %sign3A_758 = arith.extui %sign3A_757 : i1 to i32
        %sign3A_759 = arith.subi %sign3A_755, %sign3A_758 : i32
        %sign3A_760 = arith.constant 0 : i32
        %sign3A_761 = arith.cmpi sgt, %jit3A_751, %sign3A_760 : i32
        %sign3A_762 = arith.extui %sign3A_761 : i1 to i32
        %sign3A_763 = arith.constant 0 : i32
        %sign3A_764 = arith.cmpi slt, %jit3A_751, %sign3A_763 : i32
        %sign3A_765 = arith.extui %sign3A_764 : i1 to i32
        %sign3A_766 = arith.subi %sign3A_762, %sign3A_765 : i32
        %ne3A_767 = arith.cmpi ne, %sign3A_759, %sign3A_766 : i32
        %rem3A_768 = arith.remsi %scan3A_750, %jit3A_751 : i32
        %ne3A_769 = arith.constant 0 : i32
        %ne3A_770 = arith.cmpi ne, %rem3A_768, %ne3A_769 : i32
        %and3A_771 = arith.andi %ne3A_767, %ne3A_770 : i1
        %sub3A_772 = arith.constant 1 : i32
        %sub3A_773 = arith.subi %div3A_752, %sub3A_772 : i32
        %select_n3A_774 = arith.select %and3A_771, %sub3A_773, %div3A_752 : i32
        %jit3A_775 = arith.constant 8 : i32
        %eq3A_776 = arith.constant 0 : i32
        %eq3A_777 = arith.cmpi eq, %jit3A_775, %eq3A_776 : i32
        %jit3A_778 = arith.constant 1 : i32
        %select_n3A_779 = arith.select %eq3A_777, %jit3A_778, %jit3A_775 : i32
        %rem3A_780 = arith.remsi %scan3A_750, %select_n3A_779 : i32
        %ne3A_781 = arith.constant 0 : i32
        %ne3A_782 = arith.cmpi ne, %rem3A_780, %ne3A_781 : i32
        %lt3A_783 = arith.constant 0 : i32
        %lt3A_784 = arith.cmpi slt, %rem3A_780, %lt3A_783 : i32
        %lt3A_785 = arith.constant 0 : i32
        %lt3A_786 = arith.cmpi slt, %select_n3A_779, %lt3A_785 : i32
        %ne3A_787 = arith.xori %lt3A_784, %lt3A_786 : i1
        %and3A_788 = arith.andi %ne3A_787, %ne3A_782 : i1
        %add3A_789 = arith.addi %rem3A_780, %select_n3A_779 : i32
        %select_n3A_790 = arith.select %and3A_788, %add3A_789, %rem3A_780 : i32
        %get3A_791 = arith.index_cast %scan3A_750 : i32 to index
        %get3A_792 = arith.constant 0 : index
        %get3A_793 = tpu.vector_load %arg7[%get3A_791, %get3A_792] {strides = array<i32>} : memref<64x131xf32, #tpu.memory_space<vmem>>, vector<16xf32>,
        %get3A_794 = arith.index_cast %scan3A_750 : i32 to index
        %get3A_795 = arith.constant 16 : index
        %get3A_796 = tpu.vector_load %arg7[%get3A_794, %get3A_795] {strides = array<i32>} : memref<64x131xf32, #tpu.memory_space<vmem>>, vector<16xf32>,
        %get3A_797 = arith.index_cast %scan3A_750 : i32 to index
        %get3A_798 = arith.constant 32 : index
        %get3A_799 = tpu.vector_load %arg7[%get3A_797, %get3A_798] {strides = array<i32>} : memref<64x131xf32, #tpu.memory_space<vmem>>, vector<16xf32>,
        %get3A_800 = arith.index_cast %scan3A_750 : i32 to index
        %get3A_801 = arith.constant 48 : index
        %get3A_802 = tpu.vector_load %arg7[%get3A_800, %get3A_801] {strides = array<i32>} : memref<64x131xf32, #tpu.memory_space<vmem>>, vector<16xf32>,
        %get3A_803 = arith.index_cast %scan3A_750 : i32 to index
        %get3A_804 = arith.constant 64 : index
        %get3A_805 = tpu.vector_load %arg7[%get3A_803, %get3A_804] {strides = array<i32>} : memref<64x131xf32, #tpu.memory_space<vmem>>, vector<16xf32>,
        %get3A_806 = arith.index_cast %scan3A_750 : i32 to index
        %get3A_807 = arith.constant 80 : index
        %get3A_808 = tpu.vector_load %arg7[%get3A_806, %get3A_807] {strides = array<i32>} : memref<64x131xf32, #tpu.memory_space<vmem>>, vector<16xf32>,
        %get3A_809 = arith.index_cast %scan3A_750 : i32 to index
        %get3A_810 = arith.constant 96 : index
        %get3A_811 = tpu.vector_load %arg7[%get3A_809, %get3A_810] {strides = array<i32>} : memref<64x131xf32, #tpu.memory_space<vmem>>, vector<16xf32>,
        %get3A_812 = arith.index_cast %scan3A_750 : i32 to index
        %get3A_813 = arith.constant 112 : index
        %get3A_814 = tpu.vector_load %arg7[%get3A_812, %get3A_813] {strides = array<i32>} : memref<64x131xf32, #tpu.memory_space<vmem>>, vector<16xf32>,
        %swap3A_815 = arith.constant 0 : i32
        %swap3A_816 = arith.index_cast %swap3A_815 : i32 to index
        %swap3A_817 = arith.index_cast %select_n3A_774 : i32 to index
        %swap3A_818 = arith.index_cast %select_n3A_790 : i32 to index
        %swap3A_819 = arith.constant 0 : index
        %swap3A_820 = tpu.vector_load %arg8[%swap3A_816, %swap3A_817, %swap3A_818, %swap3A_819] {strides = array<i32>} : memref<5x8x8x128xf32, #tpu.memory_space<vmem>>, vector<16xf32>,
        tpu.vector_store %arg8[%swap3A_816, %swap3A_817, %swap3A_818, %swap3A_819], %get3A_793 {strides = array<i32>} : memref<5x8x8x128xf32, #tpu.memory_space<vmem>>, vector<16xf32>,
        %swap3A_821 = arith.constant 0 : i32
        %swap3A_822 = arith.index_cast %swap3A_821 : i32 to index
        %swap3A_823 = arith.index_cast %select_n3A_774 : i32 to index
        %swap3A_824 = arith.index_cast %select_n3A_790 : i32 to index
        %swap3A_825 = arith.constant 16 : index
        %swap3A_826 = tpu.vector_load %arg8[%swap3A_822, %swap3A_823, %swap3A_824, %swap3A_825] {strides = array<i32>} : memref<5x8x8x128xf32, #tpu.memory_space<vmem>>, vector<16xf32>,
        tpu.vector_store %arg8[%swap3A_822, %swap3A_823, %swap3A_824, %swap3A_825], %get3A_796 {strides = array<i32>} : memref<5x8x8x128xf32, #tpu.memory_space<vmem>>, vector<16xf32>,
        %swap3A_827 = arith.constant 0 : i32
        %swap3A_828 = arith.index_cast %swap3A_827 : i32 to index
        %swap3A_829 = arith.index_cast %select_n3A_774 : i32 to index
        %swap3A_830 = arith.index_cast %select_n3A_790 : i32 to index
        %swap3A_831 = arith.constant 32 : index
        %swap3A_832 = tpu.vector_load %arg8[%swap3A_828, %swap3A_829, %swap3A_830, %swap3A_831] {strides = array<i32>} : memref<5x8x8x128xf32, #tpu.memory_space<vmem>>, vector<16xf32>,
        tpu.vector_store %arg8[%swap3A_828, %swap3A_829, %swap3A_830, %swap3A_831], %get3A_799 {strides = array<i32>} : memref<5x8x8x128xf32, #tpu.memory_space<vmem>>, vector<16xf32>,
        %swap3A_833 = arith.constant 0 : i32
        %swap3A_834 = arith.index_cast %swap3A_833 : i32 to index
        %swap3A_835 = arith.index_cast %select_n3A_774 : i32 to index
        %swap3A_836 = arith.index_cast %select_n3A_790 : i32 to index
        %swap3A_837 = arith.constant 48 : index
        %swap3A_838 = tpu.vector_load %arg8[%swap3A_834, %swap3A_835, %swap3A_836, %swap3A_837] {strides = array<i32>} : memref<5x8x8x128xf32, #tpu.memory_space<vmem>>, vector<16xf32>,
        tpu.vector_store %arg8[%swap3A_834, %swap3A_835, %swap3A_836, %swap3A_837], %get3A_802 {strides = array<i32>} : memref<5x8x8x128xf32, #tpu.memory_space<vmem>>, vector<16xf32>,
        %swap3A_839 = arith.constant 0 : i32
        %swap3A_840 = arith.index_cast %swap3A_839 : i32 to index
        %swap3A_841 = arith.index_cast %select_n3A_774 : i32 to index
        %swap3A_842 = arith.index_cast %select_n3A_790 : i32 to index
        %swap3A_843 = arith.constant 64 : index
        %swap3A_844 = tpu.vector_load %arg8[%swap3A_840, %swap3A_841, %swap3A_842, %swap3A_843] {strides = array<i32>} : memref<5x8x8x128xf32, #tpu.memory_space<vmem>>, vector<16xf32>,
        tpu.vector_store %arg8[%swap3A_840, %swap3A_841, %swap3A_842, %swap3A_843], %get3A_805 {strides = array<i32>} : memref<5x8x8x128xf32, #tpu.memory_space<vmem>>, vector<16xf32>,
        %swap3A_845 = arith.constant 0 : i32
        %swap3A_846 = arith.index_cast %swap3A_845 : i32 to index
        %swap3A_847 = arith.index_cast %select_n3A_774 : i32 to index
        %swap3A_848 = arith.index_cast %select_n3A_790 : i32 to index
        %swap3A_849 = arith.constant 80 : index
        %swap3A_850 = tpu.vector_load %arg8[%swap3A_846, %swap3A_847, %swap3A_848, %swap3A_849] {strides = array<i32>} : memref<5x8x8x128xf32, #tpu.memory_space<vmem>>, vector<16xf32>,
        tpu.vector_store %arg8[%swap3A_846, %swap3A_847, %swap3A_848, %swap3A_849], %get3A_808 {strides = array<i32>} : memref<5x8x8x128xf32, #tpu.memory_space<vmem>>, vector<16xf32>,
        %swap3A_851 = arith.constant 0 : i32
        %swap3A_852 = arith.index_cast %swap3A_851 : i32 to index
        %swap3A_853 = arith.index_cast %select_n3A_774 : i32 to index
        %swap3A_854 = arith.index_cast %select_n3A_790 : i32 to index
        %swap3A_855 = arith.constant 96 : index
        %swap3A_856 = tpu.vector_load %arg8[%swap3A_852, %swap3A_853, %swap3A_854, %swap3A_855] {strides = array<i32>} : memref<5x8x8x128xf32, #tpu.memory_space<vmem>>, vector<16xf32>,
        tpu.vector_store %arg8[%swap3A_852, %swap3A_853, %swap3A_854, %swap3A_855], %get3A_811 {strides = array<i32>} : memref<5x8x8x128xf32, #tpu.memory_space<vmem>>, vector<16xf32>,
        %swap3A_857 = arith.constant 0 : i32
        %swap3A_858 = arith.index_cast %swap3A_857 : i32 to index
        %swap3A_859 = arith.index_cast %select_n3A_774 : i32 to index
        %swap3A_860 = arith.index_cast %select_n3A_790 : i32 to index
        %swap3A_861 = arith.constant 112 : index
        %swap3A_862 = tpu.vector_load %arg8[%swap3A_858, %swap3A_859, %swap3A_860, %swap3A_861] {strides = array<i32>} : memref<5x8x8x128xf32, #tpu.memory_space<vmem>>, vector<16xf32>,
        tpu.vector_store %arg8[%swap3A_858, %swap3A_859, %swap3A_860, %swap3A_861], %get3A_814 {strides = array<i32>} : memref<5x8x8x128xf32, #tpu.memory_space<vmem>>, vector<16xf32>,
        %scan3A_863 = arith.constant 3 : i32
        %scan3A_864 = arith.addi %scan3A_533, %scan3A_863 : i32
        %jit3A_865 = arith.constant 8 : i32
        %div3A_866 = arith.divsi %scan3A_864, %jit3A_865 : i32
        %sign3A_867 = arith.constant 0 : i32
        %sign3A_868 = arith.cmpi sgt, %scan3A_864, %sign3A_867 : i32
        %sign3A_869 = arith.extui %sign3A_868 : i1 to i32
        %sign3A_870 = arith.constant 0 : i32
        %sign3A_871 = arith.cmpi slt, %scan3A_864, %sign3A_870 : i32
        %sign3A_872 = arith.extui %sign3A_871 : i1 to i32
        %sign3A_873 = arith.subi %sign3A_869, %sign3A_872 : i32
        %sign3A_874 = arith.constant 0 : i32
        %sign3A_875 = arith.cmpi sgt, %jit3A_865, %sign3A_874 : i32
        %sign3A_876 = arith.extui %sign3A_875 : i1 to i32
        %sign3A_877 = arith.constant 0 : i32
        %sign3A_878 = arith.cmpi slt, %jit3A_865, %sign3A_877 : i32
        %sign3A_879 = arith.extui %sign3A_878 : i1 to i32
        %sign3A_880 = arith.subi %sign3A_876, %sign3A_879 : i32
        %ne3A_881 = arith.cmpi ne, %sign3A_873, %sign3A_880 : i32
        %rem3A_882 = arith.remsi %scan3A_864, %jit3A_865 : i32
        %ne3A_883 = arith.constant 0 : i32
        %ne3A_884 = arith.cmpi ne, %rem3A_882, %ne3A_883 : i32
        %and3A_885 = arith.andi %ne3A_881, %ne3A_884 : i1
        %sub3A_886 = arith.constant 1 : i32
        %sub3A_887 = arith.subi %div3A_866, %sub3A_886 : i32
        %select_n3A_888 = arith.select %and3A_885, %sub3A_887, %div3A_866 : i32
        %jit3A_889 = arith.constant 8 : i32
        %eq3A_890 = arith.constant 0 : i32
        %eq3A_891 = arith.cmpi eq, %jit3A_889, %eq3A_890 : i32
        %jit3A_892 = arith.constant 1 : i32
        %select_n3A_893 = arith.select %eq3A_891, %jit3A_892, %jit3A_889 : i32
        %rem3A_894 = arith.remsi %scan3A_864, %select_n3A_893 : i32
        %ne3A_895 = arith.constant 0 : i32
        %ne3A_896 = arith.cmpi ne, %rem3A_894, %ne3A_895 : i32
        %lt3A_897 = arith.constant 0 : i32
        %lt3A_898 = arith.cmpi slt, %rem3A_894, %lt3A_897 : i32
        %lt3A_899 = arith.constant 0 : i32
        %lt3A_900 = arith.cmpi slt, %select_n3A_893, %lt3A_899 : i32
        %ne3A_901 = arith.xori %lt3A_898, %lt3A_900 : i1
        %and3A_902 = arith.andi %ne3A_901, %ne3A_896 : i1
        %add3A_903 = arith.addi %rem3A_894, %select_n3A_893 : i32
        %select_n3A_904 = arith.select %and3A_902, %add3A_903, %rem3A_894 : i32
        %get3A_905 = arith.index_cast %scan3A_864 : i32 to index
        %get3A_906 = arith.constant 0 : index
        %get3A_907 = tpu.vector_load %arg7[%get3A_905, %get3A_906] {strides = array<i32>} : memref<64x131xf32, #tpu.memory_space<vmem>>, vector<16xf32>,
        %get3A_908 = arith.index_cast %scan3A_864 : i32 to index
        %get3A_909 = arith.constant 16 : index
        %get3A_910 = tpu.vector_load %arg7[%get3A_908, %get3A_909] {strides = array<i32>} : memref<64x131xf32, #tpu.memory_space<vmem>>, vector<16xf32>,
        %get3A_911 = arith.index_cast %scan3A_864 : i32 to index
        %get3A_912 = arith.constant 32 : index
        %get3A_913 = tpu.vector_load %arg7[%get3A_911, %get3A_912] {strides = array<i32>} : memref<64x131xf32, #tpu.memory_space<vmem>>, vector<16xf32>,
        %get3A_914 = arith.index_cast %scan3A_864 : i32 to index
        %get3A_915 = arith.constant 48 : index
        %get3A_916 = tpu.vector_load %arg7[%get3A_914, %get3A_915] {strides = array<i32>} : memref<64x131xf32, #tpu.memory_space<vmem>>, vector<16xf32>,
        %get3A_917 = arith.index_cast %scan3A_864 : i32 to index
        %get3A_918 = arith.constant 64 : index
        %get3A_919 = tpu.vector_load %arg7[%get3A_917, %get3A_918] {strides = array<i32>} : memref<64x131xf32, #tpu.memory_space<vmem>>, vector<16xf32>,
        %get3A_920 = arith.index_cast %scan3A_864 : i32 to index
        %get3A_921 = arith.constant 80 : index
        %get3A_922 = tpu.vector_load %arg7[%get3A_920, %get3A_921] {strides = array<i32>} : memref<64x131xf32, #tpu.memory_space<vmem>>, vector<16xf32>,
        %get3A_923 = arith.index_cast %scan3A_864 : i32 to index
        %get3A_924 = arith.constant 96 : index
        %get3A_925 = tpu.vector_load %arg7[%get3A_923, %get3A_924] {strides = array<i32>} : memref<64x131xf32, #tpu.memory_space<vmem>>, vector<16xf32>,
        %get3A_926 = arith.index_cast %scan3A_864 : i32 to index
        %get3A_927 = arith.constant 112 : index
        %get3A_928 = tpu.vector_load %arg7[%get3A_926, %get3A_927] {strides = array<i32>} : memref<64x131xf32, #tpu.memory_space<vmem>>, vector<16xf32>,
        %swap3A_929 = arith.constant 0 : i32
        %swap3A_930 = arith.index_cast %swap3A_929 : i32 to index
        %swap3A_931 = arith.index_cast %select_n3A_888 : i32 to index
        %swap3A_932 = arith.index_cast %select_n3A_904 : i32 to index
        %swap3A_933 = arith.constant 0 : index
        %swap3A_934 = tpu.vector_load %arg8[%swap3A_930, %swap3A_931, %swap3A_932, %swap3A_933] {strides = array<i32>} : memref<5x8x8x128xf32, #tpu.memory_space<vmem>>, vector<16xf32>,
        tpu.vector_store %arg8[%swap3A_930, %swap3A_931, %swap3A_932, %swap3A_933], %get3A_907 {strides = array<i32>} : memref<5x8x8x128xf32, #tpu.memory_space<vmem>>, vector<16xf32>,
        %swap3A_935 = arith.constant 0 : i32
        %swap3A_936 = arith.index_cast %swap3A_935 : i32 to index
        %swap3A_937 = arith.index_cast %select_n3A_888 : i32 to index
        %swap3A_938 = arith.index_cast %select_n3A_904 : i32 to index
        %swap3A_939 = arith.constant 16 : index
        %swap3A_940 = tpu.vector_load %arg8[%swap3A_936, %swap3A_937, %swap3A_938, %swap3A_939] {strides = array<i32>} : memref<5x8x8x128xf32, #tpu.memory_space<vmem>>, vector<16xf32>,
        tpu.vector_store %arg8[%swap3A_936, %swap3A_937, %swap3A_938, %swap3A_939], %get3A_910 {strides = array<i32>} : memref<5x8x8x128xf32, #tpu.memory_space<vmem>>, vector<16xf32>,
        %swap3A_941 = arith.constant 0 : i32
        %swap3A_942 = arith.index_cast %swap3A_941 : i32 to index
        %swap3A_943 = arith.index_cast %select_n3A_888 : i32 to index
        %swap3A_944 = arith.index_cast %select_n3A_904 : i32 to index
        %swap3A_945 = arith.constant 32 : index
        %swap3A_946 = tpu.vector_load %arg8[%swap3A_942, %swap3A_943, %swap3A_944, %swap3A_945] {strides = array<i32>} : memref<5x8x8x128xf32, #tpu.memory_space<vmem>>, vector<16xf32>,
        tpu.vector_store %arg8[%swap3A_942, %swap3A_943, %swap3A_944, %swap3A_945], %get3A_913 {strides = array<i32>} : memref<5x8x8x128xf32, #tpu.memory_space<vmem>>, vector<16xf32>,
        %swap3A_947 = arith.constant 0 : i32
        %swap3A_948 = arith.index_cast %swap3A_947 : i32 to index
        %swap3A_949 = arith.index_cast %select_n3A_888 : i32 to index
        %swap3A_950 = arith.index_cast %select_n3A_904 : i32 to index
        %swap3A_951 = arith.constant 48 : index
        %swap3A_952 = tpu.vector_load %arg8[%swap3A_948, %swap3A_949, %swap3A_950, %swap3A_951] {strides = array<i32>} : memref<5x8x8x128xf32, #tpu.memory_space<vmem>>, vector<16xf32>,
        tpu.vector_store %arg8[%swap3A_948, %swap3A_949, %swap3A_950, %swap3A_951], %get3A_916 {strides = array<i32>} : memref<5x8x8x128xf32, #tpu.memory_space<vmem>>, vector<16xf32>,
        %swap3A_953 = arith.constant 0 : i32
        %swap3A_954 = arith.index_cast %swap3A_953 : i32 to index
        %swap3A_955 = arith.index_cast %select_n3A_888 : i32 to index
        %swap3A_956 = arith.index_cast %select_n3A_904 : i32 to index
        %swap3A_957 = arith.constant 64 : index
        %swap3A_958 = tpu.vector_load %arg8[%swap3A_954, %swap3A_955, %swap3A_956, %swap3A_957] {strides = array<i32>} : memref<5x8x8x128xf32, #tpu.memory_space<vmem>>, vector<16xf32>,
        tpu.vector_store %arg8[%swap3A_954, %swap3A_955, %swap3A_956, %swap3A_957], %get3A_919 {strides = array<i32>} : memref<5x8x8x128xf32, #tpu.memory_space<vmem>>, vector<16xf32>,
        %swap3A_959 = arith.constant 0 : i32
        %swap3A_960 = arith.index_cast %swap3A_959 : i32 to index
        %swap3A_961 = arith.index_cast %select_n3A_888 : i32 to index
        %swap3A_962 = arith.index_cast %select_n3A_904 : i32 to index
        %swap3A_963 = arith.constant 80 : index
        %swap3A_964 = tpu.vector_load %arg8[%swap3A_960, %swap3A_961, %swap3A_962, %swap3A_963] {strides = array<i32>} : memref<5x8x8x128xf32, #tpu.memory_space<vmem>>, vector<16xf32>,
        tpu.vector_store %arg8[%swap3A_960, %swap3A_961, %swap3A_962, %swap3A_963], %get3A_922 {strides = array<i32>} : memref<5x8x8x128xf32, #tpu.memory_space<vmem>>, vector<16xf32>,
        %swap3A_965 = arith.constant 0 : i32
        %swap3A_966 = arith.index_cast %swap3A_965 : i32 to index
        %swap3A_967 = arith.index_cast %select_n3A_888 : i32 to index
        %swap3A_968 = arith.index_cast %select_n3A_904 : i32 to index
        %swap3A_969 = arith.constant 96 : index
        %swap3A_970 = tpu.vector_load %arg8[%swap3A_966, %swap3A_967, %swap3A_968, %swap3A_969] {strides = array<i32>} : memref<5x8x8x128xf32, #tpu.memory_space<vmem>>, vector<16xf32>,
        tpu.vector_store %arg8[%swap3A_966, %swap3A_967, %swap3A_968, %swap3A_969], %get3A_925 {strides = array<i32>} : memref<5x8x8x128xf32, #tpu.memory_space<vmem>>, vector<16xf32>,
        %swap3A_971 = arith.constant 0 : i32
        %swap3A_972 = arith.index_cast %swap3A_971 : i32 to index
        %swap3A_973 = arith.index_cast %select_n3A_888 : i32 to index
        %swap3A_974 = arith.index_cast %select_n3A_904 : i32 to index
        %swap3A_975 = arith.constant 112 : index
        %swap3A_976 = tpu.vector_load %arg8[%swap3A_972, %swap3A_973, %swap3A_974, %swap3A_975] {strides = array<i32>} : memref<5x8x8x128xf32, #tpu.memory_space<vmem>>, vector<16xf32>,
        tpu.vector_store %arg8[%swap3A_972, %swap3A_973, %swap3A_974, %swap3A_975], %get3A_928 {strides = array<i32>} : memref<5x8x8x128xf32, #tpu.memory_space<vmem>>, vector<16xf32>,
      }
      %scan3A_248 = arith.constant 64 : i32
      %lt3A = arith.constant 39 : i32
      %lt3A_249 = arith.cmpi slt, %scan3A_216, %lt3A : i32
      %convert_element_type3A_250 = arith.extui %lt3A_249 : i1 to i32
      %cond3A_251 = arith.constant 0 : i32
      %cond3A_252 = arith.cmpi ne, %convert_element_type3A_250, %cond3A_251 : i32
      scf.if %cond3A_252 {
        %add3A_533 = arith.constant 5 : i32
        %add3A_534 = arith.addi %add3A_220, %add3A_533 : i32
        %dma_start3A_535 = arith.constant 0 : i32
        %dma_start3A_536 = arith.constant 0 : i32
        %dma_start3A_537 = arith.constant 0 : i32
        %dma_start3A_538 = arith.constant 0 : i32
        %dma_start3A_539 = tpu.memref_slice %arg6[%dma_start3A_535, %dma_start3A_537, %dma_start3A_538] : memref<5x128x64xf32, #tpu.memory_space<vmem>> -> memref<1x128x64xf32, #tpu.memory_space<vmem>>
        %dma_start3A_540 = tpu.memref_squeeze %dma_start3A_539 : memref<1x128x64xf32, #tpu.memory_space<vmem>> -> memref<128x64xf32, #tpu.memory_space<vmem>>
        %dma_start3A_541 = arith.constant 0 : i32
        %dma_start3A_542 = tpu.memref_slice %arg5[%add3A_534, %dma_start3A_541] : memref<200x128xi32, #tpu.memory_space<vmem>> -> memref<1x128xi32, #tpu.memory_space<vmem>>
        %dma_start3A_543 = tpu.memref_squeeze %dma_start3A_542 : memref<1x128xi32, #tpu.memory_space<vmem>> -> memref<128xi32, #tpu.memory_space<vmem>>
        %dma_start3A_544 = arith.constant 0 : i32
        %dma_start3A_545 = arith.constant 0 : i32
        %dma_start3A_546 = tpu.memref_slice %arg3[%dma_start3A_544, %dma_start3A_545] : memref<1000000x64xf32, #tpu.memory_space<hbm>> -> memref<1000000x64xf32, #tpu.memory_space<hbm>>
        %dma_start3A_547 = tpu.memref_slice %arg9[%dma_start3A_536] : memref<5x!tpu.dma_semaphore, #tpu.memory_space<semaphore_mem>> -> memref<1x!tpu.dma_semaphore, #tpu.memory_space<semaphore_mem>>
        %dma_start3A_548 = tpu.memref_squeeze %dma_start3A_547 : memref<1x!tpu.dma_semaphore, #tpu.memory_space<semaphore_mem>> -> memref<!tpu.dma_semaphore, #tpu.memory_space<semaphore_mem>>
        tpu.enqueue_indirect_dma source(%dma_start3A_546 : memref<1000000x64xf32, #tpu.memory_space<hbm>>) target(%dma_start3A_540 : memref<128x64xf32, #tpu.memory_space<vmem>>) offsets(%dma_start3A_543 : memref<128xi32, #tpu.memory_space<vmem>>) semaphore(%dma_start3A_548 : memref<!tpu.dma_semaphore, #tpu.memory_space<semaphore_mem>>)
      } else {
      }
      %dma_start3A_253 = arith.constant 0 : i32
      %dma_start3A_254 = arith.constant 0 : i32
      %dma_start3A_255 = arith.constant 0 : i32
      %dma_start3A_256 = arith.constant 0 : i32
      %dma_start3A_257 = arith.constant 0 : i32
      %dma_start3A_258 = tpu.memref_slice %arg8[%dma_start3A_253, %dma_start3A_255, %dma_start3A_256, %dma_start3A_257] : memref<5x8x8x128xf32, #tpu.memory_space<vmem>> -> memref<1x8x8x128xf32, #tpu.memory_space<vmem>>
      %dma_start3A_259 = tpu.memref_squeeze %dma_start3A_258 : memref<1x8x8x128xf32, #tpu.memory_space<vmem>> -> memref<8x8x128xf32, #tpu.memory_space<vmem>>
      %dma_start3A_260 = arith.constant 0 : i32
      %dma_start3A_261 = arith.constant 0 : i32
      %dma_start3A_262 = arith.constant 0 : i32
      %dma_start3A_263 = tpu.memref_slice %arg4[%add3A_220, %dma_start3A_260, %add3A, %dma_start3A_261, %dma_start3A_262] : memref<200x8x32x8x128xf32, #tpu.memory_space<hbm>> -> memref<1x8x1x8x128xf32, #tpu.memory_space<hbm>>
      %dma_start3A_264 = tpu.memref_squeeze %dma_start3A_263 : memref<1x8x1x8x128xf32, #tpu.memory_space<hbm>> -> memref<8x8x128xf32, #tpu.memory_space<hbm>>
      %dma_start3A_265 = tpu.memref_slice %arg10[%dma_start3A_254] : memref<5x!tpu.dma_semaphore, #tpu.memory_space<semaphore_mem>> -> memref<1x!tpu.dma_semaphore, #tpu.memory_space<semaphore_mem>>
      %dma_start3A_266 = tpu.memref_squeeze %dma_start3A_265 : memref<1x!tpu.dma_semaphore, #tpu.memory_space<semaphore_mem>> -> memref<!tpu.dma_semaphore, #tpu.memory_space<semaphore_mem>>
      %dma_start3A_267 = arith.constant 0 : i32
      %dma_start3A_268 = arith.constant 0 : i32
      %dma_start3A_269 = arith.constant 0 : i32
      %dma_start3A_270 = tpu.memref_slice %arg4[%add3A_220, %dma_start3A_267, %add3A, %dma_start3A_268, %dma_start3A_269] : memref<200x8x32x8x128xf32, #tpu.memory_space<hbm>> -> memref<1x8x1x8x128xf32, #tpu.memory_space<hbm>>
      %dma_start3A_271 = tpu.memref_squeeze %dma_start3A_270 : memref<1x8x1x8x128xf32, #tpu.memory_space<hbm>> -> memref<8x8x128xf32, #tpu.memory_space<hbm>>
      %dma_start3A_272 = arith.constant 0 : i32
      %dma_start3A_273 = arith.constant 0 : i32
      %dma_start3A_274 = arith.constant 0 : i32
      %dma_start3A_275 = tpu.memref_slice %arg8[%dma_start3A_253, %dma_start3A_272, %dma_start3A_273, %dma_start3A_274] : memref<5x8x8x128xf32, #tpu.memory_space<vmem>> -> memref<1x8x8x128xf32, #tpu.memory_space<vmem>>
      %dma_start3A_276 = tpu.memref_squeeze %dma_start3A_275 : memref<1x8x8x128xf32, #tpu.memory_space<vmem>> -> memref<8x8x128xf32, #tpu.memory_space<vmem>>
      tpu.enqueue_dma source(%dma_start3A_276 : memref<8x8x128xf32, #tpu.memory_space<vmem>>) target(%dma_start3A_271 : memref<8x8x128xf32, #tpu.memory_space<hbm>>) target_semaphore(%dma_start3A_266 : memref<!tpu.dma_semaphore, #tpu.memory_space<semaphore_mem>>)
      %mul3A_277 = arith.constant 5 : i32
      %mul3A_278 = arith.muli %scan3A_216, %mul3A_277 : i32
      %add3A_279 = arith.constant 1 : i32
      %add3A_280 = arith.addi %mul3A_278, %add3A_279 : i32
      %dma_wait3A_281 = arith.constant 1 : i32
      %dma_wait3A_282 = arith.constant 1 : i32
      %dma_wait3A_283 = arith.constant 0 : i32
      %dma_wait3A_284 = arith.constant 0 : i32
      %dma_wait3A_285 = tpu.memref_slice %arg6[%dma_wait3A_281, %dma_wait3A_283, %dma_wait3A_284] : memref<5x128x64xf32, #tpu.memory_space<vmem>> -> memref<1x128x64xf32, #tpu.memory_space<vmem>>
      %dma_wait3A_286 = tpu.memref_squeeze %dma_wait3A_285 : memref<1x128x64xf32, #tpu.memory_space<vmem>> -> memref<128x64xf32, #tpu.memory_space<vmem>>
      %dma_wait3A_287 = arith.constant 0 : i32
      %dma_wait3A_288 = tpu.memref_slice %arg5[%add3A_280, %dma_wait3A_287] : memref<200x128xi32, #tpu.memory_space<vmem>> -> memref<1x128xi32, #tpu.memory_space<vmem>>
      %dma_wait3A_289 = tpu.memref_squeeze %dma_wait3A_288 : memref<1x128xi32, #tpu.memory_space<vmem>> -> memref<128xi32, #tpu.memory_space<vmem>>
      %dma_wait3A_290 = arith.constant 0 : i32
      %dma_wait3A_291 = arith.constant 0 : i32
      %dma_wait3A_292 = tpu.memref_slice %arg3[%dma_wait3A_290, %dma_wait3A_291] : memref<1000000x64xf32, #tpu.memory_space<hbm>> -> memref<1000000x64xf32, #tpu.memory_space<hbm>>
      %dma_wait3A_293 = tpu.memref_slice %arg9[%dma_wait3A_282] : memref<5x!tpu.dma_semaphore, #tpu.memory_space<semaphore_mem>> -> memref<1x!tpu.dma_semaphore, #tpu.memory_space<semaphore_mem>>
      %dma_wait3A_294 = tpu.memref_squeeze %dma_wait3A_293 : memref<1x!tpu.dma_semaphore, #tpu.memory_space<semaphore_mem>> -> memref<!tpu.dma_semaphore, #tpu.memory_space<semaphore_mem>>
      tpu.wait_indirect_dma semaphore(%dma_wait3A_294 : memref<!tpu.dma_semaphore, #tpu.memory_space<semaphore_mem>>) src(%dma_wait3A_292 : memref<1000000x64xf32, #tpu.memory_space<hbm>>) dst(%dma_wait3A_286 : memref<128x64xf32, #tpu.memory_space<vmem>>)
      %gt3A_295 = arith.constant 0 : i32
      %gt3A_296 = arith.cmpi sgt, %scan3A_216, %gt3A_295 : i32
      %convert_element_type3A_297 = arith.extui %gt3A_296 : i1 to i32
      %cond3A_298 = arith.constant 0 : i32
      %cond3A_299 = arith.cmpi ne, %convert_element_type3A_297, %cond3A_298 : i32
      scf.if %cond3A_299 {
        %sub3A = arith.constant 5 : i32
        %sub3A_533 = arith.subi %add3A_280, %sub3A : i32
        %dma_wait3A_534 = arith.constant 1 : i32
        %dma_wait3A_535 = arith.constant 1 : i32
        %dma_wait3A_536 = arith.constant 0 : i32
        %dma_wait3A_537 = arith.constant 0 : i32
        %dma_wait3A_538 = arith.constant 0 : i32
        %dma_wait3A_539 = tpu.memref_slice %arg8[%dma_wait3A_534, %dma_wait3A_536, %dma_wait3A_537, %dma_wait3A_538] : memref<5x8x8x128xf32, #tpu.memory_space<vmem>> -> memref<1x8x8x128xf32, #tpu.memory_space<vmem>>
        %dma_wait3A_540 = tpu.memref_squeeze %dma_wait3A_539 : memref<1x8x8x128xf32, #tpu.memory_space<vmem>> -> memref<8x8x128xf32, #tpu.memory_space<vmem>>
        %dma_wait3A_541 = arith.constant 0 : i32
        %dma_wait3A_542 = arith.constant 0 : i32
        %dma_wait3A_543 = arith.constant 0 : i32
        %dma_wait3A_544 = tpu.memref_slice %arg4[%sub3A_533, %dma_wait3A_541, %add3A, %dma_wait3A_542, %dma_wait3A_543] : memref<200x8x32x8x128xf32, #tpu.memory_space<hbm>> -> memref<1x8x1x8x128xf32, #tpu.memory_space<hbm>>
        %dma_wait3A_545 = tpu.memref_squeeze %dma_wait3A_544 : memref<1x8x1x8x128xf32, #tpu.memory_space<hbm>> -> memref<8x8x128xf32, #tpu.memory_space<hbm>>
        %dma_wait3A_546 = tpu.memref_slice %arg10[%dma_wait3A_535] : memref<5x!tpu.dma_semaphore, #tpu.memory_space<semaphore_mem>> -> memref<1x!tpu.dma_semaphore, #tpu.memory_space<semaphore_mem>>
        %dma_wait3A_547 = tpu.memref_squeeze %dma_wait3A_546 : memref<1x!tpu.dma_semaphore, #tpu.memory_space<semaphore_mem>> -> memref<!tpu.dma_semaphore, #tpu.memory_space<semaphore_mem>>
        %dma_wait3A_548 = arith.constant 0 : i32
        %dma_wait3A_549 = arith.constant 0 : i32
        %dma_wait3A_550 = arith.constant 0 : i32
        %dma_wait3A_551 = tpu.memref_slice %arg4[%sub3A_533, %dma_wait3A_548, %add3A, %dma_wait3A_549, %dma_wait3A_550] : memref<200x8x32x8x128xf32, #tpu.memory_space<hbm>> -> memref<1x8x1x8x128xf32, #tpu.memory_space<hbm>>
        %dma_wait3A_552 = tpu.memref_squeeze %dma_wait3A_551 : memref<1x8x1x8x128xf32, #tpu.memory_space<hbm>> -> memref<8x8x128xf32, #tpu.memory_space<hbm>>
        %dma_wait3A_553 = arith.constant 0 : i32
        %dma_wait3A_554 = arith.constant 0 : i32
        %dma_wait3A_555 = arith.constant 0 : i32
        %dma_wait3A_556 = tpu.memref_slice %arg8[%dma_wait3A_534, %dma_wait3A_553, %dma_wait3A_554, %dma_wait3A_555] : memref<5x8x8x128xf32, #tpu.memory_space<vmem>> -> memref<1x8x8x128xf32, #tpu.memory_space<vmem>>
        %dma_wait3A_557 = tpu.memref_squeeze %dma_wait3A_556 : memref<1x8x8x128xf32, #tpu.memory_space<vmem>> -> memref<8x8x128xf32, #tpu.memory_space<vmem>>
        tpu.wait_dma2 semaphore(%dma_wait3A_547 : memref<!tpu.dma_semaphore, #tpu.memory_space<semaphore_mem>>) src(%dma_wait3A_557 : memref<8x8x128xf32, #tpu.memory_space<vmem>>) dst(%dma_wait3A_552 : memref<8x8x128xf32, #tpu.memory_space<hbm>>)
      } else {
      }
      %scan3A_300 = arith.constant 0 : i32
      %scan3A_301 = arith.constant 0 : i32
      %scan3A_302 = arith.constant 128 : i32
      %scan3A_303 = arith.addi %scan3A_301, %scan3A_302 : i32
      %scan3A_304 = arith.constant 4 : i32
      scf.for %scan3A_533 = %scan3A_301 to %scan3A_303 step %scan3A_304  : i32 {
        %broadcast_in_dim3A = vector.broadcast %scan3A_533 : i32 to vector<16xi32>
        %get3A = arith.constant 1 : i32
        %get3A_534 = arith.index_cast %get3A : i32 to index
        %get3A_535 = arith.index_cast %scan3A_533 : i32 to index
        %get3A_536 = arith.constant 0 : index
        %get3A_537 = tpu.vector_load %arg6[%get3A_534, %get3A_535, %get3A_536] {strides = array<i32>} : memref<5x128x64xf32, #tpu.memory_space<vmem>>, vector<16xf32>,
        %mul3A_538 = arith.constant 8.000000e+00 : f32
        %mul3A_539 = vector.broadcast %mul3A_538 : f32 to vector<16xf32>
        %mul3A_540 = arith.mulf %get3A_537, %mul3A_539 : vector<16xf32>
        %get3A_541 = arith.constant 1 : i32
        %get3A_542 = arith.index_cast %get3A_541 : i32 to index
        %get3A_543 = arith.index_cast %scan3A_533 : i32 to index
        %get3A_544 = arith.constant 16 : index
        %get3A_545 = tpu.vector_load %arg6[%get3A_542, %get3A_543, %get3A_544] {strides = array<i32>} : memref<5x128x64xf32, #tpu.memory_space<vmem>>, vector<16xf32>,
        %mul3A_546 = arith.constant 8.000000e+00 : f32
        %mul3A_547 = vector.broadcast %mul3A_546 : f32 to vector<16xf32>
        %mul3A_548 = arith.mulf %get3A_545, %mul3A_547 : vector<16xf32>
        %get3A_549 = arith.constant 1 : i32
        %get3A_550 = arith.index_cast %get3A_549 : i32 to index
        %get3A_551 = arith.index_cast %scan3A_533 : i32 to index
        %get3A_552 = arith.constant 32 : index
        %get3A_553 = tpu.vector_load %arg6[%get3A_550, %get3A_551, %get3A_552] {strides = array<i32>} : memref<5x128x64xf32, #tpu.memory_space<vmem>>, vector<16xf32>,
        %mul3A_554 = arith.constant 8.000000e+00 : f32
        %mul3A_555 = vector.broadcast %mul3A_554 : f32 to vector<16xf32>
        %mul3A_556 = arith.mulf %get3A_553, %mul3A_555 : vector<16xf32>
        %get3A_557 = arith.constant 1 : i32
        %get3A_558 = arith.index_cast %get3A_557 : i32 to index
        %get3A_559 = arith.index_cast %scan3A_533 : i32 to index
        %get3A_560 = arith.constant 48 : index
        %get3A_561 = tpu.vector_load %arg6[%get3A_558, %get3A_559, %get3A_560] {strides = array<i32>} : memref<5x128x64xf32, #tpu.memory_space<vmem>>, vector<16xf32>,
        %mul3A_562 = arith.constant 8.000000e+00 : f32
        %mul3A_563 = vector.broadcast %mul3A_562 : f32 to vector<16xf32>
        %mul3A_564 = arith.mulf %get3A_561, %mul3A_563 : vector<16xf32>
        tpu.vector_store_idx %arg7[%add3A_3, %broadcast_in_dim3A], %mul3A_540 : memref<64x131xf32, #tpu.memory_space<vmem>>[vector<16xi32>, vector<16xi32>], vector<16xf32>,
        tpu.vector_store_idx %arg7[%add3A_6, %broadcast_in_dim3A], %mul3A_548 : memref<64x131xf32, #tpu.memory_space<vmem>>[vector<16xi32>, vector<16xi32>], vector<16xf32>,
        tpu.vector_store_idx %arg7[%add3A_9, %broadcast_in_dim3A], %mul3A_556 : memref<64x131xf32, #tpu.memory_space<vmem>>[vector<16xi32>, vector<16xi32>], vector<16xf32>,
        tpu.vector_store_idx %arg7[%add3A_12, %broadcast_in_dim3A], %mul3A_564 : memref<64x131xf32, #tpu.memory_space<vmem>>[vector<16xi32>, vector<16xi32>], vector<16xf32>,
        %scan3A_565 = arith.constant 1 : i32
        %scan3A_566 = arith.addi %scan3A_533, %scan3A_565 : i32
        %broadcast_in_dim3A_567 = vector.broadcast %scan3A_566 : i32 to vector<16xi32>
        %get3A_568 = arith.constant 1 : i32
        %get3A_569 = arith.index_cast %get3A_568 : i32 to index
        %get3A_570 = arith.index_cast %scan3A_566 : i32 to index
        %get3A_571 = arith.constant 0 : index
        %get3A_572 = tpu.vector_load %arg6[%get3A_569, %get3A_570, %get3A_571] {strides = array<i32>} : memref<5x128x64xf32, #tpu.memory_space<vmem>>, vector<16xf32>,
        %mul3A_573 = arith.constant 8.000000e+00 : f32
        %mul3A_574 = vector.broadcast %mul3A_573 : f32 to vector<16xf32>
        %mul3A_575 = arith.mulf %get3A_572, %mul3A_574 : vector<16xf32>
        %get3A_576 = arith.constant 1 : i32
        %get3A_577 = arith.index_cast %get3A_576 : i32 to index
        %get3A_578 = arith.index_cast %scan3A_566 : i32 to index
        %get3A_579 = arith.constant 16 : index
        %get3A_580 = tpu.vector_load %arg6[%get3A_577, %get3A_578, %get3A_579] {strides = array<i32>} : memref<5x128x64xf32, #tpu.memory_space<vmem>>, vector<16xf32>,
        %mul3A_581 = arith.constant 8.000000e+00 : f32
        %mul3A_582 = vector.broadcast %mul3A_581 : f32 to vector<16xf32>
        %mul3A_583 = arith.mulf %get3A_580, %mul3A_582 : vector<16xf32>
        %get3A_584 = arith.constant 1 : i32
        %get3A_585 = arith.index_cast %get3A_584 : i32 to index
        %get3A_586 = arith.index_cast %scan3A_566 : i32 to index
        %get3A_587 = arith.constant 32 : index
        %get3A_588 = tpu.vector_load %arg6[%get3A_585, %get3A_586, %get3A_587] {strides = array<i32>} : memref<5x128x64xf32, #tpu.memory_space<vmem>>, vector<16xf32>,
        %mul3A_589 = arith.constant 8.000000e+00 : f32
        %mul3A_590 = vector.broadcast %mul3A_589 : f32 to vector<16xf32>
        %mul3A_591 = arith.mulf %get3A_588, %mul3A_590 : vector<16xf32>
        %get3A_592 = arith.constant 1 : i32
        %get3A_593 = arith.index_cast %get3A_592 : i32 to index
        %get3A_594 = arith.index_cast %scan3A_566 : i32 to index
        %get3A_595 = arith.constant 48 : index
        %get3A_596 = tpu.vector_load %arg6[%get3A_593, %get3A_594, %get3A_595] {strides = array<i32>} : memref<5x128x64xf32, #tpu.memory_space<vmem>>, vector<16xf32>,
        %mul3A_597 = arith.constant 8.000000e+00 : f32
        %mul3A_598 = vector.broadcast %mul3A_597 : f32 to vector<16xf32>
        %mul3A_599 = arith.mulf %get3A_596, %mul3A_598 : vector<16xf32>
        tpu.vector_store_idx %arg7[%add3A_3, %broadcast_in_dim3A_567], %mul3A_575 : memref<64x131xf32, #tpu.memory_space<vmem>>[vector<16xi32>, vector<16xi32>], vector<16xf32>,
        tpu.vector_store_idx %arg7[%add3A_6, %broadcast_in_dim3A_567], %mul3A_583 : memref<64x131xf32, #tpu.memory_space<vmem>>[vector<16xi32>, vector<16xi32>], vector<16xf32>,
        tpu.vector_store_idx %arg7[%add3A_9, %broadcast_in_dim3A_567], %mul3A_591 : memref<64x131xf32, #tpu.memory_space<vmem>>[vector<16xi32>, vector<16xi32>], vector<16xf32>,
        tpu.vector_store_idx %arg7[%add3A_12, %broadcast_in_dim3A_567], %mul3A_599 : memref<64x131xf32, #tpu.memory_space<vmem>>[vector<16xi32>, vector<16xi32>], vector<16xf32>,
        %scan3A_600 = arith.constant 2 : i32
        %scan3A_601 = arith.addi %scan3A_533, %scan3A_600 : i32
        %broadcast_in_dim3A_602 = vector.broadcast %scan3A_601 : i32 to vector<16xi32>
        %get3A_603 = arith.constant 1 : i32
        %get3A_604 = arith.index_cast %get3A_603 : i32 to index
        %get3A_605 = arith.index_cast %scan3A_601 : i32 to index
        %get3A_606 = arith.constant 0 : index
        %get3A_607 = tpu.vector_load %arg6[%get3A_604, %get3A_605, %get3A_606] {strides = array<i32>} : memref<5x128x64xf32, #tpu.memory_space<vmem>>, vector<16xf32>,
        %mul3A_608 = arith.constant 8.000000e+00 : f32
        %mul3A_609 = vector.broadcast %mul3A_608 : f32 to vector<16xf32>
        %mul3A_610 = arith.mulf %get3A_607, %mul3A_609 : vector<16xf32>
        %get3A_611 = arith.constant 1 : i32
        %get3A_612 = arith.index_cast %get3A_611 : i32 to index
        %get3A_613 = arith.index_cast %scan3A_601 : i32 to index
        %get3A_614 = arith.constant 16 : index
        %get3A_615 = tpu.vector_load %arg6[%get3A_612, %get3A_613, %get3A_614] {strides = array<i32>} : memref<5x128x64xf32, #tpu.memory_space<vmem>>, vector<16xf32>,
        %mul3A_616 = arith.constant 8.000000e+00 : f32
        %mul3A_617 = vector.broadcast %mul3A_616 : f32 to vector<16xf32>
        %mul3A_618 = arith.mulf %get3A_615, %mul3A_617 : vector<16xf32>
        %get3A_619 = arith.constant 1 : i32
        %get3A_620 = arith.index_cast %get3A_619 : i32 to index
        %get3A_621 = arith.index_cast %scan3A_601 : i32 to index
        %get3A_622 = arith.constant 32 : index
        %get3A_623 = tpu.vector_load %arg6[%get3A_620, %get3A_621, %get3A_622] {strides = array<i32>} : memref<5x128x64xf32, #tpu.memory_space<vmem>>, vector<16xf32>,
        %mul3A_624 = arith.constant 8.000000e+00 : f32
        %mul3A_625 = vector.broadcast %mul3A_624 : f32 to vector<16xf32>
        %mul3A_626 = arith.mulf %get3A_623, %mul3A_625 : vector<16xf32>
        %get3A_627 = arith.constant 1 : i32
        %get3A_628 = arith.index_cast %get3A_627 : i32 to index
        %get3A_629 = arith.index_cast %scan3A_601 : i32 to index
        %get3A_630 = arith.constant 48 : index
        %get3A_631 = tpu.vector_load %arg6[%get3A_628, %get3A_629, %get3A_630] {strides = array<i32>} : memref<5x128x64xf32, #tpu.memory_space<vmem>>, vector<16xf32>,
        %mul3A_632 = arith.constant 8.000000e+00 : f32
        %mul3A_633 = vector.broadcast %mul3A_632 : f32 to vector<16xf32>
        %mul3A_634 = arith.mulf %get3A_631, %mul3A_633 : vector<16xf32>
        tpu.vector_store_idx %arg7[%add3A_3, %broadcast_in_dim3A_602], %mul3A_610 : memref<64x131xf32, #tpu.memory_space<vmem>>[vector<16xi32>, vector<16xi32>], vector<16xf32>,
        tpu.vector_store_idx %arg7[%add3A_6, %broadcast_in_dim3A_602], %mul3A_618 : memref<64x131xf32, #tpu.memory_space<vmem>>[vector<16xi32>, vector<16xi32>], vector<16xf32>,
        tpu.vector_store_idx %arg7[%add3A_9, %broadcast_in_dim3A_602], %mul3A_626 : memref<64x131xf32, #tpu.memory_space<vmem>>[vector<16xi32>, vector<16xi32>], vector<16xf32>,
        tpu.vector_store_idx %arg7[%add3A_12, %broadcast_in_dim3A_602], %mul3A_634 : memref<64x131xf32, #tpu.memory_space<vmem>>[vector<16xi32>, vector<16xi32>], vector<16xf32>,
        %scan3A_635 = arith.constant 3 : i32
        %scan3A_636 = arith.addi %scan3A_533, %scan3A_635 : i32
        %broadcast_in_dim3A_637 = vector.broadcast %scan3A_636 : i32 to vector<16xi32>
        %get3A_638 = arith.constant 1 : i32
        %get3A_639 = arith.index_cast %get3A_638 : i32 to index
        %get3A_640 = arith.index_cast %scan3A_636 : i32 to index
        %get3A_641 = arith.constant 0 : index
        %get3A_642 = tpu.vector_load %arg6[%get3A_639, %get3A_640, %get3A_641] {strides = array<i32>} : memref<5x128x64xf32, #tpu.memory_space<vmem>>, vector<16xf32>,
        %mul3A_643 = arith.constant 8.000000e+00 : f32
        %mul3A_644 = vector.broadcast %mul3A_643 : f32 to vector<16xf32>
        %mul3A_645 = arith.mulf %get3A_642, %mul3A_644 : vector<16xf32>
        %get3A_646 = arith.constant 1 : i32
        %get3A_647 = arith.index_cast %get3A_646 : i32 to index
        %get3A_648 = arith.index_cast %scan3A_636 : i32 to index
        %get3A_649 = arith.constant 16 : index
        %get3A_650 = tpu.vector_load %arg6[%get3A_647, %get3A_648, %get3A_649] {strides = array<i32>} : memref<5x128x64xf32, #tpu.memory_space<vmem>>, vector<16xf32>,
        %mul3A_651 = arith.constant 8.000000e+00 : f32
        %mul3A_652 = vector.broadcast %mul3A_651 : f32 to vector<16xf32>
        %mul3A_653 = arith.mulf %get3A_650, %mul3A_652 : vector<16xf32>
        %get3A_654 = arith.constant 1 : i32
        %get3A_655 = arith.index_cast %get3A_654 : i32 to index
        %get3A_656 = arith.index_cast %scan3A_636 : i32 to index
        %get3A_657 = arith.constant 32 : index
        %get3A_658 = tpu.vector_load %arg6[%get3A_655, %get3A_656, %get3A_657] {strides = array<i32>} : memref<5x128x64xf32, #tpu.memory_space<vmem>>, vector<16xf32>,
        %mul3A_659 = arith.constant 8.000000e+00 : f32
        %mul3A_660 = vector.broadcast %mul3A_659 : f32 to vector<16xf32>
        %mul3A_661 = arith.mulf %get3A_658, %mul3A_660 : vector<16xf32>
        %get3A_662 = arith.constant 1 : i32
        %get3A_663 = arith.index_cast %get3A_662 : i32 to index
        %get3A_664 = arith.index_cast %scan3A_636 : i32 to index
        %get3A_665 = arith.constant 48 : index
        %get3A_666 = tpu.vector_load %arg6[%get3A_663, %get3A_664, %get3A_665] {strides = array<i32>} : memref<5x128x64xf32, #tpu.memory_space<vmem>>, vector<16xf32>,
        %mul3A_667 = arith.constant 8.000000e+00 : f32
        %mul3A_668 = vector.broadcast %mul3A_667 : f32 to vector<16xf32>
        %mul3A_669 = arith.mulf %get3A_666, %mul3A_668 : vector<16xf32>
        tpu.vector_store_idx %arg7[%add3A_3, %broadcast_in_dim3A_637], %mul3A_645 : memref<64x131xf32, #tpu.memory_space<vmem>>[vector<16xi32>, vector<16xi32>], vector<16xf32>,
        tpu.vector_store_idx %arg7[%add3A_6, %broadcast_in_dim3A_637], %mul3A_653 : memref<64x131xf32, #tpu.memory_space<vmem>>[vector<16xi32>, vector<16xi32>], vector<16xf32>,
        tpu.vector_store_idx %arg7[%add3A_9, %broadcast_in_dim3A_637], %mul3A_661 : memref<64x131xf32, #tpu.memory_space<vmem>>[vector<16xi32>, vector<16xi32>], vector<16xf32>,
        tpu.vector_store_idx %arg7[%add3A_12, %broadcast_in_dim3A_637], %mul3A_669 : memref<64x131xf32, #tpu.memory_space<vmem>>[vector<16xi32>, vector<16xi32>], vector<16xf32>,
      }
      %scan3A_305 = arith.constant 128 : i32
      %scan3A_306 = arith.constant 0 : i32
      %scan3A_307 = arith.constant 0 : i32
      %scan3A_308 = arith.constant 64 : i32
      %scan3A_309 = arith.addi %scan3A_307, %scan3A_308 : i32
      %scan3A_310 = arith.constant 4 : i32
      scf.for %scan3A_533 = %scan3A_307 to %scan3A_309 step %scan3A_310  : i32 {
        %jit3A = arith.constant 8 : i32
        %div3A = arith.divsi %scan3A_533, %jit3A : i32
        %sign3A = arith.constant 0 : i32
        %sign3A_534 = arith.cmpi sgt, %scan3A_533, %sign3A : i32
        %sign3A_535 = arith.extui %sign3A_534 : i1 to i32
        %sign3A_536 = arith.constant 0 : i32
        %sign3A_537 = arith.cmpi slt, %scan3A_533, %sign3A_536 : i32
        %sign3A_538 = arith.extui %sign3A_537 : i1 to i32
        %sign3A_539 = arith.subi %sign3A_535, %sign3A_538 : i32
        %sign3A_540 = arith.constant 0 : i32
        %sign3A_541 = arith.cmpi sgt, %jit3A, %sign3A_540 : i32
        %sign3A_542 = arith.extui %sign3A_541 : i1 to i32
        %sign3A_543 = arith.constant 0 : i32
        %sign3A_544 = arith.cmpi slt, %jit3A, %sign3A_543 : i32
        %sign3A_545 = arith.extui %sign3A_544 : i1 to i32
        %sign3A_546 = arith.subi %sign3A_542, %sign3A_545 : i32
        %ne3A = arith.cmpi ne, %sign3A_539, %sign3A_546 : i32
        %rem3A = arith.remsi %scan3A_533, %jit3A : i32
        %ne3A_547 = arith.constant 0 : i32
        %ne3A_548 = arith.cmpi ne, %rem3A, %ne3A_547 : i32
        %and3A = arith.andi %ne3A, %ne3A_548 : i1
        %sub3A = arith.constant 1 : i32
        %sub3A_549 = arith.subi %div3A, %sub3A : i32
        %select_n3A = arith.select %and3A, %sub3A_549, %div3A : i32
        %jit3A_550 = arith.constant 8 : i32
        %eq3A = arith.constant 0 : i32
        %eq3A_551 = arith.cmpi eq, %jit3A_550, %eq3A : i32
        %jit3A_552 = arith.constant 1 : i32
        %select_n3A_553 = arith.select %eq3A_551, %jit3A_552, %jit3A_550 : i32
        %rem3A_554 = arith.remsi %scan3A_533, %select_n3A_553 : i32
        %ne3A_555 = arith.constant 0 : i32
        %ne3A_556 = arith.cmpi ne, %rem3A_554, %ne3A_555 : i32
        %lt3A_557 = arith.constant 0 : i32
        %lt3A_558 = arith.cmpi slt, %rem3A_554, %lt3A_557 : i32
        %lt3A_559 = arith.constant 0 : i32
        %lt3A_560 = arith.cmpi slt, %select_n3A_553, %lt3A_559 : i32
        %ne3A_561 = arith.xori %lt3A_558, %lt3A_560 : i1
        %and3A_562 = arith.andi %ne3A_561, %ne3A_556 : i1
        %add3A_563 = arith.addi %rem3A_554, %select_n3A_553 : i32
        %select_n3A_564 = arith.select %and3A_562, %add3A_563, %rem3A_554 : i32
        %get3A = arith.index_cast %scan3A_533 : i32 to index
        %get3A_565 = arith.constant 0 : index
        %get3A_566 = tpu.vector_load %arg7[%get3A, %get3A_565] {strides = array<i32>} : memref<64x131xf32, #tpu.memory_space<vmem>>, vector<16xf32>,
        %get3A_567 = arith.index_cast %scan3A_533 : i32 to index
        %get3A_568 = arith.constant 16 : index
        %get3A_569 = tpu.vector_load %arg7[%get3A_567, %get3A_568] {strides = array<i32>} : memref<64x131xf32, #tpu.memory_space<vmem>>, vector<16xf32>,
        %get3A_570 = arith.index_cast %scan3A_533 : i32 to index
        %get3A_571 = arith.constant 32 : index
        %get3A_572 = tpu.vector_load %arg7[%get3A_570, %get3A_571] {strides = array<i32>} : memref<64x131xf32, #tpu.memory_space<vmem>>, vector<16xf32>,
        %get3A_573 = arith.index_cast %scan3A_533 : i32 to index
        %get3A_574 = arith.constant 48 : index
        %get3A_575 = tpu.vector_load %arg7[%get3A_573, %get3A_574] {strides = array<i32>} : memref<64x131xf32, #tpu.memory_space<vmem>>, vector<16xf32>,
        %get3A_576 = arith.index_cast %scan3A_533 : i32 to index
        %get3A_577 = arith.constant 64 : index
        %get3A_578 = tpu.vector_load %arg7[%get3A_576, %get3A_577] {strides = array<i32>} : memref<64x131xf32, #tpu.memory_space<vmem>>, vector<16xf32>,
        %get3A_579 = arith.index_cast %scan3A_533 : i32 to index
        %get3A_580 = arith.constant 80 : index
        %get3A_581 = tpu.vector_load %arg7[%get3A_579, %get3A_580] {strides = array<i32>} : memref<64x131xf32, #tpu.memory_space<vmem>>, vector<16xf32>,
        %get3A_582 = arith.index_cast %scan3A_533 : i32 to index
        %get3A_583 = arith.constant 96 : index
        %get3A_584 = tpu.vector_load %arg7[%get3A_582, %get3A_583] {strides = array<i32>} : memref<64x131xf32, #tpu.memory_space<vmem>>, vector<16xf32>,
        %get3A_585 = arith.index_cast %scan3A_533 : i32 to index
        %get3A_586 = arith.constant 112 : index
        %get3A_587 = tpu.vector_load %arg7[%get3A_585, %get3A_586] {strides = array<i32>} : memref<64x131xf32, #tpu.memory_space<vmem>>, vector<16xf32>,
        %swap3A = arith.constant 1 : i32
        %swap3A_588 = arith.index_cast %swap3A : i32 to index
        %swap3A_589 = arith.index_cast %select_n3A : i32 to index
        %swap3A_590 = arith.index_cast %select_n3A_564 : i32 to index
        %swap3A_591 = arith.constant 0 : index
        %swap3A_592 = tpu.vector_load %arg8[%swap3A_588, %swap3A_589, %swap3A_590, %swap3A_591] {strides = array<i32>} : memref<5x8x8x128xf32, #tpu.memory_space<vmem>>, vector<16xf32>,
        tpu.vector_store %arg8[%swap3A_588, %swap3A_589, %swap3A_590, %swap3A_591], %get3A_566 {strides = array<i32>} : memref<5x8x8x128xf32, #tpu.memory_space<vmem>>, vector<16xf32>,
        %swap3A_593 = arith.constant 1 : i32
        %swap3A_594 = arith.index_cast %swap3A_593 : i32 to index
        %swap3A_595 = arith.index_cast %select_n3A : i32 to index
        %swap3A_596 = arith.index_cast %select_n3A_564 : i32 to index
        %swap3A_597 = arith.constant 16 : index
        %swap3A_598 = tpu.vector_load %arg8[%swap3A_594, %swap3A_595, %swap3A_596, %swap3A_597] {strides = array<i32>} : memref<5x8x8x128xf32, #tpu.memory_space<vmem>>, vector<16xf32>,
        tpu.vector_store %arg8[%swap3A_594, %swap3A_595, %swap3A_596, %swap3A_597], %get3A_569 {strides = array<i32>} : memref<5x8x8x128xf32, #tpu.memory_space<vmem>>, vector<16xf32>,
        %swap3A_599 = arith.constant 1 : i32
        %swap3A_600 = arith.index_cast %swap3A_599 : i32 to index
        %swap3A_601 = arith.index_cast %select_n3A : i32 to index
        %swap3A_602 = arith.index_cast %select_n3A_564 : i32 to index
        %swap3A_603 = arith.constant 32 : index
        %swap3A_604 = tpu.vector_load %arg8[%swap3A_600, %swap3A_601, %swap3A_602, %swap3A_603] {strides = array<i32>} : memref<5x8x8x128xf32, #tpu.memory_space<vmem>>, vector<16xf32>,
        tpu.vector_store %arg8[%swap3A_600, %swap3A_601, %swap3A_602, %swap3A_603], %get3A_572 {strides = array<i32>} : memref<5x8x8x128xf32, #tpu.memory_space<vmem>>, vector<16xf32>,
        %swap3A_605 = arith.constant 1 : i32
        %swap3A_606 = arith.index_cast %swap3A_605 : i32 to index
        %swap3A_607 = arith.index_cast %select_n3A : i32 to index
        %swap3A_608 = arith.index_cast %select_n3A_564 : i32 to index
        %swap3A_609 = arith.constant 48 : index
        %swap3A_610 = tpu.vector_load %arg8[%swap3A_606, %swap3A_607, %swap3A_608, %swap3A_609] {strides = array<i32>} : memref<5x8x8x128xf32, #tpu.memory_space<vmem>>, vector<16xf32>,
        tpu.vector_store %arg8[%swap3A_606, %swap3A_607, %swap3A_608, %swap3A_609], %get3A_575 {strides = array<i32>} : memref<5x8x8x128xf32, #tpu.memory_space<vmem>>, vector<16xf32>,
        %swap3A_611 = arith.constant 1 : i32
        %swap3A_612 = arith.index_cast %swap3A_611 : i32 to index
        %swap3A_613 = arith.index_cast %select_n3A : i32 to index
        %swap3A_614 = arith.index_cast %select_n3A_564 : i32 to index
        %swap3A_615 = arith.constant 64 : index
        %swap3A_616 = tpu.vector_load %arg8[%swap3A_612, %swap3A_613, %swap3A_614, %swap3A_615] {strides = array<i32>} : memref<5x8x8x128xf32, #tpu.memory_space<vmem>>, vector<16xf32>,
        tpu.vector_store %arg8[%swap3A_612, %swap3A_613, %swap3A_614, %swap3A_615], %get3A_578 {strides = array<i32>} : memref<5x8x8x128xf32, #tpu.memory_space<vmem>>, vector<16xf32>,
        %swap3A_617 = arith.constant 1 : i32
        %swap3A_618 = arith.index_cast %swap3A_617 : i32 to index
        %swap3A_619 = arith.index_cast %select_n3A : i32 to index
        %swap3A_620 = arith.index_cast %select_n3A_564 : i32 to index
        %swap3A_621 = arith.constant 80 : index
        %swap3A_622 = tpu.vector_load %arg8[%swap3A_618, %swap3A_619, %swap3A_620, %swap3A_621] {strides = array<i32>} : memref<5x8x8x128xf32, #tpu.memory_space<vmem>>, vector<16xf32>,
        tpu.vector_store %arg8[%swap3A_618, %swap3A_619, %swap3A_620, %swap3A_621], %get3A_581 {strides = array<i32>} : memref<5x8x8x128xf32, #tpu.memory_space<vmem>>, vector<16xf32>,
        %swap3A_623 = arith.constant 1 : i32
        %swap3A_624 = arith.index_cast %swap3A_623 : i32 to index
        %swap3A_625 = arith.index_cast %select_n3A : i32 to index
        %swap3A_626 = arith.index_cast %select_n3A_564 : i32 to index
        %swap3A_627 = arith.constant 96 : index
        %swap3A_628 = tpu.vector_load %arg8[%swap3A_624, %swap3A_625, %swap3A_626, %swap3A_627] {strides = array<i32>} : memref<5x8x8x128xf32, #tpu.memory_space<vmem>>, vector<16xf32>,
        tpu.vector_store %arg8[%swap3A_624, %swap3A_625, %swap3A_626, %swap3A_627], %get3A_584 {strides = array<i32>} : memref<5x8x8x128xf32, #tpu.memory_space<vmem>>, vector<16xf32>,
        %swap3A_629 = arith.constant 1 : i32
        %swap3A_630 = arith.index_cast %swap3A_629 : i32 to index
        %swap3A_631 = arith.index_cast %select_n3A : i32 to index
        %swap3A_632 = arith.index_cast %select_n3A_564 : i32 to index
        %swap3A_633 = arith.constant 112 : index
        %swap3A_634 = tpu.vector_load %arg8[%swap3A_630, %swap3A_631, %swap3A_632, %swap3A_633] {strides = array<i32>} : memref<5x8x8x128xf32, #tpu.memory_space<vmem>>, vector<16xf32>,
        tpu.vector_store %arg8[%swap3A_630, %swap3A_631, %swap3A_632, %swap3A_633], %get3A_587 {strides = array<i32>} : memref<5x8x8x128xf32, #tpu.memory_space<vmem>>, vector<16xf32>,
        %scan3A_635 = arith.constant 1 : i32
        %scan3A_636 = arith.addi %scan3A_533, %scan3A_635 : i32
        %jit3A_637 = arith.constant 8 : i32
        %div3A_638 = arith.divsi %scan3A_636, %jit3A_637 : i32
        %sign3A_639 = arith.constant 0 : i32
        %sign3A_640 = arith.cmpi sgt, %scan3A_636, %sign3A_639 : i32
        %sign3A_641 = arith.extui %sign3A_640 : i1 to i32
        %sign3A_642 = arith.constant 0 : i32
        %sign3A_643 = arith.cmpi slt, %scan3A_636, %sign3A_642 : i32
        %sign3A_644 = arith.extui %sign3A_643 : i1 to i32
        %sign3A_645 = arith.subi %sign3A_641, %sign3A_644 : i32
        %sign3A_646 = arith.constant 0 : i32
        %sign3A_647 = arith.cmpi sgt, %jit3A_637, %sign3A_646 : i32
        %sign3A_648 = arith.extui %sign3A_647 : i1 to i32
        %sign3A_649 = arith.constant 0 : i32
        %sign3A_650 = arith.cmpi slt, %jit3A_637, %sign3A_649 : i32
        %sign3A_651 = arith.extui %sign3A_650 : i1 to i32
        %sign3A_652 = arith.subi %sign3A_648, %sign3A_651 : i32
        %ne3A_653 = arith.cmpi ne, %sign3A_645, %sign3A_652 : i32
        %rem3A_654 = arith.remsi %scan3A_636, %jit3A_637 : i32
        %ne3A_655 = arith.constant 0 : i32
        %ne3A_656 = arith.cmpi ne, %rem3A_654, %ne3A_655 : i32
        %and3A_657 = arith.andi %ne3A_653, %ne3A_656 : i1
        %sub3A_658 = arith.constant 1 : i32
        %sub3A_659 = arith.subi %div3A_638, %sub3A_658 : i32
        %select_n3A_660 = arith.select %and3A_657, %sub3A_659, %div3A_638 : i32
        %jit3A_661 = arith.constant 8 : i32
        %eq3A_662 = arith.constant 0 : i32
        %eq3A_663 = arith.cmpi eq, %jit3A_661, %eq3A_662 : i32
        %jit3A_664 = arith.constant 1 : i32
        %select_n3A_665 = arith.select %eq3A_663, %jit3A_664, %jit3A_661 : i32
        %rem3A_666 = arith.remsi %scan3A_636, %select_n3A_665 : i32
        %ne3A_667 = arith.constant 0 : i32
        %ne3A_668 = arith.cmpi ne, %rem3A_666, %ne3A_667 : i32
        %lt3A_669 = arith.constant 0 : i32
        %lt3A_670 = arith.cmpi slt, %rem3A_666, %lt3A_669 : i32
        %lt3A_671 = arith.constant 0 : i32
        %lt3A_672 = arith.cmpi slt, %select_n3A_665, %lt3A_671 : i32
        %ne3A_673 = arith.xori %lt3A_670, %lt3A_672 : i1
        %and3A_674 = arith.andi %ne3A_673, %ne3A_668 : i1
        %add3A_675 = arith.addi %rem3A_666, %select_n3A_665 : i32
        %select_n3A_676 = arith.select %and3A_674, %add3A_675, %rem3A_666 : i32
        %get3A_677 = arith.index_cast %scan3A_636 : i32 to index
        %get3A_678 = arith.constant 0 : index
        %get3A_679 = tpu.vector_load %arg7[%get3A_677, %get3A_678] {strides = array<i32>} : memref<64x131xf32, #tpu.memory_space<vmem>>, vector<16xf32>,
        %get3A_680 = arith.index_cast %scan3A_636 : i32 to index
        %get3A_681 = arith.constant 16 : index
        %get3A_682 = tpu.vector_load %arg7[%get3A_680, %get3A_681] {strides = array<i32>} : memref<64x131xf32, #tpu.memory_space<vmem>>, vector<16xf32>,
        %get3A_683 = arith.index_cast %scan3A_636 : i32 to index
        %get3A_684 = arith.constant 32 : index
        %get3A_685 = tpu.vector_load %arg7[%get3A_683, %get3A_684] {strides = array<i32>} : memref<64x131xf32, #tpu.memory_space<vmem>>, vector<16xf32>,
        %get3A_686 = arith.index_cast %scan3A_636 : i32 to index
        %get3A_687 = arith.constant 48 : index
        %get3A_688 = tpu.vector_load %arg7[%get3A_686, %get3A_687] {strides = array<i32>} : memref<64x131xf32, #tpu.memory_space<vmem>>, vector<16xf32>,
        %get3A_689 = arith.index_cast %scan3A_636 : i32 to index
        %get3A_690 = arith.constant 64 : index
        %get3A_691 = tpu.vector_load %arg7[%get3A_689, %get3A_690] {strides = array<i32>} : memref<64x131xf32, #tpu.memory_space<vmem>>, vector<16xf32>,
        %get3A_692 = arith.index_cast %scan3A_636 : i32 to index
        %get3A_693 = arith.constant 80 : index
        %get3A_694 = tpu.vector_load %arg7[%get3A_692, %get3A_693] {strides = array<i32>} : memref<64x131xf32, #tpu.memory_space<vmem>>, vector<16xf32>,
        %get3A_695 = arith.index_cast %scan3A_636 : i32 to index
        %get3A_696 = arith.constant 96 : index
        %get3A_697 = tpu.vector_load %arg7[%get3A_695, %get3A_696] {strides = array<i32>} : memref<64x131xf32, #tpu.memory_space<vmem>>, vector<16xf32>,
        %get3A_698 = arith.index_cast %scan3A_636 : i32 to index
        %get3A_699 = arith.constant 112 : index
        %get3A_700 = tpu.vector_load %arg7[%get3A_698, %get3A_699] {strides = array<i32>} : memref<64x131xf32, #tpu.memory_space<vmem>>, vector<16xf32>,
        %swap3A_701 = arith.constant 1 : i32
        %swap3A_702 = arith.index_cast %swap3A_701 : i32 to index
        %swap3A_703 = arith.index_cast %select_n3A_660 : i32 to index
        %swap3A_704 = arith.index_cast %select_n3A_676 : i32 to index
        %swap3A_705 = arith.constant 0 : index
        %swap3A_706 = tpu.vector_load %arg8[%swap3A_702, %swap3A_703, %swap3A_704, %swap3A_705] {strides = array<i32>} : memref<5x8x8x128xf32, #tpu.memory_space<vmem>>, vector<16xf32>,
        tpu.vector_store %arg8[%swap3A_702, %swap3A_703, %swap3A_704, %swap3A_705], %get3A_679 {strides = array<i32>} : memref<5x8x8x128xf32, #tpu.memory_space<vmem>>, vector<16xf32>,
        %swap3A_707 = arith.constant 1 : i32
        %swap3A_708 = arith.index_cast %swap3A_707 : i32 to index
        %swap3A_709 = arith.index_cast %select_n3A_660 : i32 to index
        %swap3A_710 = arith.index_cast %select_n3A_676 : i32 to index
        %swap3A_711 = arith.constant 16 : index
        %swap3A_712 = tpu.vector_load %arg8[%swap3A_708, %swap3A_709, %swap3A_710, %swap3A_711] {strides = array<i32>} : memref<5x8x8x128xf32, #tpu.memory_space<vmem>>, vector<16xf32>,
        tpu.vector_store %arg8[%swap3A_708, %swap3A_709, %swap3A_710, %swap3A_711], %get3A_682 {strides = array<i32>} : memref<5x8x8x128xf32, #tpu.memory_space<vmem>>, vector<16xf32>,
        %swap3A_713 = arith.constant 1 : i32
        %swap3A_714 = arith.index_cast %swap3A_713 : i32 to index
        %swap3A_715 = arith.index_cast %select_n3A_660 : i32 to index
        %swap3A_716 = arith.index_cast %select_n3A_676 : i32 to index
        %swap3A_717 = arith.constant 32 : index
        %swap3A_718 = tpu.vector_load %arg8[%swap3A_714, %swap3A_715, %swap3A_716, %swap3A_717] {strides = array<i32>} : memref<5x8x8x128xf32, #tpu.memory_space<vmem>>, vector<16xf32>,
        tpu.vector_store %arg8[%swap3A_714, %swap3A_715, %swap3A_716, %swap3A_717], %get3A_685 {strides = array<i32>} : memref<5x8x8x128xf32, #tpu.memory_space<vmem>>, vector<16xf32>,
        %swap3A_719 = arith.constant 1 : i32
        %swap3A_720 = arith.index_cast %swap3A_719 : i32 to index
        %swap3A_721 = arith.index_cast %select_n3A_660 : i32 to index
        %swap3A_722 = arith.index_cast %select_n3A_676 : i32 to index
        %swap3A_723 = arith.constant 48 : index
        %swap3A_724 = tpu.vector_load %arg8[%swap3A_720, %swap3A_721, %swap3A_722, %swap3A_723] {strides = array<i32>} : memref<5x8x8x128xf32, #tpu.memory_space<vmem>>, vector<16xf32>,
        tpu.vector_store %arg8[%swap3A_720, %swap3A_721, %swap3A_722, %swap3A_723], %get3A_688 {strides = array<i32>} : memref<5x8x8x128xf32, #tpu.memory_space<vmem>>, vector<16xf32>,
        %swap3A_725 = arith.constant 1 : i32
        %swap3A_726 = arith.index_cast %swap3A_725 : i32 to index
        %swap3A_727 = arith.index_cast %select_n3A_660 : i32 to index
        %swap3A_728 = arith.index_cast %select_n3A_676 : i32 to index
        %swap3A_729 = arith.constant 64 : index
        %swap3A_730 = tpu.vector_load %arg8[%swap3A_726, %swap3A_727, %swap3A_728, %swap3A_729] {strides = array<i32>} : memref<5x8x8x128xf32, #tpu.memory_space<vmem>>, vector<16xf32>,
        tpu.vector_store %arg8[%swap3A_726, %swap3A_727, %swap3A_728, %swap3A_729], %get3A_691 {strides = array<i32>} : memref<5x8x8x128xf32, #tpu.memory_space<vmem>>, vector<16xf32>,
        %swap3A_731 = arith.constant 1 : i32
        %swap3A_732 = arith.index_cast %swap3A_731 : i32 to index
        %swap3A_733 = arith.index_cast %select_n3A_660 : i32 to index
        %swap3A_734 = arith.index_cast %select_n3A_676 : i32 to index
        %swap3A_735 = arith.constant 80 : index
        %swap3A_736 = tpu.vector_load %arg8[%swap3A_732, %swap3A_733, %swap3A_734, %swap3A_735] {strides = array<i32>} : memref<5x8x8x128xf32, #tpu.memory_space<vmem>>, vector<16xf32>,
        tpu.vector_store %arg8[%swap3A_732, %swap3A_733, %swap3A_734, %swap3A_735], %get3A_694 {strides = array<i32>} : memref<5x8x8x128xf32, #tpu.memory_space<vmem>>, vector<16xf32>,
        %swap3A_737 = arith.constant 1 : i32
        %swap3A_738 = arith.index_cast %swap3A_737 : i32 to index
        %swap3A_739 = arith.index_cast %select_n3A_660 : i32 to index
        %swap3A_740 = arith.index_cast %select_n3A_676 : i32 to index
        %swap3A_741 = arith.constant 96 : index
        %swap3A_742 = tpu.vector_load %arg8[%swap3A_738, %swap3A_739, %swap3A_740, %swap3A_741] {strides = array<i32>} : memref<5x8x8x128xf32, #tpu.memory_space<vmem>>, vector<16xf32>,
        tpu.vector_store %arg8[%swap3A_738, %swap3A_739, %swap3A_740, %swap3A_741], %get3A_697 {strides = array<i32>} : memref<5x8x8x128xf32, #tpu.memory_space<vmem>>, vector<16xf32>,
        %swap3A_743 = arith.constant 1 : i32
        %swap3A_744 = arith.index_cast %swap3A_743 : i32 to index
        %swap3A_745 = arith.index_cast %select_n3A_660 : i32 to index
        %swap3A_746 = arith.index_cast %select_n3A_676 : i32 to index
        %swap3A_747 = arith.constant 112 : index
        %swap3A_748 = tpu.vector_load %arg8[%swap3A_744, %swap3A_745, %swap3A_746, %swap3A_747] {strides = array<i32>} : memref<5x8x8x128xf32, #tpu.memory_space<vmem>>, vector<16xf32>,
        tpu.vector_store %arg8[%swap3A_744, %swap3A_745, %swap3A_746, %swap3A_747], %get3A_700 {strides = array<i32>} : memref<5x8x8x128xf32, #tpu.memory_space<vmem>>, vector<16xf32>,
        %scan3A_749 = arith.constant 2 : i32
        %scan3A_750 = arith.addi %scan3A_533, %scan3A_749 : i32
        %jit3A_751 = arith.constant 8 : i32
        %div3A_752 = arith.divsi %scan3A_750, %jit3A_751 : i32
        %sign3A_753 = arith.constant 0 : i32
        %sign3A_754 = arith.cmpi sgt, %scan3A_750, %sign3A_753 : i32
        %sign3A_755 = arith.extui %sign3A_754 : i1 to i32
        %sign3A_756 = arith.constant 0 : i32
        %sign3A_757 = arith.cmpi slt, %scan3A_750, %sign3A_756 : i32
        %sign3A_758 = arith.extui %sign3A_757 : i1 to i32
        %sign3A_759 = arith.subi %sign3A_755, %sign3A_758 : i32
        %sign3A_760 = arith.constant 0 : i32
        %sign3A_761 = arith.cmpi sgt, %jit3A_751, %sign3A_760 : i32
        %sign3A_762 = arith.extui %sign3A_761 : i1 to i32
        %sign3A_763 = arith.constant 0 : i32
        %sign3A_764 = arith.cmpi slt, %jit3A_751, %sign3A_763 : i32
        %sign3A_765 = arith.extui %sign3A_764 : i1 to i32
        %sign3A_766 = arith.subi %sign3A_762, %sign3A_765 : i32
        %ne3A_767 = arith.cmpi ne, %sign3A_759, %sign3A_766 : i32
        %rem3A_768 = arith.remsi %scan3A_750, %jit3A_751 : i32
        %ne3A_769 = arith.constant 0 : i32
        %ne3A_770 = arith.cmpi ne, %rem3A_768, %ne3A_769 : i32
        %and3A_771 = arith.andi %ne3A_767, %ne3A_770 : i1
        %sub3A_772 = arith.constant 1 : i32
        %sub3A_773 = arith.subi %div3A_752, %sub3A_772 : i32
        %select_n3A_774 = arith.select %and3A_771, %sub3A_773, %div3A_752 : i32
        %jit3A_775 = arith.constant 8 : i32
        %eq3A_776 = arith.constant 0 : i32
        %eq3A_777 = arith.cmpi eq, %jit3A_775, %eq3A_776 : i32
        %jit3A_778 = arith.constant 1 : i32
        %select_n3A_779 = arith.select %eq3A_777, %jit3A_778, %jit3A_775 : i32
        %rem3A_780 = arith.remsi %scan3A_750, %select_n3A_779 : i32
        %ne3A_781 = arith.constant 0 : i32
        %ne3A_782 = arith.cmpi ne, %rem3A_780, %ne3A_781 : i32
        %lt3A_783 = arith.constant 0 : i32
        %lt3A_784 = arith.cmpi slt, %rem3A_780, %lt3A_783 : i32
        %lt3A_785 = arith.constant 0 : i32
        %lt3A_786 = arith.cmpi slt, %select_n3A_779, %lt3A_785 : i32
        %ne3A_787 = arith.xori %lt3A_784, %lt3A_786 : i1
        %and3A_788 = arith.andi %ne3A_787, %ne3A_782 : i1
        %add3A_789 = arith.addi %rem3A_780, %select_n3A_779 : i32
        %select_n3A_790 = arith.select %and3A_788, %add3A_789, %rem3A_780 : i32
        %get3A_791 = arith.index_cast %scan3A_750 : i32 to index
        %get3A_792 = arith.constant 0 : index
        %get3A_793 = tpu.vector_load %arg7[%get3A_791, %get3A_792] {strides = array<i32>} : memref<64x131xf32, #tpu.memory_space<vmem>>, vector<16xf32>,
        %get3A_794 = arith.index_cast %scan3A_750 : i32 to index
        %get3A_795 = arith.constant 16 : index
        %get3A_796 = tpu.vector_load %arg7[%get3A_794, %get3A_795] {strides = array<i32>} : memref<64x131xf32, #tpu.memory_space<vmem>>, vector<16xf32>,
        %get3A_797 = arith.index_cast %scan3A_750 : i32 to index
        %get3A_798 = arith.constant 32 : index
        %get3A_799 = tpu.vector_load %arg7[%get3A_797, %get3A_798] {strides = array<i32>} : memref<64x131xf32, #tpu.memory_space<vmem>>, vector<16xf32>,
        %get3A_800 = arith.index_cast %scan3A_750 : i32 to index
        %get3A_801 = arith.constant 48 : index
        %get3A_802 = tpu.vector_load %arg7[%get3A_800, %get3A_801] {strides = array<i32>} : memref<64x131xf32, #tpu.memory_space<vmem>>, vector<16xf32>,
        %get3A_803 = arith.index_cast %scan3A_750 : i32 to index
        %get3A_804 = arith.constant 64 : index
        %get3A_805 = tpu.vector_load %arg7[%get3A_803, %get3A_804] {strides = array<i32>} : memref<64x131xf32, #tpu.memory_space<vmem>>, vector<16xf32>,
        %get3A_806 = arith.index_cast %scan3A_750 : i32 to index
        %get3A_807 = arith.constant 80 : index
        %get3A_808 = tpu.vector_load %arg7[%get3A_806, %get3A_807] {strides = array<i32>} : memref<64x131xf32, #tpu.memory_space<vmem>>, vector<16xf32>,
        %get3A_809 = arith.index_cast %scan3A_750 : i32 to index
        %get3A_810 = arith.constant 96 : index
        %get3A_811 = tpu.vector_load %arg7[%get3A_809, %get3A_810] {strides = array<i32>} : memref<64x131xf32, #tpu.memory_space<vmem>>, vector<16xf32>,
        %get3A_812 = arith.index_cast %scan3A_750 : i32 to index
        %get3A_813 = arith.constant 112 : index
        %get3A_814 = tpu.vector_load %arg7[%get3A_812, %get3A_813] {strides = array<i32>} : memref<64x131xf32, #tpu.memory_space<vmem>>, vector<16xf32>,
        %swap3A_815 = arith.constant 1 : i32
        %swap3A_816 = arith.index_cast %swap3A_815 : i32 to index
        %swap3A_817 = arith.index_cast %select_n3A_774 : i32 to index
        %swap3A_818 = arith.index_cast %select_n3A_790 : i32 to index
        %swap3A_819 = arith.constant 0 : index
        %swap3A_820 = tpu.vector_load %arg8[%swap3A_816, %swap3A_817, %swap3A_818, %swap3A_819] {strides = array<i32>} : memref<5x8x8x128xf32, #tpu.memory_space<vmem>>, vector<16xf32>,
        tpu.vector_store %arg8[%swap3A_816, %swap3A_817, %swap3A_818, %swap3A_819], %get3A_793 {strides = array<i32>} : memref<5x8x8x128xf32, #tpu.memory_space<vmem>>, vector<16xf32>,
        %swap3A_821 = arith.constant 1 : i32
        %swap3A_822 = arith.index_cast %swap3A_821 : i32 to index
        %swap3A_823 = arith.index_cast %select_n3A_774 : i32 to index
        %swap3A_824 = arith.index_cast %select_n3A_790 : i32 to index
        %swap3A_825 = arith.constant 16 : index
        %swap3A_826 = tpu.vector_load %arg8[%swap3A_822, %swap3A_823, %swap3A_824, %swap3A_825] {strides = array<i32>} : memref<5x8x8x128xf32, #tpu.memory_space<vmem>>, vector<16xf32>,
        tpu.vector_store %arg8[%swap3A_822, %swap3A_823, %swap3A_824, %swap3A_825], %get3A_796 {strides = array<i32>} : memref<5x8x8x128xf32, #tpu.memory_space<vmem>>, vector<16xf32>,
        %swap3A_827 = arith.constant 1 : i32
        %swap3A_828 = arith.index_cast %swap3A_827 : i32 to index
        %swap3A_829 = arith.index_cast %select_n3A_774 : i32 to index
        %swap3A_830 = arith.index_cast %select_n3A_790 : i32 to index
        %swap3A_831 = arith.constant 32 : index
        %swap3A_832 = tpu.vector_load %arg8[%swap3A_828, %swap3A_829, %swap3A_830, %swap3A_831] {strides = array<i32>} : memref<5x8x8x128xf32, #tpu.memory_space<vmem>>, vector<16xf32>,
        tpu.vector_store %arg8[%swap3A_828, %swap3A_829, %swap3A_830, %swap3A_831], %get3A_799 {strides = array<i32>} : memref<5x8x8x128xf32, #tpu.memory_space<vmem>>, vector<16xf32>,
        %swap3A_833 = arith.constant 1 : i32
        %swap3A_834 = arith.index_cast %swap3A_833 : i32 to index
        %swap3A_835 = arith.index_cast %select_n3A_774 : i32 to index
        %swap3A_836 = arith.index_cast %select_n3A_790 : i32 to index
        %swap3A_837 = arith.constant 48 : index
        %swap3A_838 = tpu.vector_load %arg8[%swap3A_834, %swap3A_835, %swap3A_836, %swap3A_837] {strides = array<i32>} : memref<5x8x8x128xf32, #tpu.memory_space<vmem>>, vector<16xf32>,
        tpu.vector_store %arg8[%swap3A_834, %swap3A_835, %swap3A_836, %swap3A_837], %get3A_802 {strides = array<i32>} : memref<5x8x8x128xf32, #tpu.memory_space<vmem>>, vector<16xf32>,
        %swap3A_839 = arith.constant 1 : i32
        %swap3A_840 = arith.index_cast %swap3A_839 : i32 to index
        %swap3A_841 = arith.index_cast %select_n3A_774 : i32 to index
        %swap3A_842 = arith.index_cast %select_n3A_790 : i32 to index
        %swap3A_843 = arith.constant 64 : index
        %swap3A_844 = tpu.vector_load %arg8[%swap3A_840, %swap3A_841, %swap3A_842, %swap3A_843] {strides = array<i32>} : memref<5x8x8x128xf32, #tpu.memory_space<vmem>>, vector<16xf32>,
        tpu.vector_store %arg8[%swap3A_840, %swap3A_841, %swap3A_842, %swap3A_843], %get3A_805 {strides = array<i32>} : memref<5x8x8x128xf32, #tpu.memory_space<vmem>>, vector<16xf32>,
        %swap3A_845 = arith.constant 1 : i32
        %swap3A_846 = arith.index_cast %swap3A_845 : i32 to index
        %swap3A_847 = arith.index_cast %select_n3A_774 : i32 to index
        %swap3A_848 = arith.index_cast %select_n3A_790 : i32 to index
        %swap3A_849 = arith.constant 80 : index
        %swap3A_850 = tpu.vector_load %arg8[%swap3A_846, %swap3A_847, %swap3A_848, %swap3A_849] {strides = array<i32>} : memref<5x8x8x128xf32, #tpu.memory_space<vmem>>, vector<16xf32>,
        tpu.vector_store %arg8[%swap3A_846, %swap3A_847, %swap3A_848, %swap3A_849], %get3A_808 {strides = array<i32>} : memref<5x8x8x128xf32, #tpu.memory_space<vmem>>, vector<16xf32>,
        %swap3A_851 = arith.constant 1 : i32
        %swap3A_852 = arith.index_cast %swap3A_851 : i32 to index
        %swap3A_853 = arith.index_cast %select_n3A_774 : i32 to index
        %swap3A_854 = arith.index_cast %select_n3A_790 : i32 to index
        %swap3A_855 = arith.constant 96 : index
        %swap3A_856 = tpu.vector_load %arg8[%swap3A_852, %swap3A_853, %swap3A_854, %swap3A_855] {strides = array<i32>} : memref<5x8x8x128xf32, #tpu.memory_space<vmem>>, vector<16xf32>,
        tpu.vector_store %arg8[%swap3A_852, %swap3A_853, %swap3A_854, %swap3A_855], %get3A_811 {strides = array<i32>} : memref<5x8x8x128xf32, #tpu.memory_space<vmem>>, vector<16xf32>,
        %swap3A_857 = arith.constant 1 : i32
        %swap3A_858 = arith.index_cast %swap3A_857 : i32 to index
        %swap3A_859 = arith.index_cast %select_n3A_774 : i32 to index
        %swap3A_860 = arith.index_cast %select_n3A_790 : i32 to index
        %swap3A_861 = arith.constant 112 : index
        %swap3A_862 = tpu.vector_load %arg8[%swap3A_858, %swap3A_859, %swap3A_860, %swap3A_861] {strides = array<i32>} : memref<5x8x8x128xf32, #tpu.memory_space<vmem>>, vector<16xf32>,
        tpu.vector_store %arg8[%swap3A_858, %swap3A_859, %swap3A_860, %swap3A_861], %get3A_814 {strides = array<i32>} : memref<5x8x8x128xf32, #tpu.memory_space<vmem>>, vector<16xf32>,
        %scan3A_863 = arith.constant 3 : i32
        %scan3A_864 = arith.addi %scan3A_533, %scan3A_863 : i32
        %jit3A_865 = arith.constant 8 : i32
        %div3A_866 = arith.divsi %scan3A_864, %jit3A_865 : i32
        %sign3A_867 = arith.constant 0 : i32
        %sign3A_868 = arith.cmpi sgt, %scan3A_864, %sign3A_867 : i32
        %sign3A_869 = arith.extui %sign3A_868 : i1 to i32
        %sign3A_870 = arith.constant 0 : i32
        %sign3A_871 = arith.cmpi slt, %scan3A_864, %sign3A_870 : i32
        %sign3A_872 = arith.extui %sign3A_871 : i1 to i32
        %sign3A_873 = arith.subi %sign3A_869, %sign3A_872 : i32
        %sign3A_874 = arith.constant 0 : i32
        %sign3A_875 = arith.cmpi sgt, %jit3A_865, %sign3A_874 : i32
        %sign3A_876 = arith.extui %sign3A_875 : i1 to i32
        %sign3A_877 = arith.constant 0 : i32
        %sign3A_878 = arith.cmpi slt, %jit3A_865, %sign3A_877 : i32
        %sign3A_879 = arith.extui %sign3A_878 : i1 to i32
        %sign3A_880 = arith.subi %sign3A_876, %sign3A_879 : i32
        %ne3A_881 = arith.cmpi ne, %sign3A_873, %sign3A_880 : i32
        %rem3A_882 = arith.remsi %scan3A_864, %jit3A_865 : i32
        %ne3A_883 = arith.constant 0 : i32
        %ne3A_884 = arith.cmpi ne, %rem3A_882, %ne3A_883 : i32
        %and3A_885 = arith.andi %ne3A_881, %ne3A_884 : i1
        %sub3A_886 = arith.constant 1 : i32
        %sub3A_887 = arith.subi %div3A_866, %sub3A_886 : i32
        %select_n3A_888 = arith.select %and3A_885, %sub3A_887, %div3A_866 : i32
        %jit3A_889 = arith.constant 8 : i32
        %eq3A_890 = arith.constant 0 : i32
        %eq3A_891 = arith.cmpi eq, %jit3A_889, %eq3A_890 : i32
        %jit3A_892 = arith.constant 1 : i32
        %select_n3A_893 = arith.select %eq3A_891, %jit3A_892, %jit3A_889 : i32
        %rem3A_894 = arith.remsi %scan3A_864, %select_n3A_893 : i32
        %ne3A_895 = arith.constant 0 : i32
        %ne3A_896 = arith.cmpi ne, %rem3A_894, %ne3A_895 : i32
        %lt3A_897 = arith.constant 0 : i32
        %lt3A_898 = arith.cmpi slt, %rem3A_894, %lt3A_897 : i32
        %lt3A_899 = arith.constant 0 : i32
        %lt3A_900 = arith.cmpi slt, %select_n3A_893, %lt3A_899 : i32
        %ne3A_901 = arith.xori %lt3A_898, %lt3A_900 : i1
        %and3A_902 = arith.andi %ne3A_901, %ne3A_896 : i1
        %add3A_903 = arith.addi %rem3A_894, %select_n3A_893 : i32
        %select_n3A_904 = arith.select %and3A_902, %add3A_903, %rem3A_894 : i32
        %get3A_905 = arith.index_cast %scan3A_864 : i32 to index
        %get3A_906 = arith.constant 0 : index
        %get3A_907 = tpu.vector_load %arg7[%get3A_905, %get3A_906] {strides = array<i32>} : memref<64x131xf32, #tpu.memory_space<vmem>>, vector<16xf32>,
        %get3A_908 = arith.index_cast %scan3A_864 : i32 to index
        %get3A_909 = arith.constant 16 : index
        %get3A_910 = tpu.vector_load %arg7[%get3A_908, %get3A_909] {strides = array<i32>} : memref<64x131xf32, #tpu.memory_space<vmem>>, vector<16xf32>,
        %get3A_911 = arith.index_cast %scan3A_864 : i32 to index
        %get3A_912 = arith.constant 32 : index
        %get3A_913 = tpu.vector_load %arg7[%get3A_911, %get3A_912] {strides = array<i32>} : memref<64x131xf32, #tpu.memory_space<vmem>>, vector<16xf32>,
        %get3A_914 = arith.index_cast %scan3A_864 : i32 to index
        %get3A_915 = arith.constant 48 : index
        %get3A_916 = tpu.vector_load %arg7[%get3A_914, %get3A_915] {strides = array<i32>} : memref<64x131xf32, #tpu.memory_space<vmem>>, vector<16xf32>,
        %get3A_917 = arith.index_cast %scan3A_864 : i32 to index
        %get3A_918 = arith.constant 64 : index
        %get3A_919 = tpu.vector_load %arg7[%get3A_917, %get3A_918] {strides = array<i32>} : memref<64x131xf32, #tpu.memory_space<vmem>>, vector<16xf32>,
        %get3A_920 = arith.index_cast %scan3A_864 : i32 to index
        %get3A_921 = arith.constant 80 : index
        %get3A_922 = tpu.vector_load %arg7[%get3A_920, %get3A_921] {strides = array<i32>} : memref<64x131xf32, #tpu.memory_space<vmem>>, vector<16xf32>,
        %get3A_923 = arith.index_cast %scan3A_864 : i32 to index
        %get3A_924 = arith.constant 96 : index
        %get3A_925 = tpu.vector_load %arg7[%get3A_923, %get3A_924] {strides = array<i32>} : memref<64x131xf32, #tpu.memory_space<vmem>>, vector<16xf32>,
        %get3A_926 = arith.index_cast %scan3A_864 : i32 to index
        %get3A_927 = arith.constant 112 : index
        %get3A_928 = tpu.vector_load %arg7[%get3A_926, %get3A_927] {strides = array<i32>} : memref<64x131xf32, #tpu.memory_space<vmem>>, vector<16xf32>,
        %swap3A_929 = arith.constant 1 : i32
        %swap3A_930 = arith.index_cast %swap3A_929 : i32 to index
        %swap3A_931 = arith.index_cast %select_n3A_888 : i32 to index
        %swap3A_932 = arith.index_cast %select_n3A_904 : i32 to index
        %swap3A_933 = arith.constant 0 : index
        %swap3A_934 = tpu.vector_load %arg8[%swap3A_930, %swap3A_931, %swap3A_932, %swap3A_933] {strides = array<i32>} : memref<5x8x8x128xf32, #tpu.memory_space<vmem>>, vector<16xf32>,
        tpu.vector_store %arg8[%swap3A_930, %swap3A_931, %swap3A_932, %swap3A_933], %get3A_907 {strides = array<i32>} : memref<5x8x8x128xf32, #tpu.memory_space<vmem>>, vector<16xf32>,
        %swap3A_935 = arith.constant 1 : i32
        %swap3A_936 = arith.index_cast %swap3A_935 : i32 to index
        %swap3A_937 = arith.index_cast %select_n3A_888 : i32 to index
        %swap3A_938 = arith.index_cast %select_n3A_904 : i32 to index
        %swap3A_939 = arith.constant 16 : index
        %swap3A_940 = tpu.vector_load %arg8[%swap3A_936, %swap3A_937, %swap3A_938, %swap3A_939] {strides = array<i32>} : memref<5x8x8x128xf32, #tpu.memory_space<vmem>>, vector<16xf32>,
        tpu.vector_store %arg8[%swap3A_936, %swap3A_937, %swap3A_938, %swap3A_939], %get3A_910 {strides = array<i32>} : memref<5x8x8x128xf32, #tpu.memory_space<vmem>>, vector<16xf32>,
        %swap3A_941 = arith.constant 1 : i32
        %swap3A_942 = arith.index_cast %swap3A_941 : i32 to index
        %swap3A_943 = arith.index_cast %select_n3A_888 : i32 to index
        %swap3A_944 = arith.index_cast %select_n3A_904 : i32 to index
        %swap3A_945 = arith.constant 32 : index
        %swap3A_946 = tpu.vector_load %arg8[%swap3A_942, %swap3A_943, %swap3A_944, %swap3A_945] {strides = array<i32>} : memref<5x8x8x128xf32, #tpu.memory_space<vmem>>, vector<16xf32>,
        tpu.vector_store %arg8[%swap3A_942, %swap3A_943, %swap3A_944, %swap3A_945], %get3A_913 {strides = array<i32>} : memref<5x8x8x128xf32, #tpu.memory_space<vmem>>, vector<16xf32>,
        %swap3A_947 = arith.constant 1 : i32
        %swap3A_948 = arith.index_cast %swap3A_947 : i32 to index
        %swap3A_949 = arith.index_cast %select_n3A_888 : i32 to index
        %swap3A_950 = arith.index_cast %select_n3A_904 : i32 to index
        %swap3A_951 = arith.constant 48 : index
        %swap3A_952 = tpu.vector_load %arg8[%swap3A_948, %swap3A_949, %swap3A_950, %swap3A_951] {strides = array<i32>} : memref<5x8x8x128xf32, #tpu.memory_space<vmem>>, vector<16xf32>,
        tpu.vector_store %arg8[%swap3A_948, %swap3A_949, %swap3A_950, %swap3A_951], %get3A_916 {strides = array<i32>} : memref<5x8x8x128xf32, #tpu.memory_space<vmem>>, vector<16xf32>,
        %swap3A_953 = arith.constant 1 : i32
        %swap3A_954 = arith.index_cast %swap3A_953 : i32 to index
        %swap3A_955 = arith.index_cast %select_n3A_888 : i32 to index
        %swap3A_956 = arith.index_cast %select_n3A_904 : i32 to index
        %swap3A_957 = arith.constant 64 : index
        %swap3A_958 = tpu.vector_load %arg8[%swap3A_954, %swap3A_955, %swap3A_956, %swap3A_957] {strides = array<i32>} : memref<5x8x8x128xf32, #tpu.memory_space<vmem>>, vector<16xf32>,
        tpu.vector_store %arg8[%swap3A_954, %swap3A_955, %swap3A_956, %swap3A_957], %get3A_919 {strides = array<i32>} : memref<5x8x8x128xf32, #tpu.memory_space<vmem>>, vector<16xf32>,
        %swap3A_959 = arith.constant 1 : i32
        %swap3A_960 = arith.index_cast %swap3A_959 : i32 to index
        %swap3A_961 = arith.index_cast %select_n3A_888 : i32 to index
        %swap3A_962 = arith.index_cast %select_n3A_904 : i32 to index
        %swap3A_963 = arith.constant 80 : index
        %swap3A_964 = tpu.vector_load %arg8[%swap3A_960, %swap3A_961, %swap3A_962, %swap3A_963] {strides = array<i32>} : memref<5x8x8x128xf32, #tpu.memory_space<vmem>>, vector<16xf32>,
        tpu.vector_store %arg8[%swap3A_960, %swap3A_961, %swap3A_962, %swap3A_963], %get3A_922 {strides = array<i32>} : memref<5x8x8x128xf32, #tpu.memory_space<vmem>>, vector<16xf32>,
        %swap3A_965 = arith.constant 1 : i32
        %swap3A_966 = arith.index_cast %swap3A_965 : i32 to index
        %swap3A_967 = arith.index_cast %select_n3A_888 : i32 to index
        %swap3A_968 = arith.index_cast %select_n3A_904 : i32 to index
        %swap3A_969 = arith.constant 96 : index
        %swap3A_970 = tpu.vector_load %arg8[%swap3A_966, %swap3A_967, %swap3A_968, %swap3A_969] {strides = array<i32>} : memref<5x8x8x128xf32, #tpu.memory_space<vmem>>, vector<16xf32>,
        tpu.vector_store %arg8[%swap3A_966, %swap3A_967, %swap3A_968, %swap3A_969], %get3A_925 {strides = array<i32>} : memref<5x8x8x128xf32, #tpu.memory_space<vmem>>, vector<16xf32>,
        %swap3A_971 = arith.constant 1 : i32
        %swap3A_972 = arith.index_cast %swap3A_971 : i32 to index
        %swap3A_973 = arith.index_cast %select_n3A_888 : i32 to index
        %swap3A_974 = arith.index_cast %select_n3A_904 : i32 to index
        %swap3A_975 = arith.constant 112 : index
        %swap3A_976 = tpu.vector_load %arg8[%swap3A_972, %swap3A_973, %swap3A_974, %swap3A_975] {strides = array<i32>} : memref<5x8x8x128xf32, #tpu.memory_space<vmem>>, vector<16xf32>,
        tpu.vector_store %arg8[%swap3A_972, %swap3A_973, %swap3A_974, %swap3A_975], %get3A_928 {strides = array<i32>} : memref<5x8x8x128xf32, #tpu.memory_space<vmem>>, vector<16xf32>,
      }
      %scan3A_311 = arith.constant 64 : i32
      %lt3A_312 = arith.constant 39 : i32
      %lt3A_313 = arith.cmpi slt, %scan3A_216, %lt3A_312 : i32
      %convert_element_type3A_314 = arith.extui %lt3A_313 : i1 to i32
      %cond3A_315 = arith.constant 0 : i32
      %cond3A_316 = arith.cmpi ne, %convert_element_type3A_314, %cond3A_315 : i32
      scf.if %cond3A_316 {
        %add3A_533 = arith.constant 5 : i32
        %add3A_534 = arith.addi %add3A_280, %add3A_533 : i32
        %dma_start3A_535 = arith.constant 1 : i32
        %dma_start3A_536 = arith.constant 1 : i32
        %dma_start3A_537 = arith.constant 0 : i32
        %dma_start3A_538 = arith.constant 0 : i32
        %dma_start3A_539 = tpu.memref_slice %arg6[%dma_start3A_535, %dma_start3A_537, %dma_start3A_538] : memref<5x128x64xf32, #tpu.memory_space<vmem>> -> memref<1x128x64xf32, #tpu.memory_space<vmem>>
        %dma_start3A_540 = tpu.memref_squeeze %dma_start3A_539 : memref<1x128x64xf32, #tpu.memory_space<vmem>> -> memref<128x64xf32, #tpu.memory_space<vmem>>
        %dma_start3A_541 = arith.constant 0 : i32
        %dma_start3A_542 = tpu.memref_slice %arg5[%add3A_534, %dma_start3A_541] : memref<200x128xi32, #tpu.memory_space<vmem>> -> memref<1x128xi32, #tpu.memory_space<vmem>>
        %dma_start3A_543 = tpu.memref_squeeze %dma_start3A_542 : memref<1x128xi32, #tpu.memory_space<vmem>> -> memref<128xi32, #tpu.memory_space<vmem>>
        %dma_start3A_544 = arith.constant 0 : i32
        %dma_start3A_545 = arith.constant 0 : i32
        %dma_start3A_546 = tpu.memref_slice %arg3[%dma_start3A_544, %dma_start3A_545] : memref<1000000x64xf32, #tpu.memory_space<hbm>> -> memref<1000000x64xf32, #tpu.memory_space<hbm>>
        %dma_start3A_547 = tpu.memref_slice %arg9[%dma_start3A_536] : memref<5x!tpu.dma_semaphore, #tpu.memory_space<semaphore_mem>> -> memref<1x!tpu.dma_semaphore, #tpu.memory_space<semaphore_mem>>
        %dma_start3A_548 = tpu.memref_squeeze %dma_start3A_547 : memref<1x!tpu.dma_semaphore, #tpu.memory_space<semaphore_mem>> -> memref<!tpu.dma_semaphore, #tpu.memory_space<semaphore_mem>>
        tpu.enqueue_indirect_dma source(%dma_start3A_546 : memref<1000000x64xf32, #tpu.memory_space<hbm>>) target(%dma_start3A_540 : memref<128x64xf32, #tpu.memory_space<vmem>>) offsets(%dma_start3A_543 : memref<128xi32, #tpu.memory_space<vmem>>) semaphore(%dma_start3A_548 : memref<!tpu.dma_semaphore, #tpu.memory_space<semaphore_mem>>)
      } else {
      }
      %dma_start3A_317 = arith.constant 1 : i32
      %dma_start3A_318 = arith.constant 1 : i32
      %dma_start3A_319 = arith.constant 0 : i32
      %dma_start3A_320 = arith.constant 0 : i32
      %dma_start3A_321 = arith.constant 0 : i32
      %dma_start3A_322 = tpu.memref_slice %arg8[%dma_start3A_317, %dma_start3A_319, %dma_start3A_320, %dma_start3A_321] : memref<5x8x8x128xf32, #tpu.memory_space<vmem>> -> memref<1x8x8x128xf32, #tpu.memory_space<vmem>>
      %dma_start3A_323 = tpu.memref_squeeze %dma_start3A_322 : memref<1x8x8x128xf32, #tpu.memory_space<vmem>> -> memref<8x8x128xf32, #tpu.memory_space<vmem>>
      %dma_start3A_324 = arith.constant 0 : i32
      %dma_start3A_325 = arith.constant 0 : i32
      %dma_start3A_326 = arith.constant 0 : i32
      %dma_start3A_327 = tpu.memref_slice %arg4[%add3A_280, %dma_start3A_324, %add3A, %dma_start3A_325, %dma_start3A_326] : memref<200x8x32x8x128xf32, #tpu.memory_space<hbm>> -> memref<1x8x1x8x128xf32, #tpu.memory_space<hbm>>
      %dma_start3A_328 = tpu.memref_squeeze %dma_start3A_327 : memref<1x8x1x8x128xf32, #tpu.memory_space<hbm>> -> memref<8x8x128xf32, #tpu.memory_space<hbm>>
      %dma_start3A_329 = tpu.memref_slice %arg10[%dma_start3A_318] : memref<5x!tpu.dma_semaphore, #tpu.memory_space<semaphore_mem>> -> memref<1x!tpu.dma_semaphore, #tpu.memory_space<semaphore_mem>>
      %dma_start3A_330 = tpu.memref_squeeze %dma_start3A_329 : memref<1x!tpu.dma_semaphore, #tpu.memory_space<semaphore_mem>> -> memref<!tpu.dma_semaphore, #tpu.memory_space<semaphore_mem>>
      %dma_start3A_331 = arith.constant 0 : i32
      %dma_start3A_332 = arith.constant 0 : i32
      %dma_start3A_333 = arith.constant 0 : i32
      %dma_start3A_334 = tpu.memref_slice %arg4[%add3A_280, %dma_start3A_331, %add3A, %dma_start3A_332, %dma_start3A_333] : memref<200x8x32x8x128xf32, #tpu.memory_space<hbm>> -> memref<1x8x1x8x128xf32, #tpu.memory_space<hbm>>
      %dma_start3A_335 = tpu.memref_squeeze %dma_start3A_334 : memref<1x8x1x8x128xf32, #tpu.memory_space<hbm>> -> memref<8x8x128xf32, #tpu.memory_space<hbm>>
      %dma_start3A_336 = arith.constant 0 : i32
      %dma_start3A_337 = arith.constant 0 : i32
      %dma_start3A_338 = arith.constant 0 : i32
      %dma_start3A_339 = tpu.memref_slice %arg8[%dma_start3A_317, %dma_start3A_336, %dma_start3A_337, %dma_start3A_338] : memref<5x8x8x128xf32, #tpu.memory_space<vmem>> -> memref<1x8x8x128xf32, #tpu.memory_space<vmem>>
      %dma_start3A_340 = tpu.memref_squeeze %dma_start3A_339 : memref<1x8x8x128xf32, #tpu.memory_space<vmem>> -> memref<8x8x128xf32, #tpu.memory_space<vmem>>
      tpu.enqueue_dma source(%dma_start3A_340 : memref<8x8x128xf32, #tpu.memory_space<vmem>>) target(%dma_start3A_335 : memref<8x8x128xf32, #tpu.memory_space<hbm>>) target_semaphore(%dma_start3A_330 : memref<!tpu.dma_semaphore, #tpu.memory_space<semaphore_mem>>)
      %mul3A_341 = arith.constant 5 : i32
      %mul3A_342 = arith.muli %scan3A_216, %mul3A_341 : i32
      %add3A_343 = arith.constant 2 : i32
      %add3A_344 = arith.addi %mul3A_342, %add3A_343 : i32
      %dma_wait3A_345 = arith.constant 2 : i32
      %dma_wait3A_346 = arith.constant 2 : i32
      %dma_wait3A_347 = arith.constant 0 : i32
      %dma_wait3A_348 = arith.constant 0 : i32
      %dma_wait3A_349 = tpu.memref_slice %arg6[%dma_wait3A_345, %dma_wait3A_347, %dma_wait3A_348] : memref<5x128x64xf32, #tpu.memory_space<vmem>> -> memref<1x128x64xf32, #tpu.memory_space<vmem>>
      %dma_wait3A_350 = tpu.memref_squeeze %dma_wait3A_349 : memref<1x128x64xf32, #tpu.memory_space<vmem>> -> memref<128x64xf32, #tpu.memory_space<vmem>>
      %dma_wait3A_351 = arith.constant 0 : i32
      %dma_wait3A_352 = tpu.memref_slice %arg5[%add3A_344, %dma_wait3A_351] : memref<200x128xi32, #tpu.memory_space<vmem>> -> memref<1x128xi32, #tpu.memory_space<vmem>>
      %dma_wait3A_353 = tpu.memref_squeeze %dma_wait3A_352 : memref<1x128xi32, #tpu.memory_space<vmem>> -> memref<128xi32, #tpu.memory_space<vmem>>
      %dma_wait3A_354 = arith.constant 0 : i32
      %dma_wait3A_355 = arith.constant 0 : i32
      %dma_wait3A_356 = tpu.memref_slice %arg3[%dma_wait3A_354, %dma_wait3A_355] : memref<1000000x64xf32, #tpu.memory_space<hbm>> -> memref<1000000x64xf32, #tpu.memory_space<hbm>>
      %dma_wait3A_357 = tpu.memref_slice %arg9[%dma_wait3A_346] : memref<5x!tpu.dma_semaphore, #tpu.memory_space<semaphore_mem>> -> memref<1x!tpu.dma_semaphore, #tpu.memory_space<semaphore_mem>>
      %dma_wait3A_358 = tpu.memref_squeeze %dma_wait3A_357 : memref<1x!tpu.dma_semaphore, #tpu.memory_space<semaphore_mem>> -> memref<!tpu.dma_semaphore, #tpu.memory_space<semaphore_mem>>
      tpu.wait_indirect_dma semaphore(%dma_wait3A_358 : memref<!tpu.dma_semaphore, #tpu.memory_space<semaphore_mem>>) src(%dma_wait3A_356 : memref<1000000x64xf32, #tpu.memory_space<hbm>>) dst(%dma_wait3A_350 : memref<128x64xf32, #tpu.memory_space<vmem>>)
      %gt3A_359 = arith.constant 0 : i32
      %gt3A_360 = arith.cmpi sgt, %scan3A_216, %gt3A_359 : i32
      %convert_element_type3A_361 = arith.extui %gt3A_360 : i1 to i32
      %cond3A_362 = arith.constant 0 : i32
      %cond3A_363 = arith.cmpi ne, %convert_element_type3A_361, %cond3A_362 : i32
      scf.if %cond3A_363 {
        %sub3A = arith.constant 5 : i32
        %sub3A_533 = arith.subi %add3A_344, %sub3A : i32
        %dma_wait3A_534 = arith.constant 2 : i32
        %dma_wait3A_535 = arith.constant 2 : i32
        %dma_wait3A_536 = arith.constant 0 : i32
        %dma_wait3A_537 = arith.constant 0 : i32
        %dma_wait3A_538 = arith.constant 0 : i32
        %dma_wait3A_539 = tpu.memref_slice %arg8[%dma_wait3A_534, %dma_wait3A_536, %dma_wait3A_537, %dma_wait3A_538] : memref<5x8x8x128xf32, #tpu.memory_space<vmem>> -> memref<1x8x8x128xf32, #tpu.memory_space<vmem>>
        %dma_wait3A_540 = tpu.memref_squeeze %dma_wait3A_539 : memref<1x8x8x128xf32, #tpu.memory_space<vmem>> -> memref<8x8x128xf32, #tpu.memory_space<vmem>>
        %dma_wait3A_541 = arith.constant 0 : i32
        %dma_wait3A_542 = arith.constant 0 : i32
        %dma_wait3A_543 = arith.constant 0 : i32
        %dma_wait3A_544 = tpu.memref_slice %arg4[%sub3A_533, %dma_wait3A_541, %add3A, %dma_wait3A_542, %dma_wait3A_543] : memref<200x8x32x8x128xf32, #tpu.memory_space<hbm>> -> memref<1x8x1x8x128xf32, #tpu.memory_space<hbm>>
        %dma_wait3A_545 = tpu.memref_squeeze %dma_wait3A_544 : memref<1x8x1x8x128xf32, #tpu.memory_space<hbm>> -> memref<8x8x128xf32, #tpu.memory_space<hbm>>
        %dma_wait3A_546 = tpu.memref_slice %arg10[%dma_wait3A_535] : memref<5x!tpu.dma_semaphore, #tpu.memory_space<semaphore_mem>> -> memref<1x!tpu.dma_semaphore, #tpu.memory_space<semaphore_mem>>
        %dma_wait3A_547 = tpu.memref_squeeze %dma_wait3A_546 : memref<1x!tpu.dma_semaphore, #tpu.memory_space<semaphore_mem>> -> memref<!tpu.dma_semaphore, #tpu.memory_space<semaphore_mem>>
        %dma_wait3A_548 = arith.constant 0 : i32
        %dma_wait3A_549 = arith.constant 0 : i32
        %dma_wait3A_550 = arith.constant 0 : i32
        %dma_wait3A_551 = tpu.memref_slice %arg4[%sub3A_533, %dma_wait3A_548, %add3A, %dma_wait3A_549, %dma_wait3A_550] : memref<200x8x32x8x128xf32, #tpu.memory_space<hbm>> -> memref<1x8x1x8x128xf32, #tpu.memory_space<hbm>>
        %dma_wait3A_552 = tpu.memref_squeeze %dma_wait3A_551 : memref<1x8x1x8x128xf32, #tpu.memory_space<hbm>> -> memref<8x8x128xf32, #tpu.memory_space<hbm>>
        %dma_wait3A_553 = arith.constant 0 : i32
        %dma_wait3A_554 = arith.constant 0 : i32
        %dma_wait3A_555 = arith.constant 0 : i32
        %dma_wait3A_556 = tpu.memref_slice %arg8[%dma_wait3A_534, %dma_wait3A_553, %dma_wait3A_554, %dma_wait3A_555] : memref<5x8x8x128xf32, #tpu.memory_space<vmem>> -> memref<1x8x8x128xf32, #tpu.memory_space<vmem>>
        %dma_wait3A_557 = tpu.memref_squeeze %dma_wait3A_556 : memref<1x8x8x128xf32, #tpu.memory_space<vmem>> -> memref<8x8x128xf32, #tpu.memory_space<vmem>>
        tpu.wait_dma2 semaphore(%dma_wait3A_547 : memref<!tpu.dma_semaphore, #tpu.memory_space<semaphore_mem>>) src(%dma_wait3A_557 : memref<8x8x128xf32, #tpu.memory_space<vmem>>) dst(%dma_wait3A_552 : memref<8x8x128xf32, #tpu.memory_space<hbm>>)
      } else {
      }
      %scan3A_364 = arith.constant 0 : i32
      %scan3A_365 = arith.constant 0 : i32
      %scan3A_366 = arith.constant 128 : i32
      %scan3A_367 = arith.addi %scan3A_365, %scan3A_366 : i32
      %scan3A_368 = arith.constant 4 : i32
      scf.for %scan3A_533 = %scan3A_365 to %scan3A_367 step %scan3A_368  : i32 {
        %broadcast_in_dim3A = vector.broadcast %scan3A_533 : i32 to vector<16xi32>
        %get3A = arith.constant 2 : i32
        %get3A_534 = arith.index_cast %get3A : i32 to index
        %get3A_535 = arith.index_cast %scan3A_533 : i32 to index
        %get3A_536 = arith.constant 0 : index
        %get3A_537 = tpu.vector_load %arg6[%get3A_534, %get3A_535, %get3A_536] {strides = array<i32>} : memref<5x128x64xf32, #tpu.memory_space<vmem>>, vector<16xf32>,
        %mul3A_538 = arith.constant 8.000000e+00 : f32
        %mul3A_539 = vector.broadcast %mul3A_538 : f32 to vector<16xf32>
        %mul3A_540 = arith.mulf %get3A_537, %mul3A_539 : vector<16xf32>
        %get3A_541 = arith.constant 2 : i32
        %get3A_542 = arith.index_cast %get3A_541 : i32 to index
        %get3A_543 = arith.index_cast %scan3A_533 : i32 to index
        %get3A_544 = arith.constant 16 : index
        %get3A_545 = tpu.vector_load %arg6[%get3A_542, %get3A_543, %get3A_544] {strides = array<i32>} : memref<5x128x64xf32, #tpu.memory_space<vmem>>, vector<16xf32>,
        %mul3A_546 = arith.constant 8.000000e+00 : f32
        %mul3A_547 = vector.broadcast %mul3A_546 : f32 to vector<16xf32>
        %mul3A_548 = arith.mulf %get3A_545, %mul3A_547 : vector<16xf32>
        %get3A_549 = arith.constant 2 : i32
        %get3A_550 = arith.index_cast %get3A_549 : i32 to index
        %get3A_551 = arith.index_cast %scan3A_533 : i32 to index
        %get3A_552 = arith.constant 32 : index
        %get3A_553 = tpu.vector_load %arg6[%get3A_550, %get3A_551, %get3A_552] {strides = array<i32>} : memref<5x128x64xf32, #tpu.memory_space<vmem>>, vector<16xf32>,
        %mul3A_554 = arith.constant 8.000000e+00 : f32
        %mul3A_555 = vector.broadcast %mul3A_554 : f32 to vector<16xf32>
        %mul3A_556 = arith.mulf %get3A_553, %mul3A_555 : vector<16xf32>
        %get3A_557 = arith.constant 2 : i32
        %get3A_558 = arith.index_cast %get3A_557 : i32 to index
        %get3A_559 = arith.index_cast %scan3A_533 : i32 to index
        %get3A_560 = arith.constant 48 : index
        %get3A_561 = tpu.vector_load %arg6[%get3A_558, %get3A_559, %get3A_560] {strides = array<i32>} : memref<5x128x64xf32, #tpu.memory_space<vmem>>, vector<16xf32>,
        %mul3A_562 = arith.constant 8.000000e+00 : f32
        %mul3A_563 = vector.broadcast %mul3A_562 : f32 to vector<16xf32>
        %mul3A_564 = arith.mulf %get3A_561, %mul3A_563 : vector<16xf32>
        tpu.vector_store_idx %arg7[%add3A_3, %broadcast_in_dim3A], %mul3A_540 : memref<64x131xf32, #tpu.memory_space<vmem>>[vector<16xi32>, vector<16xi32>], vector<16xf32>,
        tpu.vector_store_idx %arg7[%add3A_6, %broadcast_in_dim3A], %mul3A_548 : memref<64x131xf32, #tpu.memory_space<vmem>>[vector<16xi32>, vector<16xi32>], vector<16xf32>,
        tpu.vector_store_idx %arg7[%add3A_9, %broadcast_in_dim3A], %mul3A_556 : memref<64x131xf32, #tpu.memory_space<vmem>>[vector<16xi32>, vector<16xi32>], vector<16xf32>,
        tpu.vector_store_idx %arg7[%add3A_12, %broadcast_in_dim3A], %mul3A_564 : memref<64x131xf32, #tpu.memory_space<vmem>>[vector<16xi32>, vector<16xi32>], vector<16xf32>,
        %scan3A_565 = arith.constant 1 : i32
        %scan3A_566 = arith.addi %scan3A_533, %scan3A_565 : i32
        %broadcast_in_dim3A_567 = vector.broadcast %scan3A_566 : i32 to vector<16xi32>
        %get3A_568 = arith.constant 2 : i32
        %get3A_569 = arith.index_cast %get3A_568 : i32 to index
        %get3A_570 = arith.index_cast %scan3A_566 : i32 to index
        %get3A_571 = arith.constant 0 : index
        %get3A_572 = tpu.vector_load %arg6[%get3A_569, %get3A_570, %get3A_571] {strides = array<i32>} : memref<5x128x64xf32, #tpu.memory_space<vmem>>, vector<16xf32>,
        %mul3A_573 = arith.constant 8.000000e+00 : f32
        %mul3A_574 = vector.broadcast %mul3A_573 : f32 to vector<16xf32>
        %mul3A_575 = arith.mulf %get3A_572, %mul3A_574 : vector<16xf32>
        %get3A_576 = arith.constant 2 : i32
        %get3A_577 = arith.index_cast %get3A_576 : i32 to index
        %get3A_578 = arith.index_cast %scan3A_566 : i32 to index
        %get3A_579 = arith.constant 16 : index
        %get3A_580 = tpu.vector_load %arg6[%get3A_577, %get3A_578, %get3A_579] {strides = array<i32>} : memref<5x128x64xf32, #tpu.memory_space<vmem>>, vector<16xf32>,
        %mul3A_581 = arith.constant 8.000000e+00 : f32
        %mul3A_582 = vector.broadcast %mul3A_581 : f32 to vector<16xf32>
        %mul3A_583 = arith.mulf %get3A_580, %mul3A_582 : vector<16xf32>
        %get3A_584 = arith.constant 2 : i32
        %get3A_585 = arith.index_cast %get3A_584 : i32 to index
        %get3A_586 = arith.index_cast %scan3A_566 : i32 to index
        %get3A_587 = arith.constant 32 : index
        %get3A_588 = tpu.vector_load %arg6[%get3A_585, %get3A_586, %get3A_587] {strides = array<i32>} : memref<5x128x64xf32, #tpu.memory_space<vmem>>, vector<16xf32>,
        %mul3A_589 = arith.constant 8.000000e+00 : f32
        %mul3A_590 = vector.broadcast %mul3A_589 : f32 to vector<16xf32>
        %mul3A_591 = arith.mulf %get3A_588, %mul3A_590 : vector<16xf32>
        %get3A_592 = arith.constant 2 : i32
        %get3A_593 = arith.index_cast %get3A_592 : i32 to index
        %get3A_594 = arith.index_cast %scan3A_566 : i32 to index
        %get3A_595 = arith.constant 48 : index
        %get3A_596 = tpu.vector_load %arg6[%get3A_593, %get3A_594, %get3A_595] {strides = array<i32>} : memref<5x128x64xf32, #tpu.memory_space<vmem>>, vector<16xf32>,
        %mul3A_597 = arith.constant 8.000000e+00 : f32
        %mul3A_598 = vector.broadcast %mul3A_597 : f32 to vector<16xf32>
        %mul3A_599 = arith.mulf %get3A_596, %mul3A_598 : vector<16xf32>
        tpu.vector_store_idx %arg7[%add3A_3, %broadcast_in_dim3A_567], %mul3A_575 : memref<64x131xf32, #tpu.memory_space<vmem>>[vector<16xi32>, vector<16xi32>], vector<16xf32>,
        tpu.vector_store_idx %arg7[%add3A_6, %broadcast_in_dim3A_567], %mul3A_583 : memref<64x131xf32, #tpu.memory_space<vmem>>[vector<16xi32>, vector<16xi32>], vector<16xf32>,
        tpu.vector_store_idx %arg7[%add3A_9, %broadcast_in_dim3A_567], %mul3A_591 : memref<64x131xf32, #tpu.memory_space<vmem>>[vector<16xi32>, vector<16xi32>], vector<16xf32>,
        tpu.vector_store_idx %arg7[%add3A_12, %broadcast_in_dim3A_567], %mul3A_599 : memref<64x131xf32, #tpu.memory_space<vmem>>[vector<16xi32>, vector<16xi32>], vector<16xf32>,
        %scan3A_600 = arith.constant 2 : i32
        %scan3A_601 = arith.addi %scan3A_533, %scan3A_600 : i32
        %broadcast_in_dim3A_602 = vector.broadcast %scan3A_601 : i32 to vector<16xi32>
        %get3A_603 = arith.constant 2 : i32
        %get3A_604 = arith.index_cast %get3A_603 : i32 to index
        %get3A_605 = arith.index_cast %scan3A_601 : i32 to index
        %get3A_606 = arith.constant 0 : index
        %get3A_607 = tpu.vector_load %arg6[%get3A_604, %get3A_605, %get3A_606] {strides = array<i32>} : memref<5x128x64xf32, #tpu.memory_space<vmem>>, vector<16xf32>,
        %mul3A_608 = arith.constant 8.000000e+00 : f32
        %mul3A_609 = vector.broadcast %mul3A_608 : f32 to vector<16xf32>
        %mul3A_610 = arith.mulf %get3A_607, %mul3A_609 : vector<16xf32>
        %get3A_611 = arith.constant 2 : i32
        %get3A_612 = arith.index_cast %get3A_611 : i32 to index
        %get3A_613 = arith.index_cast %scan3A_601 : i32 to index
        %get3A_614 = arith.constant 16 : index
        %get3A_615 = tpu.vector_load %arg6[%get3A_612, %get3A_613, %get3A_614] {strides = array<i32>} : memref<5x128x64xf32, #tpu.memory_space<vmem>>, vector<16xf32>,
        %mul3A_616 = arith.constant 8.000000e+00 : f32
        %mul3A_617 = vector.broadcast %mul3A_616 : f32 to vector<16xf32>
        %mul3A_618 = arith.mulf %get3A_615, %mul3A_617 : vector<16xf32>
        %get3A_619 = arith.constant 2 : i32
        %get3A_620 = arith.index_cast %get3A_619 : i32 to index
        %get3A_621 = arith.index_cast %scan3A_601 : i32 to index
        %get3A_622 = arith.constant 32 : index
        %get3A_623 = tpu.vector_load %arg6[%get3A_620, %get3A_621, %get3A_622] {strides = array<i32>} : memref<5x128x64xf32, #tpu.memory_space<vmem>>, vector<16xf32>,
        %mul3A_624 = arith.constant 8.000000e+00 : f32
        %mul3A_625 = vector.broadcast %mul3A_624 : f32 to vector<16xf32>
        %mul3A_626 = arith.mulf %get3A_623, %mul3A_625 : vector<16xf32>
        %get3A_627 = arith.constant 2 : i32
        %get3A_628 = arith.index_cast %get3A_627 : i32 to index
        %get3A_629 = arith.index_cast %scan3A_601 : i32 to index
        %get3A_630 = arith.constant 48 : index
        %get3A_631 = tpu.vector_load %arg6[%get3A_628, %get3A_629, %get3A_630] {strides = array<i32>} : memref<5x128x64xf32, #tpu.memory_space<vmem>>, vector<16xf32>,
        %mul3A_632 = arith.constant 8.000000e+00 : f32
        %mul3A_633 = vector.broadcast %mul3A_632 : f32 to vector<16xf32>
        %mul3A_634 = arith.mulf %get3A_631, %mul3A_633 : vector<16xf32>
        tpu.vector_store_idx %arg7[%add3A_3, %broadcast_in_dim3A_602], %mul3A_610 : memref<64x131xf32, #tpu.memory_space<vmem>>[vector<16xi32>, vector<16xi32>], vector<16xf32>,
        tpu.vector_store_idx %arg7[%add3A_6, %broadcast_in_dim3A_602], %mul3A_618 : memref<64x131xf32, #tpu.memory_space<vmem>>[vector<16xi32>, vector<16xi32>], vector<16xf32>,
        tpu.vector_store_idx %arg7[%add3A_9, %broadcast_in_dim3A_602], %mul3A_626 : memref<64x131xf32, #tpu.memory_space<vmem>>[vector<16xi32>, vector<16xi32>], vector<16xf32>,
        tpu.vector_store_idx %arg7[%add3A_12, %broadcast_in_dim3A_602], %mul3A_634 : memref<64x131xf32, #tpu.memory_space<vmem>>[vector<16xi32>, vector<16xi32>], vector<16xf32>,
        %scan3A_635 = arith.constant 3 : i32
        %scan3A_636 = arith.addi %scan3A_533, %scan3A_635 : i32
        %broadcast_in_dim3A_637 = vector.broadcast %scan3A_636 : i32 to vector<16xi32>
        %get3A_638 = arith.constant 2 : i32
        %get3A_639 = arith.index_cast %get3A_638 : i32 to index
        %get3A_640 = arith.index_cast %scan3A_636 : i32 to index
        %get3A_641 = arith.constant 0 : index
        %get3A_642 = tpu.vector_load %arg6[%get3A_639, %get3A_640, %get3A_641] {strides = array<i32>} : memref<5x128x64xf32, #tpu.memory_space<vmem>>, vector<16xf32>,
        %mul3A_643 = arith.constant 8.000000e+00 : f32
        %mul3A_644 = vector.broadcast %mul3A_643 : f32 to vector<16xf32>
        %mul3A_645 = arith.mulf %get3A_642, %mul3A_644 : vector<16xf32>
        %get3A_646 = arith.constant 2 : i32
        %get3A_647 = arith.index_cast %get3A_646 : i32 to index
        %get3A_648 = arith.index_cast %scan3A_636 : i32 to index
        %get3A_649 = arith.constant 16 : index
        %get3A_650 = tpu.vector_load %arg6[%get3A_647, %get3A_648, %get3A_649] {strides = array<i32>} : memref<5x128x64xf32, #tpu.memory_space<vmem>>, vector<16xf32>,
        %mul3A_651 = arith.constant 8.000000e+00 : f32
        %mul3A_652 = vector.broadcast %mul3A_651 : f32 to vector<16xf32>
        %mul3A_653 = arith.mulf %get3A_650, %mul3A_652 : vector<16xf32>
        %get3A_654 = arith.constant 2 : i32
        %get3A_655 = arith.index_cast %get3A_654 : i32 to index
        %get3A_656 = arith.index_cast %scan3A_636 : i32 to index
        %get3A_657 = arith.constant 32 : index
        %get3A_658 = tpu.vector_load %arg6[%get3A_655, %get3A_656, %get3A_657] {strides = array<i32>} : memref<5x128x64xf32, #tpu.memory_space<vmem>>, vector<16xf32>,
        %mul3A_659 = arith.constant 8.000000e+00 : f32
        %mul3A_660 = vector.broadcast %mul3A_659 : f32 to vector<16xf32>
        %mul3A_661 = arith.mulf %get3A_658, %mul3A_660 : vector<16xf32>
        %get3A_662 = arith.constant 2 : i32
        %get3A_663 = arith.index_cast %get3A_662 : i32 to index
        %get3A_664 = arith.index_cast %scan3A_636 : i32 to index
        %get3A_665 = arith.constant 48 : index
        %get3A_666 = tpu.vector_load %arg6[%get3A_663, %get3A_664, %get3A_665] {strides = array<i32>} : memref<5x128x64xf32, #tpu.memory_space<vmem>>, vector<16xf32>,
        %mul3A_667 = arith.constant 8.000000e+00 : f32
        %mul3A_668 = vector.broadcast %mul3A_667 : f32 to vector<16xf32>
        %mul3A_669 = arith.mulf %get3A_666, %mul3A_668 : vector<16xf32>
        tpu.vector_store_idx %arg7[%add3A_3, %broadcast_in_dim3A_637], %mul3A_645 : memref<64x131xf32, #tpu.memory_space<vmem>>[vector<16xi32>, vector<16xi32>], vector<16xf32>,
        tpu.vector_store_idx %arg7[%add3A_6, %broadcast_in_dim3A_637], %mul3A_653 : memref<64x131xf32, #tpu.memory_space<vmem>>[vector<16xi32>, vector<16xi32>], vector<16xf32>,
        tpu.vector_store_idx %arg7[%add3A_9, %broadcast_in_dim3A_637], %mul3A_661 : memref<64x131xf32, #tpu.memory_space<vmem>>[vector<16xi32>, vector<16xi32>], vector<16xf32>,
        tpu.vector_store_idx %arg7[%add3A_12, %broadcast_in_dim3A_637], %mul3A_669 : memref<64x131xf32, #tpu.memory_space<vmem>>[vector<16xi32>, vector<16xi32>], vector<16xf32>,
      }
      %scan3A_369 = arith.constant 128 : i32
      %scan3A_370 = arith.constant 0 : i32
      %scan3A_371 = arith.constant 0 : i32
      %scan3A_372 = arith.constant 64 : i32
      %scan3A_373 = arith.addi %scan3A_371, %scan3A_372 : i32
      %scan3A_374 = arith.constant 4 : i32
      scf.for %scan3A_533 = %scan3A_371 to %scan3A_373 step %scan3A_374  : i32 {
        %jit3A = arith.constant 8 : i32
        %div3A = arith.divsi %scan3A_533, %jit3A : i32
        %sign3A = arith.constant 0 : i32
        %sign3A_534 = arith.cmpi sgt, %scan3A_533, %sign3A : i32
        %sign3A_535 = arith.extui %sign3A_534 : i1 to i32
        %sign3A_536 = arith.constant 0 : i32
        %sign3A_537 = arith.cmpi slt, %scan3A_533, %sign3A_536 : i32
        %sign3A_538 = arith.extui %sign3A_537 : i1 to i32
        %sign3A_539 = arith.subi %sign3A_535, %sign3A_538 : i32
        %sign3A_540 = arith.constant 0 : i32
        %sign3A_541 = arith.cmpi sgt, %jit3A, %sign3A_540 : i32
        %sign3A_542 = arith.extui %sign3A_541 : i1 to i32
        %sign3A_543 = arith.constant 0 : i32
        %sign3A_544 = arith.cmpi slt, %jit3A, %sign3A_543 : i32
        %sign3A_545 = arith.extui %sign3A_544 : i1 to i32
        %sign3A_546 = arith.subi %sign3A_542, %sign3A_545 : i32
        %ne3A = arith.cmpi ne, %sign3A_539, %sign3A_546 : i32
        %rem3A = arith.remsi %scan3A_533, %jit3A : i32
        %ne3A_547 = arith.constant 0 : i32
        %ne3A_548 = arith.cmpi ne, %rem3A, %ne3A_547 : i32
        %and3A = arith.andi %ne3A, %ne3A_548 : i1
        %sub3A = arith.constant 1 : i32
        %sub3A_549 = arith.subi %div3A, %sub3A : i32
        %select_n3A = arith.select %and3A, %sub3A_549, %div3A : i32
        %jit3A_550 = arith.constant 8 : i32
        %eq3A = arith.constant 0 : i32
        %eq3A_551 = arith.cmpi eq, %jit3A_550, %eq3A : i32
        %jit3A_552 = arith.constant 1 : i32
        %select_n3A_553 = arith.select %eq3A_551, %jit3A_552, %jit3A_550 : i32
        %rem3A_554 = arith.remsi %scan3A_533, %select_n3A_553 : i32
        %ne3A_555 = arith.constant 0 : i32
        %ne3A_556 = arith.cmpi ne, %rem3A_554, %ne3A_555 : i32
        %lt3A_557 = arith.constant 0 : i32
        %lt3A_558 = arith.cmpi slt, %rem3A_554, %lt3A_557 : i32
        %lt3A_559 = arith.constant 0 : i32
        %lt3A_560 = arith.cmpi slt, %select_n3A_553, %lt3A_559 : i32
        %ne3A_561 = arith.xori %lt3A_558, %lt3A_560 : i1
        %and3A_562 = arith.andi %ne3A_561, %ne3A_556 : i1
        %add3A_563 = arith.addi %rem3A_554, %select_n3A_553 : i32
        %select_n3A_564 = arith.select %and3A_562, %add3A_563, %rem3A_554 : i32
        %get3A = arith.index_cast %scan3A_533 : i32 to index
        %get3A_565 = arith.constant 0 : index
        %get3A_566 = tpu.vector_load %arg7[%get3A, %get3A_565] {strides = array<i32>} : memref<64x131xf32, #tpu.memory_space<vmem>>, vector<16xf32>,
        %get3A_567 = arith.index_cast %scan3A_533 : i32 to index
        %get3A_568 = arith.constant 16 : index
        %get3A_569 = tpu.vector_load %arg7[%get3A_567, %get3A_568] {strides = array<i32>} : memref<64x131xf32, #tpu.memory_space<vmem>>, vector<16xf32>,
        %get3A_570 = arith.index_cast %scan3A_533 : i32 to index
        %get3A_571 = arith.constant 32 : index
        %get3A_572 = tpu.vector_load %arg7[%get3A_570, %get3A_571] {strides = array<i32>} : memref<64x131xf32, #tpu.memory_space<vmem>>, vector<16xf32>,
        %get3A_573 = arith.index_cast %scan3A_533 : i32 to index
        %get3A_574 = arith.constant 48 : index
        %get3A_575 = tpu.vector_load %arg7[%get3A_573, %get3A_574] {strides = array<i32>} : memref<64x131xf32, #tpu.memory_space<vmem>>, vector<16xf32>,
        %get3A_576 = arith.index_cast %scan3A_533 : i32 to index
        %get3A_577 = arith.constant 64 : index
        %get3A_578 = tpu.vector_load %arg7[%get3A_576, %get3A_577] {strides = array<i32>} : memref<64x131xf32, #tpu.memory_space<vmem>>, vector<16xf32>,
        %get3A_579 = arith.index_cast %scan3A_533 : i32 to index
        %get3A_580 = arith.constant 80 : index
        %get3A_581 = tpu.vector_load %arg7[%get3A_579, %get3A_580] {strides = array<i32>} : memref<64x131xf32, #tpu.memory_space<vmem>>, vector<16xf32>,
        %get3A_582 = arith.index_cast %scan3A_533 : i32 to index
        %get3A_583 = arith.constant 96 : index
        %get3A_584 = tpu.vector_load %arg7[%get3A_582, %get3A_583] {strides = array<i32>} : memref<64x131xf32, #tpu.memory_space<vmem>>, vector<16xf32>,
        %get3A_585 = arith.index_cast %scan3A_533 : i32 to index
        %get3A_586 = arith.constant 112 : index
        %get3A_587 = tpu.vector_load %arg7[%get3A_585, %get3A_586] {strides = array<i32>} : memref<64x131xf32, #tpu.memory_space<vmem>>, vector<16xf32>,
        %swap3A = arith.constant 2 : i32
        %swap3A_588 = arith.index_cast %swap3A : i32 to index
        %swap3A_589 = arith.index_cast %select_n3A : i32 to index
        %swap3A_590 = arith.index_cast %select_n3A_564 : i32 to index
        %swap3A_591 = arith.constant 0 : index
        %swap3A_592 = tpu.vector_load %arg8[%swap3A_588, %swap3A_589, %swap3A_590, %swap3A_591] {strides = array<i32>} : memref<5x8x8x128xf32, #tpu.memory_space<vmem>>, vector<16xf32>,
        tpu.vector_store %arg8[%swap3A_588, %swap3A_589, %swap3A_590, %swap3A_591], %get3A_566 {strides = array<i32>} : memref<5x8x8x128xf32, #tpu.memory_space<vmem>>, vector<16xf32>,
        %swap3A_593 = arith.constant 2 : i32
        %swap3A_594 = arith.index_cast %swap3A_593 : i32 to index
        %swap3A_595 = arith.index_cast %select_n3A : i32 to index
        %swap3A_596 = arith.index_cast %select_n3A_564 : i32 to index
        %swap3A_597 = arith.constant 16 : index
        %swap3A_598 = tpu.vector_load %arg8[%swap3A_594, %swap3A_595, %swap3A_596, %swap3A_597] {strides = array<i32>} : memref<5x8x8x128xf32, #tpu.memory_space<vmem>>, vector<16xf32>,
        tpu.vector_store %arg8[%swap3A_594, %swap3A_595, %swap3A_596, %swap3A_597], %get3A_569 {strides = array<i32>} : memref<5x8x8x128xf32, #tpu.memory_space<vmem>>, vector<16xf32>,
        %swap3A_599 = arith.constant 2 : i32
        %swap3A_600 = arith.index_cast %swap3A_599 : i32 to index
        %swap3A_601 = arith.index_cast %select_n3A : i32 to index
        %swap3A_602 = arith.index_cast %select_n3A_564 : i32 to index
        %swap3A_603 = arith.constant 32 : index
        %swap3A_604 = tpu.vector_load %arg8[%swap3A_600, %swap3A_601, %swap3A_602, %swap3A_603] {strides = array<i32>} : memref<5x8x8x128xf32, #tpu.memory_space<vmem>>, vector<16xf32>,
        tpu.vector_store %arg8[%swap3A_600, %swap3A_601, %swap3A_602, %swap3A_603], %get3A_572 {strides = array<i32>} : memref<5x8x8x128xf32, #tpu.memory_space<vmem>>, vector<16xf32>,
        %swap3A_605 = arith.constant 2 : i32
        %swap3A_606 = arith.index_cast %swap3A_605 : i32 to index
        %swap3A_607 = arith.index_cast %select_n3A : i32 to index
        %swap3A_608 = arith.index_cast %select_n3A_564 : i32 to index
        %swap3A_609 = arith.constant 48 : index
        %swap3A_610 = tpu.vector_load %arg8[%swap3A_606, %swap3A_607, %swap3A_608, %swap3A_609] {strides = array<i32>} : memref<5x8x8x128xf32, #tpu.memory_space<vmem>>, vector<16xf32>,
        tpu.vector_store %arg8[%swap3A_606, %swap3A_607, %swap3A_608, %swap3A_609], %get3A_575 {strides = array<i32>} : memref<5x8x8x128xf32, #tpu.memory_space<vmem>>, vector<16xf32>,
        %swap3A_611 = arith.constant 2 : i32
        %swap3A_612 = arith.index_cast %swap3A_611 : i32 to index
        %swap3A_613 = arith.index_cast %select_n3A : i32 to index
        %swap3A_614 = arith.index_cast %select_n3A_564 : i32 to index
        %swap3A_615 = arith.constant 64 : index
        %swap3A_616 = tpu.vector_load %arg8[%swap3A_612, %swap3A_613, %swap3A_614, %swap3A_615] {strides = array<i32>} : memref<5x8x8x128xf32, #tpu.memory_space<vmem>>, vector<16xf32>,
        tpu.vector_store %arg8[%swap3A_612, %swap3A_613, %swap3A_614, %swap3A_615], %get3A_578 {strides = array<i32>} : memref<5x8x8x128xf32, #tpu.memory_space<vmem>>, vector<16xf32>,
        %swap3A_617 = arith.constant 2 : i32
        %swap3A_618 = arith.index_cast %swap3A_617 : i32 to index
        %swap3A_619 = arith.index_cast %select_n3A : i32 to index
        %swap3A_620 = arith.index_cast %select_n3A_564 : i32 to index
        %swap3A_621 = arith.constant 80 : index
        %swap3A_622 = tpu.vector_load %arg8[%swap3A_618, %swap3A_619, %swap3A_620, %swap3A_621] {strides = array<i32>} : memref<5x8x8x128xf32, #tpu.memory_space<vmem>>, vector<16xf32>,
        tpu.vector_store %arg8[%swap3A_618, %swap3A_619, %swap3A_620, %swap3A_621], %get3A_581 {strides = array<i32>} : memref<5x8x8x128xf32, #tpu.memory_space<vmem>>, vector<16xf32>,
        %swap3A_623 = arith.constant 2 : i32
        %swap3A_624 = arith.index_cast %swap3A_623 : i32 to index
        %swap3A_625 = arith.index_cast %select_n3A : i32 to index
        %swap3A_626 = arith.index_cast %select_n3A_564 : i32 to index
        %swap3A_627 = arith.constant 96 : index
        %swap3A_628 = tpu.vector_load %arg8[%swap3A_624, %swap3A_625, %swap3A_626, %swap3A_627] {strides = array<i32>} : memref<5x8x8x128xf32, #tpu.memory_space<vmem>>, vector<16xf32>,
        tpu.vector_store %arg8[%swap3A_624, %swap3A_625, %swap3A_626, %swap3A_627], %get3A_584 {strides = array<i32>} : memref<5x8x8x128xf32, #tpu.memory_space<vmem>>, vector<16xf32>,
        %swap3A_629 = arith.constant 2 : i32
        %swap3A_630 = arith.index_cast %swap3A_629 : i32 to index
        %swap3A_631 = arith.index_cast %select_n3A : i32 to index
        %swap3A_632 = arith.index_cast %select_n3A_564 : i32 to index
        %swap3A_633 = arith.constant 112 : index
        %swap3A_634 = tpu.vector_load %arg8[%swap3A_630, %swap3A_631, %swap3A_632, %swap3A_633] {strides = array<i32>} : memref<5x8x8x128xf32, #tpu.memory_space<vmem>>, vector<16xf32>,
        tpu.vector_store %arg8[%swap3A_630, %swap3A_631, %swap3A_632, %swap3A_633], %get3A_587 {strides = array<i32>} : memref<5x8x8x128xf32, #tpu.memory_space<vmem>>, vector<16xf32>,
        %scan3A_635 = arith.constant 1 : i32
        %scan3A_636 = arith.addi %scan3A_533, %scan3A_635 : i32
        %jit3A_637 = arith.constant 8 : i32
        %div3A_638 = arith.divsi %scan3A_636, %jit3A_637 : i32
        %sign3A_639 = arith.constant 0 : i32
        %sign3A_640 = arith.cmpi sgt, %scan3A_636, %sign3A_639 : i32
        %sign3A_641 = arith.extui %sign3A_640 : i1 to i32
        %sign3A_642 = arith.constant 0 : i32
        %sign3A_643 = arith.cmpi slt, %scan3A_636, %sign3A_642 : i32
        %sign3A_644 = arith.extui %sign3A_643 : i1 to i32
        %sign3A_645 = arith.subi %sign3A_641, %sign3A_644 : i32
        %sign3A_646 = arith.constant 0 : i32
        %sign3A_647 = arith.cmpi sgt, %jit3A_637, %sign3A_646 : i32
        %sign3A_648 = arith.extui %sign3A_647 : i1 to i32
        %sign3A_649 = arith.constant 0 : i32
        %sign3A_650 = arith.cmpi slt, %jit3A_637, %sign3A_649 : i32
        %sign3A_651 = arith.extui %sign3A_650 : i1 to i32
        %sign3A_652 = arith.subi %sign3A_648, %sign3A_651 : i32
        %ne3A_653 = arith.cmpi ne, %sign3A_645, %sign3A_652 : i32
        %rem3A_654 = arith.remsi %scan3A_636, %jit3A_637 : i32
        %ne3A_655 = arith.constant 0 : i32
        %ne3A_656 = arith.cmpi ne, %rem3A_654, %ne3A_655 : i32
        %and3A_657 = arith.andi %ne3A_653, %ne3A_656 : i1
        %sub3A_658 = arith.constant 1 : i32
        %sub3A_659 = arith.subi %div3A_638, %sub3A_658 : i32
        %select_n3A_660 = arith.select %and3A_657, %sub3A_659, %div3A_638 : i32
        %jit3A_661 = arith.constant 8 : i32
        %eq3A_662 = arith.constant 0 : i32
        %eq3A_663 = arith.cmpi eq, %jit3A_661, %eq3A_662 : i32
        %jit3A_664 = arith.constant 1 : i32
        %select_n3A_665 = arith.select %eq3A_663, %jit3A_664, %jit3A_661 : i32
        %rem3A_666 = arith.remsi %scan3A_636, %select_n3A_665 : i32
        %ne3A_667 = arith.constant 0 : i32
        %ne3A_668 = arith.cmpi ne, %rem3A_666, %ne3A_667 : i32
        %lt3A_669 = arith.constant 0 : i32
        %lt3A_670 = arith.cmpi slt, %rem3A_666, %lt3A_669 : i32
        %lt3A_671 = arith.constant 0 : i32
        %lt3A_672 = arith.cmpi slt, %select_n3A_665, %lt3A_671 : i32
        %ne3A_673 = arith.xori %lt3A_670, %lt3A_672 : i1
        %and3A_674 = arith.andi %ne3A_673, %ne3A_668 : i1
        %add3A_675 = arith.addi %rem3A_666, %select_n3A_665 : i32
        %select_n3A_676 = arith.select %and3A_674, %add3A_675, %rem3A_666 : i32
        %get3A_677 = arith.index_cast %scan3A_636 : i32 to index
        %get3A_678 = arith.constant 0 : index
        %get3A_679 = tpu.vector_load %arg7[%get3A_677, %get3A_678] {strides = array<i32>} : memref<64x131xf32, #tpu.memory_space<vmem>>, vector<16xf32>,
        %get3A_680 = arith.index_cast %scan3A_636 : i32 to index
        %get3A_681 = arith.constant 16 : index
        %get3A_682 = tpu.vector_load %arg7[%get3A_680, %get3A_681] {strides = array<i32>} : memref<64x131xf32, #tpu.memory_space<vmem>>, vector<16xf32>,
        %get3A_683 = arith.index_cast %scan3A_636 : i32 to index
        %get3A_684 = arith.constant 32 : index
        %get3A_685 = tpu.vector_load %arg7[%get3A_683, %get3A_684] {strides = array<i32>} : memref<64x131xf32, #tpu.memory_space<vmem>>, vector<16xf32>,
        %get3A_686 = arith.index_cast %scan3A_636 : i32 to index
        %get3A_687 = arith.constant 48 : index
        %get3A_688 = tpu.vector_load %arg7[%get3A_686, %get3A_687] {strides = array<i32>} : memref<64x131xf32, #tpu.memory_space<vmem>>, vector<16xf32>,
        %get3A_689 = arith.index_cast %scan3A_636 : i32 to index
        %get3A_690 = arith.constant 64 : index
        %get3A_691 = tpu.vector_load %arg7[%get3A_689, %get3A_690] {strides = array<i32>} : memref<64x131xf32, #tpu.memory_space<vmem>>, vector<16xf32>,
        %get3A_692 = arith.index_cast %scan3A_636 : i32 to index
        %get3A_693 = arith.constant 80 : index
        %get3A_694 = tpu.vector_load %arg7[%get3A_692, %get3A_693] {strides = array<i32>} : memref<64x131xf32, #tpu.memory_space<vmem>>, vector<16xf32>,
        %get3A_695 = arith.index_cast %scan3A_636 : i32 to index
        %get3A_696 = arith.constant 96 : index
        %get3A_697 = tpu.vector_load %arg7[%get3A_695, %get3A_696] {strides = array<i32>} : memref<64x131xf32, #tpu.memory_space<vmem>>, vector<16xf32>,
        %get3A_698 = arith.index_cast %scan3A_636 : i32 to index
        %get3A_699 = arith.constant 112 : index
        %get3A_700 = tpu.vector_load %arg7[%get3A_698, %get3A_699] {strides = array<i32>} : memref<64x131xf32, #tpu.memory_space<vmem>>, vector<16xf32>,
        %swap3A_701 = arith.constant 2 : i32
        %swap3A_702 = arith.index_cast %swap3A_701 : i32 to index
        %swap3A_703 = arith.index_cast %select_n3A_660 : i32 to index
        %swap3A_704 = arith.index_cast %select_n3A_676 : i32 to index
        %swap3A_705 = arith.constant 0 : index
        %swap3A_706 = tpu.vector_load %arg8[%swap3A_702, %swap3A_703, %swap3A_704, %swap3A_705] {strides = array<i32>} : memref<5x8x8x128xf32, #tpu.memory_space<vmem>>, vector<16xf32>,
        tpu.vector_store %arg8[%swap3A_702, %swap3A_703, %swap3A_704, %swap3A_705], %get3A_679 {strides = array<i32>} : memref<5x8x8x128xf32, #tpu.memory_space<vmem>>, vector<16xf32>,
        %swap3A_707 = arith.constant 2 : i32
        %swap3A_708 = arith.index_cast %swap3A_707 : i32 to index
        %swap3A_709 = arith.index_cast %select_n3A_660 : i32 to index
        %swap3A_710 = arith.index_cast %select_n3A_676 : i32 to index
        %swap3A_711 = arith.constant 16 : index
        %swap3A_712 = tpu.vector_load %arg8[%swap3A_708, %swap3A_709, %swap3A_710, %swap3A_711] {strides = array<i32>} : memref<5x8x8x128xf32, #tpu.memory_space<vmem>>, vector<16xf32>,
        tpu.vector_store %arg8[%swap3A_708, %swap3A_709, %swap3A_710, %swap3A_711], %get3A_682 {strides = array<i32>} : memref<5x8x8x128xf32, #tpu.memory_space<vmem>>, vector<16xf32>,
        %swap3A_713 = arith.constant 2 : i32
        %swap3A_714 = arith.index_cast %swap3A_713 : i32 to index
        %swap3A_715 = arith.index_cast %select_n3A_660 : i32 to index
        %swap3A_716 = arith.index_cast %select_n3A_676 : i32 to index
        %swap3A_717 = arith.constant 32 : index
        %swap3A_718 = tpu.vector_load %arg8[%swap3A_714, %swap3A_715, %swap3A_716, %swap3A_717] {strides = array<i32>} : memref<5x8x8x128xf32, #tpu.memory_space<vmem>>, vector<16xf32>,
        tpu.vector_store %arg8[%swap3A_714, %swap3A_715, %swap3A_716, %swap3A_717], %get3A_685 {strides = array<i32>} : memref<5x8x8x128xf32, #tpu.memory_space<vmem>>, vector<16xf32>,
        %swap3A_719 = arith.constant 2 : i32
        %swap3A_720 = arith.index_cast %swap3A_719 : i32 to index
        %swap3A_721 = arith.index_cast %select_n3A_660 : i32 to index
        %swap3A_722 = arith.index_cast %select_n3A_676 : i32 to index
        %swap3A_723 = arith.constant 48 : index
        %swap3A_724 = tpu.vector_load %arg8[%swap3A_720, %swap3A_721, %swap3A_722, %swap3A_723] {strides = array<i32>} : memref<5x8x8x128xf32, #tpu.memory_space<vmem>>, vector<16xf32>,
        tpu.vector_store %arg8[%swap3A_720, %swap3A_721, %swap3A_722, %swap3A_723], %get3A_688 {strides = array<i32>} : memref<5x8x8x128xf32, #tpu.memory_space<vmem>>, vector<16xf32>,
        %swap3A_725 = arith.constant 2 : i32
        %swap3A_726 = arith.index_cast %swap3A_725 : i32 to index
        %swap3A_727 = arith.index_cast %select_n3A_660 : i32 to index
        %swap3A_728 = arith.index_cast %select_n3A_676 : i32 to index
        %swap3A_729 = arith.constant 64 : index
        %swap3A_730 = tpu.vector_load %arg8[%swap3A_726, %swap3A_727, %swap3A_728, %swap3A_729] {strides = array<i32>} : memref<5x8x8x128xf32, #tpu.memory_space<vmem>>, vector<16xf32>,
        tpu.vector_store %arg8[%swap3A_726, %swap3A_727, %swap3A_728, %swap3A_729], %get3A_691 {strides = array<i32>} : memref<5x8x8x128xf32, #tpu.memory_space<vmem>>, vector<16xf32>,
        %swap3A_731 = arith.constant 2 : i32
        %swap3A_732 = arith.index_cast %swap3A_731 : i32 to index
        %swap3A_733 = arith.index_cast %select_n3A_660 : i32 to index
        %swap3A_734 = arith.index_cast %select_n3A_676 : i32 to index
        %swap3A_735 = arith.constant 80 : index
        %swap3A_736 = tpu.vector_load %arg8[%swap3A_732, %swap3A_733, %swap3A_734, %swap3A_735] {strides = array<i32>} : memref<5x8x8x128xf32, #tpu.memory_space<vmem>>, vector<16xf32>,
        tpu.vector_store %arg8[%swap3A_732, %swap3A_733, %swap3A_734, %swap3A_735], %get3A_694 {strides = array<i32>} : memref<5x8x8x128xf32, #tpu.memory_space<vmem>>, vector<16xf32>,
        %swap3A_737 = arith.constant 2 : i32
        %swap3A_738 = arith.index_cast %swap3A_737 : i32 to index
        %swap3A_739 = arith.index_cast %select_n3A_660 : i32 to index
        %swap3A_740 = arith.index_cast %select_n3A_676 : i32 to index
        %swap3A_741 = arith.constant 96 : index
        %swap3A_742 = tpu.vector_load %arg8[%swap3A_738, %swap3A_739, %swap3A_740, %swap3A_741] {strides = array<i32>} : memref<5x8x8x128xf32, #tpu.memory_space<vmem>>, vector<16xf32>,
        tpu.vector_store %arg8[%swap3A_738, %swap3A_739, %swap3A_740, %swap3A_741], %get3A_697 {strides = array<i32>} : memref<5x8x8x128xf32, #tpu.memory_space<vmem>>, vector<16xf32>,
        %swap3A_743 = arith.constant 2 : i32
        %swap3A_744 = arith.index_cast %swap3A_743 : i32 to index
        %swap3A_745 = arith.index_cast %select_n3A_660 : i32 to index
        %swap3A_746 = arith.index_cast %select_n3A_676 : i32 to index
        %swap3A_747 = arith.constant 112 : index
        %swap3A_748 = tpu.vector_load %arg8[%swap3A_744, %swap3A_745, %swap3A_746, %swap3A_747] {strides = array<i32>} : memref<5x8x8x128xf32, #tpu.memory_space<vmem>>, vector<16xf32>,
        tpu.vector_store %arg8[%swap3A_744, %swap3A_745, %swap3A_746, %swap3A_747], %get3A_700 {strides = array<i32>} : memref<5x8x8x128xf32, #tpu.memory_space<vmem>>, vector<16xf32>,
        %scan3A_749 = arith.constant 2 : i32
        %scan3A_750 = arith.addi %scan3A_533, %scan3A_749 : i32
        %jit3A_751 = arith.constant 8 : i32
        %div3A_752 = arith.divsi %scan3A_750, %jit3A_751 : i32
        %sign3A_753 = arith.constant 0 : i32
        %sign3A_754 = arith.cmpi sgt, %scan3A_750, %sign3A_753 : i32
        %sign3A_755 = arith.extui %sign3A_754 : i1 to i32
        %sign3A_756 = arith.constant 0 : i32
        %sign3A_757 = arith.cmpi slt, %scan3A_750, %sign3A_756 : i32
        %sign3A_758 = arith.extui %sign3A_757 : i1 to i32
        %sign3A_759 = arith.subi %sign3A_755, %sign3A_758 : i32
        %sign3A_760 = arith.constant 0 : i32
        %sign3A_761 = arith.cmpi sgt, %jit3A_751, %sign3A_760 : i32
        %sign3A_762 = arith.extui %sign3A_761 : i1 to i32
        %sign3A_763 = arith.constant 0 : i32
        %sign3A_764 = arith.cmpi slt, %jit3A_751, %sign3A_763 : i32
        %sign3A_765 = arith.extui %sign3A_764 : i1 to i32
        %sign3A_766 = arith.subi %sign3A_762, %sign3A_765 : i32
        %ne3A_767 = arith.cmpi ne, %sign3A_759, %sign3A_766 : i32
        %rem3A_768 = arith.remsi %scan3A_750, %jit3A_751 : i32
        %ne3A_769 = arith.constant 0 : i32
        %ne3A_770 = arith.cmpi ne, %rem3A_768, %ne3A_769 : i32
        %and3A_771 = arith.andi %ne3A_767, %ne3A_770 : i1
        %sub3A_772 = arith.constant 1 : i32
        %sub3A_773 = arith.subi %div3A_752, %sub3A_772 : i32
        %select_n3A_774 = arith.select %and3A_771, %sub3A_773, %div3A_752 : i32
        %jit3A_775 = arith.constant 8 : i32
        %eq3A_776 = arith.constant 0 : i32
        %eq3A_777 = arith.cmpi eq, %jit3A_775, %eq3A_776 : i32
        %jit3A_778 = arith.constant 1 : i32
        %select_n3A_779 = arith.select %eq3A_777, %jit3A_778, %jit3A_775 : i32
        %rem3A_780 = arith.remsi %scan3A_750, %select_n3A_779 : i32
        %ne3A_781 = arith.constant 0 : i32
        %ne3A_782 = arith.cmpi ne, %rem3A_780, %ne3A_781 : i32
        %lt3A_783 = arith.constant 0 : i32
        %lt3A_784 = arith.cmpi slt, %rem3A_780, %lt3A_783 : i32
        %lt3A_785 = arith.constant 0 : i32
        %lt3A_786 = arith.cmpi slt, %select_n3A_779, %lt3A_785 : i32
        %ne3A_787 = arith.xori %lt3A_784, %lt3A_786 : i1
        %and3A_788 = arith.andi %ne3A_787, %ne3A_782 : i1
        %add3A_789 = arith.addi %rem3A_780, %select_n3A_779 : i32
        %select_n3A_790 = arith.select %and3A_788, %add3A_789, %rem3A_780 : i32
        %get3A_791 = arith.index_cast %scan3A_750 : i32 to index
        %get3A_792 = arith.constant 0 : index
        %get3A_793 = tpu.vector_load %arg7[%get3A_791, %get3A_792] {strides = array<i32>} : memref<64x131xf32, #tpu.memory_space<vmem>>, vector<16xf32>,
        %get3A_794 = arith.index_cast %scan3A_750 : i32 to index
        %get3A_795 = arith.constant 16 : index
        %get3A_796 = tpu.vector_load %arg7[%get3A_794, %get3A_795] {strides = array<i32>} : memref<64x131xf32, #tpu.memory_space<vmem>>, vector<16xf32>,
        %get3A_797 = arith.index_cast %scan3A_750 : i32 to index
        %get3A_798 = arith.constant 32 : index
        %get3A_799 = tpu.vector_load %arg7[%get3A_797, %get3A_798] {strides = array<i32>} : memref<64x131xf32, #tpu.memory_space<vmem>>, vector<16xf32>,
        %get3A_800 = arith.index_cast %scan3A_750 : i32 to index
        %get3A_801 = arith.constant 48 : index
        %get3A_802 = tpu.vector_load %arg7[%get3A_800, %get3A_801] {strides = array<i32>} : memref<64x131xf32, #tpu.memory_space<vmem>>, vector<16xf32>,
        %get3A_803 = arith.index_cast %scan3A_750 : i32 to index
        %get3A_804 = arith.constant 64 : index
        %get3A_805 = tpu.vector_load %arg7[%get3A_803, %get3A_804] {strides = array<i32>} : memref<64x131xf32, #tpu.memory_space<vmem>>, vector<16xf32>,
        %get3A_806 = arith.index_cast %scan3A_750 : i32 to index
        %get3A_807 = arith.constant 80 : index
        %get3A_808 = tpu.vector_load %arg7[%get3A_806, %get3A_807] {strides = array<i32>} : memref<64x131xf32, #tpu.memory_space<vmem>>, vector<16xf32>,
        %get3A_809 = arith.index_cast %scan3A_750 : i32 to index
        %get3A_810 = arith.constant 96 : index
        %get3A_811 = tpu.vector_load %arg7[%get3A_809, %get3A_810] {strides = array<i32>} : memref<64x131xf32, #tpu.memory_space<vmem>>, vector<16xf32>,
        %get3A_812 = arith.index_cast %scan3A_750 : i32 to index
        %get3A_813 = arith.constant 112 : index
        %get3A_814 = tpu.vector_load %arg7[%get3A_812, %get3A_813] {strides = array<i32>} : memref<64x131xf32, #tpu.memory_space<vmem>>, vector<16xf32>,
        %swap3A_815 = arith.constant 2 : i32
        %swap3A_816 = arith.index_cast %swap3A_815 : i32 to index
        %swap3A_817 = arith.index_cast %select_n3A_774 : i32 to index
        %swap3A_818 = arith.index_cast %select_n3A_790 : i32 to index
        %swap3A_819 = arith.constant 0 : index
        %swap3A_820 = tpu.vector_load %arg8[%swap3A_816, %swap3A_817, %swap3A_818, %swap3A_819] {strides = array<i32>} : memref<5x8x8x128xf32, #tpu.memory_space<vmem>>, vector<16xf32>,
        tpu.vector_store %arg8[%swap3A_816, %swap3A_817, %swap3A_818, %swap3A_819], %get3A_793 {strides = array<i32>} : memref<5x8x8x128xf32, #tpu.memory_space<vmem>>, vector<16xf32>,
        %swap3A_821 = arith.constant 2 : i32
        %swap3A_822 = arith.index_cast %swap3A_821 : i32 to index
        %swap3A_823 = arith.index_cast %select_n3A_774 : i32 to index
        %swap3A_824 = arith.index_cast %select_n3A_790 : i32 to index
        %swap3A_825 = arith.constant 16 : index
        %swap3A_826 = tpu.vector_load %arg8[%swap3A_822, %swap3A_823, %swap3A_824, %swap3A_825] {strides = array<i32>} : memref<5x8x8x128xf32, #tpu.memory_space<vmem>>, vector<16xf32>,
        tpu.vector_store %arg8[%swap3A_822, %swap3A_823, %swap3A_824, %swap3A_825], %get3A_796 {strides = array<i32>} : memref<5x8x8x128xf32, #tpu.memory_space<vmem>>, vector<16xf32>,
        %swap3A_827 = arith.constant 2 : i32
        %swap3A_828 = arith.index_cast %swap3A_827 : i32 to index
        %swap3A_829 = arith.index_cast %select_n3A_774 : i32 to index
        %swap3A_830 = arith.index_cast %select_n3A_790 : i32 to index
        %swap3A_831 = arith.constant 32 : index
        %swap3A_832 = tpu.vector_load %arg8[%swap3A_828, %swap3A_829, %swap3A_830, %swap3A_831] {strides = array<i32>} : memref<5x8x8x128xf32, #tpu.memory_space<vmem>>, vector<16xf32>,
        tpu.vector_store %arg8[%swap3A_828, %swap3A_829, %swap3A_830, %swap3A_831], %get3A_799 {strides = array<i32>} : memref<5x8x8x128xf32, #tpu.memory_space<vmem>>, vector<16xf32>,
        %swap3A_833 = arith.constant 2 : i32
        %swap3A_834 = arith.index_cast %swap3A_833 : i32 to index
        %swap3A_835 = arith.index_cast %select_n3A_774 : i32 to index
        %swap3A_836 = arith.index_cast %select_n3A_790 : i32 to index
        %swap3A_837 = arith.constant 48 : index
        %swap3A_838 = tpu.vector_load %arg8[%swap3A_834, %swap3A_835, %swap3A_836, %swap3A_837] {strides = array<i32>} : memref<5x8x8x128xf32, #tpu.memory_space<vmem>>, vector<16xf32>,
        tpu.vector_store %arg8[%swap3A_834, %swap3A_835, %swap3A_836, %swap3A_837], %get3A_802 {strides = array<i32>} : memref<5x8x8x128xf32, #tpu.memory_space<vmem>>, vector<16xf32>,
        %swap3A_839 = arith.constant 2 : i32
        %swap3A_840 = arith.index_cast %swap3A_839 : i32 to index
        %swap3A_841 = arith.index_cast %select_n3A_774 : i32 to index
        %swap3A_842 = arith.index_cast %select_n3A_790 : i32 to index
        %swap3A_843 = arith.constant 64 : index
        %swap3A_844 = tpu.vector_load %arg8[%swap3A_840, %swap3A_841, %swap3A_842, %swap3A_843] {strides = array<i32>} : memref<5x8x8x128xf32, #tpu.memory_space<vmem>>, vector<16xf32>,
        tpu.vector_store %arg8[%swap3A_840, %swap3A_841, %swap3A_842, %swap3A_843], %get3A_805 {strides = array<i32>} : memref<5x8x8x128xf32, #tpu.memory_space<vmem>>, vector<16xf32>,
        %swap3A_845 = arith.constant 2 : i32
        %swap3A_846 = arith.index_cast %swap3A_845 : i32 to index
        %swap3A_847 = arith.index_cast %select_n3A_774 : i32 to index
        %swap3A_848 = arith.index_cast %select_n3A_790 : i32 to index
        %swap3A_849 = arith.constant 80 : index
        %swap3A_850 = tpu.vector_load %arg8[%swap3A_846, %swap3A_847, %swap3A_848, %swap3A_849] {strides = array<i32>} : memref<5x8x8x128xf32, #tpu.memory_space<vmem>>, vector<16xf32>,
        tpu.vector_store %arg8[%swap3A_846, %swap3A_847, %swap3A_848, %swap3A_849], %get3A_808 {strides = array<i32>} : memref<5x8x8x128xf32, #tpu.memory_space<vmem>>, vector<16xf32>,
        %swap3A_851 = arith.constant 2 : i32
        %swap3A_852 = arith.index_cast %swap3A_851 : i32 to index
        %swap3A_853 = arith.index_cast %select_n3A_774 : i32 to index
        %swap3A_854 = arith.index_cast %select_n3A_790 : i32 to index
        %swap3A_855 = arith.constant 96 : index
        %swap3A_856 = tpu.vector_load %arg8[%swap3A_852, %swap3A_853, %swap3A_854, %swap3A_855] {strides = array<i32>} : memref<5x8x8x128xf32, #tpu.memory_space<vmem>>, vector<16xf32>,
        tpu.vector_store %arg8[%swap3A_852, %swap3A_853, %swap3A_854, %swap3A_855], %get3A_811 {strides = array<i32>} : memref<5x8x8x128xf32, #tpu.memory_space<vmem>>, vector<16xf32>,
        %swap3A_857 = arith.constant 2 : i32
        %swap3A_858 = arith.index_cast %swap3A_857 : i32 to index
        %swap3A_859 = arith.index_cast %select_n3A_774 : i32 to index
        %swap3A_860 = arith.index_cast %select_n3A_790 : i32 to index
        %swap3A_861 = arith.constant 112 : index
        %swap3A_862 = tpu.vector_load %arg8[%swap3A_858, %swap3A_859, %swap3A_860, %swap3A_861] {strides = array<i32>} : memref<5x8x8x128xf32, #tpu.memory_space<vmem>>, vector<16xf32>,
        tpu.vector_store %arg8[%swap3A_858, %swap3A_859, %swap3A_860, %swap3A_861], %get3A_814 {strides = array<i32>} : memref<5x8x8x128xf32, #tpu.memory_space<vmem>>, vector<16xf32>,
        %scan3A_863 = arith.constant 3 : i32
        %scan3A_864 = arith.addi %scan3A_533, %scan3A_863 : i32
        %jit3A_865 = arith.constant 8 : i32
        %div3A_866 = arith.divsi %scan3A_864, %jit3A_865 : i32
        %sign3A_867 = arith.constant 0 : i32
        %sign3A_868 = arith.cmpi sgt, %scan3A_864, %sign3A_867 : i32
        %sign3A_869 = arith.extui %sign3A_868 : i1 to i32
        %sign3A_870 = arith.constant 0 : i32
        %sign3A_871 = arith.cmpi slt, %scan3A_864, %sign3A_870 : i32
        %sign3A_872 = arith.extui %sign3A_871 : i1 to i32
        %sign3A_873 = arith.subi %sign3A_869, %sign3A_872 : i32
        %sign3A_874 = arith.constant 0 : i32
        %sign3A_875 = arith.cmpi sgt, %jit3A_865, %sign3A_874 : i32
        %sign3A_876 = arith.extui %sign3A_875 : i1 to i32
        %sign3A_877 = arith.constant 0 : i32
        %sign3A_878 = arith.cmpi slt, %jit3A_865, %sign3A_877 : i32
        %sign3A_879 = arith.extui %sign3A_878 : i1 to i32
        %sign3A_880 = arith.subi %sign3A_876, %sign3A_879 : i32
        %ne3A_881 = arith.cmpi ne, %sign3A_873, %sign3A_880 : i32
        %rem3A_882 = arith.remsi %scan3A_864, %jit3A_865 : i32
        %ne3A_883 = arith.constant 0 : i32
        %ne3A_884 = arith.cmpi ne, %rem3A_882, %ne3A_883 : i32
        %and3A_885 = arith.andi %ne3A_881, %ne3A_884 : i1
        %sub3A_886 = arith.constant 1 : i32
        %sub3A_887 = arith.subi %div3A_866, %sub3A_886 : i32
        %select_n3A_888 = arith.select %and3A_885, %sub3A_887, %div3A_866 : i32
        %jit3A_889 = arith.constant 8 : i32
        %eq3A_890 = arith.constant 0 : i32
        %eq3A_891 = arith.cmpi eq, %jit3A_889, %eq3A_890 : i32
        %jit3A_892 = arith.constant 1 : i32
        %select_n3A_893 = arith.select %eq3A_891, %jit3A_892, %jit3A_889 : i32
        %rem3A_894 = arith.remsi %scan3A_864, %select_n3A_893 : i32
        %ne3A_895 = arith.constant 0 : i32
        %ne3A_896 = arith.cmpi ne, %rem3A_894, %ne3A_895 : i32
        %lt3A_897 = arith.constant 0 : i32
        %lt3A_898 = arith.cmpi slt, %rem3A_894, %lt3A_897 : i32
        %lt3A_899 = arith.constant 0 : i32
        %lt3A_900 = arith.cmpi slt, %select_n3A_893, %lt3A_899 : i32
        %ne3A_901 = arith.xori %lt3A_898, %lt3A_900 : i1
        %and3A_902 = arith.andi %ne3A_901, %ne3A_896 : i1
        %add3A_903 = arith.addi %rem3A_894, %select_n3A_893 : i32
        %select_n3A_904 = arith.select %and3A_902, %add3A_903, %rem3A_894 : i32
        %get3A_905 = arith.index_cast %scan3A_864 : i32 to index
        %get3A_906 = arith.constant 0 : index
        %get3A_907 = tpu.vector_load %arg7[%get3A_905, %get3A_906] {strides = array<i32>} : memref<64x131xf32, #tpu.memory_space<vmem>>, vector<16xf32>,
        %get3A_908 = arith.index_cast %scan3A_864 : i32 to index
        %get3A_909 = arith.constant 16 : index
        %get3A_910 = tpu.vector_load %arg7[%get3A_908, %get3A_909] {strides = array<i32>} : memref<64x131xf32, #tpu.memory_space<vmem>>, vector<16xf32>,
        %get3A_911 = arith.index_cast %scan3A_864 : i32 to index
        %get3A_912 = arith.constant 32 : index
        %get3A_913 = tpu.vector_load %arg7[%get3A_911, %get3A_912] {strides = array<i32>} : memref<64x131xf32, #tpu.memory_space<vmem>>, vector<16xf32>,
        %get3A_914 = arith.index_cast %scan3A_864 : i32 to index
        %get3A_915 = arith.constant 48 : index
        %get3A_916 = tpu.vector_load %arg7[%get3A_914, %get3A_915] {strides = array<i32>} : memref<64x131xf32, #tpu.memory_space<vmem>>, vector<16xf32>,
        %get3A_917 = arith.index_cast %scan3A_864 : i32 to index
        %get3A_918 = arith.constant 64 : index
        %get3A_919 = tpu.vector_load %arg7[%get3A_917, %get3A_918] {strides = array<i32>} : memref<64x131xf32, #tpu.memory_space<vmem>>, vector<16xf32>,
        %get3A_920 = arith.index_cast %scan3A_864 : i32 to index
        %get3A_921 = arith.constant 80 : index
        %get3A_922 = tpu.vector_load %arg7[%get3A_920, %get3A_921] {strides = array<i32>} : memref<64x131xf32, #tpu.memory_space<vmem>>, vector<16xf32>,
        %get3A_923 = arith.index_cast %scan3A_864 : i32 to index
        %get3A_924 = arith.constant 96 : index
        %get3A_925 = tpu.vector_load %arg7[%get3A_923, %get3A_924] {strides = array<i32>} : memref<64x131xf32, #tpu.memory_space<vmem>>, vector<16xf32>,
        %get3A_926 = arith.index_cast %scan3A_864 : i32 to index
        %get3A_927 = arith.constant 112 : index
        %get3A_928 = tpu.vector_load %arg7[%get3A_926, %get3A_927] {strides = array<i32>} : memref<64x131xf32, #tpu.memory_space<vmem>>, vector<16xf32>,
        %swap3A_929 = arith.constant 2 : i32
        %swap3A_930 = arith.index_cast %swap3A_929 : i32 to index
        %swap3A_931 = arith.index_cast %select_n3A_888 : i32 to index
        %swap3A_932 = arith.index_cast %select_n3A_904 : i32 to index
        %swap3A_933 = arith.constant 0 : index
        %swap3A_934 = tpu.vector_load %arg8[%swap3A_930, %swap3A_931, %swap3A_932, %swap3A_933] {strides = array<i32>} : memref<5x8x8x128xf32, #tpu.memory_space<vmem>>, vector<16xf32>,
        tpu.vector_store %arg8[%swap3A_930, %swap3A_931, %swap3A_932, %swap3A_933], %get3A_907 {strides = array<i32>} : memref<5x8x8x128xf32, #tpu.memory_space<vmem>>, vector<16xf32>,
        %swap3A_935 = arith.constant 2 : i32
        %swap3A_936 = arith.index_cast %swap3A_935 : i32 to index
        %swap3A_937 = arith.index_cast %select_n3A_888 : i32 to index
        %swap3A_938 = arith.index_cast %select_n3A_904 : i32 to index
        %swap3A_939 = arith.constant 16 : index
        %swap3A_940 = tpu.vector_load %arg8[%swap3A_936, %swap3A_937, %swap3A_938, %swap3A_939] {strides = array<i32>} : memref<5x8x8x128xf32, #tpu.memory_space<vmem>>, vector<16xf32>,
        tpu.vector_store %arg8[%swap3A_936, %swap3A_937, %swap3A_938, %swap3A_939], %get3A_910 {strides = array<i32>} : memref<5x8x8x128xf32, #tpu.memory_space<vmem>>, vector<16xf32>,
        %swap3A_941 = arith.constant 2 : i32
        %swap3A_942 = arith.index_cast %swap3A_941 : i32 to index
        %swap3A_943 = arith.index_cast %select_n3A_888 : i32 to index
        %swap3A_944 = arith.index_cast %select_n3A_904 : i32 to index
        %swap3A_945 = arith.constant 32 : index
        %swap3A_946 = tpu.vector_load %arg8[%swap3A_942, %swap3A_943, %swap3A_944, %swap3A_945] {strides = array<i32>} : memref<5x8x8x128xf32, #tpu.memory_space<vmem>>, vector<16xf32>,
        tpu.vector_store %arg8[%swap3A_942, %swap3A_943, %swap3A_944, %swap3A_945], %get3A_913 {strides = array<i32>} : memref<5x8x8x128xf32, #tpu.memory_space<vmem>>, vector<16xf32>,
        %swap3A_947 = arith.constant 2 : i32
        %swap3A_948 = arith.index_cast %swap3A_947 : i32 to index
        %swap3A_949 = arith.index_cast %select_n3A_888 : i32 to index
        %swap3A_950 = arith.index_cast %select_n3A_904 : i32 to index
        %swap3A_951 = arith.constant 48 : index
        %swap3A_952 = tpu.vector_load %arg8[%swap3A_948, %swap3A_949, %swap3A_950, %swap3A_951] {strides = array<i32>} : memref<5x8x8x128xf32, #tpu.memory_space<vmem>>, vector<16xf32>,
        tpu.vector_store %arg8[%swap3A_948, %swap3A_949, %swap3A_950, %swap3A_951], %get3A_916 {strides = array<i32>} : memref<5x8x8x128xf32, #tpu.memory_space<vmem>>, vector<16xf32>,
        %swap3A_953 = arith.constant 2 : i32
        %swap3A_954 = arith.index_cast %swap3A_953 : i32 to index
        %swap3A_955 = arith.index_cast %select_n3A_888 : i32 to index
        %swap3A_956 = arith.index_cast %select_n3A_904 : i32 to index
        %swap3A_957 = arith.constant 64 : index
        %swap3A_958 = tpu.vector_load %arg8[%swap3A_954, %swap3A_955, %swap3A_956, %swap3A_957] {strides = array<i32>} : memref<5x8x8x128xf32, #tpu.memory_space<vmem>>, vector<16xf32>,
        tpu.vector_store %arg8[%swap3A_954, %swap3A_955, %swap3A_956, %swap3A_957], %get3A_919 {strides = array<i32>} : memref<5x8x8x128xf32, #tpu.memory_space<vmem>>, vector<16xf32>,
        %swap3A_959 = arith.constant 2 : i32
        %swap3A_960 = arith.index_cast %swap3A_959 : i32 to index
        %swap3A_961 = arith.index_cast %select_n3A_888 : i32 to index
        %swap3A_962 = arith.index_cast %select_n3A_904 : i32 to index
        %swap3A_963 = arith.constant 80 : index
        %swap3A_964 = tpu.vector_load %arg8[%swap3A_960, %swap3A_961, %swap3A_962, %swap3A_963] {strides = array<i32>} : memref<5x8x8x128xf32, #tpu.memory_space<vmem>>, vector<16xf32>,
        tpu.vector_store %arg8[%swap3A_960, %swap3A_961, %swap3A_962, %swap3A_963], %get3A_922 {strides = array<i32>} : memref<5x8x8x128xf32, #tpu.memory_space<vmem>>, vector<16xf32>,
        %swap3A_965 = arith.constant 2 : i32
        %swap3A_966 = arith.index_cast %swap3A_965 : i32 to index
        %swap3A_967 = arith.index_cast %select_n3A_888 : i32 to index
        %swap3A_968 = arith.index_cast %select_n3A_904 : i32 to index
        %swap3A_969 = arith.constant 96 : index
        %swap3A_970 = tpu.vector_load %arg8[%swap3A_966, %swap3A_967, %swap3A_968, %swap3A_969] {strides = array<i32>} : memref<5x8x8x128xf32, #tpu.memory_space<vmem>>, vector<16xf32>,
        tpu.vector_store %arg8[%swap3A_966, %swap3A_967, %swap3A_968, %swap3A_969], %get3A_925 {strides = array<i32>} : memref<5x8x8x128xf32, #tpu.memory_space<vmem>>, vector<16xf32>,
        %swap3A_971 = arith.constant 2 : i32
        %swap3A_972 = arith.index_cast %swap3A_971 : i32 to index
        %swap3A_973 = arith.index_cast %select_n3A_888 : i32 to index
        %swap3A_974 = arith.index_cast %select_n3A_904 : i32 to index
        %swap3A_975 = arith.constant 112 : index
        %swap3A_976 = tpu.vector_load %arg8[%swap3A_972, %swap3A_973, %swap3A_974, %swap3A_975] {strides = array<i32>} : memref<5x8x8x128xf32, #tpu.memory_space<vmem>>, vector<16xf32>,
        tpu.vector_store %arg8[%swap3A_972, %swap3A_973, %swap3A_974, %swap3A_975], %get3A_928 {strides = array<i32>} : memref<5x8x8x128xf32, #tpu.memory_space<vmem>>, vector<16xf32>,
      }
      %scan3A_375 = arith.constant 64 : i32
      %lt3A_376 = arith.constant 39 : i32
      %lt3A_377 = arith.cmpi slt, %scan3A_216, %lt3A_376 : i32
      %convert_element_type3A_378 = arith.extui %lt3A_377 : i1 to i32
      %cond3A_379 = arith.constant 0 : i32
      %cond3A_380 = arith.cmpi ne, %convert_element_type3A_378, %cond3A_379 : i32
      scf.if %cond3A_380 {
        %add3A_533 = arith.constant 5 : i32
        %add3A_534 = arith.addi %add3A_344, %add3A_533 : i32
        %dma_start3A_535 = arith.constant 2 : i32
        %dma_start3A_536 = arith.constant 2 : i32
        %dma_start3A_537 = arith.constant 0 : i32
        %dma_start3A_538 = arith.constant 0 : i32
        %dma_start3A_539 = tpu.memref_slice %arg6[%dma_start3A_535, %dma_start3A_537, %dma_start3A_538] : memref<5x128x64xf32, #tpu.memory_space<vmem>> -> memref<1x128x64xf32, #tpu.memory_space<vmem>>
        %dma_start3A_540 = tpu.memref_squeeze %dma_start3A_539 : memref<1x128x64xf32, #tpu.memory_space<vmem>> -> memref<128x64xf32, #tpu.memory_space<vmem>>
        %dma_start3A_541 = arith.constant 0 : i32
        %dma_start3A_542 = tpu.memref_slice %arg5[%add3A_534, %dma_start3A_541] : memref<200x128xi32, #tpu.memory_space<vmem>> -> memref<1x128xi32, #tpu.memory_space<vmem>>
        %dma_start3A_543 = tpu.memref_squeeze %dma_start3A_542 : memref<1x128xi32, #tpu.memory_space<vmem>> -> memref<128xi32, #tpu.memory_space<vmem>>
        %dma_start3A_544 = arith.constant 0 : i32
        %dma_start3A_545 = arith.constant 0 : i32
        %dma_start3A_546 = tpu.memref_slice %arg3[%dma_start3A_544, %dma_start3A_545] : memref<1000000x64xf32, #tpu.memory_space<hbm>> -> memref<1000000x64xf32, #tpu.memory_space<hbm>>
        %dma_start3A_547 = tpu.memref_slice %arg9[%dma_start3A_536] : memref<5x!tpu.dma_semaphore, #tpu.memory_space<semaphore_mem>> -> memref<1x!tpu.dma_semaphore, #tpu.memory_space<semaphore_mem>>
        %dma_start3A_548 = tpu.memref_squeeze %dma_start3A_547 : memref<1x!tpu.dma_semaphore, #tpu.memory_space<semaphore_mem>> -> memref<!tpu.dma_semaphore, #tpu.memory_space<semaphore_mem>>
        tpu.enqueue_indirect_dma source(%dma_start3A_546 : memref<1000000x64xf32, #tpu.memory_space<hbm>>) target(%dma_start3A_540 : memref<128x64xf32, #tpu.memory_space<vmem>>) offsets(%dma_start3A_543 : memref<128xi32, #tpu.memory_space<vmem>>) semaphore(%dma_start3A_548 : memref<!tpu.dma_semaphore, #tpu.memory_space<semaphore_mem>>)
      } else {
      }
      %dma_start3A_381 = arith.constant 2 : i32
      %dma_start3A_382 = arith.constant 2 : i32
      %dma_start3A_383 = arith.constant 0 : i32
      %dma_start3A_384 = arith.constant 0 : i32
      %dma_start3A_385 = arith.constant 0 : i32
      %dma_start3A_386 = tpu.memref_slice %arg8[%dma_start3A_381, %dma_start3A_383, %dma_start3A_384, %dma_start3A_385] : memref<5x8x8x128xf32, #tpu.memory_space<vmem>> -> memref<1x8x8x128xf32, #tpu.memory_space<vmem>>
      %dma_start3A_387 = tpu.memref_squeeze %dma_start3A_386 : memref<1x8x8x128xf32, #tpu.memory_space<vmem>> -> memref<8x8x128xf32, #tpu.memory_space<vmem>>
      %dma_start3A_388 = arith.constant 0 : i32
      %dma_start3A_389 = arith.constant 0 : i32
      %dma_start3A_390 = arith.constant 0 : i32
      %dma_start3A_391 = tpu.memref_slice %arg4[%add3A_344, %dma_start3A_388, %add3A, %dma_start3A_389, %dma_start3A_390] : memref<200x8x32x8x128xf32, #tpu.memory_space<hbm>> -> memref<1x8x1x8x128xf32, #tpu.memory_space<hbm>>
      %dma_start3A_392 = tpu.memref_squeeze %dma_start3A_391 : memref<1x8x1x8x128xf32, #tpu.memory_space<hbm>> -> memref<8x8x128xf32, #tpu.memory_space<hbm>>
      %dma_start3A_393 = tpu.memref_slice %arg10[%dma_start3A_382] : memref<5x!tpu.dma_semaphore, #tpu.memory_space<semaphore_mem>> -> memref<1x!tpu.dma_semaphore, #tpu.memory_space<semaphore_mem>>
      %dma_start3A_394 = tpu.memref_squeeze %dma_start3A_393 : memref<1x!tpu.dma_semaphore, #tpu.memory_space<semaphore_mem>> -> memref<!tpu.dma_semaphore, #tpu.memory_space<semaphore_mem>>
      %dma_start3A_395 = arith.constant 0 : i32
      %dma_start3A_396 = arith.constant 0 : i32
      %dma_start3A_397 = arith.constant 0 : i32
      %dma_start3A_398 = tpu.memref_slice %arg4[%add3A_344, %dma_start3A_395, %add3A, %dma_start3A_396, %dma_start3A_397] : memref<200x8x32x8x128xf32, #tpu.memory_space<hbm>> -> memref<1x8x1x8x128xf32, #tpu.memory_space<hbm>>
      %dma_start3A_399 = tpu.memref_squeeze %dma_start3A_398 : memref<1x8x1x8x128xf32, #tpu.memory_space<hbm>> -> memref<8x8x128xf32, #tpu.memory_space<hbm>>
      %dma_start3A_400 = arith.constant 0 : i32
      %dma_start3A_401 = arith.constant 0 : i32
      %dma_start3A_402 = arith.constant 0 : i32
      %dma_start3A_403 = tpu.memref_slice %arg8[%dma_start3A_381, %dma_start3A_400, %dma_start3A_401, %dma_start3A_402] : memref<5x8x8x128xf32, #tpu.memory_space<vmem>> -> memref<1x8x8x128xf32, #tpu.memory_space<vmem>>
      %dma_start3A_404 = tpu.memref_squeeze %dma_start3A_403 : memref<1x8x8x128xf32, #tpu.memory_space<vmem>> -> memref<8x8x128xf32, #tpu.memory_space<vmem>>
      tpu.enqueue_dma source(%dma_start3A_404 : memref<8x8x128xf32, #tpu.memory_space<vmem>>) target(%dma_start3A_399 : memref<8x8x128xf32, #tpu.memory_space<hbm>>) target_semaphore(%dma_start3A_394 : memref<!tpu.dma_semaphore, #tpu.memory_space<semaphore_mem>>)
      %mul3A_405 = arith.constant 5 : i32
      %mul3A_406 = arith.muli %scan3A_216, %mul3A_405 : i32
      %add3A_407 = arith.constant 3 : i32
      %add3A_408 = arith.addi %mul3A_406, %add3A_407 : i32
      %dma_wait3A_409 = arith.constant 3 : i32
      %dma_wait3A_410 = arith.constant 3 : i32
      %dma_wait3A_411 = arith.constant 0 : i32
      %dma_wait3A_412 = arith.constant 0 : i32
      %dma_wait3A_413 = tpu.memref_slice %arg6[%dma_wait3A_409, %dma_wait3A_411, %dma_wait3A_412] : memref<5x128x64xf32, #tpu.memory_space<vmem>> -> memref<1x128x64xf32, #tpu.memory_space<vmem>>
      %dma_wait3A_414 = tpu.memref_squeeze %dma_wait3A_413 : memref<1x128x64xf32, #tpu.memory_space<vmem>> -> memref<128x64xf32, #tpu.memory_space<vmem>>
      %dma_wait3A_415 = arith.constant 0 : i32
      %dma_wait3A_416 = tpu.memref_slice %arg5[%add3A_408, %dma_wait3A_415] : memref<200x128xi32, #tpu.memory_space<vmem>> -> memref<1x128xi32, #tpu.memory_space<vmem>>
      %dma_wait3A_417 = tpu.memref_squeeze %dma_wait3A_416 : memref<1x128xi32, #tpu.memory_space<vmem>> -> memref<128xi32, #tpu.memory_space<vmem>>
      %dma_wait3A_418 = arith.constant 0 : i32
      %dma_wait3A_419 = arith.constant 0 : i32
      %dma_wait3A_420 = tpu.memref_slice %arg3[%dma_wait3A_418, %dma_wait3A_419] : memref<1000000x64xf32, #tpu.memory_space<hbm>> -> memref<1000000x64xf32, #tpu.memory_space<hbm>>
      %dma_wait3A_421 = tpu.memref_slice %arg9[%dma_wait3A_410] : memref<5x!tpu.dma_semaphore, #tpu.memory_space<semaphore_mem>> -> memref<1x!tpu.dma_semaphore, #tpu.memory_space<semaphore_mem>>
      %dma_wait3A_422 = tpu.memref_squeeze %dma_wait3A_421 : memref<1x!tpu.dma_semaphore, #tpu.memory_space<semaphore_mem>> -> memref<!tpu.dma_semaphore, #tpu.memory_space<semaphore_mem>>
      tpu.wait_indirect_dma semaphore(%dma_wait3A_422 : memref<!tpu.dma_semaphore, #tpu.memory_space<semaphore_mem>>) src(%dma_wait3A_420 : memref<1000000x64xf32, #tpu.memory_space<hbm>>) dst(%dma_wait3A_414 : memref<128x64xf32, #tpu.memory_space<vmem>>)
      %gt3A_423 = arith.constant 0 : i32
      %gt3A_424 = arith.cmpi sgt, %scan3A_216, %gt3A_423 : i32
      %convert_element_type3A_425 = arith.extui %gt3A_424 : i1 to i32
      %cond3A_426 = arith.constant 0 : i32
      %cond3A_427 = arith.cmpi ne, %convert_element_type3A_425, %cond3A_426 : i32
      scf.if %cond3A_427 {
        %sub3A = arith.constant 5 : i32
        %sub3A_533 = arith.subi %add3A_408, %sub3A : i32
        %dma_wait3A_534 = arith.constant 3 : i32
        %dma_wait3A_535 = arith.constant 3 : i32
        %dma_wait3A_536 = arith.constant 0 : i32
        %dma_wait3A_537 = arith.constant 0 : i32
        %dma_wait3A_538 = arith.constant 0 : i32
        %dma_wait3A_539 = tpu.memref_slice %arg8[%dma_wait3A_534, %dma_wait3A_536, %dma_wait3A_537, %dma_wait3A_538] : memref<5x8x8x128xf32, #tpu.memory_space<vmem>> -> memref<1x8x8x128xf32, #tpu.memory_space<vmem>>
        %dma_wait3A_540 = tpu.memref_squeeze %dma_wait3A_539 : memref<1x8x8x128xf32, #tpu.memory_space<vmem>> -> memref<8x8x128xf32, #tpu.memory_space<vmem>>
        %dma_wait3A_541 = arith.constant 0 : i32
        %dma_wait3A_542 = arith.constant 0 : i32
        %dma_wait3A_543 = arith.constant 0 : i32
        %dma_wait3A_544 = tpu.memref_slice %arg4[%sub3A_533, %dma_wait3A_541, %add3A, %dma_wait3A_542, %dma_wait3A_543] : memref<200x8x32x8x128xf32, #tpu.memory_space<hbm>> -> memref<1x8x1x8x128xf32, #tpu.memory_space<hbm>>
        %dma_wait3A_545 = tpu.memref_squeeze %dma_wait3A_544 : memref<1x8x1x8x128xf32, #tpu.memory_space<hbm>> -> memref<8x8x128xf32, #tpu.memory_space<hbm>>
        %dma_wait3A_546 = tpu.memref_slice %arg10[%dma_wait3A_535] : memref<5x!tpu.dma_semaphore, #tpu.memory_space<semaphore_mem>> -> memref<1x!tpu.dma_semaphore, #tpu.memory_space<semaphore_mem>>
        %dma_wait3A_547 = tpu.memref_squeeze %dma_wait3A_546 : memref<1x!tpu.dma_semaphore, #tpu.memory_space<semaphore_mem>> -> memref<!tpu.dma_semaphore, #tpu.memory_space<semaphore_mem>>
        %dma_wait3A_548 = arith.constant 0 : i32
        %dma_wait3A_549 = arith.constant 0 : i32
        %dma_wait3A_550 = arith.constant 0 : i32
        %dma_wait3A_551 = tpu.memref_slice %arg4[%sub3A_533, %dma_wait3A_548, %add3A, %dma_wait3A_549, %dma_wait3A_550] : memref<200x8x32x8x128xf32, #tpu.memory_space<hbm>> -> memref<1x8x1x8x128xf32, #tpu.memory_space<hbm>>
        %dma_wait3A_552 = tpu.memref_squeeze %dma_wait3A_551 : memref<1x8x1x8x128xf32, #tpu.memory_space<hbm>> -> memref<8x8x128xf32, #tpu.memory_space<hbm>>
        %dma_wait3A_553 = arith.constant 0 : i32
        %dma_wait3A_554 = arith.constant 0 : i32
        %dma_wait3A_555 = arith.constant 0 : i32
        %dma_wait3A_556 = tpu.memref_slice %arg8[%dma_wait3A_534, %dma_wait3A_553, %dma_wait3A_554, %dma_wait3A_555] : memref<5x8x8x128xf32, #tpu.memory_space<vmem>> -> memref<1x8x8x128xf32, #tpu.memory_space<vmem>>
        %dma_wait3A_557 = tpu.memref_squeeze %dma_wait3A_556 : memref<1x8x8x128xf32, #tpu.memory_space<vmem>> -> memref<8x8x128xf32, #tpu.memory_space<vmem>>
        tpu.wait_dma2 semaphore(%dma_wait3A_547 : memref<!tpu.dma_semaphore, #tpu.memory_space<semaphore_mem>>) src(%dma_wait3A_557 : memref<8x8x128xf32, #tpu.memory_space<vmem>>) dst(%dma_wait3A_552 : memref<8x8x128xf32, #tpu.memory_space<hbm>>)
      } else {
      }
      %scan3A_428 = arith.constant 0 : i32
      %scan3A_429 = arith.constant 0 : i32
      %scan3A_430 = arith.constant 128 : i32
      %scan3A_431 = arith.addi %scan3A_429, %scan3A_430 : i32
      %scan3A_432 = arith.constant 4 : i32
      scf.for %scan3A_533 = %scan3A_429 to %scan3A_431 step %scan3A_432  : i32 {
        %broadcast_in_dim3A = vector.broadcast %scan3A_533 : i32 to vector<16xi32>
        %get3A = arith.constant 3 : i32
        %get3A_534 = arith.index_cast %get3A : i32 to index
        %get3A_535 = arith.index_cast %scan3A_533 : i32 to index
        %get3A_536 = arith.constant 0 : index
        %get3A_537 = tpu.vector_load %arg6[%get3A_534, %get3A_535, %get3A_536] {strides = array<i32>} : memref<5x128x64xf32, #tpu.memory_space<vmem>>, vector<16xf32>,
        %mul3A_538 = arith.constant 8.000000e+00 : f32
        %mul3A_539 = vector.broadcast %mul3A_538 : f32 to vector<16xf32>
        %mul3A_540 = arith.mulf %get3A_537, %mul3A_539 : vector<16xf32>
        %get3A_541 = arith.constant 3 : i32
        %get3A_542 = arith.index_cast %get3A_541 : i32 to index
        %get3A_543 = arith.index_cast %scan3A_533 : i32 to index
        %get3A_544 = arith.constant 16 : index
        %get3A_545 = tpu.vector_load %arg6[%get3A_542, %get3A_543, %get3A_544] {strides = array<i32>} : memref<5x128x64xf32, #tpu.memory_space<vmem>>, vector<16xf32>,
        %mul3A_546 = arith.constant 8.000000e+00 : f32
        %mul3A_547 = vector.broadcast %mul3A_546 : f32 to vector<16xf32>
        %mul3A_548 = arith.mulf %get3A_545, %mul3A_547 : vector<16xf32>
        %get3A_549 = arith.constant 3 : i32
        %get3A_550 = arith.index_cast %get3A_549 : i32 to index
        %get3A_551 = arith.index_cast %scan3A_533 : i32 to index
        %get3A_552 = arith.constant 32 : index
        %get3A_553 = tpu.vector_load %arg6[%get3A_550, %get3A_551, %get3A_552] {strides = array<i32>} : memref<5x128x64xf32, #tpu.memory_space<vmem>>, vector<16xf32>,
        %mul3A_554 = arith.constant 8.000000e+00 : f32
        %mul3A_555 = vector.broadcast %mul3A_554 : f32 to vector<16xf32>
        %mul3A_556 = arith.mulf %get3A_553, %mul3A_555 : vector<16xf32>
        %get3A_557 = arith.constant 3 : i32
        %get3A_558 = arith.index_cast %get3A_557 : i32 to index
        %get3A_559 = arith.index_cast %scan3A_533 : i32 to index
        %get3A_560 = arith.constant 48 : index
        %get3A_561 = tpu.vector_load %arg6[%get3A_558, %get3A_559, %get3A_560] {strides = array<i32>} : memref<5x128x64xf32, #tpu.memory_space<vmem>>, vector<16xf32>,
        %mul3A_562 = arith.constant 8.000000e+00 : f32
        %mul3A_563 = vector.broadcast %mul3A_562 : f32 to vector<16xf32>
        %mul3A_564 = arith.mulf %get3A_561, %mul3A_563 : vector<16xf32>
        tpu.vector_store_idx %arg7[%add3A_3, %broadcast_in_dim3A], %mul3A_540 : memref<64x131xf32, #tpu.memory_space<vmem>>[vector<16xi32>, vector<16xi32>], vector<16xf32>,
        tpu.vector_store_idx %arg7[%add3A_6, %broadcast_in_dim3A], %mul3A_548 : memref<64x131xf32, #tpu.memory_space<vmem>>[vector<16xi32>, vector<16xi32>], vector<16xf32>,
        tpu.vector_store_idx %arg7[%add3A_9, %broadcast_in_dim3A], %mul3A_556 : memref<64x131xf32, #tpu.memory_space<vmem>>[vector<16xi32>, vector<16xi32>], vector<16xf32>,
        tpu.vector_store_idx %arg7[%add3A_12, %broadcast_in_dim3A], %mul3A_564 : memref<64x131xf32, #tpu.memory_space<vmem>>[vector<16xi32>, vector<16xi32>], vector<16xf32>,
        %scan3A_565 = arith.constant 1 : i32
        %scan3A_566 = arith.addi %scan3A_533, %scan3A_565 : i32
        %broadcast_in_dim3A_567 = vector.broadcast %scan3A_566 : i32 to vector<16xi32>
        %get3A_568 = arith.constant 3 : i32
        %get3A_569 = arith.index_cast %get3A_568 : i32 to index
        %get3A_570 = arith.index_cast %scan3A_566 : i32 to index
        %get3A_571 = arith.constant 0 : index
        %get3A_572 = tpu.vector_load %arg6[%get3A_569, %get3A_570, %get3A_571] {strides = array<i32>} : memref<5x128x64xf32, #tpu.memory_space<vmem>>, vector<16xf32>,
        %mul3A_573 = arith.constant 8.000000e+00 : f32
        %mul3A_574 = vector.broadcast %mul3A_573 : f32 to vector<16xf32>
        %mul3A_575 = arith.mulf %get3A_572, %mul3A_574 : vector<16xf32>
        %get3A_576 = arith.constant 3 : i32
        %get3A_577 = arith.index_cast %get3A_576 : i32 to index
        %get3A_578 = arith.index_cast %scan3A_566 : i32 to index
        %get3A_579 = arith.constant 16 : index
        %get3A_580 = tpu.vector_load %arg6[%get3A_577, %get3A_578, %get3A_579] {strides = array<i32>} : memref<5x128x64xf32, #tpu.memory_space<vmem>>, vector<16xf32>,
        %mul3A_581 = arith.constant 8.000000e+00 : f32
        %mul3A_582 = vector.broadcast %mul3A_581 : f32 to vector<16xf32>
        %mul3A_583 = arith.mulf %get3A_580, %mul3A_582 : vector<16xf32>
        %get3A_584 = arith.constant 3 : i32
        %get3A_585 = arith.index_cast %get3A_584 : i32 to index
        %get3A_586 = arith.index_cast %scan3A_566 : i32 to index
        %get3A_587 = arith.constant 32 : index
        %get3A_588 = tpu.vector_load %arg6[%get3A_585, %get3A_586, %get3A_587] {strides = array<i32>} : memref<5x128x64xf32, #tpu.memory_space<vmem>>, vector<16xf32>,
        %mul3A_589 = arith.constant 8.000000e+00 : f32
        %mul3A_590 = vector.broadcast %mul3A_589 : f32 to vector<16xf32>
        %mul3A_591 = arith.mulf %get3A_588, %mul3A_590 : vector<16xf32>
        %get3A_592 = arith.constant 3 : i32
        %get3A_593 = arith.index_cast %get3A_592 : i32 to index
        %get3A_594 = arith.index_cast %scan3A_566 : i32 to index
        %get3A_595 = arith.constant 48 : index
        %get3A_596 = tpu.vector_load %arg6[%get3A_593, %get3A_594, %get3A_595] {strides = array<i32>} : memref<5x128x64xf32, #tpu.memory_space<vmem>>, vector<16xf32>,
        %mul3A_597 = arith.constant 8.000000e+00 : f32
        %mul3A_598 = vector.broadcast %mul3A_597 : f32 to vector<16xf32>
        %mul3A_599 = arith.mulf %get3A_596, %mul3A_598 : vector<16xf32>
        tpu.vector_store_idx %arg7[%add3A_3, %broadcast_in_dim3A_567], %mul3A_575 : memref<64x131xf32, #tpu.memory_space<vmem>>[vector<16xi32>, vector<16xi32>], vector<16xf32>,
        tpu.vector_store_idx %arg7[%add3A_6, %broadcast_in_dim3A_567], %mul3A_583 : memref<64x131xf32, #tpu.memory_space<vmem>>[vector<16xi32>, vector<16xi32>], vector<16xf32>,
        tpu.vector_store_idx %arg7[%add3A_9, %broadcast_in_dim3A_567], %mul3A_591 : memref<64x131xf32, #tpu.memory_space<vmem>>[vector<16xi32>, vector<16xi32>], vector<16xf32>,
        tpu.vector_store_idx %arg7[%add3A_12, %broadcast_in_dim3A_567], %mul3A_599 : memref<64x131xf32, #tpu.memory_space<vmem>>[vector<16xi32>, vector<16xi32>], vector<16xf32>,
        %scan3A_600 = arith.constant 2 : i32
        %scan3A_601 = arith.addi %scan3A_533, %scan3A_600 : i32
        %broadcast_in_dim3A_602 = vector.broadcast %scan3A_601 : i32 to vector<16xi32>
        %get3A_603 = arith.constant 3 : i32
        %get3A_604 = arith.index_cast %get3A_603 : i32 to index
        %get3A_605 = arith.index_cast %scan3A_601 : i32 to index
        %get3A_606 = arith.constant 0 : index
        %get3A_607 = tpu.vector_load %arg6[%get3A_604, %get3A_605, %get3A_606] {strides = array<i32>} : memref<5x128x64xf32, #tpu.memory_space<vmem>>, vector<16xf32>,
        %mul3A_608 = arith.constant 8.000000e+00 : f32
        %mul3A_609 = vector.broadcast %mul3A_608 : f32 to vector<16xf32>
        %mul3A_610 = arith.mulf %get3A_607, %mul3A_609 : vector<16xf32>
        %get3A_611 = arith.constant 3 : i32
        %get3A_612 = arith.index_cast %get3A_611 : i32 to index
        %get3A_613 = arith.index_cast %scan3A_601 : i32 to index
        %get3A_614 = arith.constant 16 : index
        %get3A_615 = tpu.vector_load %arg6[%get3A_612, %get3A_613, %get3A_614] {strides = array<i32>} : memref<5x128x64xf32, #tpu.memory_space<vmem>>, vector<16xf32>,
        %mul3A_616 = arith.constant 8.000000e+00 : f32
        %mul3A_617 = vector.broadcast %mul3A_616 : f32 to vector<16xf32>
        %mul3A_618 = arith.mulf %get3A_615, %mul3A_617 : vector<16xf32>
        %get3A_619 = arith.constant 3 : i32
        %get3A_620 = arith.index_cast %get3A_619 : i32 to index
        %get3A_621 = arith.index_cast %scan3A_601 : i32 to index
        %get3A_622 = arith.constant 32 : index
        %get3A_623 = tpu.vector_load %arg6[%get3A_620, %get3A_621, %get3A_622] {strides = array<i32>} : memref<5x128x64xf32, #tpu.memory_space<vmem>>, vector<16xf32>,
        %mul3A_624 = arith.constant 8.000000e+00 : f32
        %mul3A_625 = vector.broadcast %mul3A_624 : f32 to vector<16xf32>
        %mul3A_626 = arith.mulf %get3A_623, %mul3A_625 : vector<16xf32>
        %get3A_627 = arith.constant 3 : i32
        %get3A_628 = arith.index_cast %get3A_627 : i32 to index
        %get3A_629 = arith.index_cast %scan3A_601 : i32 to index
        %get3A_630 = arith.constant 48 : index
        %get3A_631 = tpu.vector_load %arg6[%get3A_628, %get3A_629, %get3A_630] {strides = array<i32>} : memref<5x128x64xf32, #tpu.memory_space<vmem>>, vector<16xf32>,
        %mul3A_632 = arith.constant 8.000000e+00 : f32
        %mul3A_633 = vector.broadcast %mul3A_632 : f32 to vector<16xf32>
        %mul3A_634 = arith.mulf %get3A_631, %mul3A_633 : vector<16xf32>
        tpu.vector_store_idx %arg7[%add3A_3, %broadcast_in_dim3A_602], %mul3A_610 : memref<64x131xf32, #tpu.memory_space<vmem>>[vector<16xi32>, vector<16xi32>], vector<16xf32>,
        tpu.vector_store_idx %arg7[%add3A_6, %broadcast_in_dim3A_602], %mul3A_618 : memref<64x131xf32, #tpu.memory_space<vmem>>[vector<16xi32>, vector<16xi32>], vector<16xf32>,
        tpu.vector_store_idx %arg7[%add3A_9, %broadcast_in_dim3A_602], %mul3A_626 : memref<64x131xf32, #tpu.memory_space<vmem>>[vector<16xi32>, vector<16xi32>], vector<16xf32>,
        tpu.vector_store_idx %arg7[%add3A_12, %broadcast_in_dim3A_602], %mul3A_634 : memref<64x131xf32, #tpu.memory_space<vmem>>[vector<16xi32>, vector<16xi32>], vector<16xf32>,
        %scan3A_635 = arith.constant 3 : i32
        %scan3A_636 = arith.addi %scan3A_533, %scan3A_635 : i32
        %broadcast_in_dim3A_637 = vector.broadcast %scan3A_636 : i32 to vector<16xi32>
        %get3A_638 = arith.constant 3 : i32
        %get3A_639 = arith.index_cast %get3A_638 : i32 to index
        %get3A_640 = arith.index_cast %scan3A_636 : i32 to index
        %get3A_641 = arith.constant 0 : index
        %get3A_642 = tpu.vector_load %arg6[%get3A_639, %get3A_640, %get3A_641] {strides = array<i32>} : memref<5x128x64xf32, #tpu.memory_space<vmem>>, vector<16xf32>,
        %mul3A_643 = arith.constant 8.000000e+00 : f32
        %mul3A_644 = vector.broadcast %mul3A_643 : f32 to vector<16xf32>
        %mul3A_645 = arith.mulf %get3A_642, %mul3A_644 : vector<16xf32>
        %get3A_646 = arith.constant 3 : i32
        %get3A_647 = arith.index_cast %get3A_646 : i32 to index
        %get3A_648 = arith.index_cast %scan3A_636 : i32 to index
        %get3A_649 = arith.constant 16 : index
        %get3A_650 = tpu.vector_load %arg6[%get3A_647, %get3A_648, %get3A_649] {strides = array<i32>} : memref<5x128x64xf32, #tpu.memory_space<vmem>>, vector<16xf32>,
        %mul3A_651 = arith.constant 8.000000e+00 : f32
        %mul3A_652 = vector.broadcast %mul3A_651 : f32 to vector<16xf32>
        %mul3A_653 = arith.mulf %get3A_650, %mul3A_652 : vector<16xf32>
        %get3A_654 = arith.constant 3 : i32
        %get3A_655 = arith.index_cast %get3A_654 : i32 to index
        %get3A_656 = arith.index_cast %scan3A_636 : i32 to index
        %get3A_657 = arith.constant 32 : index
        %get3A_658 = tpu.vector_load %arg6[%get3A_655, %get3A_656, %get3A_657] {strides = array<i32>} : memref<5x128x64xf32, #tpu.memory_space<vmem>>, vector<16xf32>,
        %mul3A_659 = arith.constant 8.000000e+00 : f32
        %mul3A_660 = vector.broadcast %mul3A_659 : f32 to vector<16xf32>
        %mul3A_661 = arith.mulf %get3A_658, %mul3A_660 : vector<16xf32>
        %get3A_662 = arith.constant 3 : i32
        %get3A_663 = arith.index_cast %get3A_662 : i32 to index
        %get3A_664 = arith.index_cast %scan3A_636 : i32 to index
        %get3A_665 = arith.constant 48 : index
        %get3A_666 = tpu.vector_load %arg6[%get3A_663, %get3A_664, %get3A_665] {strides = array<i32>} : memref<5x128x64xf32, #tpu.memory_space<vmem>>, vector<16xf32>,
        %mul3A_667 = arith.constant 8.000000e+00 : f32
        %mul3A_668 = vector.broadcast %mul3A_667 : f32 to vector<16xf32>
        %mul3A_669 = arith.mulf %get3A_666, %mul3A_668 : vector<16xf32>
        tpu.vector_store_idx %arg7[%add3A_3, %broadcast_in_dim3A_637], %mul3A_645 : memref<64x131xf32, #tpu.memory_space<vmem>>[vector<16xi32>, vector<16xi32>], vector<16xf32>,
        tpu.vector_store_idx %arg7[%add3A_6, %broadcast_in_dim3A_637], %mul3A_653 : memref<64x131xf32, #tpu.memory_space<vmem>>[vector<16xi32>, vector<16xi32>], vector<16xf32>,
        tpu.vector_store_idx %arg7[%add3A_9, %broadcast_in_dim3A_637], %mul3A_661 : memref<64x131xf32, #tpu.memory_space<vmem>>[vector<16xi32>, vector<16xi32>], vector<16xf32>,
        tpu.vector_store_idx %arg7[%add3A_12, %broadcast_in_dim3A_637], %mul3A_669 : memref<64x131xf32, #tpu.memory_space<vmem>>[vector<16xi32>, vector<16xi32>], vector<16xf32>,
      }
      %scan3A_433 = arith.constant 128 : i32
      %scan3A_434 = arith.constant 0 : i32
      %scan3A_435 = arith.constant 0 : i32
      %scan3A_436 = arith.constant 64 : i32
      %scan3A_437 = arith.addi %scan3A_435, %scan3A_436 : i32
      %scan3A_438 = arith.constant 4 : i32
      scf.for %scan3A_533 = %scan3A_435 to %scan3A_437 step %scan3A_438  : i32 {
        %jit3A = arith.constant 8 : i32
        %div3A = arith.divsi %scan3A_533, %jit3A : i32
        %sign3A = arith.constant 0 : i32
        %sign3A_534 = arith.cmpi sgt, %scan3A_533, %sign3A : i32
        %sign3A_535 = arith.extui %sign3A_534 : i1 to i32
        %sign3A_536 = arith.constant 0 : i32
        %sign3A_537 = arith.cmpi slt, %scan3A_533, %sign3A_536 : i32
        %sign3A_538 = arith.extui %sign3A_537 : i1 to i32
        %sign3A_539 = arith.subi %sign3A_535, %sign3A_538 : i32
        %sign3A_540 = arith.constant 0 : i32
        %sign3A_541 = arith.cmpi sgt, %jit3A, %sign3A_540 : i32
        %sign3A_542 = arith.extui %sign3A_541 : i1 to i32
        %sign3A_543 = arith.constant 0 : i32
        %sign3A_544 = arith.cmpi slt, %jit3A, %sign3A_543 : i32
        %sign3A_545 = arith.extui %sign3A_544 : i1 to i32
        %sign3A_546 = arith.subi %sign3A_542, %sign3A_545 : i32
        %ne3A = arith.cmpi ne, %sign3A_539, %sign3A_546 : i32
        %rem3A = arith.remsi %scan3A_533, %jit3A : i32
        %ne3A_547 = arith.constant 0 : i32
        %ne3A_548 = arith.cmpi ne, %rem3A, %ne3A_547 : i32
        %and3A = arith.andi %ne3A, %ne3A_548 : i1
        %sub3A = arith.constant 1 : i32
        %sub3A_549 = arith.subi %div3A, %sub3A : i32
        %select_n3A = arith.select %and3A, %sub3A_549, %div3A : i32
        %jit3A_550 = arith.constant 8 : i32
        %eq3A = arith.constant 0 : i32
        %eq3A_551 = arith.cmpi eq, %jit3A_550, %eq3A : i32
        %jit3A_552 = arith.constant 1 : i32
        %select_n3A_553 = arith.select %eq3A_551, %jit3A_552, %jit3A_550 : i32
        %rem3A_554 = arith.remsi %scan3A_533, %select_n3A_553 : i32
        %ne3A_555 = arith.constant 0 : i32
        %ne3A_556 = arith.cmpi ne, %rem3A_554, %ne3A_555 : i32
        %lt3A_557 = arith.constant 0 : i32
        %lt3A_558 = arith.cmpi slt, %rem3A_554, %lt3A_557 : i32
        %lt3A_559 = arith.constant 0 : i32
        %lt3A_560 = arith.cmpi slt, %select_n3A_553, %lt3A_559 : i32
        %ne3A_561 = arith.xori %lt3A_558, %lt3A_560 : i1
        %and3A_562 = arith.andi %ne3A_561, %ne3A_556 : i1
        %add3A_563 = arith.addi %rem3A_554, %select_n3A_553 : i32
        %select_n3A_564 = arith.select %and3A_562, %add3A_563, %rem3A_554 : i32
        %get3A = arith.index_cast %scan3A_533 : i32 to index
        %get3A_565 = arith.constant 0 : index
        %get3A_566 = tpu.vector_load %arg7[%get3A, %get3A_565] {strides = array<i32>} : memref<64x131xf32, #tpu.memory_space<vmem>>, vector<16xf32>,
        %get3A_567 = arith.index_cast %scan3A_533 : i32 to index
        %get3A_568 = arith.constant 16 : index
        %get3A_569 = tpu.vector_load %arg7[%get3A_567, %get3A_568] {strides = array<i32>} : memref<64x131xf32, #tpu.memory_space<vmem>>, vector<16xf32>,
        %get3A_570 = arith.index_cast %scan3A_533 : i32 to index
        %get3A_571 = arith.constant 32 : index
        %get3A_572 = tpu.vector_load %arg7[%get3A_570, %get3A_571] {strides = array<i32>} : memref<64x131xf32, #tpu.memory_space<vmem>>, vector<16xf32>,
        %get3A_573 = arith.index_cast %scan3A_533 : i32 to index
        %get3A_574 = arith.constant 48 : index
        %get3A_575 = tpu.vector_load %arg7[%get3A_573, %get3A_574] {strides = array<i32>} : memref<64x131xf32, #tpu.memory_space<vmem>>, vector<16xf32>,
        %get3A_576 = arith.index_cast %scan3A_533 : i32 to index
        %get3A_577 = arith.constant 64 : index
        %get3A_578 = tpu.vector_load %arg7[%get3A_576, %get3A_577] {strides = array<i32>} : memref<64x131xf32, #tpu.memory_space<vmem>>, vector<16xf32>,
        %get3A_579 = arith.index_cast %scan3A_533 : i32 to index
        %get3A_580 = arith.constant 80 : index
        %get3A_581 = tpu.vector_load %arg7[%get3A_579, %get3A_580] {strides = array<i32>} : memref<64x131xf32, #tpu.memory_space<vmem>>, vector<16xf32>,
        %get3A_582 = arith.index_cast %scan3A_533 : i32 to index
        %get3A_583 = arith.constant 96 : index
        %get3A_584 = tpu.vector_load %arg7[%get3A_582, %get3A_583] {strides = array<i32>} : memref<64x131xf32, #tpu.memory_space<vmem>>, vector<16xf32>,
        %get3A_585 = arith.index_cast %scan3A_533 : i32 to index
        %get3A_586 = arith.constant 112 : index
        %get3A_587 = tpu.vector_load %arg7[%get3A_585, %get3A_586] {strides = array<i32>} : memref<64x131xf32, #tpu.memory_space<vmem>>, vector<16xf32>,
        %swap3A = arith.constant 3 : i32
        %swap3A_588 = arith.index_cast %swap3A : i32 to index
        %swap3A_589 = arith.index_cast %select_n3A : i32 to index
        %swap3A_590 = arith.index_cast %select_n3A_564 : i32 to index
        %swap3A_591 = arith.constant 0 : index
        %swap3A_592 = tpu.vector_load %arg8[%swap3A_588, %swap3A_589, %swap3A_590, %swap3A_591] {strides = array<i32>} : memref<5x8x8x128xf32, #tpu.memory_space<vmem>>, vector<16xf32>,
        tpu.vector_store %arg8[%swap3A_588, %swap3A_589, %swap3A_590, %swap3A_591], %get3A_566 {strides = array<i32>} : memref<5x8x8x128xf32, #tpu.memory_space<vmem>>, vector<16xf32>,
        %swap3A_593 = arith.constant 3 : i32
        %swap3A_594 = arith.index_cast %swap3A_593 : i32 to index
        %swap3A_595 = arith.index_cast %select_n3A : i32 to index
        %swap3A_596 = arith.index_cast %select_n3A_564 : i32 to index
        %swap3A_597 = arith.constant 16 : index
        %swap3A_598 = tpu.vector_load %arg8[%swap3A_594, %swap3A_595, %swap3A_596, %swap3A_597] {strides = array<i32>} : memref<5x8x8x128xf32, #tpu.memory_space<vmem>>, vector<16xf32>,
        tpu.vector_store %arg8[%swap3A_594, %swap3A_595, %swap3A_596, %swap3A_597], %get3A_569 {strides = array<i32>} : memref<5x8x8x128xf32, #tpu.memory_space<vmem>>, vector<16xf32>,
        %swap3A_599 = arith.constant 3 : i32
        %swap3A_600 = arith.index_cast %swap3A_599 : i32 to index
        %swap3A_601 = arith.index_cast %select_n3A : i32 to index
        %swap3A_602 = arith.index_cast %select_n3A_564 : i32 to index
        %swap3A_603 = arith.constant 32 : index
        %swap3A_604 = tpu.vector_load %arg8[%swap3A_600, %swap3A_601, %swap3A_602, %swap3A_603] {strides = array<i32>} : memref<5x8x8x128xf32, #tpu.memory_space<vmem>>, vector<16xf32>,
        tpu.vector_store %arg8[%swap3A_600, %swap3A_601, %swap3A_602, %swap3A_603], %get3A_572 {strides = array<i32>} : memref<5x8x8x128xf32, #tpu.memory_space<vmem>>, vector<16xf32>,
        %swap3A_605 = arith.constant 3 : i32
        %swap3A_606 = arith.index_cast %swap3A_605 : i32 to index
        %swap3A_607 = arith.index_cast %select_n3A : i32 to index
        %swap3A_608 = arith.index_cast %select_n3A_564 : i32 to index
        %swap3A_609 = arith.constant 48 : index
        %swap3A_610 = tpu.vector_load %arg8[%swap3A_606, %swap3A_607, %swap3A_608, %swap3A_609] {strides = array<i32>} : memref<5x8x8x128xf32, #tpu.memory_space<vmem>>, vector<16xf32>,
        tpu.vector_store %arg8[%swap3A_606, %swap3A_607, %swap3A_608, %swap3A_609], %get3A_575 {strides = array<i32>} : memref<5x8x8x128xf32, #tpu.memory_space<vmem>>, vector<16xf32>,
        %swap3A_611 = arith.constant 3 : i32
        %swap3A_612 = arith.index_cast %swap3A_611 : i32 to index
        %swap3A_613 = arith.index_cast %select_n3A : i32 to index
        %swap3A_614 = arith.index_cast %select_n3A_564 : i32 to index
        %swap3A_615 = arith.constant 64 : index
        %swap3A_616 = tpu.vector_load %arg8[%swap3A_612, %swap3A_613, %swap3A_614, %swap3A_615] {strides = array<i32>} : memref<5x8x8x128xf32, #tpu.memory_space<vmem>>, vector<16xf32>,
        tpu.vector_store %arg8[%swap3A_612, %swap3A_613, %swap3A_614, %swap3A_615], %get3A_578 {strides = array<i32>} : memref<5x8x8x128xf32, #tpu.memory_space<vmem>>, vector<16xf32>,
        %swap3A_617 = arith.constant 3 : i32
        %swap3A_618 = arith.index_cast %swap3A_617 : i32 to index
        %swap3A_619 = arith.index_cast %select_n3A : i32 to index
        %swap3A_620 = arith.index_cast %select_n3A_564 : i32 to index
        %swap3A_621 = arith.constant 80 : index
        %swap3A_622 = tpu.vector_load %arg8[%swap3A_618, %swap3A_619, %swap3A_620, %swap3A_621] {strides = array<i32>} : memref<5x8x8x128xf32, #tpu.memory_space<vmem>>, vector<16xf32>,
        tpu.vector_store %arg8[%swap3A_618, %swap3A_619, %swap3A_620, %swap3A_621], %get3A_581 {strides = array<i32>} : memref<5x8x8x128xf32, #tpu.memory_space<vmem>>, vector<16xf32>,
        %swap3A_623 = arith.constant 3 : i32
        %swap3A_624 = arith.index_cast %swap3A_623 : i32 to index
        %swap3A_625 = arith.index_cast %select_n3A : i32 to index
        %swap3A_626 = arith.index_cast %select_n3A_564 : i32 to index
        %swap3A_627 = arith.constant 96 : index
        %swap3A_628 = tpu.vector_load %arg8[%swap3A_624, %swap3A_625, %swap3A_626, %swap3A_627] {strides = array<i32>} : memref<5x8x8x128xf32, #tpu.memory_space<vmem>>, vector<16xf32>,
        tpu.vector_store %arg8[%swap3A_624, %swap3A_625, %swap3A_626, %swap3A_627], %get3A_584 {strides = array<i32>} : memref<5x8x8x128xf32, #tpu.memory_space<vmem>>, vector<16xf32>,
        %swap3A_629 = arith.constant 3 : i32
        %swap3A_630 = arith.index_cast %swap3A_629 : i32 to index
        %swap3A_631 = arith.index_cast %select_n3A : i32 to index
        %swap3A_632 = arith.index_cast %select_n3A_564 : i32 to index
        %swap3A_633 = arith.constant 112 : index
        %swap3A_634 = tpu.vector_load %arg8[%swap3A_630, %swap3A_631, %swap3A_632, %swap3A_633] {strides = array<i32>} : memref<5x8x8x128xf32, #tpu.memory_space<vmem>>, vector<16xf32>,
        tpu.vector_store %arg8[%swap3A_630, %swap3A_631, %swap3A_632, %swap3A_633], %get3A_587 {strides = array<i32>} : memref<5x8x8x128xf32, #tpu.memory_space<vmem>>, vector<16xf32>,
        %scan3A_635 = arith.constant 1 : i32
        %scan3A_636 = arith.addi %scan3A_533, %scan3A_635 : i32
        %jit3A_637 = arith.constant 8 : i32
        %div3A_638 = arith.divsi %scan3A_636, %jit3A_637 : i32
        %sign3A_639 = arith.constant 0 : i32
        %sign3A_640 = arith.cmpi sgt, %scan3A_636, %sign3A_639 : i32
        %sign3A_641 = arith.extui %sign3A_640 : i1 to i32
        %sign3A_642 = arith.constant 0 : i32
        %sign3A_643 = arith.cmpi slt, %scan3A_636, %sign3A_642 : i32
        %sign3A_644 = arith.extui %sign3A_643 : i1 to i32
        %sign3A_645 = arith.subi %sign3A_641, %sign3A_644 : i32
        %sign3A_646 = arith.constant 0 : i32
        %sign3A_647 = arith.cmpi sgt, %jit3A_637, %sign3A_646 : i32
        %sign3A_648 = arith.extui %sign3A_647 : i1 to i32
        %sign3A_649 = arith.constant 0 : i32
        %sign3A_650 = arith.cmpi slt, %jit3A_637, %sign3A_649 : i32
        %sign3A_651 = arith.extui %sign3A_650 : i1 to i32
        %sign3A_652 = arith.subi %sign3A_648, %sign3A_651 : i32
        %ne3A_653 = arith.cmpi ne, %sign3A_645, %sign3A_652 : i32
        %rem3A_654 = arith.remsi %scan3A_636, %jit3A_637 : i32
        %ne3A_655 = arith.constant 0 : i32
        %ne3A_656 = arith.cmpi ne, %rem3A_654, %ne3A_655 : i32
        %and3A_657 = arith.andi %ne3A_653, %ne3A_656 : i1
        %sub3A_658 = arith.constant 1 : i32
        %sub3A_659 = arith.subi %div3A_638, %sub3A_658 : i32
        %select_n3A_660 = arith.select %and3A_657, %sub3A_659, %div3A_638 : i32
        %jit3A_661 = arith.constant 8 : i32
        %eq3A_662 = arith.constant 0 : i32
        %eq3A_663 = arith.cmpi eq, %jit3A_661, %eq3A_662 : i32
        %jit3A_664 = arith.constant 1 : i32
        %select_n3A_665 = arith.select %eq3A_663, %jit3A_664, %jit3A_661 : i32
        %rem3A_666 = arith.remsi %scan3A_636, %select_n3A_665 : i32
        %ne3A_667 = arith.constant 0 : i32
        %ne3A_668 = arith.cmpi ne, %rem3A_666, %ne3A_667 : i32
        %lt3A_669 = arith.constant 0 : i32
        %lt3A_670 = arith.cmpi slt, %rem3A_666, %lt3A_669 : i32
        %lt3A_671 = arith.constant 0 : i32
        %lt3A_672 = arith.cmpi slt, %select_n3A_665, %lt3A_671 : i32
        %ne3A_673 = arith.xori %lt3A_670, %lt3A_672 : i1
        %and3A_674 = arith.andi %ne3A_673, %ne3A_668 : i1
        %add3A_675 = arith.addi %rem3A_666, %select_n3A_665 : i32
        %select_n3A_676 = arith.select %and3A_674, %add3A_675, %rem3A_666 : i32
        %get3A_677 = arith.index_cast %scan3A_636 : i32 to index
        %get3A_678 = arith.constant 0 : index
        %get3A_679 = tpu.vector_load %arg7[%get3A_677, %get3A_678] {strides = array<i32>} : memref<64x131xf32, #tpu.memory_space<vmem>>, vector<16xf32>,
        %get3A_680 = arith.index_cast %scan3A_636 : i32 to index
        %get3A_681 = arith.constant 16 : index
        %get3A_682 = tpu.vector_load %arg7[%get3A_680, %get3A_681] {strides = array<i32>} : memref<64x131xf32, #tpu.memory_space<vmem>>, vector<16xf32>,
        %get3A_683 = arith.index_cast %scan3A_636 : i32 to index
        %get3A_684 = arith.constant 32 : index
        %get3A_685 = tpu.vector_load %arg7[%get3A_683, %get3A_684] {strides = array<i32>} : memref<64x131xf32, #tpu.memory_space<vmem>>, vector<16xf32>,
        %get3A_686 = arith.index_cast %scan3A_636 : i32 to index
        %get3A_687 = arith.constant 48 : index
        %get3A_688 = tpu.vector_load %arg7[%get3A_686, %get3A_687] {strides = array<i32>} : memref<64x131xf32, #tpu.memory_space<vmem>>, vector<16xf32>,
        %get3A_689 = arith.index_cast %scan3A_636 : i32 to index
        %get3A_690 = arith.constant 64 : index
        %get3A_691 = tpu.vector_load %arg7[%get3A_689, %get3A_690] {strides = array<i32>} : memref<64x131xf32, #tpu.memory_space<vmem>>, vector<16xf32>,
        %get3A_692 = arith.index_cast %scan3A_636 : i32 to index
        %get3A_693 = arith.constant 80 : index
        %get3A_694 = tpu.vector_load %arg7[%get3A_692, %get3A_693] {strides = array<i32>} : memref<64x131xf32, #tpu.memory_space<vmem>>, vector<16xf32>,
        %get3A_695 = arith.index_cast %scan3A_636 : i32 to index
        %get3A_696 = arith.constant 96 : index
        %get3A_697 = tpu.vector_load %arg7[%get3A_695, %get3A_696] {strides = array<i32>} : memref<64x131xf32, #tpu.memory_space<vmem>>, vector<16xf32>,
        %get3A_698 = arith.index_cast %scan3A_636 : i32 to index
        %get3A_699 = arith.constant 112 : index
        %get3A_700 = tpu.vector_load %arg7[%get3A_698, %get3A_699] {strides = array<i32>} : memref<64x131xf32, #tpu.memory_space<vmem>>, vector<16xf32>,
        %swap3A_701 = arith.constant 3 : i32
        %swap3A_702 = arith.index_cast %swap3A_701 : i32 to index
        %swap3A_703 = arith.index_cast %select_n3A_660 : i32 to index
        %swap3A_704 = arith.index_cast %select_n3A_676 : i32 to index
        %swap3A_705 = arith.constant 0 : index
        %swap3A_706 = tpu.vector_load %arg8[%swap3A_702, %swap3A_703, %swap3A_704, %swap3A_705] {strides = array<i32>} : memref<5x8x8x128xf32, #tpu.memory_space<vmem>>, vector<16xf32>,
        tpu.vector_store %arg8[%swap3A_702, %swap3A_703, %swap3A_704, %swap3A_705], %get3A_679 {strides = array<i32>} : memref<5x8x8x128xf32, #tpu.memory_space<vmem>>, vector<16xf32>,
        %swap3A_707 = arith.constant 3 : i32
        %swap3A_708 = arith.index_cast %swap3A_707 : i32 to index
        %swap3A_709 = arith.index_cast %select_n3A_660 : i32 to index
        %swap3A_710 = arith.index_cast %select_n3A_676 : i32 to index
        %swap3A_711 = arith.constant 16 : index
        %swap3A_712 = tpu.vector_load %arg8[%swap3A_708, %swap3A_709, %swap3A_710, %swap3A_711] {strides = array<i32>} : memref<5x8x8x128xf32, #tpu.memory_space<vmem>>, vector<16xf32>,
        tpu.vector_store %arg8[%swap3A_708, %swap3A_709, %swap3A_710, %swap3A_711], %get3A_682 {strides = array<i32>} : memref<5x8x8x128xf32, #tpu.memory_space<vmem>>, vector<16xf32>,
        %swap3A_713 = arith.constant 3 : i32
        %swap3A_714 = arith.index_cast %swap3A_713 : i32 to index
        %swap3A_715 = arith.index_cast %select_n3A_660 : i32 to index
        %swap3A_716 = arith.index_cast %select_n3A_676 : i32 to index
        %swap3A_717 = arith.constant 32 : index
        %swap3A_718 = tpu.vector_load %arg8[%swap3A_714, %swap3A_715, %swap3A_716, %swap3A_717] {strides = array<i32>} : memref<5x8x8x128xf32, #tpu.memory_space<vmem>>, vector<16xf32>,
        tpu.vector_store %arg8[%swap3A_714, %swap3A_715, %swap3A_716, %swap3A_717], %get3A_685 {strides = array<i32>} : memref<5x8x8x128xf32, #tpu.memory_space<vmem>>, vector<16xf32>,
        %swap3A_719 = arith.constant 3 : i32
        %swap3A_720 = arith.index_cast %swap3A_719 : i32 to index
        %swap3A_721 = arith.index_cast %select_n3A_660 : i32 to index
        %swap3A_722 = arith.index_cast %select_n3A_676 : i32 to index
        %swap3A_723 = arith.constant 48 : index
        %swap3A_724 = tpu.vector_load %arg8[%swap3A_720, %swap3A_721, %swap3A_722, %swap3A_723] {strides = array<i32>} : memref<5x8x8x128xf32, #tpu.memory_space<vmem>>, vector<16xf32>,
        tpu.vector_store %arg8[%swap3A_720, %swap3A_721, %swap3A_722, %swap3A_723], %get3A_688 {strides = array<i32>} : memref<5x8x8x128xf32, #tpu.memory_space<vmem>>, vector<16xf32>,
        %swap3A_725 = arith.constant 3 : i32
        %swap3A_726 = arith.index_cast %swap3A_725 : i32 to index
        %swap3A_727 = arith.index_cast %select_n3A_660 : i32 to index
        %swap3A_728 = arith.index_cast %select_n3A_676 : i32 to index
        %swap3A_729 = arith.constant 64 : index
        %swap3A_730 = tpu.vector_load %arg8[%swap3A_726, %swap3A_727, %swap3A_728, %swap3A_729] {strides = array<i32>} : memref<5x8x8x128xf32, #tpu.memory_space<vmem>>, vector<16xf32>,
        tpu.vector_store %arg8[%swap3A_726, %swap3A_727, %swap3A_728, %swap3A_729], %get3A_691 {strides = array<i32>} : memref<5x8x8x128xf32, #tpu.memory_space<vmem>>, vector<16xf32>,
        %swap3A_731 = arith.constant 3 : i32
        %swap3A_732 = arith.index_cast %swap3A_731 : i32 to index
        %swap3A_733 = arith.index_cast %select_n3A_660 : i32 to index
        %swap3A_734 = arith.index_cast %select_n3A_676 : i32 to index
        %swap3A_735 = arith.constant 80 : index
        %swap3A_736 = tpu.vector_load %arg8[%swap3A_732, %swap3A_733, %swap3A_734, %swap3A_735] {strides = array<i32>} : memref<5x8x8x128xf32, #tpu.memory_space<vmem>>, vector<16xf32>,
        tpu.vector_store %arg8[%swap3A_732, %swap3A_733, %swap3A_734, %swap3A_735], %get3A_694 {strides = array<i32>} : memref<5x8x8x128xf32, #tpu.memory_space<vmem>>, vector<16xf32>,
        %swap3A_737 = arith.constant 3 : i32
        %swap3A_738 = arith.index_cast %swap3A_737 : i32 to index
        %swap3A_739 = arith.index_cast %select_n3A_660 : i32 to index
        %swap3A_740 = arith.index_cast %select_n3A_676 : i32 to index
        %swap3A_741 = arith.constant 96 : index
        %swap3A_742 = tpu.vector_load %arg8[%swap3A_738, %swap3A_739, %swap3A_740, %swap3A_741] {strides = array<i32>} : memref<5x8x8x128xf32, #tpu.memory_space<vmem>>, vector<16xf32>,
        tpu.vector_store %arg8[%swap3A_738, %swap3A_739, %swap3A_740, %swap3A_741], %get3A_697 {strides = array<i32>} : memref<5x8x8x128xf32, #tpu.memory_space<vmem>>, vector<16xf32>,
        %swap3A_743 = arith.constant 3 : i32
        %swap3A_744 = arith.index_cast %swap3A_743 : i32 to index
        %swap3A_745 = arith.index_cast %select_n3A_660 : i32 to index
        %swap3A_746 = arith.index_cast %select_n3A_676 : i32 to index
        %swap3A_747 = arith.constant 112 : index
        %swap3A_748 = tpu.vector_load %arg8[%swap3A_744, %swap3A_745, %swap3A_746, %swap3A_747] {strides = array<i32>} : memref<5x8x8x128xf32, #tpu.memory_space<vmem>>, vector<16xf32>,
        tpu.vector_store %arg8[%swap3A_744, %swap3A_745, %swap3A_746, %swap3A_747], %get3A_700 {strides = array<i32>} : memref<5x8x8x128xf32, #tpu.memory_space<vmem>>, vector<16xf32>,
        %scan3A_749 = arith.constant 2 : i32
        %scan3A_750 = arith.addi %scan3A_533, %scan3A_749 : i32
        %jit3A_751 = arith.constant 8 : i32
        %div3A_752 = arith.divsi %scan3A_750, %jit3A_751 : i32
        %sign3A_753 = arith.constant 0 : i32
        %sign3A_754 = arith.cmpi sgt, %scan3A_750, %sign3A_753 : i32
        %sign3A_755 = arith.extui %sign3A_754 : i1 to i32
        %sign3A_756 = arith.constant 0 : i32
        %sign3A_757 = arith.cmpi slt, %scan3A_750, %sign3A_756 : i32
        %sign3A_758 = arith.extui %sign3A_757 : i1 to i32
        %sign3A_759 = arith.subi %sign3A_755, %sign3A_758 : i32
        %sign3A_760 = arith.constant 0 : i32
        %sign3A_761 = arith.cmpi sgt, %jit3A_751, %sign3A_760 : i32
        %sign3A_762 = arith.extui %sign3A_761 : i1 to i32
        %sign3A_763 = arith.constant 0 : i32
        %sign3A_764 = arith.cmpi slt, %jit3A_751, %sign3A_763 : i32
        %sign3A_765 = arith.extui %sign3A_764 : i1 to i32
        %sign3A_766 = arith.subi %sign3A_762, %sign3A_765 : i32
        %ne3A_767 = arith.cmpi ne, %sign3A_759, %sign3A_766 : i32
        %rem3A_768 = arith.remsi %scan3A_750, %jit3A_751 : i32
        %ne3A_769 = arith.constant 0 : i32
        %ne3A_770 = arith.cmpi ne, %rem3A_768, %ne3A_769 : i32
        %and3A_771 = arith.andi %ne3A_767, %ne3A_770 : i1
        %sub3A_772 = arith.constant 1 : i32
        %sub3A_773 = arith.subi %div3A_752, %sub3A_772 : i32
        %select_n3A_774 = arith.select %and3A_771, %sub3A_773, %div3A_752 : i32
        %jit3A_775 = arith.constant 8 : i32
        %eq3A_776 = arith.constant 0 : i32
        %eq3A_777 = arith.cmpi eq, %jit3A_775, %eq3A_776 : i32
        %jit3A_778 = arith.constant 1 : i32
        %select_n3A_779 = arith.select %eq3A_777, %jit3A_778, %jit3A_775 : i32
        %rem3A_780 = arith.remsi %scan3A_750, %select_n3A_779 : i32
        %ne3A_781 = arith.constant 0 : i32
        %ne3A_782 = arith.cmpi ne, %rem3A_780, %ne3A_781 : i32
        %lt3A_783 = arith.constant 0 : i32
        %lt3A_784 = arith.cmpi slt, %rem3A_780, %lt3A_783 : i32
        %lt3A_785 = arith.constant 0 : i32
        %lt3A_786 = arith.cmpi slt, %select_n3A_779, %lt3A_785 : i32
        %ne3A_787 = arith.xori %lt3A_784, %lt3A_786 : i1
        %and3A_788 = arith.andi %ne3A_787, %ne3A_782 : i1
        %add3A_789 = arith.addi %rem3A_780, %select_n3A_779 : i32
        %select_n3A_790 = arith.select %and3A_788, %add3A_789, %rem3A_780 : i32
        %get3A_791 = arith.index_cast %scan3A_750 : i32 to index
        %get3A_792 = arith.constant 0 : index
        %get3A_793 = tpu.vector_load %arg7[%get3A_791, %get3A_792] {strides = array<i32>} : memref<64x131xf32, #tpu.memory_space<vmem>>, vector<16xf32>,
        %get3A_794 = arith.index_cast %scan3A_750 : i32 to index
        %get3A_795 = arith.constant 16 : index
        %get3A_796 = tpu.vector_load %arg7[%get3A_794, %get3A_795] {strides = array<i32>} : memref<64x131xf32, #tpu.memory_space<vmem>>, vector<16xf32>,
        %get3A_797 = arith.index_cast %scan3A_750 : i32 to index
        %get3A_798 = arith.constant 32 : index
        %get3A_799 = tpu.vector_load %arg7[%get3A_797, %get3A_798] {strides = array<i32>} : memref<64x131xf32, #tpu.memory_space<vmem>>, vector<16xf32>,
        %get3A_800 = arith.index_cast %scan3A_750 : i32 to index
        %get3A_801 = arith.constant 48 : index
        %get3A_802 = tpu.vector_load %arg7[%get3A_800, %get3A_801] {strides = array<i32>} : memref<64x131xf32, #tpu.memory_space<vmem>>, vector<16xf32>,
        %get3A_803 = arith.index_cast %scan3A_750 : i32 to index
        %get3A_804 = arith.constant 64 : index
        %get3A_805 = tpu.vector_load %arg7[%get3A_803, %get3A_804] {strides = array<i32>} : memref<64x131xf32, #tpu.memory_space<vmem>>, vector<16xf32>,
        %get3A_806 = arith.index_cast %scan3A_750 : i32 to index
        %get3A_807 = arith.constant 80 : index
        %get3A_808 = tpu.vector_load %arg7[%get3A_806, %get3A_807] {strides = array<i32>} : memref<64x131xf32, #tpu.memory_space<vmem>>, vector<16xf32>,
        %get3A_809 = arith.index_cast %scan3A_750 : i32 to index
        %get3A_810 = arith.constant 96 : index
        %get3A_811 = tpu.vector_load %arg7[%get3A_809, %get3A_810] {strides = array<i32>} : memref<64x131xf32, #tpu.memory_space<vmem>>, vector<16xf32>,
        %get3A_812 = arith.index_cast %scan3A_750 : i32 to index
        %get3A_813 = arith.constant 112 : index
        %get3A_814 = tpu.vector_load %arg7[%get3A_812, %get3A_813] {strides = array<i32>} : memref<64x131xf32, #tpu.memory_space<vmem>>, vector<16xf32>,
        %swap3A_815 = arith.constant 3 : i32
        %swap3A_816 = arith.index_cast %swap3A_815 : i32 to index
        %swap3A_817 = arith.index_cast %select_n3A_774 : i32 to index
        %swap3A_818 = arith.index_cast %select_n3A_790 : i32 to index
        %swap3A_819 = arith.constant 0 : index
        %swap3A_820 = tpu.vector_load %arg8[%swap3A_816, %swap3A_817, %swap3A_818, %swap3A_819] {strides = array<i32>} : memref<5x8x8x128xf32, #tpu.memory_space<vmem>>, vector<16xf32>,
        tpu.vector_store %arg8[%swap3A_816, %swap3A_817, %swap3A_818, %swap3A_819], %get3A_793 {strides = array<i32>} : memref<5x8x8x128xf32, #tpu.memory_space<vmem>>, vector<16xf32>,
        %swap3A_821 = arith.constant 3 : i32
        %swap3A_822 = arith.index_cast %swap3A_821 : i32 to index
        %swap3A_823 = arith.index_cast %select_n3A_774 : i32 to index
        %swap3A_824 = arith.index_cast %select_n3A_790 : i32 to index
        %swap3A_825 = arith.constant 16 : index
        %swap3A_826 = tpu.vector_load %arg8[%swap3A_822, %swap3A_823, %swap3A_824, %swap3A_825] {strides = array<i32>} : memref<5x8x8x128xf32, #tpu.memory_space<vmem>>, vector<16xf32>,
        tpu.vector_store %arg8[%swap3A_822, %swap3A_823, %swap3A_824, %swap3A_825], %get3A_796 {strides = array<i32>} : memref<5x8x8x128xf32, #tpu.memory_space<vmem>>, vector<16xf32>,
        %swap3A_827 = arith.constant 3 : i32
        %swap3A_828 = arith.index_cast %swap3A_827 : i32 to index
        %swap3A_829 = arith.index_cast %select_n3A_774 : i32 to index
        %swap3A_830 = arith.index_cast %select_n3A_790 : i32 to index
        %swap3A_831 = arith.constant 32 : index
        %swap3A_832 = tpu.vector_load %arg8[%swap3A_828, %swap3A_829, %swap3A_830, %swap3A_831] {strides = array<i32>} : memref<5x8x8x128xf32, #tpu.memory_space<vmem>>, vector<16xf32>,
        tpu.vector_store %arg8[%swap3A_828, %swap3A_829, %swap3A_830, %swap3A_831], %get3A_799 {strides = array<i32>} : memref<5x8x8x128xf32, #tpu.memory_space<vmem>>, vector<16xf32>,
        %swap3A_833 = arith.constant 3 : i32
        %swap3A_834 = arith.index_cast %swap3A_833 : i32 to index
        %swap3A_835 = arith.index_cast %select_n3A_774 : i32 to index
        %swap3A_836 = arith.index_cast %select_n3A_790 : i32 to index
        %swap3A_837 = arith.constant 48 : index
        %swap3A_838 = tpu.vector_load %arg8[%swap3A_834, %swap3A_835, %swap3A_836, %swap3A_837] {strides = array<i32>} : memref<5x8x8x128xf32, #tpu.memory_space<vmem>>, vector<16xf32>,
        tpu.vector_store %arg8[%swap3A_834, %swap3A_835, %swap3A_836, %swap3A_837], %get3A_802 {strides = array<i32>} : memref<5x8x8x128xf32, #tpu.memory_space<vmem>>, vector<16xf32>,
        %swap3A_839 = arith.constant 3 : i32
        %swap3A_840 = arith.index_cast %swap3A_839 : i32 to index
        %swap3A_841 = arith.index_cast %select_n3A_774 : i32 to index
        %swap3A_842 = arith.index_cast %select_n3A_790 : i32 to index
        %swap3A_843 = arith.constant 64 : index
        %swap3A_844 = tpu.vector_load %arg8[%swap3A_840, %swap3A_841, %swap3A_842, %swap3A_843] {strides = array<i32>} : memref<5x8x8x128xf32, #tpu.memory_space<vmem>>, vector<16xf32>,
        tpu.vector_store %arg8[%swap3A_840, %swap3A_841, %swap3A_842, %swap3A_843], %get3A_805 {strides = array<i32>} : memref<5x8x8x128xf32, #tpu.memory_space<vmem>>, vector<16xf32>,
        %swap3A_845 = arith.constant 3 : i32
        %swap3A_846 = arith.index_cast %swap3A_845 : i32 to index
        %swap3A_847 = arith.index_cast %select_n3A_774 : i32 to index
        %swap3A_848 = arith.index_cast %select_n3A_790 : i32 to index
        %swap3A_849 = arith.constant 80 : index
        %swap3A_850 = tpu.vector_load %arg8[%swap3A_846, %swap3A_847, %swap3A_848, %swap3A_849] {strides = array<i32>} : memref<5x8x8x128xf32, #tpu.memory_space<vmem>>, vector<16xf32>,
        tpu.vector_store %arg8[%swap3A_846, %swap3A_847, %swap3A_848, %swap3A_849], %get3A_808 {strides = array<i32>} : memref<5x8x8x128xf32, #tpu.memory_space<vmem>>, vector<16xf32>,
        %swap3A_851 = arith.constant 3 : i32
        %swap3A_852 = arith.index_cast %swap3A_851 : i32 to index
        %swap3A_853 = arith.index_cast %select_n3A_774 : i32 to index
        %swap3A_854 = arith.index_cast %select_n3A_790 : i32 to index
        %swap3A_855 = arith.constant 96 : index
        %swap3A_856 = tpu.vector_load %arg8[%swap3A_852, %swap3A_853, %swap3A_854, %swap3A_855] {strides = array<i32>} : memref<5x8x8x128xf32, #tpu.memory_space<vmem>>, vector<16xf32>,
        tpu.vector_store %arg8[%swap3A_852, %swap3A_853, %swap3A_854, %swap3A_855], %get3A_811 {strides = array<i32>} : memref<5x8x8x128xf32, #tpu.memory_space<vmem>>, vector<16xf32>,
        %swap3A_857 = arith.constant 3 : i32
        %swap3A_858 = arith.index_cast %swap3A_857 : i32 to index
        %swap3A_859 = arith.index_cast %select_n3A_774 : i32 to index
        %swap3A_860 = arith.index_cast %select_n3A_790 : i32 to index
        %swap3A_861 = arith.constant 112 : index
        %swap3A_862 = tpu.vector_load %arg8[%swap3A_858, %swap3A_859, %swap3A_860, %swap3A_861] {strides = array<i32>} : memref<5x8x8x128xf32, #tpu.memory_space<vmem>>, vector<16xf32>,
        tpu.vector_store %arg8[%swap3A_858, %swap3A_859, %swap3A_860, %swap3A_861], %get3A_814 {strides = array<i32>} : memref<5x8x8x128xf32, #tpu.memory_space<vmem>>, vector<16xf32>,
        %scan3A_863 = arith.constant 3 : i32
        %scan3A_864 = arith.addi %scan3A_533, %scan3A_863 : i32
        %jit3A_865 = arith.constant 8 : i32
        %div3A_866 = arith.divsi %scan3A_864, %jit3A_865 : i32
        %sign3A_867 = arith.constant 0 : i32
        %sign3A_868 = arith.cmpi sgt, %scan3A_864, %sign3A_867 : i32
        %sign3A_869 = arith.extui %sign3A_868 : i1 to i32
        %sign3A_870 = arith.constant 0 : i32
        %sign3A_871 = arith.cmpi slt, %scan3A_864, %sign3A_870 : i32
        %sign3A_872 = arith.extui %sign3A_871 : i1 to i32
        %sign3A_873 = arith.subi %sign3A_869, %sign3A_872 : i32
        %sign3A_874 = arith.constant 0 : i32
        %sign3A_875 = arith.cmpi sgt, %jit3A_865, %sign3A_874 : i32
        %sign3A_876 = arith.extui %sign3A_875 : i1 to i32
        %sign3A_877 = arith.constant 0 : i32
        %sign3A_878 = arith.cmpi slt, %jit3A_865, %sign3A_877 : i32
        %sign3A_879 = arith.extui %sign3A_878 : i1 to i32
        %sign3A_880 = arith.subi %sign3A_876, %sign3A_879 : i32
        %ne3A_881 = arith.cmpi ne, %sign3A_873, %sign3A_880 : i32
        %rem3A_882 = arith.remsi %scan3A_864, %jit3A_865 : i32
        %ne3A_883 = arith.constant 0 : i32
        %ne3A_884 = arith.cmpi ne, %rem3A_882, %ne3A_883 : i32
        %and3A_885 = arith.andi %ne3A_881, %ne3A_884 : i1
        %sub3A_886 = arith.constant 1 : i32
        %sub3A_887 = arith.subi %div3A_866, %sub3A_886 : i32
        %select_n3A_888 = arith.select %and3A_885, %sub3A_887, %div3A_866 : i32
        %jit3A_889 = arith.constant 8 : i32
        %eq3A_890 = arith.constant 0 : i32
        %eq3A_891 = arith.cmpi eq, %jit3A_889, %eq3A_890 : i32
        %jit3A_892 = arith.constant 1 : i32
        %select_n3A_893 = arith.select %eq3A_891, %jit3A_892, %jit3A_889 : i32
        %rem3A_894 = arith.remsi %scan3A_864, %select_n3A_893 : i32
        %ne3A_895 = arith.constant 0 : i32
        %ne3A_896 = arith.cmpi ne, %rem3A_894, %ne3A_895 : i32
        %lt3A_897 = arith.constant 0 : i32
        %lt3A_898 = arith.cmpi slt, %rem3A_894, %lt3A_897 : i32
        %lt3A_899 = arith.constant 0 : i32
        %lt3A_900 = arith.cmpi slt, %select_n3A_893, %lt3A_899 : i32
        %ne3A_901 = arith.xori %lt3A_898, %lt3A_900 : i1
        %and3A_902 = arith.andi %ne3A_901, %ne3A_896 : i1
        %add3A_903 = arith.addi %rem3A_894, %select_n3A_893 : i32
        %select_n3A_904 = arith.select %and3A_902, %add3A_903, %rem3A_894 : i32
        %get3A_905 = arith.index_cast %scan3A_864 : i32 to index
        %get3A_906 = arith.constant 0 : index
        %get3A_907 = tpu.vector_load %arg7[%get3A_905, %get3A_906] {strides = array<i32>} : memref<64x131xf32, #tpu.memory_space<vmem>>, vector<16xf32>,
        %get3A_908 = arith.index_cast %scan3A_864 : i32 to index
        %get3A_909 = arith.constant 16 : index
        %get3A_910 = tpu.vector_load %arg7[%get3A_908, %get3A_909] {strides = array<i32>} : memref<64x131xf32, #tpu.memory_space<vmem>>, vector<16xf32>,
        %get3A_911 = arith.index_cast %scan3A_864 : i32 to index
        %get3A_912 = arith.constant 32 : index
        %get3A_913 = tpu.vector_load %arg7[%get3A_911, %get3A_912] {strides = array<i32>} : memref<64x131xf32, #tpu.memory_space<vmem>>, vector<16xf32>,
        %get3A_914 = arith.index_cast %scan3A_864 : i32 to index
        %get3A_915 = arith.constant 48 : index
        %get3A_916 = tpu.vector_load %arg7[%get3A_914, %get3A_915] {strides = array<i32>} : memref<64x131xf32, #tpu.memory_space<vmem>>, vector<16xf32>,
        %get3A_917 = arith.index_cast %scan3A_864 : i32 to index
        %get3A_918 = arith.constant 64 : index
        %get3A_919 = tpu.vector_load %arg7[%get3A_917, %get3A_918] {strides = array<i32>} : memref<64x131xf32, #tpu.memory_space<vmem>>, vector<16xf32>,
        %get3A_920 = arith.index_cast %scan3A_864 : i32 to index
        %get3A_921 = arith.constant 80 : index
        %get3A_922 = tpu.vector_load %arg7[%get3A_920, %get3A_921] {strides = array<i32>} : memref<64x131xf32, #tpu.memory_space<vmem>>, vector<16xf32>,
        %get3A_923 = arith.index_cast %scan3A_864 : i32 to index
        %get3A_924 = arith.constant 96 : index
        %get3A_925 = tpu.vector_load %arg7[%get3A_923, %get3A_924] {strides = array<i32>} : memref<64x131xf32, #tpu.memory_space<vmem>>, vector<16xf32>,
        %get3A_926 = arith.index_cast %scan3A_864 : i32 to index
        %get3A_927 = arith.constant 112 : index
        %get3A_928 = tpu.vector_load %arg7[%get3A_926, %get3A_927] {strides = array<i32>} : memref<64x131xf32, #tpu.memory_space<vmem>>, vector<16xf32>,
        %swap3A_929 = arith.constant 3 : i32
        %swap3A_930 = arith.index_cast %swap3A_929 : i32 to index
        %swap3A_931 = arith.index_cast %select_n3A_888 : i32 to index
        %swap3A_932 = arith.index_cast %select_n3A_904 : i32 to index
        %swap3A_933 = arith.constant 0 : index
        %swap3A_934 = tpu.vector_load %arg8[%swap3A_930, %swap3A_931, %swap3A_932, %swap3A_933] {strides = array<i32>} : memref<5x8x8x128xf32, #tpu.memory_space<vmem>>, vector<16xf32>,
        tpu.vector_store %arg8[%swap3A_930, %swap3A_931, %swap3A_932, %swap3A_933], %get3A_907 {strides = array<i32>} : memref<5x8x8x128xf32, #tpu.memory_space<vmem>>, vector<16xf32>,
        %swap3A_935 = arith.constant 3 : i32
        %swap3A_936 = arith.index_cast %swap3A_935 : i32 to index
        %swap3A_937 = arith.index_cast %select_n3A_888 : i32 to index
        %swap3A_938 = arith.index_cast %select_n3A_904 : i32 to index
        %swap3A_939 = arith.constant 16 : index
        %swap3A_940 = tpu.vector_load %arg8[%swap3A_936, %swap3A_937, %swap3A_938, %swap3A_939] {strides = array<i32>} : memref<5x8x8x128xf32, #tpu.memory_space<vmem>>, vector<16xf32>,
        tpu.vector_store %arg8[%swap3A_936, %swap3A_937, %swap3A_938, %swap3A_939], %get3A_910 {strides = array<i32>} : memref<5x8x8x128xf32, #tpu.memory_space<vmem>>, vector<16xf32>,
        %swap3A_941 = arith.constant 3 : i32
        %swap3A_942 = arith.index_cast %swap3A_941 : i32 to index
        %swap3A_943 = arith.index_cast %select_n3A_888 : i32 to index
        %swap3A_944 = arith.index_cast %select_n3A_904 : i32 to index
        %swap3A_945 = arith.constant 32 : index
        %swap3A_946 = tpu.vector_load %arg8[%swap3A_942, %swap3A_943, %swap3A_944, %swap3A_945] {strides = array<i32>} : memref<5x8x8x128xf32, #tpu.memory_space<vmem>>, vector<16xf32>,
        tpu.vector_store %arg8[%swap3A_942, %swap3A_943, %swap3A_944, %swap3A_945], %get3A_913 {strides = array<i32>} : memref<5x8x8x128xf32, #tpu.memory_space<vmem>>, vector<16xf32>,
        %swap3A_947 = arith.constant 3 : i32
        %swap3A_948 = arith.index_cast %swap3A_947 : i32 to index
        %swap3A_949 = arith.index_cast %select_n3A_888 : i32 to index
        %swap3A_950 = arith.index_cast %select_n3A_904 : i32 to index
        %swap3A_951 = arith.constant 48 : index
        %swap3A_952 = tpu.vector_load %arg8[%swap3A_948, %swap3A_949, %swap3A_950, %swap3A_951] {strides = array<i32>} : memref<5x8x8x128xf32, #tpu.memory_space<vmem>>, vector<16xf32>,
        tpu.vector_store %arg8[%swap3A_948, %swap3A_949, %swap3A_950, %swap3A_951], %get3A_916 {strides = array<i32>} : memref<5x8x8x128xf32, #tpu.memory_space<vmem>>, vector<16xf32>,
        %swap3A_953 = arith.constant 3 : i32
        %swap3A_954 = arith.index_cast %swap3A_953 : i32 to index
        %swap3A_955 = arith.index_cast %select_n3A_888 : i32 to index
        %swap3A_956 = arith.index_cast %select_n3A_904 : i32 to index
        %swap3A_957 = arith.constant 64 : index
        %swap3A_958 = tpu.vector_load %arg8[%swap3A_954, %swap3A_955, %swap3A_956, %swap3A_957] {strides = array<i32>} : memref<5x8x8x128xf32, #tpu.memory_space<vmem>>, vector<16xf32>,
        tpu.vector_store %arg8[%swap3A_954, %swap3A_955, %swap3A_956, %swap3A_957], %get3A_919 {strides = array<i32>} : memref<5x8x8x128xf32, #tpu.memory_space<vmem>>, vector<16xf32>,
        %swap3A_959 = arith.constant 3 : i32
        %swap3A_960 = arith.index_cast %swap3A_959 : i32 to index
        %swap3A_961 = arith.index_cast %select_n3A_888 : i32 to index
        %swap3A_962 = arith.index_cast %select_n3A_904 : i32 to index
        %swap3A_963 = arith.constant 80 : index
        %swap3A_964 = tpu.vector_load %arg8[%swap3A_960, %swap3A_961, %swap3A_962, %swap3A_963] {strides = array<i32>} : memref<5x8x8x128xf32, #tpu.memory_space<vmem>>, vector<16xf32>,
        tpu.vector_store %arg8[%swap3A_960, %swap3A_961, %swap3A_962, %swap3A_963], %get3A_922 {strides = array<i32>} : memref<5x8x8x128xf32, #tpu.memory_space<vmem>>, vector<16xf32>,
        %swap3A_965 = arith.constant 3 : i32
        %swap3A_966 = arith.index_cast %swap3A_965 : i32 to index
        %swap3A_967 = arith.index_cast %select_n3A_888 : i32 to index
        %swap3A_968 = arith.index_cast %select_n3A_904 : i32 to index
        %swap3A_969 = arith.constant 96 : index
        %swap3A_970 = tpu.vector_load %arg8[%swap3A_966, %swap3A_967, %swap3A_968, %swap3A_969] {strides = array<i32>} : memref<5x8x8x128xf32, #tpu.memory_space<vmem>>, vector<16xf32>,
        tpu.vector_store %arg8[%swap3A_966, %swap3A_967, %swap3A_968, %swap3A_969], %get3A_925 {strides = array<i32>} : memref<5x8x8x128xf32, #tpu.memory_space<vmem>>, vector<16xf32>,
        %swap3A_971 = arith.constant 3 : i32
        %swap3A_972 = arith.index_cast %swap3A_971 : i32 to index
        %swap3A_973 = arith.index_cast %select_n3A_888 : i32 to index
        %swap3A_974 = arith.index_cast %select_n3A_904 : i32 to index
        %swap3A_975 = arith.constant 112 : index
        %swap3A_976 = tpu.vector_load %arg8[%swap3A_972, %swap3A_973, %swap3A_974, %swap3A_975] {strides = array<i32>} : memref<5x8x8x128xf32, #tpu.memory_space<vmem>>, vector<16xf32>,
        tpu.vector_store %arg8[%swap3A_972, %swap3A_973, %swap3A_974, %swap3A_975], %get3A_928 {strides = array<i32>} : memref<5x8x8x128xf32, #tpu.memory_space<vmem>>, vector<16xf32>,
      }
      %scan3A_439 = arith.constant 64 : i32
      %lt3A_440 = arith.constant 39 : i32
      %lt3A_441 = arith.cmpi slt, %scan3A_216, %lt3A_440 : i32
      %convert_element_type3A_442 = arith.extui %lt3A_441 : i1 to i32
      %cond3A_443 = arith.constant 0 : i32
      %cond3A_444 = arith.cmpi ne, %convert_element_type3A_442, %cond3A_443 : i32
      scf.if %cond3A_444 {
        %add3A_533 = arith.constant 5 : i32
        %add3A_534 = arith.addi %add3A_408, %add3A_533 : i32
        %dma_start3A_535 = arith.constant 3 : i32
        %dma_start3A_536 = arith.constant 3 : i32
        %dma_start3A_537 = arith.constant 0 : i32
        %dma_start3A_538 = arith.constant 0 : i32
        %dma_start3A_539 = tpu.memref_slice %arg6[%dma_start3A_535, %dma_start3A_537, %dma_start3A_538] : memref<5x128x64xf32, #tpu.memory_space<vmem>> -> memref<1x128x64xf32, #tpu.memory_space<vmem>>
        %dma_start3A_540 = tpu.memref_squeeze %dma_start3A_539 : memref<1x128x64xf32, #tpu.memory_space<vmem>> -> memref<128x64xf32, #tpu.memory_space<vmem>>
        %dma_start3A_541 = arith.constant 0 : i32
        %dma_start3A_542 = tpu.memref_slice %arg5[%add3A_534, %dma_start3A_541] : memref<200x128xi32, #tpu.memory_space<vmem>> -> memref<1x128xi32, #tpu.memory_space<vmem>>
        %dma_start3A_543 = tpu.memref_squeeze %dma_start3A_542 : memref<1x128xi32, #tpu.memory_space<vmem>> -> memref<128xi32, #tpu.memory_space<vmem>>
        %dma_start3A_544 = arith.constant 0 : i32
        %dma_start3A_545 = arith.constant 0 : i32
        %dma_start3A_546 = tpu.memref_slice %arg3[%dma_start3A_544, %dma_start3A_545] : memref<1000000x64xf32, #tpu.memory_space<hbm>> -> memref<1000000x64xf32, #tpu.memory_space<hbm>>
        %dma_start3A_547 = tpu.memref_slice %arg9[%dma_start3A_536] : memref<5x!tpu.dma_semaphore, #tpu.memory_space<semaphore_mem>> -> memref<1x!tpu.dma_semaphore, #tpu.memory_space<semaphore_mem>>
        %dma_start3A_548 = tpu.memref_squeeze %dma_start3A_547 : memref<1x!tpu.dma_semaphore, #tpu.memory_space<semaphore_mem>> -> memref<!tpu.dma_semaphore, #tpu.memory_space<semaphore_mem>>
        tpu.enqueue_indirect_dma source(%dma_start3A_546 : memref<1000000x64xf32, #tpu.memory_space<hbm>>) target(%dma_start3A_540 : memref<128x64xf32, #tpu.memory_space<vmem>>) offsets(%dma_start3A_543 : memref<128xi32, #tpu.memory_space<vmem>>) semaphore(%dma_start3A_548 : memref<!tpu.dma_semaphore, #tpu.memory_space<semaphore_mem>>)
      } else {
      }
      %dma_start3A_445 = arith.constant 3 : i32
      %dma_start3A_446 = arith.constant 3 : i32
      %dma_start3A_447 = arith.constant 0 : i32
      %dma_start3A_448 = arith.constant 0 : i32
      %dma_start3A_449 = arith.constant 0 : i32
      %dma_start3A_450 = tpu.memref_slice %arg8[%dma_start3A_445, %dma_start3A_447, %dma_start3A_448, %dma_start3A_449] : memref<5x8x8x128xf32, #tpu.memory_space<vmem>> -> memref<1x8x8x128xf32, #tpu.memory_space<vmem>>
      %dma_start3A_451 = tpu.memref_squeeze %dma_start3A_450 : memref<1x8x8x128xf32, #tpu.memory_space<vmem>> -> memref<8x8x128xf32, #tpu.memory_space<vmem>>
      %dma_start3A_452 = arith.constant 0 : i32
      %dma_start3A_453 = arith.constant 0 : i32
      %dma_start3A_454 = arith.constant 0 : i32
      %dma_start3A_455 = tpu.memref_slice %arg4[%add3A_408, %dma_start3A_452, %add3A, %dma_start3A_453, %dma_start3A_454] : memref<200x8x32x8x128xf32, #tpu.memory_space<hbm>> -> memref<1x8x1x8x128xf32, #tpu.memory_space<hbm>>
      %dma_start3A_456 = tpu.memref_squeeze %dma_start3A_455 : memref<1x8x1x8x128xf32, #tpu.memory_space<hbm>> -> memref<8x8x128xf32, #tpu.memory_space<hbm>>
      %dma_start3A_457 = tpu.memref_slice %arg10[%dma_start3A_446] : memref<5x!tpu.dma_semaphore, #tpu.memory_space<semaphore_mem>> -> memref<1x!tpu.dma_semaphore, #tpu.memory_space<semaphore_mem>>
      %dma_start3A_458 = tpu.memref_squeeze %dma_start3A_457 : memref<1x!tpu.dma_semaphore, #tpu.memory_space<semaphore_mem>> -> memref<!tpu.dma_semaphore, #tpu.memory_space<semaphore_mem>>
      %dma_start3A_459 = arith.constant 0 : i32
      %dma_start3A_460 = arith.constant 0 : i32
      %dma_start3A_461 = arith.constant 0 : i32
      %dma_start3A_462 = tpu.memref_slice %arg4[%add3A_408, %dma_start3A_459, %add3A, %dma_start3A_460, %dma_start3A_461] : memref<200x8x32x8x128xf32, #tpu.memory_space<hbm>> -> memref<1x8x1x8x128xf32, #tpu.memory_space<hbm>>
      %dma_start3A_463 = tpu.memref_squeeze %dma_start3A_462 : memref<1x8x1x8x128xf32, #tpu.memory_space<hbm>> -> memref<8x8x128xf32, #tpu.memory_space<hbm>>
      %dma_start3A_464 = arith.constant 0 : i32
      %dma_start3A_465 = arith.constant 0 : i32
      %dma_start3A_466 = arith.constant 0 : i32
      %dma_start3A_467 = tpu.memref_slice %arg8[%dma_start3A_445, %dma_start3A_464, %dma_start3A_465, %dma_start3A_466] : memref<5x8x8x128xf32, #tpu.memory_space<vmem>> -> memref<1x8x8x128xf32, #tpu.memory_space<vmem>>
      %dma_start3A_468 = tpu.memref_squeeze %dma_start3A_467 : memref<1x8x8x128xf32, #tpu.memory_space<vmem>> -> memref<8x8x128xf32, #tpu.memory_space<vmem>>
      tpu.enqueue_dma source(%dma_start3A_468 : memref<8x8x128xf32, #tpu.memory_space<vmem>>) target(%dma_start3A_463 : memref<8x8x128xf32, #tpu.memory_space<hbm>>) target_semaphore(%dma_start3A_458 : memref<!tpu.dma_semaphore, #tpu.memory_space<semaphore_mem>>)
      %mul3A_469 = arith.constant 5 : i32
      %mul3A_470 = arith.muli %scan3A_216, %mul3A_469 : i32
      %add3A_471 = arith.constant 4 : i32
      %add3A_472 = arith.addi %mul3A_470, %add3A_471 : i32
      %dma_wait3A_473 = arith.constant 4 : i32
      %dma_wait3A_474 = arith.constant 4 : i32
      %dma_wait3A_475 = arith.constant 0 : i32
      %dma_wait3A_476 = arith.constant 0 : i32
      %dma_wait3A_477 = tpu.memref_slice %arg6[%dma_wait3A_473, %dma_wait3A_475, %dma_wait3A_476] : memref<5x128x64xf32, #tpu.memory_space<vmem>> -> memref<1x128x64xf32, #tpu.memory_space<vmem>>
      %dma_wait3A_478 = tpu.memref_squeeze %dma_wait3A_477 : memref<1x128x64xf32, #tpu.memory_space<vmem>> -> memref<128x64xf32, #tpu.memory_space<vmem>>
      %dma_wait3A_479 = arith.constant 0 : i32
      %dma_wait3A_480 = tpu.memref_slice %arg5[%add3A_472, %dma_wait3A_479] : memref<200x128xi32, #tpu.memory_space<vmem>> -> memref<1x128xi32, #tpu.memory_space<vmem>>
      %dma_wait3A_481 = tpu.memref_squeeze %dma_wait3A_480 : memref<1x128xi32, #tpu.memory_space<vmem>> -> memref<128xi32, #tpu.memory_space<vmem>>
      %dma_wait3A_482 = arith.constant 0 : i32
      %dma_wait3A_483 = arith.constant 0 : i32
      %dma_wait3A_484 = tpu.memref_slice %arg3[%dma_wait3A_482, %dma_wait3A_483] : memref<1000000x64xf32, #tpu.memory_space<hbm>> -> memref<1000000x64xf32, #tpu.memory_space<hbm>>
      %dma_wait3A_485 = tpu.memref_slice %arg9[%dma_wait3A_474] : memref<5x!tpu.dma_semaphore, #tpu.memory_space<semaphore_mem>> -> memref<1x!tpu.dma_semaphore, #tpu.memory_space<semaphore_mem>>
      %dma_wait3A_486 = tpu.memref_squeeze %dma_wait3A_485 : memref<1x!tpu.dma_semaphore, #tpu.memory_space<semaphore_mem>> -> memref<!tpu.dma_semaphore, #tpu.memory_space<semaphore_mem>>
      tpu.wait_indirect_dma semaphore(%dma_wait3A_486 : memref<!tpu.dma_semaphore, #tpu.memory_space<semaphore_mem>>) src(%dma_wait3A_484 : memref<1000000x64xf32, #tpu.memory_space<hbm>>) dst(%dma_wait3A_478 : memref<128x64xf32, #tpu.memory_space<vmem>>)
      %gt3A_487 = arith.constant 0 : i32
      %gt3A_488 = arith.cmpi sgt, %scan3A_216, %gt3A_487 : i32
      %convert_element_type3A_489 = arith.extui %gt3A_488 : i1 to i32
      %cond3A_490 = arith.constant 0 : i32
      %cond3A_491 = arith.cmpi ne, %convert_element_type3A_489, %cond3A_490 : i32
      scf.if %cond3A_491 {
        %sub3A = arith.constant 5 : i32
        %sub3A_533 = arith.subi %add3A_472, %sub3A : i32
        %dma_wait3A_534 = arith.constant 4 : i32
        %dma_wait3A_535 = arith.constant 4 : i32
        %dma_wait3A_536 = arith.constant 0 : i32
        %dma_wait3A_537 = arith.constant 0 : i32
        %dma_wait3A_538 = arith.constant 0 : i32
        %dma_wait3A_539 = tpu.memref_slice %arg8[%dma_wait3A_534, %dma_wait3A_536, %dma_wait3A_537, %dma_wait3A_538] : memref<5x8x8x128xf32, #tpu.memory_space<vmem>> -> memref<1x8x8x128xf32, #tpu.memory_space<vmem>>
        %dma_wait3A_540 = tpu.memref_squeeze %dma_wait3A_539 : memref<1x8x8x128xf32, #tpu.memory_space<vmem>> -> memref<8x8x128xf32, #tpu.memory_space<vmem>>
        %dma_wait3A_541 = arith.constant 0 : i32
        %dma_wait3A_542 = arith.constant 0 : i32
        %dma_wait3A_543 = arith.constant 0 : i32
        %dma_wait3A_544 = tpu.memref_slice %arg4[%sub3A_533, %dma_wait3A_541, %add3A, %dma_wait3A_542, %dma_wait3A_543] : memref<200x8x32x8x128xf32, #tpu.memory_space<hbm>> -> memref<1x8x1x8x128xf32, #tpu.memory_space<hbm>>
        %dma_wait3A_545 = tpu.memref_squeeze %dma_wait3A_544 : memref<1x8x1x8x128xf32, #tpu.memory_space<hbm>> -> memref<8x8x128xf32, #tpu.memory_space<hbm>>
        %dma_wait3A_546 = tpu.memref_slice %arg10[%dma_wait3A_535] : memref<5x!tpu.dma_semaphore, #tpu.memory_space<semaphore_mem>> -> memref<1x!tpu.dma_semaphore, #tpu.memory_space<semaphore_mem>>
        %dma_wait3A_547 = tpu.memref_squeeze %dma_wait3A_546 : memref<1x!tpu.dma_semaphore, #tpu.memory_space<semaphore_mem>> -> memref<!tpu.dma_semaphore, #tpu.memory_space<semaphore_mem>>
        %dma_wait3A_548 = arith.constant 0 : i32
        %dma_wait3A_549 = arith.constant 0 : i32
        %dma_wait3A_550 = arith.constant 0 : i32
        %dma_wait3A_551 = tpu.memref_slice %arg4[%sub3A_533, %dma_wait3A_548, %add3A, %dma_wait3A_549, %dma_wait3A_550] : memref<200x8x32x8x128xf32, #tpu.memory_space<hbm>> -> memref<1x8x1x8x128xf32, #tpu.memory_space<hbm>>
        %dma_wait3A_552 = tpu.memref_squeeze %dma_wait3A_551 : memref<1x8x1x8x128xf32, #tpu.memory_space<hbm>> -> memref<8x8x128xf32, #tpu.memory_space<hbm>>
        %dma_wait3A_553 = arith.constant 0 : i32
        %dma_wait3A_554 = arith.constant 0 : i32
        %dma_wait3A_555 = arith.constant 0 : i32
        %dma_wait3A_556 = tpu.memref_slice %arg8[%dma_wait3A_534, %dma_wait3A_553, %dma_wait3A_554, %dma_wait3A_555] : memref<5x8x8x128xf32, #tpu.memory_space<vmem>> -> memref<1x8x8x128xf32, #tpu.memory_space<vmem>>
        %dma_wait3A_557 = tpu.memref_squeeze %dma_wait3A_556 : memref<1x8x8x128xf32, #tpu.memory_space<vmem>> -> memref<8x8x128xf32, #tpu.memory_space<vmem>>
        tpu.wait_dma2 semaphore(%dma_wait3A_547 : memref<!tpu.dma_semaphore, #tpu.memory_space<semaphore_mem>>) src(%dma_wait3A_557 : memref<8x8x128xf32, #tpu.memory_space<vmem>>) dst(%dma_wait3A_552 : memref<8x8x128xf32, #tpu.memory_space<hbm>>)
      } else {
      }
      %scan3A_492 = arith.constant 0 : i32
      %scan3A_493 = arith.constant 0 : i32
      %scan3A_494 = arith.constant 128 : i32
      %scan3A_495 = arith.addi %scan3A_493, %scan3A_494 : i32
      %scan3A_496 = arith.constant 4 : i32
      scf.for %scan3A_533 = %scan3A_493 to %scan3A_495 step %scan3A_496  : i32 {
        %broadcast_in_dim3A = vector.broadcast %scan3A_533 : i32 to vector<16xi32>
        %get3A = arith.constant 4 : i32
        %get3A_534 = arith.index_cast %get3A : i32 to index
        %get3A_535 = arith.index_cast %scan3A_533 : i32 to index
        %get3A_536 = arith.constant 0 : index
        %get3A_537 = tpu.vector_load %arg6[%get3A_534, %get3A_535, %get3A_536] {strides = array<i32>} : memref<5x128x64xf32, #tpu.memory_space<vmem>>, vector<16xf32>,
        %mul3A_538 = arith.constant 8.000000e+00 : f32
        %mul3A_539 = vector.broadcast %mul3A_538 : f32 to vector<16xf32>
        %mul3A_540 = arith.mulf %get3A_537, %mul3A_539 : vector<16xf32>
        %get3A_541 = arith.constant 4 : i32
        %get3A_542 = arith.index_cast %get3A_541 : i32 to index
        %get3A_543 = arith.index_cast %scan3A_533 : i32 to index
        %get3A_544 = arith.constant 16 : index
        %get3A_545 = tpu.vector_load %arg6[%get3A_542, %get3A_543, %get3A_544] {strides = array<i32>} : memref<5x128x64xf32, #tpu.memory_space<vmem>>, vector<16xf32>,
        %mul3A_546 = arith.constant 8.000000e+00 : f32
        %mul3A_547 = vector.broadcast %mul3A_546 : f32 to vector<16xf32>
        %mul3A_548 = arith.mulf %get3A_545, %mul3A_547 : vector<16xf32>
        %get3A_549 = arith.constant 4 : i32
        %get3A_550 = arith.index_cast %get3A_549 : i32 to index
        %get3A_551 = arith.index_cast %scan3A_533 : i32 to index
        %get3A_552 = arith.constant 32 : index
        %get3A_553 = tpu.vector_load %arg6[%get3A_550, %get3A_551, %get3A_552] {strides = array<i32>} : memref<5x128x64xf32, #tpu.memory_space<vmem>>, vector<16xf32>,
        %mul3A_554 = arith.constant 8.000000e+00 : f32
        %mul3A_555 = vector.broadcast %mul3A_554 : f32 to vector<16xf32>
        %mul3A_556 = arith.mulf %get3A_553, %mul3A_555 : vector<16xf32>
        %get3A_557 = arith.constant 4 : i32
        %get3A_558 = arith.index_cast %get3A_557 : i32 to index
        %get3A_559 = arith.index_cast %scan3A_533 : i32 to index
        %get3A_560 = arith.constant 48 : index
        %get3A_561 = tpu.vector_load %arg6[%get3A_558, %get3A_559, %get3A_560] {strides = array<i32>} : memref<5x128x64xf32, #tpu.memory_space<vmem>>, vector<16xf32>,
        %mul3A_562 = arith.constant 8.000000e+00 : f32
        %mul3A_563 = vector.broadcast %mul3A_562 : f32 to vector<16xf32>
        %mul3A_564 = arith.mulf %get3A_561, %mul3A_563 : vector<16xf32>
        tpu.vector_store_idx %arg7[%add3A_3, %broadcast_in_dim3A], %mul3A_540 : memref<64x131xf32, #tpu.memory_space<vmem>>[vector<16xi32>, vector<16xi32>], vector<16xf32>,
        tpu.vector_store_idx %arg7[%add3A_6, %broadcast_in_dim3A], %mul3A_548 : memref<64x131xf32, #tpu.memory_space<vmem>>[vector<16xi32>, vector<16xi32>], vector<16xf32>,
        tpu.vector_store_idx %arg7[%add3A_9, %broadcast_in_dim3A], %mul3A_556 : memref<64x131xf32, #tpu.memory_space<vmem>>[vector<16xi32>, vector<16xi32>], vector<16xf32>,
        tpu.vector_store_idx %arg7[%add3A_12, %broadcast_in_dim3A], %mul3A_564 : memref<64x131xf32, #tpu.memory_space<vmem>>[vector<16xi32>, vector<16xi32>], vector<16xf32>,
        %scan3A_565 = arith.constant 1 : i32
        %scan3A_566 = arith.addi %scan3A_533, %scan3A_565 : i32
        %broadcast_in_dim3A_567 = vector.broadcast %scan3A_566 : i32 to vector<16xi32>
        %get3A_568 = arith.constant 4 : i32
        %get3A_569 = arith.index_cast %get3A_568 : i32 to index
        %get3A_570 = arith.index_cast %scan3A_566 : i32 to index
        %get3A_571 = arith.constant 0 : index
        %get3A_572 = tpu.vector_load %arg6[%get3A_569, %get3A_570, %get3A_571] {strides = array<i32>} : memref<5x128x64xf32, #tpu.memory_space<vmem>>, vector<16xf32>,
        %mul3A_573 = arith.constant 8.000000e+00 : f32
        %mul3A_574 = vector.broadcast %mul3A_573 : f32 to vector<16xf32>
        %mul3A_575 = arith.mulf %get3A_572, %mul3A_574 : vector<16xf32>
        %get3A_576 = arith.constant 4 : i32
        %get3A_577 = arith.index_cast %get3A_576 : i32 to index
        %get3A_578 = arith.index_cast %scan3A_566 : i32 to index
        %get3A_579 = arith.constant 16 : index
        %get3A_580 = tpu.vector_load %arg6[%get3A_577, %get3A_578, %get3A_579] {strides = array<i32>} : memref<5x128x64xf32, #tpu.memory_space<vmem>>, vector<16xf32>,
        %mul3A_581 = arith.constant 8.000000e+00 : f32
        %mul3A_582 = vector.broadcast %mul3A_581 : f32 to vector<16xf32>
        %mul3A_583 = arith.mulf %get3A_580, %mul3A_582 : vector<16xf32>
        %get3A_584 = arith.constant 4 : i32
        %get3A_585 = arith.index_cast %get3A_584 : i32 to index
        %get3A_586 = arith.index_cast %scan3A_566 : i32 to index
        %get3A_587 = arith.constant 32 : index
        %get3A_588 = tpu.vector_load %arg6[%get3A_585, %get3A_586, %get3A_587] {strides = array<i32>} : memref<5x128x64xf32, #tpu.memory_space<vmem>>, vector<16xf32>,
        %mul3A_589 = arith.constant 8.000000e+00 : f32
        %mul3A_590 = vector.broadcast %mul3A_589 : f32 to vector<16xf32>
        %mul3A_591 = arith.mulf %get3A_588, %mul3A_590 : vector<16xf32>
        %get3A_592 = arith.constant 4 : i32
        %get3A_593 = arith.index_cast %get3A_592 : i32 to index
        %get3A_594 = arith.index_cast %scan3A_566 : i32 to index
        %get3A_595 = arith.constant 48 : index
        %get3A_596 = tpu.vector_load %arg6[%get3A_593, %get3A_594, %get3A_595] {strides = array<i32>} : memref<5x128x64xf32, #tpu.memory_space<vmem>>, vector<16xf32>,
        %mul3A_597 = arith.constant 8.000000e+00 : f32
        %mul3A_598 = vector.broadcast %mul3A_597 : f32 to vector<16xf32>
        %mul3A_599 = arith.mulf %get3A_596, %mul3A_598 : vector<16xf32>
        tpu.vector_store_idx %arg7[%add3A_3, %broadcast_in_dim3A_567], %mul3A_575 : memref<64x131xf32, #tpu.memory_space<vmem>>[vector<16xi32>, vector<16xi32>], vector<16xf32>,
        tpu.vector_store_idx %arg7[%add3A_6, %broadcast_in_dim3A_567], %mul3A_583 : memref<64x131xf32, #tpu.memory_space<vmem>>[vector<16xi32>, vector<16xi32>], vector<16xf32>,
        tpu.vector_store_idx %arg7[%add3A_9, %broadcast_in_dim3A_567], %mul3A_591 : memref<64x131xf32, #tpu.memory_space<vmem>>[vector<16xi32>, vector<16xi32>], vector<16xf32>,
        tpu.vector_store_idx %arg7[%add3A_12, %broadcast_in_dim3A_567], %mul3A_599 : memref<64x131xf32, #tpu.memory_space<vmem>>[vector<16xi32>, vector<16xi32>], vector<16xf32>,
        %scan3A_600 = arith.constant 2 : i32
        %scan3A_601 = arith.addi %scan3A_533, %scan3A_600 : i32
        %broadcast_in_dim3A_602 = vector.broadcast %scan3A_601 : i32 to vector<16xi32>
        %get3A_603 = arith.constant 4 : i32
        %get3A_604 = arith.index_cast %get3A_603 : i32 to index
        %get3A_605 = arith.index_cast %scan3A_601 : i32 to index
        %get3A_606 = arith.constant 0 : index
        %get3A_607 = tpu.vector_load %arg6[%get3A_604, %get3A_605, %get3A_606] {strides = array<i32>} : memref<5x128x64xf32, #tpu.memory_space<vmem>>, vector<16xf32>,
        %mul3A_608 = arith.constant 8.000000e+00 : f32
        %mul3A_609 = vector.broadcast %mul3A_608 : f32 to vector<16xf32>
        %mul3A_610 = arith.mulf %get3A_607, %mul3A_609 : vector<16xf32>
        %get3A_611 = arith.constant 4 : i32
        %get3A_612 = arith.index_cast %get3A_611 : i32 to index
        %get3A_613 = arith.index_cast %scan3A_601 : i32 to index
        %get3A_614 = arith.constant 16 : index
        %get3A_615 = tpu.vector_load %arg6[%get3A_612, %get3A_613, %get3A_614] {strides = array<i32>} : memref<5x128x64xf32, #tpu.memory_space<vmem>>, vector<16xf32>,
        %mul3A_616 = arith.constant 8.000000e+00 : f32
        %mul3A_617 = vector.broadcast %mul3A_616 : f32 to vector<16xf32>
        %mul3A_618 = arith.mulf %get3A_615, %mul3A_617 : vector<16xf32>
        %get3A_619 = arith.constant 4 : i32
        %get3A_620 = arith.index_cast %get3A_619 : i32 to index
        %get3A_621 = arith.index_cast %scan3A_601 : i32 to index
        %get3A_622 = arith.constant 32 : index
        %get3A_623 = tpu.vector_load %arg6[%get3A_620, %get3A_621, %get3A_622] {strides = array<i32>} : memref<5x128x64xf32, #tpu.memory_space<vmem>>, vector<16xf32>,
        %mul3A_624 = arith.constant 8.000000e+00 : f32
        %mul3A_625 = vector.broadcast %mul3A_624 : f32 to vector<16xf32>
        %mul3A_626 = arith.mulf %get3A_623, %mul3A_625 : vector<16xf32>
        %get3A_627 = arith.constant 4 : i32
        %get3A_628 = arith.index_cast %get3A_627 : i32 to index
        %get3A_629 = arith.index_cast %scan3A_601 : i32 to index
        %get3A_630 = arith.constant 48 : index
        %get3A_631 = tpu.vector_load %arg6[%get3A_628, %get3A_629, %get3A_630] {strides = array<i32>} : memref<5x128x64xf32, #tpu.memory_space<vmem>>, vector<16xf32>,
        %mul3A_632 = arith.constant 8.000000e+00 : f32
        %mul3A_633 = vector.broadcast %mul3A_632 : f32 to vector<16xf32>
        %mul3A_634 = arith.mulf %get3A_631, %mul3A_633 : vector<16xf32>
        tpu.vector_store_idx %arg7[%add3A_3, %broadcast_in_dim3A_602], %mul3A_610 : memref<64x131xf32, #tpu.memory_space<vmem>>[vector<16xi32>, vector<16xi32>], vector<16xf32>,
        tpu.vector_store_idx %arg7[%add3A_6, %broadcast_in_dim3A_602], %mul3A_618 : memref<64x131xf32, #tpu.memory_space<vmem>>[vector<16xi32>, vector<16xi32>], vector<16xf32>,
        tpu.vector_store_idx %arg7[%add3A_9, %broadcast_in_dim3A_602], %mul3A_626 : memref<64x131xf32, #tpu.memory_space<vmem>>[vector<16xi32>, vector<16xi32>], vector<16xf32>,
        tpu.vector_store_idx %arg7[%add3A_12, %broadcast_in_dim3A_602], %mul3A_634 : memref<64x131xf32, #tpu.memory_space<vmem>>[vector<16xi32>, vector<16xi32>], vector<16xf32>,
        %scan3A_635 = arith.constant 3 : i32
        %scan3A_636 = arith.addi %scan3A_533, %scan3A_635 : i32
        %broadcast_in_dim3A_637 = vector.broadcast %scan3A_636 : i32 to vector<16xi32>
        %get3A_638 = arith.constant 4 : i32
        %get3A_639 = arith.index_cast %get3A_638 : i32 to index
        %get3A_640 = arith.index_cast %scan3A_636 : i32 to index
        %get3A_641 = arith.constant 0 : index
        %get3A_642 = tpu.vector_load %arg6[%get3A_639, %get3A_640, %get3A_641] {strides = array<i32>} : memref<5x128x64xf32, #tpu.memory_space<vmem>>, vector<16xf32>,
        %mul3A_643 = arith.constant 8.000000e+00 : f32
        %mul3A_644 = vector.broadcast %mul3A_643 : f32 to vector<16xf32>
        %mul3A_645 = arith.mulf %get3A_642, %mul3A_644 : vector<16xf32>
        %get3A_646 = arith.constant 4 : i32
        %get3A_647 = arith.index_cast %get3A_646 : i32 to index
        %get3A_648 = arith.index_cast %scan3A_636 : i32 to index
        %get3A_649 = arith.constant 16 : index
        %get3A_650 = tpu.vector_load %arg6[%get3A_647, %get3A_648, %get3A_649] {strides = array<i32>} : memref<5x128x64xf32, #tpu.memory_space<vmem>>, vector<16xf32>,
        %mul3A_651 = arith.constant 8.000000e+00 : f32
        %mul3A_652 = vector.broadcast %mul3A_651 : f32 to vector<16xf32>
        %mul3A_653 = arith.mulf %get3A_650, %mul3A_652 : vector<16xf32>
        %get3A_654 = arith.constant 4 : i32
        %get3A_655 = arith.index_cast %get3A_654 : i32 to index
        %get3A_656 = arith.index_cast %scan3A_636 : i32 to index
        %get3A_657 = arith.constant 32 : index
        %get3A_658 = tpu.vector_load %arg6[%get3A_655, %get3A_656, %get3A_657] {strides = array<i32>} : memref<5x128x64xf32, #tpu.memory_space<vmem>>, vector<16xf32>,
        %mul3A_659 = arith.constant 8.000000e+00 : f32
        %mul3A_660 = vector.broadcast %mul3A_659 : f32 to vector<16xf32>
        %mul3A_661 = arith.mulf %get3A_658, %mul3A_660 : vector<16xf32>
        %get3A_662 = arith.constant 4 : i32
        %get3A_663 = arith.index_cast %get3A_662 : i32 to index
        %get3A_664 = arith.index_cast %scan3A_636 : i32 to index
        %get3A_665 = arith.constant 48 : index
        %get3A_666 = tpu.vector_load %arg6[%get3A_663, %get3A_664, %get3A_665] {strides = array<i32>} : memref<5x128x64xf32, #tpu.memory_space<vmem>>, vector<16xf32>,
        %mul3A_667 = arith.constant 8.000000e+00 : f32
        %mul3A_668 = vector.broadcast %mul3A_667 : f32 to vector<16xf32>
        %mul3A_669 = arith.mulf %get3A_666, %mul3A_668 : vector<16xf32>
        tpu.vector_store_idx %arg7[%add3A_3, %broadcast_in_dim3A_637], %mul3A_645 : memref<64x131xf32, #tpu.memory_space<vmem>>[vector<16xi32>, vector<16xi32>], vector<16xf32>,
        tpu.vector_store_idx %arg7[%add3A_6, %broadcast_in_dim3A_637], %mul3A_653 : memref<64x131xf32, #tpu.memory_space<vmem>>[vector<16xi32>, vector<16xi32>], vector<16xf32>,
        tpu.vector_store_idx %arg7[%add3A_9, %broadcast_in_dim3A_637], %mul3A_661 : memref<64x131xf32, #tpu.memory_space<vmem>>[vector<16xi32>, vector<16xi32>], vector<16xf32>,
        tpu.vector_store_idx %arg7[%add3A_12, %broadcast_in_dim3A_637], %mul3A_669 : memref<64x131xf32, #tpu.memory_space<vmem>>[vector<16xi32>, vector<16xi32>], vector<16xf32>,
      }
      %scan3A_497 = arith.constant 128 : i32
      %scan3A_498 = arith.constant 0 : i32
      %scan3A_499 = arith.constant 0 : i32
      %scan3A_500 = arith.constant 64 : i32
      %scan3A_501 = arith.addi %scan3A_499, %scan3A_500 : i32
      %scan3A_502 = arith.constant 4 : i32
      scf.for %scan3A_533 = %scan3A_499 to %scan3A_501 step %scan3A_502  : i32 {
        %jit3A = arith.constant 8 : i32
        %div3A = arith.divsi %scan3A_533, %jit3A : i32
        %sign3A = arith.constant 0 : i32
        %sign3A_534 = arith.cmpi sgt, %scan3A_533, %sign3A : i32
        %sign3A_535 = arith.extui %sign3A_534 : i1 to i32
        %sign3A_536 = arith.constant 0 : i32
        %sign3A_537 = arith.cmpi slt, %scan3A_533, %sign3A_536 : i32
        %sign3A_538 = arith.extui %sign3A_537 : i1 to i32
        %sign3A_539 = arith.subi %sign3A_535, %sign3A_538 : i32
        %sign3A_540 = arith.constant 0 : i32
        %sign3A_541 = arith.cmpi sgt, %jit3A, %sign3A_540 : i32
        %sign3A_542 = arith.extui %sign3A_541 : i1 to i32
        %sign3A_543 = arith.constant 0 : i32
        %sign3A_544 = arith.cmpi slt, %jit3A, %sign3A_543 : i32
        %sign3A_545 = arith.extui %sign3A_544 : i1 to i32
        %sign3A_546 = arith.subi %sign3A_542, %sign3A_545 : i32
        %ne3A = arith.cmpi ne, %sign3A_539, %sign3A_546 : i32
        %rem3A = arith.remsi %scan3A_533, %jit3A : i32
        %ne3A_547 = arith.constant 0 : i32
        %ne3A_548 = arith.cmpi ne, %rem3A, %ne3A_547 : i32
        %and3A = arith.andi %ne3A, %ne3A_548 : i1
        %sub3A = arith.constant 1 : i32
        %sub3A_549 = arith.subi %div3A, %sub3A : i32
        %select_n3A = arith.select %and3A, %sub3A_549, %div3A : i32
        %jit3A_550 = arith.constant 8 : i32
        %eq3A = arith.constant 0 : i32
        %eq3A_551 = arith.cmpi eq, %jit3A_550, %eq3A : i32
        %jit3A_552 = arith.constant 1 : i32
        %select_n3A_553 = arith.select %eq3A_551, %jit3A_552, %jit3A_550 : i32
        %rem3A_554 = arith.remsi %scan3A_533, %select_n3A_553 : i32
        %ne3A_555 = arith.constant 0 : i32
        %ne3A_556 = arith.cmpi ne, %rem3A_554, %ne3A_555 : i32
        %lt3A_557 = arith.constant 0 : i32
        %lt3A_558 = arith.cmpi slt, %rem3A_554, %lt3A_557 : i32
        %lt3A_559 = arith.constant 0 : i32
        %lt3A_560 = arith.cmpi slt, %select_n3A_553, %lt3A_559 : i32
        %ne3A_561 = arith.xori %lt3A_558, %lt3A_560 : i1
        %and3A_562 = arith.andi %ne3A_561, %ne3A_556 : i1
        %add3A_563 = arith.addi %rem3A_554, %select_n3A_553 : i32
        %select_n3A_564 = arith.select %and3A_562, %add3A_563, %rem3A_554 : i32
        %get3A = arith.index_cast %scan3A_533 : i32 to index
        %get3A_565 = arith.constant 0 : index
        %get3A_566 = tpu.vector_load %arg7[%get3A, %get3A_565] {strides = array<i32>} : memref<64x131xf32, #tpu.memory_space<vmem>>, vector<16xf32>,
        %get3A_567 = arith.index_cast %scan3A_533 : i32 to index
        %get3A_568 = arith.constant 16 : index
        %get3A_569 = tpu.vector_load %arg7[%get3A_567, %get3A_568] {strides = array<i32>} : memref<64x131xf32, #tpu.memory_space<vmem>>, vector<16xf32>,
        %get3A_570 = arith.index_cast %scan3A_533 : i32 to index
        %get3A_571 = arith.constant 32 : index
        %get3A_572 = tpu.vector_load %arg7[%get3A_570, %get3A_571] {strides = array<i32>} : memref<64x131xf32, #tpu.memory_space<vmem>>, vector<16xf32>,
        %get3A_573 = arith.index_cast %scan3A_533 : i32 to index
        %get3A_574 = arith.constant 48 : index
        %get3A_575 = tpu.vector_load %arg7[%get3A_573, %get3A_574] {strides = array<i32>} : memref<64x131xf32, #tpu.memory_space<vmem>>, vector<16xf32>,
        %get3A_576 = arith.index_cast %scan3A_533 : i32 to index
        %get3A_577 = arith.constant 64 : index
        %get3A_578 = tpu.vector_load %arg7[%get3A_576, %get3A_577] {strides = array<i32>} : memref<64x131xf32, #tpu.memory_space<vmem>>, vector<16xf32>,
        %get3A_579 = arith.index_cast %scan3A_533 : i32 to index
        %get3A_580 = arith.constant 80 : index
        %get3A_581 = tpu.vector_load %arg7[%get3A_579, %get3A_580] {strides = array<i32>} : memref<64x131xf32, #tpu.memory_space<vmem>>, vector<16xf32>,
        %get3A_582 = arith.index_cast %scan3A_533 : i32 to index
        %get3A_583 = arith.constant 96 : index
        %get3A_584 = tpu.vector_load %arg7[%get3A_582, %get3A_583] {strides = array<i32>} : memref<64x131xf32, #tpu.memory_space<vmem>>, vector<16xf32>,
        %get3A_585 = arith.index_cast %scan3A_533 : i32 to index
        %get3A_586 = arith.constant 112 : index
        %get3A_587 = tpu.vector_load %arg7[%get3A_585, %get3A_586] {strides = array<i32>} : memref<64x131xf32, #tpu.memory_space<vmem>>, vector<16xf32>,
        %swap3A = arith.constant 4 : i32
        %swap3A_588 = arith.index_cast %swap3A : i32 to index
        %swap3A_589 = arith.index_cast %select_n3A : i32 to index
        %swap3A_590 = arith.index_cast %select_n3A_564 : i32 to index
        %swap3A_591 = arith.constant 0 : index
        %swap3A_592 = tpu.vector_load %arg8[%swap3A_588, %swap3A_589, %swap3A_590, %swap3A_591] {strides = array<i32>} : memref<5x8x8x128xf32, #tpu.memory_space<vmem>>, vector<16xf32>,
        tpu.vector_store %arg8[%swap3A_588, %swap3A_589, %swap3A_590, %swap3A_591], %get3A_566 {strides = array<i32>} : memref<5x8x8x128xf32, #tpu.memory_space<vmem>>, vector<16xf32>,
        %swap3A_593 = arith.constant 4 : i32
        %swap3A_594 = arith.index_cast %swap3A_593 : i32 to index
        %swap3A_595 = arith.index_cast %select_n3A : i32 to index
        %swap3A_596 = arith.index_cast %select_n3A_564 : i32 to index
        %swap3A_597 = arith.constant 16 : index
        %swap3A_598 = tpu.vector_load %arg8[%swap3A_594, %swap3A_595, %swap3A_596, %swap3A_597] {strides = array<i32>} : memref<5x8x8x128xf32, #tpu.memory_space<vmem>>, vector<16xf32>,
        tpu.vector_store %arg8[%swap3A_594, %swap3A_595, %swap3A_596, %swap3A_597], %get3A_569 {strides = array<i32>} : memref<5x8x8x128xf32, #tpu.memory_space<vmem>>, vector<16xf32>,
        %swap3A_599 = arith.constant 4 : i32
        %swap3A_600 = arith.index_cast %swap3A_599 : i32 to index
        %swap3A_601 = arith.index_cast %select_n3A : i32 to index
        %swap3A_602 = arith.index_cast %select_n3A_564 : i32 to index
        %swap3A_603 = arith.constant 32 : index
        %swap3A_604 = tpu.vector_load %arg8[%swap3A_600, %swap3A_601, %swap3A_602, %swap3A_603] {strides = array<i32>} : memref<5x8x8x128xf32, #tpu.memory_space<vmem>>, vector<16xf32>,
        tpu.vector_store %arg8[%swap3A_600, %swap3A_601, %swap3A_602, %swap3A_603], %get3A_572 {strides = array<i32>} : memref<5x8x8x128xf32, #tpu.memory_space<vmem>>, vector<16xf32>,
        %swap3A_605 = arith.constant 4 : i32
        %swap3A_606 = arith.index_cast %swap3A_605 : i32 to index
        %swap3A_607 = arith.index_cast %select_n3A : i32 to index
        %swap3A_608 = arith.index_cast %select_n3A_564 : i32 to index
        %swap3A_609 = arith.constant 48 : index
        %swap3A_610 = tpu.vector_load %arg8[%swap3A_606, %swap3A_607, %swap3A_608, %swap3A_609] {strides = array<i32>} : memref<5x8x8x128xf32, #tpu.memory_space<vmem>>, vector<16xf32>,
        tpu.vector_store %arg8[%swap3A_606, %swap3A_607, %swap3A_608, %swap3A_609], %get3A_575 {strides = array<i32>} : memref<5x8x8x128xf32, #tpu.memory_space<vmem>>, vector<16xf32>,
        %swap3A_611 = arith.constant 4 : i32
        %swap3A_612 = arith.index_cast %swap3A_611 : i32 to index
        %swap3A_613 = arith.index_cast %select_n3A : i32 to index
        %swap3A_614 = arith.index_cast %select_n3A_564 : i32 to index
        %swap3A_615 = arith.constant 64 : index
        %swap3A_616 = tpu.vector_load %arg8[%swap3A_612, %swap3A_613, %swap3A_614, %swap3A_615] {strides = array<i32>} : memref<5x8x8x128xf32, #tpu.memory_space<vmem>>, vector<16xf32>,
        tpu.vector_store %arg8[%swap3A_612, %swap3A_613, %swap3A_614, %swap3A_615], %get3A_578 {strides = array<i32>} : memref<5x8x8x128xf32, #tpu.memory_space<vmem>>, vector<16xf32>,
        %swap3A_617 = arith.constant 4 : i32
        %swap3A_618 = arith.index_cast %swap3A_617 : i32 to index
        %swap3A_619 = arith.index_cast %select_n3A : i32 to index
        %swap3A_620 = arith.index_cast %select_n3A_564 : i32 to index
        %swap3A_621 = arith.constant 80 : index
        %swap3A_622 = tpu.vector_load %arg8[%swap3A_618, %swap3A_619, %swap3A_620, %swap3A_621] {strides = array<i32>} : memref<5x8x8x128xf32, #tpu.memory_space<vmem>>, vector<16xf32>,
        tpu.vector_store %arg8[%swap3A_618, %swap3A_619, %swap3A_620, %swap3A_621], %get3A_581 {strides = array<i32>} : memref<5x8x8x128xf32, #tpu.memory_space<vmem>>, vector<16xf32>,
        %swap3A_623 = arith.constant 4 : i32
        %swap3A_624 = arith.index_cast %swap3A_623 : i32 to index
        %swap3A_625 = arith.index_cast %select_n3A : i32 to index
        %swap3A_626 = arith.index_cast %select_n3A_564 : i32 to index
        %swap3A_627 = arith.constant 96 : index
        %swap3A_628 = tpu.vector_load %arg8[%swap3A_624, %swap3A_625, %swap3A_626, %swap3A_627] {strides = array<i32>} : memref<5x8x8x128xf32, #tpu.memory_space<vmem>>, vector<16xf32>,
        tpu.vector_store %arg8[%swap3A_624, %swap3A_625, %swap3A_626, %swap3A_627], %get3A_584 {strides = array<i32>} : memref<5x8x8x128xf32, #tpu.memory_space<vmem>>, vector<16xf32>,
        %swap3A_629 = arith.constant 4 : i32
        %swap3A_630 = arith.index_cast %swap3A_629 : i32 to index
        %swap3A_631 = arith.index_cast %select_n3A : i32 to index
        %swap3A_632 = arith.index_cast %select_n3A_564 : i32 to index
        %swap3A_633 = arith.constant 112 : index
        %swap3A_634 = tpu.vector_load %arg8[%swap3A_630, %swap3A_631, %swap3A_632, %swap3A_633] {strides = array<i32>} : memref<5x8x8x128xf32, #tpu.memory_space<vmem>>, vector<16xf32>,
        tpu.vector_store %arg8[%swap3A_630, %swap3A_631, %swap3A_632, %swap3A_633], %get3A_587 {strides = array<i32>} : memref<5x8x8x128xf32, #tpu.memory_space<vmem>>, vector<16xf32>,
        %scan3A_635 = arith.constant 1 : i32
        %scan3A_636 = arith.addi %scan3A_533, %scan3A_635 : i32
        %jit3A_637 = arith.constant 8 : i32
        %div3A_638 = arith.divsi %scan3A_636, %jit3A_637 : i32
        %sign3A_639 = arith.constant 0 : i32
        %sign3A_640 = arith.cmpi sgt, %scan3A_636, %sign3A_639 : i32
        %sign3A_641 = arith.extui %sign3A_640 : i1 to i32
        %sign3A_642 = arith.constant 0 : i32
        %sign3A_643 = arith.cmpi slt, %scan3A_636, %sign3A_642 : i32
        %sign3A_644 = arith.extui %sign3A_643 : i1 to i32
        %sign3A_645 = arith.subi %sign3A_641, %sign3A_644 : i32
        %sign3A_646 = arith.constant 0 : i32
        %sign3A_647 = arith.cmpi sgt, %jit3A_637, %sign3A_646 : i32
        %sign3A_648 = arith.extui %sign3A_647 : i1 to i32
        %sign3A_649 = arith.constant 0 : i32
        %sign3A_650 = arith.cmpi slt, %jit3A_637, %sign3A_649 : i32
        %sign3A_651 = arith.extui %sign3A_650 : i1 to i32
        %sign3A_652 = arith.subi %sign3A_648, %sign3A_651 : i32
        %ne3A_653 = arith.cmpi ne, %sign3A_645, %sign3A_652 : i32
        %rem3A_654 = arith.remsi %scan3A_636, %jit3A_637 : i32
        %ne3A_655 = arith.constant 0 : i32
        %ne3A_656 = arith.cmpi ne, %rem3A_654, %ne3A_655 : i32
        %and3A_657 = arith.andi %ne3A_653, %ne3A_656 : i1
        %sub3A_658 = arith.constant 1 : i32
        %sub3A_659 = arith.subi %div3A_638, %sub3A_658 : i32
        %select_n3A_660 = arith.select %and3A_657, %sub3A_659, %div3A_638 : i32
        %jit3A_661 = arith.constant 8 : i32
        %eq3A_662 = arith.constant 0 : i32
        %eq3A_663 = arith.cmpi eq, %jit3A_661, %eq3A_662 : i32
        %jit3A_664 = arith.constant 1 : i32
        %select_n3A_665 = arith.select %eq3A_663, %jit3A_664, %jit3A_661 : i32
        %rem3A_666 = arith.remsi %scan3A_636, %select_n3A_665 : i32
        %ne3A_667 = arith.constant 0 : i32
        %ne3A_668 = arith.cmpi ne, %rem3A_666, %ne3A_667 : i32
        %lt3A_669 = arith.constant 0 : i32
        %lt3A_670 = arith.cmpi slt, %rem3A_666, %lt3A_669 : i32
        %lt3A_671 = arith.constant 0 : i32
        %lt3A_672 = arith.cmpi slt, %select_n3A_665, %lt3A_671 : i32
        %ne3A_673 = arith.xori %lt3A_670, %lt3A_672 : i1
        %and3A_674 = arith.andi %ne3A_673, %ne3A_668 : i1
        %add3A_675 = arith.addi %rem3A_666, %select_n3A_665 : i32
        %select_n3A_676 = arith.select %and3A_674, %add3A_675, %rem3A_666 : i32
        %get3A_677 = arith.index_cast %scan3A_636 : i32 to index
        %get3A_678 = arith.constant 0 : index
        %get3A_679 = tpu.vector_load %arg7[%get3A_677, %get3A_678] {strides = array<i32>} : memref<64x131xf32, #tpu.memory_space<vmem>>, vector<16xf32>,
        %get3A_680 = arith.index_cast %scan3A_636 : i32 to index
        %get3A_681 = arith.constant 16 : index
        %get3A_682 = tpu.vector_load %arg7[%get3A_680, %get3A_681] {strides = array<i32>} : memref<64x131xf32, #tpu.memory_space<vmem>>, vector<16xf32>,
        %get3A_683 = arith.index_cast %scan3A_636 : i32 to index
        %get3A_684 = arith.constant 32 : index
        %get3A_685 = tpu.vector_load %arg7[%get3A_683, %get3A_684] {strides = array<i32>} : memref<64x131xf32, #tpu.memory_space<vmem>>, vector<16xf32>,
        %get3A_686 = arith.index_cast %scan3A_636 : i32 to index
        %get3A_687 = arith.constant 48 : index
        %get3A_688 = tpu.vector_load %arg7[%get3A_686, %get3A_687] {strides = array<i32>} : memref<64x131xf32, #tpu.memory_space<vmem>>, vector<16xf32>,
        %get3A_689 = arith.index_cast %scan3A_636 : i32 to index
        %get3A_690 = arith.constant 64 : index
        %get3A_691 = tpu.vector_load %arg7[%get3A_689, %get3A_690] {strides = array<i32>} : memref<64x131xf32, #tpu.memory_space<vmem>>, vector<16xf32>,
        %get3A_692 = arith.index_cast %scan3A_636 : i32 to index
        %get3A_693 = arith.constant 80 : index
        %get3A_694 = tpu.vector_load %arg7[%get3A_692, %get3A_693] {strides = array<i32>} : memref<64x131xf32, #tpu.memory_space<vmem>>, vector<16xf32>,
        %get3A_695 = arith.index_cast %scan3A_636 : i32 to index
        %get3A_696 = arith.constant 96 : index
        %get3A_697 = tpu.vector_load %arg7[%get3A_695, %get3A_696] {strides = array<i32>} : memref<64x131xf32, #tpu.memory_space<vmem>>, vector<16xf32>,
        %get3A_698 = arith.index_cast %scan3A_636 : i32 to index
        %get3A_699 = arith.constant 112 : index
        %get3A_700 = tpu.vector_load %arg7[%get3A_698, %get3A_699] {strides = array<i32>} : memref<64x131xf32, #tpu.memory_space<vmem>>, vector<16xf32>,
        %swap3A_701 = arith.constant 4 : i32
        %swap3A_702 = arith.index_cast %swap3A_701 : i32 to index
        %swap3A_703 = arith.index_cast %select_n3A_660 : i32 to index
        %swap3A_704 = arith.index_cast %select_n3A_676 : i32 to index
        %swap3A_705 = arith.constant 0 : index
        %swap3A_706 = tpu.vector_load %arg8[%swap3A_702, %swap3A_703, %swap3A_704, %swap3A_705] {strides = array<i32>} : memref<5x8x8x128xf32, #tpu.memory_space<vmem>>, vector<16xf32>,
        tpu.vector_store %arg8[%swap3A_702, %swap3A_703, %swap3A_704, %swap3A_705], %get3A_679 {strides = array<i32>} : memref<5x8x8x128xf32, #tpu.memory_space<vmem>>, vector<16xf32>,
        %swap3A_707 = arith.constant 4 : i32
        %swap3A_708 = arith.index_cast %swap3A_707 : i32 to index
        %swap3A_709 = arith.index_cast %select_n3A_660 : i32 to index
        %swap3A_710 = arith.index_cast %select_n3A_676 : i32 to index
        %swap3A_711 = arith.constant 16 : index
        %swap3A_712 = tpu.vector_load %arg8[%swap3A_708, %swap3A_709, %swap3A_710, %swap3A_711] {strides = array<i32>} : memref<5x8x8x128xf32, #tpu.memory_space<vmem>>, vector<16xf32>,
        tpu.vector_store %arg8[%swap3A_708, %swap3A_709, %swap3A_710, %swap3A_711], %get3A_682 {strides = array<i32>} : memref<5x8x8x128xf32, #tpu.memory_space<vmem>>, vector<16xf32>,
        %swap3A_713 = arith.constant 4 : i32
        %swap3A_714 = arith.index_cast %swap3A_713 : i32 to index
        %swap3A_715 = arith.index_cast %select_n3A_660 : i32 to index
        %swap3A_716 = arith.index_cast %select_n3A_676 : i32 to index
        %swap3A_717 = arith.constant 32 : index
        %swap3A_718 = tpu.vector_load %arg8[%swap3A_714, %swap3A_715, %swap3A_716, %swap3A_717] {strides = array<i32>} : memref<5x8x8x128xf32, #tpu.memory_space<vmem>>, vector<16xf32>,
        tpu.vector_store %arg8[%swap3A_714, %swap3A_715, %swap3A_716, %swap3A_717], %get3A_685 {strides = array<i32>} : memref<5x8x8x128xf32, #tpu.memory_space<vmem>>, vector<16xf32>,
        %swap3A_719 = arith.constant 4 : i32
        %swap3A_720 = arith.index_cast %swap3A_719 : i32 to index
        %swap3A_721 = arith.index_cast %select_n3A_660 : i32 to index
        %swap3A_722 = arith.index_cast %select_n3A_676 : i32 to index
        %swap3A_723 = arith.constant 48 : index
        %swap3A_724 = tpu.vector_load %arg8[%swap3A_720, %swap3A_721, %swap3A_722, %swap3A_723] {strides = array<i32>} : memref<5x8x8x128xf32, #tpu.memory_space<vmem>>, vector<16xf32>,
        tpu.vector_store %arg8[%swap3A_720, %swap3A_721, %swap3A_722, %swap3A_723], %get3A_688 {strides = array<i32>} : memref<5x8x8x128xf32, #tpu.memory_space<vmem>>, vector<16xf32>,
        %swap3A_725 = arith.constant 4 : i32
        %swap3A_726 = arith.index_cast %swap3A_725 : i32 to index
        %swap3A_727 = arith.index_cast %select_n3A_660 : i32 to index
        %swap3A_728 = arith.index_cast %select_n3A_676 : i32 to index
        %swap3A_729 = arith.constant 64 : index
        %swap3A_730 = tpu.vector_load %arg8[%swap3A_726, %swap3A_727, %swap3A_728, %swap3A_729] {strides = array<i32>} : memref<5x8x8x128xf32, #tpu.memory_space<vmem>>, vector<16xf32>,
        tpu.vector_store %arg8[%swap3A_726, %swap3A_727, %swap3A_728, %swap3A_729], %get3A_691 {strides = array<i32>} : memref<5x8x8x128xf32, #tpu.memory_space<vmem>>, vector<16xf32>,
        %swap3A_731 = arith.constant 4 : i32
        %swap3A_732 = arith.index_cast %swap3A_731 : i32 to index
        %swap3A_733 = arith.index_cast %select_n3A_660 : i32 to index
        %swap3A_734 = arith.index_cast %select_n3A_676 : i32 to index
        %swap3A_735 = arith.constant 80 : index
        %swap3A_736 = tpu.vector_load %arg8[%swap3A_732, %swap3A_733, %swap3A_734, %swap3A_735] {strides = array<i32>} : memref<5x8x8x128xf32, #tpu.memory_space<vmem>>, vector<16xf32>,
        tpu.vector_store %arg8[%swap3A_732, %swap3A_733, %swap3A_734, %swap3A_735], %get3A_694 {strides = array<i32>} : memref<5x8x8x128xf32, #tpu.memory_space<vmem>>, vector<16xf32>,
        %swap3A_737 = arith.constant 4 : i32
        %swap3A_738 = arith.index_cast %swap3A_737 : i32 to index
        %swap3A_739 = arith.index_cast %select_n3A_660 : i32 to index
        %swap3A_740 = arith.index_cast %select_n3A_676 : i32 to index
        %swap3A_741 = arith.constant 96 : index
        %swap3A_742 = tpu.vector_load %arg8[%swap3A_738, %swap3A_739, %swap3A_740, %swap3A_741] {strides = array<i32>} : memref<5x8x8x128xf32, #tpu.memory_space<vmem>>, vector<16xf32>,
        tpu.vector_store %arg8[%swap3A_738, %swap3A_739, %swap3A_740, %swap3A_741], %get3A_697 {strides = array<i32>} : memref<5x8x8x128xf32, #tpu.memory_space<vmem>>, vector<16xf32>,
        %swap3A_743 = arith.constant 4 : i32
        %swap3A_744 = arith.index_cast %swap3A_743 : i32 to index
        %swap3A_745 = arith.index_cast %select_n3A_660 : i32 to index
        %swap3A_746 = arith.index_cast %select_n3A_676 : i32 to index
        %swap3A_747 = arith.constant 112 : index
        %swap3A_748 = tpu.vector_load %arg8[%swap3A_744, %swap3A_745, %swap3A_746, %swap3A_747] {strides = array<i32>} : memref<5x8x8x128xf32, #tpu.memory_space<vmem>>, vector<16xf32>,
        tpu.vector_store %arg8[%swap3A_744, %swap3A_745, %swap3A_746, %swap3A_747], %get3A_700 {strides = array<i32>} : memref<5x8x8x128xf32, #tpu.memory_space<vmem>>, vector<16xf32>,
        %scan3A_749 = arith.constant 2 : i32
        %scan3A_750 = arith.addi %scan3A_533, %scan3A_749 : i32
        %jit3A_751 = arith.constant 8 : i32
        %div3A_752 = arith.divsi %scan3A_750, %jit3A_751 : i32
        %sign3A_753 = arith.constant 0 : i32
        %sign3A_754 = arith.cmpi sgt, %scan3A_750, %sign3A_753 : i32
        %sign3A_755 = arith.extui %sign3A_754 : i1 to i32
        %sign3A_756 = arith.constant 0 : i32
        %sign3A_757 = arith.cmpi slt, %scan3A_750, %sign3A_756 : i32
        %sign3A_758 = arith.extui %sign3A_757 : i1 to i32
        %sign3A_759 = arith.subi %sign3A_755, %sign3A_758 : i32
        %sign3A_760 = arith.constant 0 : i32
        %sign3A_761 = arith.cmpi sgt, %jit3A_751, %sign3A_760 : i32
        %sign3A_762 = arith.extui %sign3A_761 : i1 to i32
        %sign3A_763 = arith.constant 0 : i32
        %sign3A_764 = arith.cmpi slt, %jit3A_751, %sign3A_763 : i32
        %sign3A_765 = arith.extui %sign3A_764 : i1 to i32
        %sign3A_766 = arith.subi %sign3A_762, %sign3A_765 : i32
        %ne3A_767 = arith.cmpi ne, %sign3A_759, %sign3A_766 : i32
        %rem3A_768 = arith.remsi %scan3A_750, %jit3A_751 : i32
        %ne3A_769 = arith.constant 0 : i32
        %ne3A_770 = arith.cmpi ne, %rem3A_768, %ne3A_769 : i32
        %and3A_771 = arith.andi %ne3A_767, %ne3A_770 : i1
        %sub3A_772 = arith.constant 1 : i32
        %sub3A_773 = arith.subi %div3A_752, %sub3A_772 : i32
        %select_n3A_774 = arith.select %and3A_771, %sub3A_773, %div3A_752 : i32
        %jit3A_775 = arith.constant 8 : i32
        %eq3A_776 = arith.constant 0 : i32
        %eq3A_777 = arith.cmpi eq, %jit3A_775, %eq3A_776 : i32
        %jit3A_778 = arith.constant 1 : i32
        %select_n3A_779 = arith.select %eq3A_777, %jit3A_778, %jit3A_775 : i32
        %rem3A_780 = arith.remsi %scan3A_750, %select_n3A_779 : i32
        %ne3A_781 = arith.constant 0 : i32
        %ne3A_782 = arith.cmpi ne, %rem3A_780, %ne3A_781 : i32
        %lt3A_783 = arith.constant 0 : i32
        %lt3A_784 = arith.cmpi slt, %rem3A_780, %lt3A_783 : i32
        %lt3A_785 = arith.constant 0 : i32
        %lt3A_786 = arith.cmpi slt, %select_n3A_779, %lt3A_785 : i32
        %ne3A_787 = arith.xori %lt3A_784, %lt3A_786 : i1
        %and3A_788 = arith.andi %ne3A_787, %ne3A_782 : i1
        %add3A_789 = arith.addi %rem3A_780, %select_n3A_779 : i32
        %select_n3A_790 = arith.select %and3A_788, %add3A_789, %rem3A_780 : i32
        %get3A_791 = arith.index_cast %scan3A_750 : i32 to index
        %get3A_792 = arith.constant 0 : index
        %get3A_793 = tpu.vector_load %arg7[%get3A_791, %get3A_792] {strides = array<i32>} : memref<64x131xf32, #tpu.memory_space<vmem>>, vector<16xf32>,
        %get3A_794 = arith.index_cast %scan3A_750 : i32 to index
        %get3A_795 = arith.constant 16 : index
        %get3A_796 = tpu.vector_load %arg7[%get3A_794, %get3A_795] {strides = array<i32>} : memref<64x131xf32, #tpu.memory_space<vmem>>, vector<16xf32>,
        %get3A_797 = arith.index_cast %scan3A_750 : i32 to index
        %get3A_798 = arith.constant 32 : index
        %get3A_799 = tpu.vector_load %arg7[%get3A_797, %get3A_798] {strides = array<i32>} : memref<64x131xf32, #tpu.memory_space<vmem>>, vector<16xf32>,
        %get3A_800 = arith.index_cast %scan3A_750 : i32 to index
        %get3A_801 = arith.constant 48 : index
        %get3A_802 = tpu.vector_load %arg7[%get3A_800, %get3A_801] {strides = array<i32>} : memref<64x131xf32, #tpu.memory_space<vmem>>, vector<16xf32>,
        %get3A_803 = arith.index_cast %scan3A_750 : i32 to index
        %get3A_804 = arith.constant 64 : index
        %get3A_805 = tpu.vector_load %arg7[%get3A_803, %get3A_804] {strides = array<i32>} : memref<64x131xf32, #tpu.memory_space<vmem>>, vector<16xf32>,
        %get3A_806 = arith.index_cast %scan3A_750 : i32 to index
        %get3A_807 = arith.constant 80 : index
        %get3A_808 = tpu.vector_load %arg7[%get3A_806, %get3A_807] {strides = array<i32>} : memref<64x131xf32, #tpu.memory_space<vmem>>, vector<16xf32>,
        %get3A_809 = arith.index_cast %scan3A_750 : i32 to index
        %get3A_810 = arith.constant 96 : index
        %get3A_811 = tpu.vector_load %arg7[%get3A_809, %get3A_810] {strides = array<i32>} : memref<64x131xf32, #tpu.memory_space<vmem>>, vector<16xf32>,
        %get3A_812 = arith.index_cast %scan3A_750 : i32 to index
        %get3A_813 = arith.constant 112 : index
        %get3A_814 = tpu.vector_load %arg7[%get3A_812, %get3A_813] {strides = array<i32>} : memref<64x131xf32, #tpu.memory_space<vmem>>, vector<16xf32>,
        %swap3A_815 = arith.constant 4 : i32
        %swap3A_816 = arith.index_cast %swap3A_815 : i32 to index
        %swap3A_817 = arith.index_cast %select_n3A_774 : i32 to index
        %swap3A_818 = arith.index_cast %select_n3A_790 : i32 to index
        %swap3A_819 = arith.constant 0 : index
        %swap3A_820 = tpu.vector_load %arg8[%swap3A_816, %swap3A_817, %swap3A_818, %swap3A_819] {strides = array<i32>} : memref<5x8x8x128xf32, #tpu.memory_space<vmem>>, vector<16xf32>,
        tpu.vector_store %arg8[%swap3A_816, %swap3A_817, %swap3A_818, %swap3A_819], %get3A_793 {strides = array<i32>} : memref<5x8x8x128xf32, #tpu.memory_space<vmem>>, vector<16xf32>,
        %swap3A_821 = arith.constant 4 : i32
        %swap3A_822 = arith.index_cast %swap3A_821 : i32 to index
        %swap3A_823 = arith.index_cast %select_n3A_774 : i32 to index
        %swap3A_824 = arith.index_cast %select_n3A_790 : i32 to index
        %swap3A_825 = arith.constant 16 : index
        %swap3A_826 = tpu.vector_load %arg8[%swap3A_822, %swap3A_823, %swap3A_824, %swap3A_825] {strides = array<i32>} : memref<5x8x8x128xf32, #tpu.memory_space<vmem>>, vector<16xf32>,
        tpu.vector_store %arg8[%swap3A_822, %swap3A_823, %swap3A_824, %swap3A_825], %get3A_796 {strides = array<i32>} : memref<5x8x8x128xf32, #tpu.memory_space<vmem>>, vector<16xf32>,
        %swap3A_827 = arith.constant 4 : i32
        %swap3A_828 = arith.index_cast %swap3A_827 : i32 to index
        %swap3A_829 = arith.index_cast %select_n3A_774 : i32 to index
        %swap3A_830 = arith.index_cast %select_n3A_790 : i32 to index
        %swap3A_831 = arith.constant 32 : index
        %swap3A_832 = tpu.vector_load %arg8[%swap3A_828, %swap3A_829, %swap3A_830, %swap3A_831] {strides = array<i32>} : memref<5x8x8x128xf32, #tpu.memory_space<vmem>>, vector<16xf32>,
        tpu.vector_store %arg8[%swap3A_828, %swap3A_829, %swap3A_830, %swap3A_831], %get3A_799 {strides = array<i32>} : memref<5x8x8x128xf32, #tpu.memory_space<vmem>>, vector<16xf32>,
        %swap3A_833 = arith.constant 4 : i32
        %swap3A_834 = arith.index_cast %swap3A_833 : i32 to index
        %swap3A_835 = arith.index_cast %select_n3A_774 : i32 to index
        %swap3A_836 = arith.index_cast %select_n3A_790 : i32 to index
        %swap3A_837 = arith.constant 48 : index
        %swap3A_838 = tpu.vector_load %arg8[%swap3A_834, %swap3A_835, %swap3A_836, %swap3A_837] {strides = array<i32>} : memref<5x8x8x128xf32, #tpu.memory_space<vmem>>, vector<16xf32>,
        tpu.vector_store %arg8[%swap3A_834, %swap3A_835, %swap3A_836, %swap3A_837], %get3A_802 {strides = array<i32>} : memref<5x8x8x128xf32, #tpu.memory_space<vmem>>, vector<16xf32>,
        %swap3A_839 = arith.constant 4 : i32
        %swap3A_840 = arith.index_cast %swap3A_839 : i32 to index
        %swap3A_841 = arith.index_cast %select_n3A_774 : i32 to index
        %swap3A_842 = arith.index_cast %select_n3A_790 : i32 to index
        %swap3A_843 = arith.constant 64 : index
        %swap3A_844 = tpu.vector_load %arg8[%swap3A_840, %swap3A_841, %swap3A_842, %swap3A_843] {strides = array<i32>} : memref<5x8x8x128xf32, #tpu.memory_space<vmem>>, vector<16xf32>,
        tpu.vector_store %arg8[%swap3A_840, %swap3A_841, %swap3A_842, %swap3A_843], %get3A_805 {strides = array<i32>} : memref<5x8x8x128xf32, #tpu.memory_space<vmem>>, vector<16xf32>,
        %swap3A_845 = arith.constant 4 : i32
        %swap3A_846 = arith.index_cast %swap3A_845 : i32 to index
        %swap3A_847 = arith.index_cast %select_n3A_774 : i32 to index
        %swap3A_848 = arith.index_cast %select_n3A_790 : i32 to index
        %swap3A_849 = arith.constant 80 : index
        %swap3A_850 = tpu.vector_load %arg8[%swap3A_846, %swap3A_847, %swap3A_848, %swap3A_849] {strides = array<i32>} : memref<5x8x8x128xf32, #tpu.memory_space<vmem>>, vector<16xf32>,
        tpu.vector_store %arg8[%swap3A_846, %swap3A_847, %swap3A_848, %swap3A_849], %get3A_808 {strides = array<i32>} : memref<5x8x8x128xf32, #tpu.memory_space<vmem>>, vector<16xf32>,
        %swap3A_851 = arith.constant 4 : i32
        %swap3A_852 = arith.index_cast %swap3A_851 : i32 to index
        %swap3A_853 = arith.index_cast %select_n3A_774 : i32 to index
        %swap3A_854 = arith.index_cast %select_n3A_790 : i32 to index
        %swap3A_855 = arith.constant 96 : index
        %swap3A_856 = tpu.vector_load %arg8[%swap3A_852, %swap3A_853, %swap3A_854, %swap3A_855] {strides = array<i32>} : memref<5x8x8x128xf32, #tpu.memory_space<vmem>>, vector<16xf32>,
        tpu.vector_store %arg8[%swap3A_852, %swap3A_853, %swap3A_854, %swap3A_855], %get3A_811 {strides = array<i32>} : memref<5x8x8x128xf32, #tpu.memory_space<vmem>>, vector<16xf32>,
        %swap3A_857 = arith.constant 4 : i32
        %swap3A_858 = arith.index_cast %swap3A_857 : i32 to index
        %swap3A_859 = arith.index_cast %select_n3A_774 : i32 to index
        %swap3A_860 = arith.index_cast %select_n3A_790 : i32 to index
        %swap3A_861 = arith.constant 112 : index
        %swap3A_862 = tpu.vector_load %arg8[%swap3A_858, %swap3A_859, %swap3A_860, %swap3A_861] {strides = array<i32>} : memref<5x8x8x128xf32, #tpu.memory_space<vmem>>, vector<16xf32>,
        tpu.vector_store %arg8[%swap3A_858, %swap3A_859, %swap3A_860, %swap3A_861], %get3A_814 {strides = array<i32>} : memref<5x8x8x128xf32, #tpu.memory_space<vmem>>, vector<16xf32>,
        %scan3A_863 = arith.constant 3 : i32
        %scan3A_864 = arith.addi %scan3A_533, %scan3A_863 : i32
        %jit3A_865 = arith.constant 8 : i32
        %div3A_866 = arith.divsi %scan3A_864, %jit3A_865 : i32
        %sign3A_867 = arith.constant 0 : i32
        %sign3A_868 = arith.cmpi sgt, %scan3A_864, %sign3A_867 : i32
        %sign3A_869 = arith.extui %sign3A_868 : i1 to i32
        %sign3A_870 = arith.constant 0 : i32
        %sign3A_871 = arith.cmpi slt, %scan3A_864, %sign3A_870 : i32
        %sign3A_872 = arith.extui %sign3A_871 : i1 to i32
        %sign3A_873 = arith.subi %sign3A_869, %sign3A_872 : i32
        %sign3A_874 = arith.constant 0 : i32
        %sign3A_875 = arith.cmpi sgt, %jit3A_865, %sign3A_874 : i32
        %sign3A_876 = arith.extui %sign3A_875 : i1 to i32
        %sign3A_877 = arith.constant 0 : i32
        %sign3A_878 = arith.cmpi slt, %jit3A_865, %sign3A_877 : i32
        %sign3A_879 = arith.extui %sign3A_878 : i1 to i32
        %sign3A_880 = arith.subi %sign3A_876, %sign3A_879 : i32
        %ne3A_881 = arith.cmpi ne, %sign3A_873, %sign3A_880 : i32
        %rem3A_882 = arith.remsi %scan3A_864, %jit3A_865 : i32
        %ne3A_883 = arith.constant 0 : i32
        %ne3A_884 = arith.cmpi ne, %rem3A_882, %ne3A_883 : i32
        %and3A_885 = arith.andi %ne3A_881, %ne3A_884 : i1
        %sub3A_886 = arith.constant 1 : i32
        %sub3A_887 = arith.subi %div3A_866, %sub3A_886 : i32
        %select_n3A_888 = arith.select %and3A_885, %sub3A_887, %div3A_866 : i32
        %jit3A_889 = arith.constant 8 : i32
        %eq3A_890 = arith.constant 0 : i32
        %eq3A_891 = arith.cmpi eq, %jit3A_889, %eq3A_890 : i32
        %jit3A_892 = arith.constant 1 : i32
        %select_n3A_893 = arith.select %eq3A_891, %jit3A_892, %jit3A_889 : i32
        %rem3A_894 = arith.remsi %scan3A_864, %select_n3A_893 : i32
        %ne3A_895 = arith.constant 0 : i32
        %ne3A_896 = arith.cmpi ne, %rem3A_894, %ne3A_895 : i32
        %lt3A_897 = arith.constant 0 : i32
        %lt3A_898 = arith.cmpi slt, %rem3A_894, %lt3A_897 : i32
        %lt3A_899 = arith.constant 0 : i32
        %lt3A_900 = arith.cmpi slt, %select_n3A_893, %lt3A_899 : i32
        %ne3A_901 = arith.xori %lt3A_898, %lt3A_900 : i1
        %and3A_902 = arith.andi %ne3A_901, %ne3A_896 : i1
        %add3A_903 = arith.addi %rem3A_894, %select_n3A_893 : i32
        %select_n3A_904 = arith.select %and3A_902, %add3A_903, %rem3A_894 : i32
        %get3A_905 = arith.index_cast %scan3A_864 : i32 to index
        %get3A_906 = arith.constant 0 : index
        %get3A_907 = tpu.vector_load %arg7[%get3A_905, %get3A_906] {strides = array<i32>} : memref<64x131xf32, #tpu.memory_space<vmem>>, vector<16xf32>,
        %get3A_908 = arith.index_cast %scan3A_864 : i32 to index
        %get3A_909 = arith.constant 16 : index
        %get3A_910 = tpu.vector_load %arg7[%get3A_908, %get3A_909] {strides = array<i32>} : memref<64x131xf32, #tpu.memory_space<vmem>>, vector<16xf32>,
        %get3A_911 = arith.index_cast %scan3A_864 : i32 to index
        %get3A_912 = arith.constant 32 : index
        %get3A_913 = tpu.vector_load %arg7[%get3A_911, %get3A_912] {strides = array<i32>} : memref<64x131xf32, #tpu.memory_space<vmem>>, vector<16xf32>,
        %get3A_914 = arith.index_cast %scan3A_864 : i32 to index
        %get3A_915 = arith.constant 48 : index
        %get3A_916 = tpu.vector_load %arg7[%get3A_914, %get3A_915] {strides = array<i32>} : memref<64x131xf32, #tpu.memory_space<vmem>>, vector<16xf32>,
        %get3A_917 = arith.index_cast %scan3A_864 : i32 to index
        %get3A_918 = arith.constant 64 : index
        %get3A_919 = tpu.vector_load %arg7[%get3A_917, %get3A_918] {strides = array<i32>} : memref<64x131xf32, #tpu.memory_space<vmem>>, vector<16xf32>,
        %get3A_920 = arith.index_cast %scan3A_864 : i32 to index
        %get3A_921 = arith.constant 80 : index
        %get3A_922 = tpu.vector_load %arg7[%get3A_920, %get3A_921] {strides = array<i32>} : memref<64x131xf32, #tpu.memory_space<vmem>>, vector<16xf32>,
        %get3A_923 = arith.index_cast %scan3A_864 : i32 to index
        %get3A_924 = arith.constant 96 : index
        %get3A_925 = tpu.vector_load %arg7[%get3A_923, %get3A_924] {strides = array<i32>} : memref<64x131xf32, #tpu.memory_space<vmem>>, vector<16xf32>,
        %get3A_926 = arith.index_cast %scan3A_864 : i32 to index
        %get3A_927 = arith.constant 112 : index
        %get3A_928 = tpu.vector_load %arg7[%get3A_926, %get3A_927] {strides = array<i32>} : memref<64x131xf32, #tpu.memory_space<vmem>>, vector<16xf32>,
        %swap3A_929 = arith.constant 4 : i32
        %swap3A_930 = arith.index_cast %swap3A_929 : i32 to index
        %swap3A_931 = arith.index_cast %select_n3A_888 : i32 to index
        %swap3A_932 = arith.index_cast %select_n3A_904 : i32 to index
        %swap3A_933 = arith.constant 0 : index
        %swap3A_934 = tpu.vector_load %arg8[%swap3A_930, %swap3A_931, %swap3A_932, %swap3A_933] {strides = array<i32>} : memref<5x8x8x128xf32, #tpu.memory_space<vmem>>, vector<16xf32>,
        tpu.vector_store %arg8[%swap3A_930, %swap3A_931, %swap3A_932, %swap3A_933], %get3A_907 {strides = array<i32>} : memref<5x8x8x128xf32, #tpu.memory_space<vmem>>, vector<16xf32>,
        %swap3A_935 = arith.constant 4 : i32
        %swap3A_936 = arith.index_cast %swap3A_935 : i32 to index
        %swap3A_937 = arith.index_cast %select_n3A_888 : i32 to index
        %swap3A_938 = arith.index_cast %select_n3A_904 : i32 to index
        %swap3A_939 = arith.constant 16 : index
        %swap3A_940 = tpu.vector_load %arg8[%swap3A_936, %swap3A_937, %swap3A_938, %swap3A_939] {strides = array<i32>} : memref<5x8x8x128xf32, #tpu.memory_space<vmem>>, vector<16xf32>,
        tpu.vector_store %arg8[%swap3A_936, %swap3A_937, %swap3A_938, %swap3A_939], %get3A_910 {strides = array<i32>} : memref<5x8x8x128xf32, #tpu.memory_space<vmem>>, vector<16xf32>,
        %swap3A_941 = arith.constant 4 : i32
        %swap3A_942 = arith.index_cast %swap3A_941 : i32 to index
        %swap3A_943 = arith.index_cast %select_n3A_888 : i32 to index
        %swap3A_944 = arith.index_cast %select_n3A_904 : i32 to index
        %swap3A_945 = arith.constant 32 : index
        %swap3A_946 = tpu.vector_load %arg8[%swap3A_942, %swap3A_943, %swap3A_944, %swap3A_945] {strides = array<i32>} : memref<5x8x8x128xf32, #tpu.memory_space<vmem>>, vector<16xf32>,
        tpu.vector_store %arg8[%swap3A_942, %swap3A_943, %swap3A_944, %swap3A_945], %get3A_913 {strides = array<i32>} : memref<5x8x8x128xf32, #tpu.memory_space<vmem>>, vector<16xf32>,
        %swap3A_947 = arith.constant 4 : i32
        %swap3A_948 = arith.index_cast %swap3A_947 : i32 to index
        %swap3A_949 = arith.index_cast %select_n3A_888 : i32 to index
        %swap3A_950 = arith.index_cast %select_n3A_904 : i32 to index
        %swap3A_951 = arith.constant 48 : index
        %swap3A_952 = tpu.vector_load %arg8[%swap3A_948, %swap3A_949, %swap3A_950, %swap3A_951] {strides = array<i32>} : memref<5x8x8x128xf32, #tpu.memory_space<vmem>>, vector<16xf32>,
        tpu.vector_store %arg8[%swap3A_948, %swap3A_949, %swap3A_950, %swap3A_951], %get3A_916 {strides = array<i32>} : memref<5x8x8x128xf32, #tpu.memory_space<vmem>>, vector<16xf32>,
        %swap3A_953 = arith.constant 4 : i32
        %swap3A_954 = arith.index_cast %swap3A_953 : i32 to index
        %swap3A_955 = arith.index_cast %select_n3A_888 : i32 to index
        %swap3A_956 = arith.index_cast %select_n3A_904 : i32 to index
        %swap3A_957 = arith.constant 64 : index
        %swap3A_958 = tpu.vector_load %arg8[%swap3A_954, %swap3A_955, %swap3A_956, %swap3A_957] {strides = array<i32>} : memref<5x8x8x128xf32, #tpu.memory_space<vmem>>, vector<16xf32>,
        tpu.vector_store %arg8[%swap3A_954, %swap3A_955, %swap3A_956, %swap3A_957], %get3A_919 {strides = array<i32>} : memref<5x8x8x128xf32, #tpu.memory_space<vmem>>, vector<16xf32>,
        %swap3A_959 = arith.constant 4 : i32
        %swap3A_960 = arith.index_cast %swap3A_959 : i32 to index
        %swap3A_961 = arith.index_cast %select_n3A_888 : i32 to index
        %swap3A_962 = arith.index_cast %select_n3A_904 : i32 to index
        %swap3A_963 = arith.constant 80 : index
        %swap3A_964 = tpu.vector_load %arg8[%swap3A_960, %swap3A_961, %swap3A_962, %swap3A_963] {strides = array<i32>} : memref<5x8x8x128xf32, #tpu.memory_space<vmem>>, vector<16xf32>,
        tpu.vector_store %arg8[%swap3A_960, %swap3A_961, %swap3A_962, %swap3A_963], %get3A_922 {strides = array<i32>} : memref<5x8x8x128xf32, #tpu.memory_space<vmem>>, vector<16xf32>,
        %swap3A_965 = arith.constant 4 : i32
        %swap3A_966 = arith.index_cast %swap3A_965 : i32 to index
        %swap3A_967 = arith.index_cast %select_n3A_888 : i32 to index
        %swap3A_968 = arith.index_cast %select_n3A_904 : i32 to index
        %swap3A_969 = arith.constant 96 : index
        %swap3A_970 = tpu.vector_load %arg8[%swap3A_966, %swap3A_967, %swap3A_968, %swap3A_969] {strides = array<i32>} : memref<5x8x8x128xf32, #tpu.memory_space<vmem>>, vector<16xf32>,
        tpu.vector_store %arg8[%swap3A_966, %swap3A_967, %swap3A_968, %swap3A_969], %get3A_925 {strides = array<i32>} : memref<5x8x8x128xf32, #tpu.memory_space<vmem>>, vector<16xf32>,
        %swap3A_971 = arith.constant 4 : i32
        %swap3A_972 = arith.index_cast %swap3A_971 : i32 to index
        %swap3A_973 = arith.index_cast %select_n3A_888 : i32 to index
        %swap3A_974 = arith.index_cast %select_n3A_904 : i32 to index
        %swap3A_975 = arith.constant 112 : index
        %swap3A_976 = tpu.vector_load %arg8[%swap3A_972, %swap3A_973, %swap3A_974, %swap3A_975] {strides = array<i32>} : memref<5x8x8x128xf32, #tpu.memory_space<vmem>>, vector<16xf32>,
        tpu.vector_store %arg8[%swap3A_972, %swap3A_973, %swap3A_974, %swap3A_975], %get3A_928 {strides = array<i32>} : memref<5x8x8x128xf32, #tpu.memory_space<vmem>>, vector<16xf32>,
      }
      %scan3A_503 = arith.constant 64 : i32
      %lt3A_504 = arith.constant 39 : i32
      %lt3A_505 = arith.cmpi slt, %scan3A_216, %lt3A_504 : i32
      %convert_element_type3A_506 = arith.extui %lt3A_505 : i1 to i32
      %cond3A_507 = arith.constant 0 : i32
      %cond3A_508 = arith.cmpi ne, %convert_element_type3A_506, %cond3A_507 : i32
      scf.if %cond3A_508 {
        %add3A_533 = arith.constant 5 : i32
        %add3A_534 = arith.addi %add3A_472, %add3A_533 : i32
        %dma_start3A_535 = arith.constant 4 : i32
        %dma_start3A_536 = arith.constant 4 : i32
        %dma_start3A_537 = arith.constant 0 : i32
        %dma_start3A_538 = arith.constant 0 : i32
        %dma_start3A_539 = tpu.memref_slice %arg6[%dma_start3A_535, %dma_start3A_537, %dma_start3A_538] : memref<5x128x64xf32, #tpu.memory_space<vmem>> -> memref<1x128x64xf32, #tpu.memory_space<vmem>>
        %dma_start3A_540 = tpu.memref_squeeze %dma_start3A_539 : memref<1x128x64xf32, #tpu.memory_space<vmem>> -> memref<128x64xf32, #tpu.memory_space<vmem>>
        %dma_start3A_541 = arith.constant 0 : i32
        %dma_start3A_542 = tpu.memref_slice %arg5[%add3A_534, %dma_start3A_541] : memref<200x128xi32, #tpu.memory_space<vmem>> -> memref<1x128xi32, #tpu.memory_space<vmem>>
        %dma_start3A_543 = tpu.memref_squeeze %dma_start3A_542 : memref<1x128xi32, #tpu.memory_space<vmem>> -> memref<128xi32, #tpu.memory_space<vmem>>
        %dma_start3A_544 = arith.constant 0 : i32
        %dma_start3A_545 = arith.constant 0 : i32
        %dma_start3A_546 = tpu.memref_slice %arg3[%dma_start3A_544, %dma_start3A_545] : memref<1000000x64xf32, #tpu.memory_space<hbm>> -> memref<1000000x64xf32, #tpu.memory_space<hbm>>
        %dma_start3A_547 = tpu.memref_slice %arg9[%dma_start3A_536] : memref<5x!tpu.dma_semaphore, #tpu.memory_space<semaphore_mem>> -> memref<1x!tpu.dma_semaphore, #tpu.memory_space<semaphore_mem>>
        %dma_start3A_548 = tpu.memref_squeeze %dma_start3A_547 : memref<1x!tpu.dma_semaphore, #tpu.memory_space<semaphore_mem>> -> memref<!tpu.dma_semaphore, #tpu.memory_space<semaphore_mem>>
        tpu.enqueue_indirect_dma source(%dma_start3A_546 : memref<1000000x64xf32, #tpu.memory_space<hbm>>) target(%dma_start3A_540 : memref<128x64xf32, #tpu.memory_space<vmem>>) offsets(%dma_start3A_543 : memref<128xi32, #tpu.memory_space<vmem>>) semaphore(%dma_start3A_548 : memref<!tpu.dma_semaphore, #tpu.memory_space<semaphore_mem>>)
      } else {
      }
      %dma_start3A_509 = arith.constant 4 : i32
      %dma_start3A_510 = arith.constant 4 : i32
      %dma_start3A_511 = arith.constant 0 : i32
      %dma_start3A_512 = arith.constant 0 : i32
      %dma_start3A_513 = arith.constant 0 : i32
      %dma_start3A_514 = tpu.memref_slice %arg8[%dma_start3A_509, %dma_start3A_511, %dma_start3A_512, %dma_start3A_513] : memref<5x8x8x128xf32, #tpu.memory_space<vmem>> -> memref<1x8x8x128xf32, #tpu.memory_space<vmem>>
      %dma_start3A_515 = tpu.memref_squeeze %dma_start3A_514 : memref<1x8x8x128xf32, #tpu.memory_space<vmem>> -> memref<8x8x128xf32, #tpu.memory_space<vmem>>
      %dma_start3A_516 = arith.constant 0 : i32
      %dma_start3A_517 = arith.constant 0 : i32
      %dma_start3A_518 = arith.constant 0 : i32
      %dma_start3A_519 = tpu.memref_slice %arg4[%add3A_472, %dma_start3A_516, %add3A, %dma_start3A_517, %dma_start3A_518] : memref<200x8x32x8x128xf32, #tpu.memory_space<hbm>> -> memref<1x8x1x8x128xf32, #tpu.memory_space<hbm>>
      %dma_start3A_520 = tpu.memref_squeeze %dma_start3A_519 : memref<1x8x1x8x128xf32, #tpu.memory_space<hbm>> -> memref<8x8x128xf32, #tpu.memory_space<hbm>>
      %dma_start3A_521 = tpu.memref_slice %arg10[%dma_start3A_510] : memref<5x!tpu.dma_semaphore, #tpu.memory_space<semaphore_mem>> -> memref<1x!tpu.dma_semaphore, #tpu.memory_space<semaphore_mem>>
      %dma_start3A_522 = tpu.memref_squeeze %dma_start3A_521 : memref<1x!tpu.dma_semaphore, #tpu.memory_space<semaphore_mem>> -> memref<!tpu.dma_semaphore, #tpu.memory_space<semaphore_mem>>
      %dma_start3A_523 = arith.constant 0 : i32
      %dma_start3A_524 = arith.constant 0 : i32
      %dma_start3A_525 = arith.constant 0 : i32
      %dma_start3A_526 = tpu.memref_slice %arg4[%add3A_472, %dma_start3A_523, %add3A, %dma_start3A_524, %dma_start3A_525] : memref<200x8x32x8x128xf32, #tpu.memory_space<hbm>> -> memref<1x8x1x8x128xf32, #tpu.memory_space<hbm>>
      %dma_start3A_527 = tpu.memref_squeeze %dma_start3A_526 : memref<1x8x1x8x128xf32, #tpu.memory_space<hbm>> -> memref<8x8x128xf32, #tpu.memory_space<hbm>>
      %dma_start3A_528 = arith.constant 0 : i32
      %dma_start3A_529 = arith.constant 0 : i32
      %dma_start3A_530 = arith.constant 0 : i32
      %dma_start3A_531 = tpu.memref_slice %arg8[%dma_start3A_509, %dma_start3A_528, %dma_start3A_529, %dma_start3A_530] : memref<5x8x8x128xf32, #tpu.memory_space<vmem>> -> memref<1x8x8x128xf32, #tpu.memory_space<vmem>>
      %dma_start3A_532 = tpu.memref_squeeze %dma_start3A_531 : memref<1x8x8x128xf32, #tpu.memory_space<vmem>> -> memref<8x8x128xf32, #tpu.memory_space<vmem>>
      tpu.enqueue_dma source(%dma_start3A_532 : memref<8x8x128xf32, #tpu.memory_space<vmem>>) target(%dma_start3A_527 : memref<8x8x128xf32, #tpu.memory_space<hbm>>) target_semaphore(%dma_start3A_522 : memref<!tpu.dma_semaphore, #tpu.memory_space<semaphore_mem>>)
    }
    %scan3A_91 = arith.constant 40 : i32
    %dma_wait3A = arith.constant 0 : i32
    %dma_wait3A_92 = arith.constant 195 : i32
    %dma_wait3A_93 = arith.constant 0 : i32
    %dma_wait3A_94 = arith.constant 0 : i32
    %dma_wait3A_95 = arith.constant 0 : i32
    %dma_wait3A_96 = arith.constant 0 : i32
    %dma_wait3A_97 = tpu.memref_slice %arg8[%dma_wait3A, %dma_wait3A_94, %dma_wait3A_95, %dma_wait3A_96] : memref<5x8x8x128xf32, #tpu.memory_space<vmem>> -> memref<1x8x8x128xf32, #tpu.memory_space<vmem>>
    %dma_wait3A_98 = tpu.memref_squeeze %dma_wait3A_97 : memref<1x8x8x128xf32, #tpu.memory_space<vmem>> -> memref<8x8x128xf32, #tpu.memory_space<vmem>>
    %dma_wait3A_99 = arith.constant 0 : i32
    %dma_wait3A_100 = arith.constant 0 : i32
    %dma_wait3A_101 = arith.constant 0 : i32
    %dma_wait3A_102 = tpu.memref_slice %arg4[%dma_wait3A_92, %dma_wait3A_99, %add3A, %dma_wait3A_100, %dma_wait3A_101] : memref<200x8x32x8x128xf32, #tpu.memory_space<hbm>> -> memref<1x8x1x8x128xf32, #tpu.memory_space<hbm>>
    %dma_wait3A_103 = tpu.memref_squeeze %dma_wait3A_102 : memref<1x8x1x8x128xf32, #tpu.memory_space<hbm>> -> memref<8x8x128xf32, #tpu.memory_space<hbm>>
    %dma_wait3A_104 = tpu.memref_slice %arg10[%dma_wait3A_93] : memref<5x!tpu.dma_semaphore, #tpu.memory_space<semaphore_mem>> -> memref<1x!tpu.dma_semaphore, #tpu.memory_space<semaphore_mem>>
    %dma_wait3A_105 = tpu.memref_squeeze %dma_wait3A_104 : memref<1x!tpu.dma_semaphore, #tpu.memory_space<semaphore_mem>> -> memref<!tpu.dma_semaphore, #tpu.memory_space<semaphore_mem>>
    %dma_wait3A_106 = arith.constant 0 : i32
    %dma_wait3A_107 = arith.constant 0 : i32
    %dma_wait3A_108 = arith.constant 0 : i32
    %dma_wait3A_109 = tpu.memref_slice %arg4[%dma_wait3A_92, %dma_wait3A_106, %add3A, %dma_wait3A_107, %dma_wait3A_108] : memref<200x8x32x8x128xf32, #tpu.memory_space<hbm>> -> memref<1x8x1x8x128xf32, #tpu.memory_space<hbm>>
    %dma_wait3A_110 = tpu.memref_squeeze %dma_wait3A_109 : memref<1x8x1x8x128xf32, #tpu.memory_space<hbm>> -> memref<8x8x128xf32, #tpu.memory_space<hbm>>
    %dma_wait3A_111 = arith.constant 0 : i32
    %dma_wait3A_112 = arith.constant 0 : i32
    %dma_wait3A_113 = arith.constant 0 : i32
    %dma_wait3A_114 = tpu.memref_slice %arg8[%dma_wait3A, %dma_wait3A_111, %dma_wait3A_112, %dma_wait3A_113] : memref<5x8x8x128xf32, #tpu.memory_space<vmem>> -> memref<1x8x8x128xf32, #tpu.memory_space<vmem>>
    %dma_wait3A_115 = tpu.memref_squeeze %dma_wait3A_114 : memref<1x8x8x128xf32, #tpu.memory_space<vmem>> -> memref<8x8x128xf32, #tpu.memory_space<vmem>>
    tpu.wait_dma2 semaphore(%dma_wait3A_105 : memref<!tpu.dma_semaphore, #tpu.memory_space<semaphore_mem>>) src(%dma_wait3A_115 : memref<8x8x128xf32, #tpu.memory_space<vmem>>) dst(%dma_wait3A_110 : memref<8x8x128xf32, #tpu.memory_space<hbm>>)
    %dma_wait3A_116 = arith.constant 1 : i32
    %dma_wait3A_117 = arith.constant 196 : i32
    %dma_wait3A_118 = arith.constant 1 : i32
    %dma_wait3A_119 = arith.constant 0 : i32
    %dma_wait3A_120 = arith.constant 0 : i32
    %dma_wait3A_121 = arith.constant 0 : i32
    %dma_wait3A_122 = tpu.memref_slice %arg8[%dma_wait3A_116, %dma_wait3A_119, %dma_wait3A_120, %dma_wait3A_121] : memref<5x8x8x128xf32, #tpu.memory_space<vmem>> -> memref<1x8x8x128xf32, #tpu.memory_space<vmem>>
    %dma_wait3A_123 = tpu.memref_squeeze %dma_wait3A_122 : memref<1x8x8x128xf32, #tpu.memory_space<vmem>> -> memref<8x8x128xf32, #tpu.memory_space<vmem>>
    %dma_wait3A_124 = arith.constant 0 : i32
    %dma_wait3A_125 = arith.constant 0 : i32
    %dma_wait3A_126 = arith.constant 0 : i32
    %dma_wait3A_127 = tpu.memref_slice %arg4[%dma_wait3A_117, %dma_wait3A_124, %add3A, %dma_wait3A_125, %dma_wait3A_126] : memref<200x8x32x8x128xf32, #tpu.memory_space<hbm>> -> memref<1x8x1x8x128xf32, #tpu.memory_space<hbm>>
    %dma_wait3A_128 = tpu.memref_squeeze %dma_wait3A_127 : memref<1x8x1x8x128xf32, #tpu.memory_space<hbm>> -> memref<8x8x128xf32, #tpu.memory_space<hbm>>
    %dma_wait3A_129 = tpu.memref_slice %arg10[%dma_wait3A_118] : memref<5x!tpu.dma_semaphore, #tpu.memory_space<semaphore_mem>> -> memref<1x!tpu.dma_semaphore, #tpu.memory_space<semaphore_mem>>
    %dma_wait3A_130 = tpu.memref_squeeze %dma_wait3A_129 : memref<1x!tpu.dma_semaphore, #tpu.memory_space<semaphore_mem>> -> memref<!tpu.dma_semaphore, #tpu.memory_space<semaphore_mem>>
    %dma_wait3A_131 = arith.constant 0 : i32
    %dma_wait3A_132 = arith.constant 0 : i32
    %dma_wait3A_133 = arith.constant 0 : i32
    %dma_wait3A_134 = tpu.memref_slice %arg4[%dma_wait3A_117, %dma_wait3A_131, %add3A, %dma_wait3A_132, %dma_wait3A_133] : memref<200x8x32x8x128xf32, #tpu.memory_space<hbm>> -> memref<1x8x1x8x128xf32, #tpu.memory_space<hbm>>
    %dma_wait3A_135 = tpu.memref_squeeze %dma_wait3A_134 : memref<1x8x1x8x128xf32, #tpu.memory_space<hbm>> -> memref<8x8x128xf32, #tpu.memory_space<hbm>>
    %dma_wait3A_136 = arith.constant 0 : i32
    %dma_wait3A_137 = arith.constant 0 : i32
    %dma_wait3A_138 = arith.constant 0 : i32
    %dma_wait3A_139 = tpu.memref_slice %arg8[%dma_wait3A_116, %dma_wait3A_136, %dma_wait3A_137, %dma_wait3A_138] : memref<5x8x8x128xf32, #tpu.memory_space<vmem>> -> memref<1x8x8x128xf32, #tpu.memory_space<vmem>>
    %dma_wait3A_140 = tpu.memref_squeeze %dma_wait3A_139 : memref<1x8x8x128xf32, #tpu.memory_space<vmem>> -> memref<8x8x128xf32, #tpu.memory_space<vmem>>
    tpu.wait_dma2 semaphore(%dma_wait3A_130 : memref<!tpu.dma_semaphore, #tpu.memory_space<semaphore_mem>>) src(%dma_wait3A_140 : memref<8x8x128xf32, #tpu.memory_space<vmem>>) dst(%dma_wait3A_135 : memref<8x8x128xf32, #tpu.memory_space<hbm>>)
    %dma_wait3A_141 = arith.constant 2 : i32
    %dma_wait3A_142 = arith.constant 197 : i32
    %dma_wait3A_143 = arith.constant 2 : i32
    %dma_wait3A_144 = arith.constant 0 : i32
    %dma_wait3A_145 = arith.constant 0 : i32
    %dma_wait3A_146 = arith.constant 0 : i32
    %dma_wait3A_147 = tpu.memref_slice %arg8[%dma_wait3A_141, %dma_wait3A_144, %dma_wait3A_145, %dma_wait3A_146] : memref<5x8x8x128xf32, #tpu.memory_space<vmem>> -> memref<1x8x8x128xf32, #tpu.memory_space<vmem>>
    %dma_wait3A_148 = tpu.memref_squeeze %dma_wait3A_147 : memref<1x8x8x128xf32, #tpu.memory_space<vmem>> -> memref<8x8x128xf32, #tpu.memory_space<vmem>>
    %dma_wait3A_149 = arith.constant 0 : i32
    %dma_wait3A_150 = arith.constant 0 : i32
    %dma_wait3A_151 = arith.constant 0 : i32
    %dma_wait3A_152 = tpu.memref_slice %arg4[%dma_wait3A_142, %dma_wait3A_149, %add3A, %dma_wait3A_150, %dma_wait3A_151] : memref<200x8x32x8x128xf32, #tpu.memory_space<hbm>> -> memref<1x8x1x8x128xf32, #tpu.memory_space<hbm>>
    %dma_wait3A_153 = tpu.memref_squeeze %dma_wait3A_152 : memref<1x8x1x8x128xf32, #tpu.memory_space<hbm>> -> memref<8x8x128xf32, #tpu.memory_space<hbm>>
    %dma_wait3A_154 = tpu.memref_slice %arg10[%dma_wait3A_143] : memref<5x!tpu.dma_semaphore, #tpu.memory_space<semaphore_mem>> -> memref<1x!tpu.dma_semaphore, #tpu.memory_space<semaphore_mem>>
    %dma_wait3A_155 = tpu.memref_squeeze %dma_wait3A_154 : memref<1x!tpu.dma_semaphore, #tpu.memory_space<semaphore_mem>> -> memref<!tpu.dma_semaphore, #tpu.memory_space<semaphore_mem>>
    %dma_wait3A_156 = arith.constant 0 : i32
    %dma_wait3A_157 = arith.constant 0 : i32
    %dma_wait3A_158 = arith.constant 0 : i32
    %dma_wait3A_159 = tpu.memref_slice %arg4[%dma_wait3A_142, %dma_wait3A_156, %add3A, %dma_wait3A_157, %dma_wait3A_158] : memref<200x8x32x8x128xf32, #tpu.memory_space<hbm>> -> memref<1x8x1x8x128xf32, #tpu.memory_space<hbm>>
    %dma_wait3A_160 = tpu.memref_squeeze %dma_wait3A_159 : memref<1x8x1x8x128xf32, #tpu.memory_space<hbm>> -> memref<8x8x128xf32, #tpu.memory_space<hbm>>
    %dma_wait3A_161 = arith.constant 0 : i32
    %dma_wait3A_162 = arith.constant 0 : i32
    %dma_wait3A_163 = arith.constant 0 : i32
    %dma_wait3A_164 = tpu.memref_slice %arg8[%dma_wait3A_141, %dma_wait3A_161, %dma_wait3A_162, %dma_wait3A_163] : memref<5x8x8x128xf32, #tpu.memory_space<vmem>> -> memref<1x8x8x128xf32, #tpu.memory_space<vmem>>
    %dma_wait3A_165 = tpu.memref_squeeze %dma_wait3A_164 : memref<1x8x8x128xf32, #tpu.memory_space<vmem>> -> memref<8x8x128xf32, #tpu.memory_space<vmem>>
    tpu.wait_dma2 semaphore(%dma_wait3A_155 : memref<!tpu.dma_semaphore, #tpu.memory_space<semaphore_mem>>) src(%dma_wait3A_165 : memref<8x8x128xf32, #tpu.memory_space<vmem>>) dst(%dma_wait3A_160 : memref<8x8x128xf32, #tpu.memory_space<hbm>>)
    %dma_wait3A_166 = arith.constant 3 : i32
    %dma_wait3A_167 = arith.constant 198 : i32
    %dma_wait3A_168 = arith.constant 3 : i32
    %dma_wait3A_169 = arith.constant 0 : i32
    %dma_wait3A_170 = arith.constant 0 : i32
    %dma_wait3A_171 = arith.constant 0 : i32
    %dma_wait3A_172 = tpu.memref_slice %arg8[%dma_wait3A_166, %dma_wait3A_169, %dma_wait3A_170, %dma_wait3A_171] : memref<5x8x8x128xf32, #tpu.memory_space<vmem>> -> memref<1x8x8x128xf32, #tpu.memory_space<vmem>>
    %dma_wait3A_173 = tpu.memref_squeeze %dma_wait3A_172 : memref<1x8x8x128xf32, #tpu.memory_space<vmem>> -> memref<8x8x128xf32, #tpu.memory_space<vmem>>
    %dma_wait3A_174 = arith.constant 0 : i32
    %dma_wait3A_175 = arith.constant 0 : i32
    %dma_wait3A_176 = arith.constant 0 : i32
    %dma_wait3A_177 = tpu.memref_slice %arg4[%dma_wait3A_167, %dma_wait3A_174, %add3A, %dma_wait3A_175, %dma_wait3A_176] : memref<200x8x32x8x128xf32, #tpu.memory_space<hbm>> -> memref<1x8x1x8x128xf32, #tpu.memory_space<hbm>>
    %dma_wait3A_178 = tpu.memref_squeeze %dma_wait3A_177 : memref<1x8x1x8x128xf32, #tpu.memory_space<hbm>> -> memref<8x8x128xf32, #tpu.memory_space<hbm>>
    %dma_wait3A_179 = tpu.memref_slice %arg10[%dma_wait3A_168] : memref<5x!tpu.dma_semaphore, #tpu.memory_space<semaphore_mem>> -> memref<1x!tpu.dma_semaphore, #tpu.memory_space<semaphore_mem>>
    %dma_wait3A_180 = tpu.memref_squeeze %dma_wait3A_179 : memref<1x!tpu.dma_semaphore, #tpu.memory_space<semaphore_mem>> -> memref<!tpu.dma_semaphore, #tpu.memory_space<semaphore_mem>>
    %dma_wait3A_181 = arith.constant 0 : i32
    %dma_wait3A_182 = arith.constant 0 : i32
    %dma_wait3A_183 = arith.constant 0 : i32
    %dma_wait3A_184 = tpu.memref_slice %arg4[%dma_wait3A_167, %dma_wait3A_181, %add3A, %dma_wait3A_182, %dma_wait3A_183] : memref<200x8x32x8x128xf32, #tpu.memory_space<hbm>> -> memref<1x8x1x8x128xf32, #tpu.memory_space<hbm>>
    %dma_wait3A_185 = tpu.memref_squeeze %dma_wait3A_184 : memref<1x8x1x8x128xf32, #tpu.memory_space<hbm>> -> memref<8x8x128xf32, #tpu.memory_space<hbm>>
    %dma_wait3A_186 = arith.constant 0 : i32
    %dma_wait3A_187 = arith.constant 0 : i32
    %dma_wait3A_188 = arith.constant 0 : i32
    %dma_wait3A_189 = tpu.memref_slice %arg8[%dma_wait3A_166, %dma_wait3A_186, %dma_wait3A_187, %dma_wait3A_188] : memref<5x8x8x128xf32, #tpu.memory_space<vmem>> -> memref<1x8x8x128xf32, #tpu.memory_space<vmem>>
    %dma_wait3A_190 = tpu.memref_squeeze %dma_wait3A_189 : memref<1x8x8x128xf32, #tpu.memory_space<vmem>> -> memref<8x8x128xf32, #tpu.memory_space<vmem>>
    tpu.wait_dma2 semaphore(%dma_wait3A_180 : memref<!tpu.dma_semaphore, #tpu.memory_space<semaphore_mem>>) src(%dma_wait3A_190 : memref<8x8x128xf32, #tpu.memory_space<vmem>>) dst(%dma_wait3A_185 : memref<8x8x128xf32, #tpu.memory_space<hbm>>)
    %dma_wait3A_191 = arith.constant 4 : i32
    %dma_wait3A_192 = arith.constant 199 : i32
    %dma_wait3A_193 = arith.constant 4 : i32
    %dma_wait3A_194 = arith.constant 0 : i32
    %dma_wait3A_195 = arith.constant 0 : i32
    %dma_wait3A_196 = arith.constant 0 : i32
    %dma_wait3A_197 = tpu.memref_slice %arg8[%dma_wait3A_191, %dma_wait3A_194, %dma_wait3A_195, %dma_wait3A_196] : memref<5x8x8x128xf32, #tpu.memory_space<vmem>> -> memref<1x8x8x128xf32, #tpu.memory_space<vmem>>
    %dma_wait3A_198 = tpu.memref_squeeze %dma_wait3A_197 : memref<1x8x8x128xf32, #tpu.memory_space<vmem>> -> memref<8x8x128xf32, #tpu.memory_space<vmem>>
    %dma_wait3A_199 = arith.constant 0 : i32
    %dma_wait3A_200 = arith.constant 0 : i32
    %dma_wait3A_201 = arith.constant 0 : i32
    %dma_wait3A_202 = tpu.memref_slice %arg4[%dma_wait3A_192, %dma_wait3A_199, %add3A, %dma_wait3A_200, %dma_wait3A_201] : memref<200x8x32x8x128xf32, #tpu.memory_space<hbm>> -> memref<1x8x1x8x128xf32, #tpu.memory_space<hbm>>
    %dma_wait3A_203 = tpu.memref_squeeze %dma_wait3A_202 : memref<1x8x1x8x128xf32, #tpu.memory_space<hbm>> -> memref<8x8x128xf32, #tpu.memory_space<hbm>>
    %dma_wait3A_204 = tpu.memref_slice %arg10[%dma_wait3A_193] : memref<5x!tpu.dma_semaphore, #tpu.memory_space<semaphore_mem>> -> memref<1x!tpu.dma_semaphore, #tpu.memory_space<semaphore_mem>>
    %dma_wait3A_205 = tpu.memref_squeeze %dma_wait3A_204 : memref<1x!tpu.dma_semaphore, #tpu.memory_space<semaphore_mem>> -> memref<!tpu.dma_semaphore, #tpu.memory_space<semaphore_mem>>
    %dma_wait3A_206 = arith.constant 0 : i32
    %dma_wait3A_207 = arith.constant 0 : i32
    %dma_wait3A_208 = arith.constant 0 : i32
    %dma_wait3A_209 = tpu.memref_slice %arg4[%dma_wait3A_192, %dma_wait3A_206, %add3A, %dma_wait3A_207, %dma_wait3A_208] : memref<200x8x32x8x128xf32, #tpu.memory_space<hbm>> -> memref<1x8x1x8x128xf32, #tpu.memory_space<hbm>>
    %dma_wait3A_210 = tpu.memref_squeeze %dma_wait3A_209 : memref<1x8x1x8x128xf32, #tpu.memory_space<hbm>> -> memref<8x8x128xf32, #tpu.memory_space<hbm>>
    %dma_wait3A_211 = arith.constant 0 : i32
    %dma_wait3A_212 = arith.constant 0 : i32
    %dma_wait3A_213 = arith.constant 0 : i32
    %dma_wait3A_214 = tpu.memref_slice %arg8[%dma_wait3A_191, %dma_wait3A_211, %dma_wait3A_212, %dma_wait3A_213] : memref<5x8x8x128xf32, #tpu.memory_space<vmem>> -> memref<1x8x8x128xf32, #tpu.memory_space<vmem>>
    %dma_wait3A_215 = tpu.memref_squeeze %dma_wait3A_214 : memref<1x8x8x128xf32, #tpu.memory_space<vmem>> -> memref<8x8x128xf32, #tpu.memory_space<vmem>>
    tpu.wait_dma2 semaphore(%dma_wait3A_205 : memref<!tpu.dma_semaphore, #tpu.memory_space<semaphore_mem>>) src(%dma_wait3A_215 : memref<8x8x128xf32, #tpu.memory_space<vmem>>) dst(%dma_wait3A_210 : memref<8x8x128xf32, #tpu.memory_space<hbm>>)
    return
  }
}

</mosaic_0001>

<sc_bundles>
// kernel: kernel.3.cloned.1.call-start
scs
__scs_entry_jumppad:
0x0: {  	(pc) =	sbr.rel $0x88, $3  }
0x1: {  	(tag) =	ssettag $0x0;
	lr =	simm.s32 $0x1  }
0x2: {  	[smem:$0x3F9F] =	sst lr;
	_ =	strace $0xD0000000  }
0x3: {  	_ = 	snop  }
0x4: {  	_ = 	snop  }
0x5: {  	_ = 	snop  }
0x6: {  	_ = 	snop  }
0x7: {  	_ = 	snop  }
__scs_overlays_trampoline_lowered:
0x8: {  	[smem:$0x3FAE] =	sst s0  }
0x9: {  	[smem:$0x3FAF] =	sst s1  }
0xa: {  	[smem:$0x3FB0] =	sst s2  }
0xb: {  	[smem:$0x3FB1] =	sst s3  }
0xc: {  	[smem:$0x3FB2] =	sst s4  }
0xd: {  	[smem:$0x3FB3] =	sst s5  }
0xe: {  	[smem:$0x3FB4] =	sst s6  }
0xf: {  	[smem:$0x3FB5] =	sst s7  }
0x10: {  	[smem:$0x3FB6] =	sst s8  }
0x11: {  	[smem:$0x3FB7] =	sst s9;
	s0 =	simm.s32 @!p0 $0x0  }
0x12: {  	s1 =	sld [smem:$0x3F9D];
	s0 =	simm.s32 @p0 $0x1  }
0x13: {  	[smem:$0x3FB8] =	sst s0;
	s0 =	simm.s32 @!p1 $0x0  }
0x14: {  	s2 =	sld [smem:$0x3F9C];
	s0 =	simm.s32 @p1 $0x1  }
0x15: {  	[smem:$0x3FB9] =	sst s0;
	s0 =	simm.s32 @!p2 $0x0  }
0x16: {  	s3 =	sld [smem:$0x3FDB];
	s0 =	simm.s32 @p2 $0x1  }
0x17: {  	s4 =	simm.s32 $0x1BF5;
	[smem:$0x3FBB] =	sst s0  }
0x18: {  	s0 =	sld [smem:$0x3F9E];
	_ =	swait.ge [sflag:s4], $0x0  }
0x19: {  	s7 =	sld [smem:$0x3F9F]  }
0x1a: {  	s8 =	sadd.s32 $0xFFFFE003, lr  }
0x1b: {  	s9 =	sadd.s32 $0xFFFFFEF7, lr;
	s5 =	simm.s32 $0xFFFFFFFF;
	p2 =	slt.u32 s8, $0xFFFFF086  }
0x1c: {  	p1 =	slt.u32 s9, $0xF7A;
	s5 =	simm.s32 @!p2 $0x0  }
0x1d: {  	s5 =	simm.s32 @p1 $0x1;
	p0 =	seq.s32 s7, s2  }
0x1e: {  	s7 =	smul.u32 @!p0 $0xF7A, s2;
	p2 =	seq.s32 @!p0 s5, $0x0  }
0x1f: {  	s9 =	smul.u32 $0xF7A, s1;
	s8 =	simm.s32 @!p0 $0x1BF5;
	p2 =	por !p2, p0  }
0x20: {  	[sflag:s8] =	ssyncset.s32 @!p0 $0xFFFFF086;
	s6 =	sadd.s32 @!p0 s3, s7;
	s7 =	simm.s32 @!p0 $0x108  }
0x21: {  	s3 =	sadd.s32 s3, s9;
	s6 =	sadd.s32 @!p0 $0x88, s6;
	s7 =	simm.s32 @p2 $0x1082  }
0x22: {  	[simem:s7], [sflag:s8] =	dma.local @!p0 [hbm:s6], $0xF7A  }
0x23: {  	s9 =	sor.u32 $0xD0000000, s2;
	s6 =	simm.s32 $0x108;
	_ =	swait.ge @!p0 [sflag:s8], $0x0  }
0x24: {  	s3 =	sadd.s32 $0x88, s3;
	s6 =	simm.s32 @!p1 $0x1082;
	[sflag:s4] =	ssyncset.s32 $0xFFFFF086  }
0x25: {  	[simem:s6], [sflag:s4] =	dma.local [hbm:s3], $0xF7A  }
0x26: {  	[smem:$0x3F9F] =	sst s1;
	(tag) =	ssettag s2;
	_ =	strace s9  }
0x27: {  	s1 =	sld [smem:$0x3FAF]  }
0x28: {  	s2 =	sld [smem:$0x3FB0]  }
0x29: {  	s4 =	sld [smem:$0x3FB2]  }
0x2a: {  	p0 =	seq.s32 s5, $0x0;
	s5 =	sld [smem:$0x3FB3]  }
0x2b: {  	s6 =	sld [smem:$0x3FB4]  }
0x2c: {  	s7 =	sld [smem:$0x3FB5]  }
0x2d: {  	s3 =	simm.s32 $0x108;
	s8 =	sld [smem:$0x3FB6]  }
0x2e: {  	s3 =	simm.s32 @!p0 $0x1082;
	s9 =	sld [smem:$0x3FB7]  }
0x2f: {  	lr =	sadd.s32 s0, s3;
	s0 =	sld [smem:$0x3FAE]  }
0x30: {  	s3 =	sld [smem:$0x3FB1]  }
0x31: {  	[smem:$0x3FBA] =	sst s10  }
0x32: {  	s10 =	sld [smem:$0x3FB8];
	_ =	sdelay $0x3  }
0x33: {  	p0 =	seq.s32 s10, $0x1;
	s10 =	sld [smem:$0x3FBA];
	_ =	sdelay $0x3  }
0x34: {  	[smem:$0x3FBA] =	sst s10  }
0x35: {  	s10 =	sld [smem:$0x3FB9];
	_ =	sdelay $0x3  }
0x36: {  	p1 =	seq.s32 s10, $0x1;
	s10 =	sld [smem:$0x3FBA];
	_ =	sdelay $0x3  }
0x37: {  	[smem:$0x3FBA] =	sst s10  }
0x38: {  	s10 =	sld [smem:$0x3FBB]  }
0x39: {  	_ = 	snop;
	(pc) =	sbr.ind lr, $3  }
0x3a: {  	_ = 	snop  }
0x3b: {  	_ = 	snop  }
0x3c: {  	p2 =	seq.s32 s10, $0x1;
	s10 =	sld [smem:$0x3FBA]  }
0x3d: {  	_ =	shalt  }
0x3e: {  	_ =	shalt  }
0x3f: {  	_ =	shalt  }
0x40: {  	_ =	shalt  }
0x41: {  	_ =	shalt  }
0x42: {  	_ =	shalt  }
0x43: {  	_ =	shalt  }
0x44: {  	_ =	shalt  }
0x45: {  	_ =	shalt  }
0x46: {  	_ =	shalt  }
0x47: {  	_ =	shalt  }
0x48: {  	_ =	shalt  }
0x49: {  	_ =	shalt  }
0x4a: {  	_ =	shalt  }
0x4b: {  	_ =	shalt  }
0x4c: {  	_ =	shalt  }
0x4d: {  	_ =	shalt  }
0x4e: {  	_ =	shalt  }
0x4f: {  	_ =	shalt  }
0x50: {  	_ =	shalt  }
0x51: {  	_ =	shalt  }
0x52: {  	_ =	shalt  }
0x53: {  	_ =	shalt  }
0x54: {  	_ =	shalt  }
0x55: {  	_ =	shalt  }
0x56: {  	_ =	shalt  }
0x57: {  	_ =	shalt  }
0x58: {  	_ =	shalt  }
0x59: {  	_ =	shalt  }
0x5a: {  	_ =	shalt  }
0x5b: {  	_ =	shalt  }
0x5c: {  	_ =	shalt  }
0x5d: {  	_ =	shalt  }
0x5e: {  	_ =	shalt  }
0x5f: {  	_ =	shalt  }
0x60: {  	_ =	shalt  }
0x61: {  	_ =	shalt  }
0x62: {  	_ =	shalt  }
0x63: {  	_ =	shalt  }
0x64: {  	_ =	shalt  }
0x65: {  	_ =	shalt  }
0x66: {  	_ =	shalt  }
0x67: {  	_ =	shalt  }
0x68: {  	_ =	shalt  }
0x69: {  	_ =	shalt  }
0x6a: {  	_ =	shalt  }
0x6b: {  	_ =	shalt  }
0x6c: {  	_ =	shalt  }
0x6d: {  	_ =	shalt  }
0x6e: {  	_ =	shalt  }
0x6f: {  	_ =	shalt  }
0x70: {  	_ =	shalt  }
0x71: {  	_ =	shalt  }
0x72: {  	_ =	shalt  }
0x73: {  	_ =	shalt  }
0x74: {  	_ =	shalt  }
0x75: {  	_ =	shalt  }
0x76: {  	_ =	shalt  }
0x77: {  	_ =	shalt  }
0x78: {  	_ =	shalt  }
0x79: {  	_ =	shalt  }
0x7a: {  	_ =	shalt  }
0x7b: {  	_ =	shalt  }
0x7c: {  	_ =	shalt  }
0x7d: {  	_ =	shalt  }
0x7e: {  	_ =	shalt  }
0x7f: {  	_ =	shalt  }
0x80: {  	_ =	shalt  }
0x81: {  	_ =	shalt  }
0x82: {  	_ =	shalt  }
0x83: {  	_ =	shalt  }
0x84: {  	_ =	shalt  }
0x85: {  	_ =	shalt  }
0x86: {  	_ =	shalt  }
0x87: {  	_ =	shalt  }
.Lfunc_end0:
.L_simem_size_0:
called_computation_lowered:
.L_overlay_start_0:
0x88: {  	s2 =	sld [smem:$0x3FD9]  }
0x89: {  	s3 =	sld [smem:$0x3FFE];
	_ =	sdelay $0x1  }
0x8a: {  	s1 =	srdreg.scid  }
0x8b: {  	s0 =	sand.u32 $0x1, s1  }
0x8c: {  	s17 =	sshll.u32 s0, $0xA;
	s2 =	sadd.s32 s3, s2  }
0x8d: {  	s2 =	sadd.s32 s2, s17  }
0x8e: {  	[smem:$0x3FC6] =	sst s2  }
0x8f: {  	_ = 	snop  }
0x90: {  	s2 =	sld [smem:$0x3FD0];
	(tm) =	ssettm $0x1  }
0x91: {  	s18 =	sld [smem:$0x3FFB];
	_ =	sdelay $0x3  }
0x92: {  	_ =	strace s18  }
0x93: {  	s3 =	sld [smem:$0x3FFC];
	_ =	sdelay $0x3  }
0x94: {  	_ =	strace s3  }
0x95: {  	s3 =	sld [smem:$0x3FFD];
	_ =	sdelay $0x3  }
0x96: {  	_ =	strace s3  }
0x97: {  	_ =	strace $0x8FFFFFFF  }
0x98: {  	s19 =	sld [smem:$0x3FDB];
	_ =	sdelay $0x1  }
0x99: {  	s4 =	simm.s32 $_scs_section_size  }
0x9a: {  	s5 =	simm.s32 $_size__tile_overlayer_lowered;
	s6 =	simm.s32 $_tile_overlayer_lowered  }
0x9b: {  	s22 =	simm.s32 $0x1BFF;
	s21 =	sshll.u32 s6, $0x1;
	s3 =	sadd.s32 s4, s19  }
0x9c: {  	s7 =	simm.s32 $0x0;
	s20 =	sshll.u32 s5, $0x1;
	s5 =	sadd.s32 s21, s3  }
0x9d: {  	[timem:s7], [sflag:s22] =	dma.local [hbm:s5], s20  }
0x9e: {  	_ =	swait.ge [sflag:s22], s20  }
0x9f: {  	s4 =	ssub.s32 $0x0, s20;
	[sflag:s22] =	ssyncset.done $0x0  }
0xa0: {  	[sflag:s22] =	ssyncadd.s32 s4;
	_ =	sdelay $0x1  }
0xa1: {  	s23 =	simm.s32 $0x1B8B  }
0xa2: {  	_ =	swait.ge [sflag:s23], $0x1  }
0xa3: {  	[sflag:s23] =	ssyncset.done $0x0  }
0xa4: {  	s25 =	simm.s32 $0x1B8E;
	s24 =	sld [smem:$0x3FFE];
	[sflag:s23] =	ssyncadd.s32 $0xFFFFFFFF  }
0xa5: {  	s26 =	simm.s32 $execute0_lowered;
	[smem:$0x3FD2] =	sst s25  }
0xa6: {  	s5 =	sshll.u32 s26, $0x1;
	_ =	strace $0x80000046;
	[dreg:$0x1] =	wrdreg $0xFFFFFFFF  }
0xa7: {  	s28 =	simm.s32 $_size_execute0_lowered;
	s3 =	sadd.s32 s3, s5;
	[dreg:$0x0] =	wrdreg $0x0  }
0xa8: {  	s5 =	sshll.u32 s28, $0x1;
	[dreg:$0x2] =	wrdreg s3  }
0xa9: {  	[dreg:$0x3] =	wrdreg s5  }
0xaa: {  	[dreg:$0x4] =	wrdreg $0xC0  }
0xab: {  	_ =	task [dreg:s7], $0x5FFFF  }
0xac: {  	[dreg:$0x1] =	wrdreg $0xFFFFFFFF  }
0xad: {  	[dreg:$0x0] =	wrdreg $0x60  }
0xae: {  	[dreg:$0x2] =	wrdreg s24  }
0xaf: {  	[dreg:$0x3] =	wrdreg s2  }
0xb0: {  	[dreg:$0x4] =	wrdreg $0x9  }
0xb1: {  	_ =	task.clear_ibuf [dreg:s7], $0x5FFFF;
	_ =	strace $0x90000046  }
0xb2: {  	s29 =	simm.s32 $0x9;
	_ =	strace $0x80000048  }
0xb3: {  	_ =	swait.ge [sflag:s29], $0x1  }
0xb4: {  	[sflag:s29] =	ssyncadd.s32 $0xFFFFFFFF  }
0xb5: {  	_ =	strace $0x90000048  }
0xb6: {  	_ =	sfence  }
0xb7: {  	s30 =	sld [smem:$0x0];
	_ =	sdelay $0x2  }
0xb8: {  	s31 =	sshll.u32 s1, $0xD;
	s1 =	sshrl.u32 s1, $0x2  }
0xb9: {  	s3 =	sand.u32 $0x4000, s31;
	s1 =	sadd.s32 s1, s30  }
0xba: {  	s0 =	sor.u32 s3, s0;
	s1 =	sshll.u32 s1, $0x11  }
0xbb: {  	s0 =	sor.u32 s1, s0  }
0xbc: {  	s0 =	sadd.s32 $0x8F2B, s0  }
0xbd: {  	[sflag:s0] =	ssyncadd.remote.s32 $0x1  }
0xbe: {  	_ =	sfence.sel $0xFFFF  }
0xbf: {  	[dreg:$0x0] =	wrdreg $0xFFFFFFFF;
	(pc) =	sbr.abs _section_cstart, $3  }
0xc0: {  	[dreg:$0x1] =	wrdreg $0xFFFFFFFF  }
0xc1: {  	_ =	task.clear_ibuf [dreg:s7], $0x2FFFF;
	_ =	strace $0x9FFFFFFF  }
0xc2: {  	(tm) =	ssettm $0x7FFFFFFF  }
0xc3: {  	_ =	shalt  }
tec
execute0_lowered:
.L_overlay_start_1:
0x0: {  	(tag) =	ssettag $0x1  }
0x1: {  	s0 =	srdreg.scid  }
0x2: {  	s2 =	stileid.u32;
	s1 =	rddreg [dreg:$0x0];
	s5 =	simm.s32 $0x0  }
0x3: {  	s13 =	simm.s32 $0x80;
	s22 =	simm.s32 $0x1;
	s23 =	simm.s32 $0x10400  }
0x4: {  	s24 =	simm.s32 $0x400;
	s28 =	simm.s32 $0x2;
	s29 =	simm.s32 $0x14600  }
0x5: {  	s30 =	simm.s32 $0x3;
	s31 =	simm.s32 $0x16600;
	s14 =	simm.s32 $0x5  }
0x6: {  	s15 =	simm.s32 $0x1A600;
	s3 =	sshll.u32 s2, $0x1;
	s2 =	rddreg [dreg:$0x1]  }
0x7: {  	s21 =	simm.s32 $0x0;
	s0 =	sand.u32 $0x1, s0;
	[smem:$0x7FF] =	sst s5  }
0x8: {  	s3 =	sor.u32 s0, s3;
	_ =	strace $0x80000047;
	s0 =	ssub.s32 $0x2, s0  }
0x9: {  	s4 =	smul.u32 $0xC80, s3;
	s25 =	sshrl.u32 s0, $0x1;
	s5 =	sshll.u32 s3, $0xA  }
0xa: {  	s0 =	ssub.s32 s0, s25;
	s7 =	sor.u32 $0x40000, s5;
	s8 =	sor.u32 $0x80000, s5  }
0xb: {  	v0 =	vlaneseq.u32;
	s9 =	sor.u32 $0xC0000, s5;
	s10 =	sor.u32 $0x100000, s5;
	s25 =	simm.s32 $0x8000  }
0xc: {  	v0 =	vmul.u32 $0x88, v0;
	s6 =	sadd.s32 s4, s1;
	s4 =	sadd.s32 $0xF42A00, s1;
	s0 =	smax.u32 s0, $0x1  }
0xd: {  	s1 =	simm.s32 $0x4;
	s26 =	sadd.s32 $0x600, s6;
	[dreg:$0x4] =	wrdreg s0  }
0xe: {  	v1 =	vadd.s32 $0x880, v0;
	v2 =	vadd.s32 $0x1100, v0;
	v3 =	vadd.s32 $0x1980, v0;
	s0 =	simm.s32 $0x18600;
	[dreg:$0x3] =	wrdreg s26;
	s26 =	simm.s32 $0x12600  }
.LBB2_1:
0xf: {  	s3 =	simm.s32 $0x0;
	s6 =	rddreg [dreg:$0x3];
	s19 =	simm.s32 $0xB  }
0x10: {  	[tilespmem:s3], [sflag:$0xB] =	stream.linear.gather [hbm4b:s6+s3], $0x6400, $0x38;
	[tilespmem:$0x1C600] =	vst v63  }
0x11: {  	_ =	swait.ge [sflag:s19], $0x6400  }
0x12: {  	[sflag:s19] =	ssyncset.done $0x0  }
0x13: {  	s20 =	simm.s32 $0x6400;
	[sflag:s19] =	ssyncadd.s32 $0xFFFF9C00  }
0x14: {  	[tilespmem:s20], [sflag:$0x1] =	stream.indirect.gather [hbm4b:s4+s13], $0x40, s3, s13, $0xb8;
	[tilespmem:$0x1C600] =	vst v63  }
0x15: {  	s11 =	simm.s32 $0x8400  }
0x16: {  	[tilespmem:s11], [sflag:$0x2] =	stream.indirect.gather [hbm4b:s4+s13], $0x40, s13, s13, $0xb8;
	[tilespmem:$0x1C600] =	vst v63  }
0x17: {  	s12 =	simm.s32 $0x100;
	s16 =	simm.s32 $0xA400  }
0x18: {  	[tilespmem:s16], [sflag:$0x3] =	stream.indirect.gather [hbm4b:s4+s13], $0x40, s12, s13, $0xb8;
	[tilespmem:$0x1C600] =	vst v63  }
0x19: {  	s17 =	simm.s32 $0x180;
	s18 =	simm.s32 $0xC400  }
0x1a: {  	[tilespmem:s18], [sflag:$0x4] =	stream.indirect.gather [hbm4b:s4+s13], $0x40, s17, s13, $0xb8;
	[tilespmem:$0x1C600] =	vst v63  }
0x1b: {  	s19 =	simm.s32 $0x200;
	s20 =	simm.s32 $0xE400;
	s3 =	simm.s32 $0x0  }
0x1c: {  	[tilespmem:s20], [sflag:$0x5] =	stream.indirect.gather [hbm4b:s4+s13], $0x40, s19, s13, $0xb8;
	[tilespmem:$0x1C600] =	vst v63  }
.LBB2_2:
0x1d: {  	_ =	swait.ge [sflag:s22], $0x2000  }
0x1e: {  	p0 =	seq.s32 s3, $0x0;
	[sflag:s22] =	ssyncset.done $0x0  }
0x1f: {  	s6 =	simm.s32 @!p0 $0x6;
	[sflag:s22] =	ssyncadd.s32 $0xFFFFE000  }
0x20: {  	_ =	swait.ge @!p0 [sflag:s6], $0x2000  }
0x21: {  	[sflag:s6] =	ssyncset.done @!p0 $0x0  }
0x22: {  	s17 =	simm.s32 $0x6480;
	[sflag:s6] =	ssyncadd.s32 @!p0 $0xFFFFE000;
	s6 =	simm.s32 $0x0  }
0x23: {  	v4 =	vmov s6;
	v5 =	vld [tilespmem:s17+$0xFFFFFF80]  }
0x24: {  	v6 =	vld [tilespmem:s17+$0xFFFFFF90];
	v4 =	vand.u32 $0x7C, v4  }
0x25: {  	v7 =	vld [tilespmem:s17+$0xFFFFFFA0];
	v8 =	vadd.s32 v0, v4  }
0x26: {  	v9 =	vld [tilespmem:s17+$0xFFFFFFB0];
	v10 =	vadd.s32 v1, v4  }
0x27: {  	v11 =	vadd.s32 v2, v4  }
0x28: {  	v4 =	vadd.s32 v3, v4;
	v5 =	vmul.f32 $8.000000000e+00, v5  }
0x29: {  	v6 =	vmul.f32 $8.000000000e+00, v6  }
0x2a: {  	v7 =	vmul.f32 $8.000000000e+00, v7;
	[tilespmem:v8+s23+$0x0] =	vst.idx.msk $0xffff, v5  }
0x2b: {  	v5 =	vmul.f32 $8.000000000e+00, v9;
	[tilespmem:v10+s23+$0x0] =	vst.idx.msk $0xffff, v6  }
0x2c: {  	[tilespmem:v11+s23+$0x0] =	vst.idx.msk $0xffff, v7  }
0x2d: {  	s11 =	simm.s32 $0x1;
	[tilespmem:v4+s23+$0x0] =	vst.idx.msk $0xffff, v5  }
0x2e: {  	v4 =	vmov s11;
	v5 =	vld [tilespmem:s17+$0xFFFFFFC0]  }
0x2f: {  	v6 =	vld [tilespmem:s17+$0xFFFFFFD0];
	v4 =	vand.u32 $0x7D, v4  }
0x30: {  	v7 =	vld [tilespmem:s17+$0xFFFFFFE0];
	v53 =	vadd.s32 v0, v4  }
0x31: {  	v54 =	vld [tilespmem:s17+$0xFFFFFFF0];
	v55 =	vadd.s32 v1, v4  }
0x32: {  	v56 =	vadd.s32 v2, v4  }
0x33: {  	v4 =	vadd.s32 v3, v4;
	v5 =	vmul.f32 $8.000000000e+00, v5  }
0x34: {  	v6 =	vmul.f32 $8.000000000e+00, v6  }
0x35: {  	v7 =	vmul.f32 $8.000000000e+00, v7;
	[tilespmem:v53+s23+$0x0] =	vst.idx.msk $0xffff, v5  }
0x36: {  	v5 =	vmul.f32 $8.000000000e+00, v54;
	[tilespmem:v55+s23+$0x0] =	vst.idx.msk $0xffff, v6  }
0x37: {  	[tilespmem:v56+s23+$0x0] =	vst.idx.msk $0xffff, v7  }
0x38: {  	s19 =	simm.s32 $0x2;
	[tilespmem:v4+s23+$0x0] =	vst.idx.msk $0xffff, v5  }
0x39: {  	v4 =	vmov s19;
	v5 =	vld [tilespmem:s17+$0x0]  }
0x3a: {  	v6 =	vld [tilespmem:s17+$0x10];
	v4 =	vand.u32 $0x7E, v4  }
0x3b: {  	v7 =	vld [tilespmem:s17+$0x20];
	v57 =	vadd.s32 v0, v4  }
0x3c: {  	v58 =	vld [tilespmem:s17+$0x30];
	v59 =	vadd.s32 v1, v4  }
0x3d: {  	v60 =	vadd.s32 v2, v4  }
0x3e: {  	v4 =	vadd.s32 v3, v4;
	v5 =	vmul.f32 $8.000000000e+00, v5  }
0x3f: {  	v6 =	vmul.f32 $8.000000000e+00, v6  }
0x40: {  	v7 =	vmul.f32 $8.000000000e+00, v7;
	[tilespmem:v57+s23+$0x0] =	vst.idx.msk $0xffff, v5  }
0x41: {  	v5 =	vmul.f32 $8.000000000e+00, v58;
	[tilespmem:v59+s23+$0x0] =	vst.idx.msk $0xffff, v6  }
0x42: {  	[tilespmem:v60+s23+$0x0] =	vst.idx.msk $0xffff, v7  }
0x43: {  	s20 =	simm.s32 $0x3;
	[tilespmem:v4+s23+$0x0] =	vst.idx.msk $0xffff, v5  }
0x44: {  	v4 =	vmov s20;
	v5 =	vld [tilespmem:s17+$0x40]  }
0x45: {  	v6 =	vld [tilespmem:s17+$0x50];
	v4 =	vand.u32 $0x7F, v4  }
0x46: {  	v7 =	vld [tilespmem:s17+$0x60];
	v61 =	vadd.s32 v0, v4  }
0x47: {  	v62 =	vadd.s32 v1, v4  }
0x48: {  	v10 =	vld [tilespmem:s17+$0x70];
	v63 =	vadd.s32 v2, v4  }
0x49: {  	v5 =	vmul.f32 $8.000000000e+00, v5  }
0x4a: {  	v4 =	vadd.s32 v3, v4;
	v6 =	vmul.f32 $8.000000000e+00, v6  }
0x4b: {  	v7 =	vmul.f32 $8.000000000e+00, v7;
	[tilespmem:v61+s23+$0x0] =	vst.idx.msk $0xffff, v5  }
0x4c: {  	s18 =	simm.s32 $0x4;
	[tilespmem:v62+s23+$0x0] =	vst.idx.msk $0xffff, v6  }
0x4d: {  	s12 =	simm.s32 $0x12640;
	s16 =	simm.s32 $0x10510;
	s11 =	simm.s32 $0xFFFFFFFC;
	v5 =	vmul.f32 $8.000000000e+00, v10;
	[tilespmem:v63+s23+$0x0] =	vst.idx.msk $0xffff, v7  }
.LBB2_3:
0x4e: {  	p1 =	slt.u32 s18, $0x7C  }
0x4f: {  	[tilespmem:v4+s23+$0x0] =	vst.idx.msk $0xffff, v5;
	s17 =	sadd.s32 $0x100, s17;
	s19 =	smov.u32 s18;
	s18 =	sadd.s32 $0x4, s18  }
0x50: {  	v4 =	vmov s19;
	v5 =	vld [tilespmem:s17+$0xFFFFFF80]  }
0x51: {  	v6 =	vld [tilespmem:s17+$0xFFFFFF90];
	v4 =	vand.u32 $0x7C, v4  }
0x52: {  	v7 =	vld [tilespmem:s17+$0xFFFFFFA0];
	v8 =	vadd.s32 v0, v4  }
0x53: {  	v10 =	vadd.s32 v1, v4;
	v9 =	vld [tilespmem:s17+$0xFFFFFFB0]  }
0x54: {  	v11 =	vadd.s32 v2, v4  }
0x55: {  	v4 =	vadd.s32 v3, v4;
	v5 =	vmul.f32 $8.000000000e+00, v5  }
0x56: {  	v6 =	vmul.f32 $8.000000000e+00, v6  }
0x57: {  	v7 =	vmul.f32 $8.000000000e+00, v7;
	[tilespmem:v8+s23+$0x0] =	vst.idx.msk $0xffff, v5  }
0x58: {  	v5 =	vmul.f32 $8.000000000e+00, v9;
	[tilespmem:v10+s23+$0x0] =	vst.idx.msk $0xffff, v6  }
0x59: {  	[tilespmem:v11+s23+$0x0] =	vst.idx.msk $0xffff, v7  }
0x5a: {  	s20 =	sadd.s32 $0x1, s19;
	[tilespmem:v4+s23+$0x0] =	vst.idx.msk $0xffff, v5  }
0x5b: {  	v4 =	vmov s20;
	v5 =	vld [tilespmem:s17+$0xFFFFFFC0]  }
0x5c: {  	v4 =	vand.u32 $0x7D, v4;
	v6 =	vld [tilespmem:s17+$0xFFFFFFD0]  }
0x5d: {  	v8 =	vadd.s32 v0, v4;
	v7 =	vld [tilespmem:s17+$0xFFFFFFE0]  }
0x5e: {  	v10 =	vadd.s32 v1, v4;
	v9 =	vld [tilespmem:s17+$0xFFFFFFF0]  }
0x5f: {  	v11 =	vadd.s32 v2, v4  }
0x60: {  	v4 =	vadd.s32 v3, v4;
	v5 =	vmul.f32 $8.000000000e+00, v5  }
0x61: {  	v6 =	vmul.f32 $8.000000000e+00, v6  }
0x62: {  	v7 =	vmul.f32 $8.000000000e+00, v7;
	[tilespmem:v8+s23+$0x0] =	vst.idx.msk $0xffff, v5  }
0x63: {  	v5 =	vmul.f32 $8.000000000e+00, v9;
	[tilespmem:v10+s23+$0x0] =	vst.idx.msk $0xffff, v6  }
0x64: {  	[tilespmem:v11+s23+$0x0] =	vst.idx.msk $0xffff, v7  }
0x65: {  	s20 =	sadd.s32 $0x2, s19;
	[tilespmem:v4+s23+$0x0] =	vst.idx.msk $0xffff, v5  }
0x66: {  	v4 =	vmov s20;
	v5 =	vld [tilespmem:s17+$0x0]  }
0x67: {  	v4 =	vand.u32 $0x7E, v4;
	v6 =	vld [tilespmem:s17+$0x10]  }
0x68: {  	v8 =	vadd.s32 v0, v4;
	v7 =	vld [tilespmem:s17+$0x20]  }
0x69: {  	v10 =	vadd.s32 v1, v4;
	v9 =	vld [tilespmem:s17+$0x30]  }
0x6a: {  	v11 =	vadd.s32 v2, v4  }
0x6b: {  	v4 =	vadd.s32 v3, v4;
	v5 =	vmul.f32 $8.000000000e+00, v5  }
0x6c: {  	v6 =	vmul.f32 $8.000000000e+00, v6  }
0x6d: {  	v7 =	vmul.f32 $8.000000000e+00, v7;
	[tilespmem:v8+s23+$0x0] =	vst.idx.msk $0xffff, v5  }
0x6e: {  	v5 =	vmul.f32 $8.000000000e+00, v9;
	[tilespmem:v10+s23+$0x0] =	vst.idx.msk $0xffff, v6  }
0x6f: {  	[tilespmem:v11+s23+$0x0] =	vst.idx.msk $0xffff, v7  }
0x70: {  	s19 =	sadd.s32 $0x3, s19;
	[tilespmem:v4+s23+$0x0] =	vst.idx.msk $0xffff, v5  }
0x71: {  	v4 =	vmov s19;
	v5 =	vld [tilespmem:s17+$0x40]  }
0x72: {  	v4 =	vand.u32 $0x7F, v4;
	v6 =	vld [tilespmem:s17+$0x50]  }
0x73: {  	v8 =	vadd.s32 v0, v4;
	v7 =	vld [tilespmem:s17+$0x60]  }
0x74: {  	v10 =	vadd.s32 v1, v4;
	v9 =	vld [tilespmem:s17+$0x70]  }
0x75: {  	v11 =	vadd.s32 v2, v4  }
.Ltmp0:
0x76: {  	v4 =	vadd.s32 v3, v4;
	v5 =	vmul.f32 $8.000000000e+00, v5;
	(pc) =	sbr.rel @p1 .LBB2_3-.Ltmp0, $4  }
0x77: {  	v6 =	vmul.f32 $8.000000000e+00, v6  }
0x78: {  	v7 =	vmul.f32 $8.000000000e+00, v7;
	[tilespmem:v8+s23+$0x0] =	vst.idx.msk $0xffff, v5  }
0x79: {  	v5 =	vmul.f32 $8.000000000e+00, v9;
	[tilespmem:v10+s23+$0x0] =	vst.idx.msk $0xffff, v6  }
0x7a: {  	[tilespmem:v11+s23+$0x0] =	vst.idx.msk $0xffff, v7  }
0x7b: {  	_ =	sdelay $0x3  }
0x7c: {  	[tilespmem:v4+s23+$0x0] =	vst.idx.msk $0xffff, v5  }
.LBB2_5:
0x7d: {  	v4 =	vld [tilespmem:s16+$0xFFFFFEF0]  }
0x7e: {  	v5 =	vld [tilespmem:s16+$0xFFFFFF00]  }
0x7f: {  	v6 =	vld [tilespmem:s16+$0xFFFFFF10]  }
0x80: {  	v7 =	vld [tilespmem:s16+$0xFFFFFF20]  }
0x81: {  	v8 =	vld [tilespmem:s16+$0xFFFFFF30]  }
0x82: {  	v9 =	vld [tilespmem:s16+$0xFFFFFF40]  }
0x83: {  	v10 =	vld [tilespmem:s16+$0xFFFFFF50]  }
0x84: {  	v11 =	vld [tilespmem:s16+$0xFFFFFF60];
	[tilespmem:s12+$0xFFFFFFC0] =	vst v4  }
0x85: {  	[tilespmem:s12+$0xFFFFFFD0] =	vst v5  }
0x86: {  	[tilespmem:s12+$0xFFFFFFE0] =	vst v6  }
0x87: {  	[tilespmem:s12+$0xFFFFFFF0] =	vst v7  }
0x88: {  	[tilespmem:s12+$0x0] =	vst v8  }
0x89: {  	[tilespmem:s12+$0x10] =	vst v9  }
0x8a: {  	[tilespmem:s12+$0x20] =	vst v10  }
0x8b: {  	[tilespmem:s12+$0x30] =	vst v11  }
0x8c: {  	v4 =	vld [tilespmem:s16+$0xFFFFFF78]  }
0x8d: {  	v5 =	vld [tilespmem:s16+$0xFFFFFF88]  }
0x8e: {  	v6 =	vld [tilespmem:s16+$0xFFFFFF98]  }
0x8f: {  	v7 =	vld [tilespmem:s16+$0xFFFFFFA8]  }
0x90: {  	s17 =	sand.u32 $0x1C00, s6;
	s18 =	sadd.s32 $0x80, s6;
	v8 =	vld [tilespmem:s16+$0xFFFFFFB8]  }
0x91: {  	s18 =	sand.u32 $0x280, s18;
	s17 =	sadd.s32 $0x12600, s17;
	v9 =	vld [tilespmem:s16+$0xFFFFFFC8]  }
0x92: {  	s18 =	sadd.s32 s18, s17;
	v10 =	vld [tilespmem:s16+$0xFFFFFFD8]  }
0x93: {  	v11 =	vld [tilespmem:s16+$0xFFFFFFE8];
	[tilespmem:s18+$0x0] =	vst v4  }
0x94: {  	[tilespmem:s18+$0x10] =	vst v5  }
0x95: {  	[tilespmem:s18+$0x20] =	vst v6  }
0x96: {  	[tilespmem:s18+$0x30] =	vst v7  }
0x97: {  	[tilespmem:s18+$0x40] =	vst v8  }
0x98: {  	[tilespmem:s18+$0x50] =	vst v9  }
0x99: {  	[tilespmem:s18+$0x60] =	vst v10  }
0x9a: {  	[tilespmem:s18+$0x70] =	vst v11  }
0x9b: {  	v4 =	vld [tilespmem:s16+$0x0]  }
0x9c: {  	v5 =	vld [tilespmem:s16+$0x10]  }
0x9d: {  	v6 =	vld [tilespmem:s16+$0x20]  }
0x9e: {  	v7 =	vld [tilespmem:s16+$0x30]  }
0x9f: {  	s19 =	sadd.s32 $0x100, s6;
	v8 =	vld [tilespmem:s16+$0x40]  }
0xa0: {  	s18 =	sand.u32 $0x300, s19;
	v9 =	vld [tilespmem:s16+$0x50]  }
0xa1: {  	v10 =	vld [tilespmem:s16+$0x60];
	s18 =	sadd.s32 s18, s17  }
0xa2: {  	v11 =	vld [tilespmem:s16+$0x70];
	[tilespmem:s18+$0x0] =	vst v4  }
0xa3: {  	[tilespmem:s18+$0x10] =	vst v5  }
0xa4: {  	[tilespmem:s18+$0x20] =	vst v6  }
0xa5: {  	[tilespmem:s18+$0x30] =	vst v7  }
0xa6: {  	[tilespmem:s18+$0x40] =	vst v8  }
0xa7: {  	[tilespmem:s18+$0x50] =	vst v9  }
0xa8: {  	[tilespmem:s18+$0x60] =	vst v10  }
0xa9: {  	[tilespmem:s18+$0x70] =	vst v11  }
0xaa: {  	v4 =	vld [tilespmem:s16+$0x88]  }
0xab: {  	v5 =	vld [tilespmem:s16+$0x98]  }
0xac: {  	v6 =	vld [tilespmem:s16+$0xA8]  }
0xad: {  	v7 =	vld [tilespmem:s16+$0xB8]  }
0xae: {  	s20 =	sadd.s32 $0x180, s6;
	v8 =	vld [tilespmem:s16+$0xC8]  }
0xaf: {  	s18 =	sand.u32 $0x380, s20;
	v9 =	vld [tilespmem:s16+$0xD8]  }
0xb0: {  	v10 =	vld [tilespmem:s16+$0xE8];
	s17 =	sadd.s32 s18, s17  }
0xb1: {  	v11 =	vld [tilespmem:s16+$0xF8];
	[tilespmem:s17+$0x0] =	vst v4  }
0xb2: {  	s11 =	sadd.s32 $0x4, s11;
	[tilespmem:s17+$0x10] =	vst v5  }
0xb3: {  	p1 =	slt.u32 s11, $0x3C;
	[tilespmem:s17+$0x20] =	vst v6  }
.Ltmp1:
0xb4: {  	[tilespmem:s17+$0x30] =	vst v7;
	(pc) =	sbr.rel @p1 .LBB2_5-.Ltmp1, $4  }
0xb5: {  	[tilespmem:s17+$0x40] =	vst v8  }
0xb6: {  	[tilespmem:s17+$0x50] =	vst v9  }
0xb7: {  	[tilespmem:s17+$0x60] =	vst v10  }
0xb8: {  	s6 =	sadd.s32 $0x200, s6;
	s12 =	sadd.s32 $0x200, s12;
	s16 =	sadd.s32 $0x220, s16;
	[tilespmem:s17+$0x70] =	vst v11  }
0xb9: {  	p1 =	seq.s32 s3, $0x27  }
0xba: {  	s6 =	smul.u32 @!p1 $0xA00, s3;
	_ =	sdelay $0x1  }
0xbb: {  	s16 =	simm.s32 @!p1 $0x80;
	s11 =	sshra.s32 @!p1 s6, $0x2  }
0xbc: {  	s17 =	simm.s32 @!p1 $0x6400;
	s6 =	smul.u32 $0x140000, s3;
	s12 =	sadd.s32 @!p1 $0x280, s11  }
0xbd: {  	[tilespmem:s17], [sflag:$0x1] =	stream.indirect.gather @!p1 [hbm4b:s4+s16], $0x40, s12, s16, $0xb8;
	[tilespmem:$0x1C600] =	vst v63  }
0xbe: {  	s17 =	sor.u32 s5, s6  }
0xbf: {  	s12 =	sshrl.u32 s17, $0x3  }
0xc0: {  	s12 =	sadd.s32 s2, s12  }
0xc1: {  	[hbm4b:s12+s24] =	stream.strided.scatter [tilespmem:s26], [sflag:$0x6], $0x2000, s25, s24, $0x38;
	[tilespmem:$0x1C600] =	vst v63  }
0xc2: {  	_ =	swait.ge [sflag:s28], $0x2000  }
0xc3: {  	[sflag:s28] =	ssyncset.done $0x0  }
0xc4: {  	s12 =	simm.s32 @!p0 $0x7;
	[sflag:s28] =	ssyncadd.s32 $0xFFFFE000  }
0xc5: {  	_ =	swait.ge @!p0 [sflag:s12], $0x2000  }
0xc6: {  	[sflag:s12] =	ssyncset.done @!p0 $0x0  }
0xc7: {  	s17 =	simm.s32 $0x84F0;
	[sflag:s12] =	ssyncadd.s32 @!p0 $0xFFFFE000;
	s12 =	simm.s32 $0x0  }
0xc8: {  	v4 =	vmov s12;
	v5 =	vld [tilespmem:s17+$0xFFFFFF10]  }
0xc9: {  	v6 =	vld [tilespmem:s17+$0xFFFFFF20];
	v4 =	vand.u32 $0x7C, v4  }
0xca: {  	v7 =	vld [tilespmem:s17+$0xFFFFFF30];
	v8 =	vadd.s32 v0, v4  }
0xcb: {  	v9 =	vld [tilespmem:s17+$0xFFFFFF40];
	v10 =	vadd.s32 v1, v4  }
0xcc: {  	v11 =	vadd.s32 v2, v4  }
0xcd: {  	v4 =	vadd.s32 v3, v4;
	v5 =	vmul.f32 $8.000000000e+00, v5  }
0xce: {  	v6 =	vmul.f32 $8.000000000e+00, v6  }
0xcf: {  	v7 =	vmul.f32 $8.000000000e+00, v7;
	[tilespmem:v8+s23+$0x0] =	vst.idx.msk $0xffff, v5  }
0xd0: {  	v5 =	vmul.f32 $8.000000000e+00, v9;
	[tilespmem:v10+s23+$0x0] =	vst.idx.msk $0xffff, v6  }
0xd1: {  	[tilespmem:v11+s23+$0x0] =	vst.idx.msk $0xffff, v7  }
0xd2: {  	s18 =	simm.s32 $0x1;
	[tilespmem:v4+s23+$0x0] =	vst.idx.msk $0xffff, v5  }
0xd3: {  	v4 =	vmov s18;
	v5 =	vld [tilespmem:s17+$0xFFFFFF50]  }
0xd4: {  	v6 =	vld [tilespmem:s17+$0xFFFFFF60];
	v4 =	vand.u32 $0x7D, v4  }
0xd5: {  	v7 =	vld [tilespmem:s17+$0xFFFFFF70];
	v53 =	vadd.s32 v0, v4  }
0xd6: {  	v54 =	vld [tilespmem:s17+$0xFFFFFF80];
	v55 =	vadd.s32 v1, v4  }
0xd7: {  	v56 =	vadd.s32 v2, v4  }
0xd8: {  	v4 =	vadd.s32 v3, v4;
	v5 =	vmul.f32 $8.000000000e+00, v5  }
0xd9: {  	v6 =	vmul.f32 $8.000000000e+00, v6  }
0xda: {  	v7 =	vmul.f32 $8.000000000e+00, v7;
	[tilespmem:v53+s23+$0x0] =	vst.idx.msk $0xffff, v5  }
0xdb: {  	v5 =	vmul.f32 $8.000000000e+00, v54;
	[tilespmem:v55+s23+$0x0] =	vst.idx.msk $0xffff, v6  }
0xdc: {  	[tilespmem:v56+s23+$0x0] =	vst.idx.msk $0xffff, v7  }
0xdd: {  	s19 =	simm.s32 $0x2;
	[tilespmem:v4+s23+$0x0] =	vst.idx.msk $0xffff, v5  }
0xde: {  	v4 =	vmov s19;
	v5 =	vld [tilespmem:s17+$0xFFFFFF90]  }
0xdf: {  	v6 =	vld [tilespmem:s17+$0xFFFFFFA0];
	v4 =	vand.u32 $0x7E, v4  }
0xe0: {  	v7 =	vld [tilespmem:s17+$0xFFFFFFB0];
	v57 =	vadd.s32 v0, v4  }
0xe1: {  	v58 =	vld [tilespmem:s17+$0xFFFFFFC0];
	v59 =	vadd.s32 v1, v4  }
0xe2: {  	v60 =	vadd.s32 v2, v4  }
0xe3: {  	v4 =	vadd.s32 v3, v4;
	v5 =	vmul.f32 $8.000000000e+00, v5  }
0xe4: {  	v6 =	vmul.f32 $8.000000000e+00, v6  }
0xe5: {  	v7 =	vmul.f32 $8.000000000e+00, v7;
	[tilespmem:v57+s23+$0x0] =	vst.idx.msk $0xffff, v5  }
0xe6: {  	v5 =	vmul.f32 $8.000000000e+00, v58;
	[tilespmem:v59+s23+$0x0] =	vst.idx.msk $0xffff, v6  }
0xe7: {  	[tilespmem:v60+s23+$0x0] =	vst.idx.msk $0xffff, v7  }
0xe8: {  	s20 =	simm.s32 $0x3;
	[tilespmem:v4+s23+$0x0] =	vst.idx.msk $0xffff, v5  }
0xe9: {  	v4 =	vmov s20;
	v5 =	vld [tilespmem:s17+$0xFFFFFFD0]  }
0xea: {  	v6 =	vld [tilespmem:s17+$0xFFFFFFE0];
	v4 =	vand.u32 $0x7F, v4  }
0xeb: {  	v7 =	vld [tilespmem:s17+$0xFFFFFFF0];
	v61 =	vadd.s32 v0, v4  }
0xec: {  	v62 =	vadd.s32 v1, v4  }
0xed: {  	v10 =	vld [tilespmem:s17+$0x0];
	v63 =	vadd.s32 v2, v4  }
0xee: {  	v5 =	vmul.f32 $8.000000000e+00, v5  }
0xef: {  	v4 =	vadd.s32 v3, v4;
	v6 =	vmul.f32 $8.000000000e+00, v6  }
0xf0: {  	v7 =	vmul.f32 $8.000000000e+00, v7;
	[tilespmem:v61+s23+$0x0] =	vst.idx.msk $0xffff, v5  }
0xf1: {  	[tilespmem:v62+s23+$0x0] =	vst.idx.msk $0xffff, v6  }
0xf2: {  	s16 =	simm.s32 $0x14670;
	s18 =	simm.s32 $0x4;
	v5 =	vmul.f32 $8.000000000e+00, v10;
	[tilespmem:v63+s23+$0x0] =	vst.idx.msk $0xffff, v7  }
.LBB2_7:
0xf3: {  	p2 =	slt.u32 s18, $0x7C  }
0xf4: {  	[tilespmem:v4+s23+$0x0] =	vst.idx.msk $0xffff, v5;
	s17 =	sadd.s32 $0x100, s17;
	s19 =	smov.u32 s18;
	s18 =	sadd.s32 $0x4, s18  }
0xf5: {  	v4 =	vmov s19;
	v5 =	vld [tilespmem:s17+$0xFFFFFF10]  }
0xf6: {  	v6 =	vld [tilespmem:s17+$0xFFFFFF20];
	v4 =	vand.u32 $0x7C, v4  }
0xf7: {  	v7 =	vld [tilespmem:s17+$0xFFFFFF30];
	v8 =	vadd.s32 v0, v4  }
0xf8: {  	v10 =	vadd.s32 v1, v4;
	v9 =	vld [tilespmem:s17+$0xFFFFFF40]  }
0xf9: {  	v11 =	vadd.s32 v2, v4  }
0xfa: {  	v4 =	vadd.s32 v3, v4;
	v5 =	vmul.f32 $8.000000000e+00, v5  }
0xfb: {  	v6 =	vmul.f32 $8.000000000e+00, v6  }
0xfc: {  	v7 =	vmul.f32 $8.000000000e+00, v7;
	[tilespmem:v8+s23+$0x0] =	vst.idx.msk $0xffff, v5  }
0xfd: {  	v5 =	vmul.f32 $8.000000000e+00, v9;
	[tilespmem:v10+s23+$0x0] =	vst.idx.msk $0xffff, v6  }
0xfe: {  	[tilespmem:v11+s23+$0x0] =	vst.idx.msk $0xffff, v7  }
0xff: {  	s20 =	sadd.s32 $0x1, s19;
	[tilespmem:v4+s23+$0x0] =	vst.idx.msk $0xffff, v5  }
0x100: {  	v4 =	vmov s20;
	v5 =	vld [tilespmem:s17+$0xFFFFFF50]  }
0x101: {  	v4 =	vand.u32 $0x7D, v4;
	v6 =	vld [tilespmem:s17+$0xFFFFFF60]  }
0x102: {  	v8 =	vadd.s32 v0, v4;
	v7 =	vld [tilespmem:s17+$0xFFFFFF70]  }
0x103: {  	v10 =	vadd.s32 v1, v4;
	v9 =	vld [tilespmem:s17+$0xFFFFFF80]  }
0x104: {  	v11 =	vadd.s32 v2, v4  }
0x105: {  	v4 =	vadd.s32 v3, v4;
	v5 =	vmul.f32 $8.000000000e+00, v5  }
0x106: {  	v6 =	vmul.f32 $8.000000000e+00, v6  }
0x107: {  	v7 =	vmul.f32 $8.000000000e+00, v7;
	[tilespmem:v8+s23+$0x0] =	vst.idx.msk $0xffff, v5  }
0x108: {  	v5 =	vmul.f32 $8.000000000e+00, v9;
	[tilespmem:v10+s23+$0x0] =	vst.idx.msk $0xffff, v6  }
0x109: {  	[tilespmem:v11+s23+$0x0] =	vst.idx.msk $0xffff, v7  }
0x10a: {  	s20 =	sadd.s32 $0x2, s19;
	[tilespmem:v4+s23+$0x0] =	vst.idx.msk $0xffff, v5  }
0x10b: {  	v4 =	vmov s20;
	v5 =	vld [tilespmem:s17+$0xFFFFFF90]  }
0x10c: {  	v4 =	vand.u32 $0x7E, v4;
	v6 =	vld [tilespmem:s17+$0xFFFFFFA0]  }
0x10d: {  	v8 =	vadd.s32 v0, v4;
	v7 =	vld [tilespmem:s17+$0xFFFFFFB0]  }
0x10e: {  	v10 =	vadd.s32 v1, v4;
	v9 =	vld [tilespmem:s17+$0xFFFFFFC0]  }
0x10f: {  	v11 =	vadd.s32 v2, v4  }
0x110: {  	v4 =	vadd.s32 v3, v4;
	v5 =	vmul.f32 $8.000000000e+00, v5  }
0x111: {  	v6 =	vmul.f32 $8.000000000e+00, v6  }
0x112: {  	v7 =	vmul.f32 $8.000000000e+00, v7;
	[tilespmem:v8+s23+$0x0] =	vst.idx.msk $0xffff, v5  }
0x113: {  	v5 =	vmul.f32 $8.000000000e+00, v9;
	[tilespmem:v10+s23+$0x0] =	vst.idx.msk $0xffff, v6  }
0x114: {  	[tilespmem:v11+s23+$0x0] =	vst.idx.msk $0xffff, v7  }
0x115: {  	s19 =	sadd.s32 $0x3, s19;
	[tilespmem:v4+s23+$0x0] =	vst.idx.msk $0xffff, v5  }
0x116: {  	v4 =	vmov s19;
	v5 =	vld [tilespmem:s17+$0xFFFFFFD0]  }
0x117: {  	v4 =	vand.u32 $0x7F, v4;
	v6 =	vld [tilespmem:s17+$0xFFFFFFE0]  }
0x118: {  	v8 =	vadd.s32 v0, v4;
	v7 =	vld [tilespmem:s17+$0xFFFFFFF0]  }
0x119: {  	v10 =	vadd.s32 v1, v4;
	v9 =	vld [tilespmem:s17+$0x0]  }
0x11a: {  	v11 =	vadd.s32 v2, v4  }
.Ltmp2:
0x11b: {  	v4 =	vadd.s32 v3, v4;
	v5 =	vmul.f32 $8.000000000e+00, v5;
	(pc) =	sbr.rel @p2 .LBB2_7-.Ltmp2, $4  }
0x11c: {  	v6 =	vmul.f32 $8.000000000e+00, v6  }
0x11d: {  	v7 =	vmul.f32 $8.000000000e+00, v7;
	[tilespmem:v8+s23+$0x0] =	vst.idx.msk $0xffff, v5  }
0x11e: {  	v5 =	vmul.f32 $8.000000000e+00, v9;
	[tilespmem:v10+s23+$0x0] =	vst.idx.msk $0xffff, v6  }
0x11f: {  	s20 =	simm.s32 $0x10510;
	s19 =	simm.s32 $0xFFFFFFFC;
	[tilespmem:v11+s23+$0x0] =	vst.idx.msk $0xffff, v7  }
0x120: {  	_ =	sdelay $0x3  }
0x121: {  	[tilespmem:v4+s23+$0x0] =	vst.idx.msk $0xffff, v5  }
.LBB2_9:
0x122: {  	v4 =	vld [tilespmem:s20+$0xFFFFFEF0]  }
0x123: {  	v5 =	vld [tilespmem:s20+$0xFFFFFF00]  }
0x124: {  	v6 =	vld [tilespmem:s20+$0xFFFFFF10]  }
0x125: {  	v7 =	vld [tilespmem:s20+$0xFFFFFF20]  }
0x126: {  	v8 =	vld [tilespmem:s20+$0xFFFFFF30]  }
0x127: {  	v9 =	vld [tilespmem:s20+$0xFFFFFF40]  }
0x128: {  	v10 =	vld [tilespmem:s20+$0xFFFFFF50]  }
0x129: {  	v11 =	vld [tilespmem:s20+$0xFFFFFF60];
	[tilespmem:s16+$0xFFFFFF90] =	vst v4  }
0x12a: {  	[tilespmem:s16+$0xFFFFFFA0] =	vst v5  }
0x12b: {  	[tilespmem:s16+$0xFFFFFFB0] =	vst v6  }
0x12c: {  	[tilespmem:s16+$0xFFFFFFC0] =	vst v7  }
0x12d: {  	[tilespmem:s16+$0xFFFFFFD0] =	vst v8  }
0x12e: {  	[tilespmem:s16+$0xFFFFFFE0] =	vst v9  }
0x12f: {  	[tilespmem:s16+$0xFFFFFFF0] =	vst v10  }
0x130: {  	[tilespmem:s16+$0x0] =	vst v11  }
0x131: {  	v4 =	vld [tilespmem:s20+$0xFFFFFF78]  }
0x132: {  	v5 =	vld [tilespmem:s20+$0xFFFFFF88]  }
0x133: {  	v6 =	vld [tilespmem:s20+$0xFFFFFF98]  }
0x134: {  	v7 =	vld [tilespmem:s20+$0xFFFFFFA8]  }
0x135: {  	s17 =	sand.u32 $0x1C00, s12;
	s18 =	sadd.s32 $0x80, s12;
	v8 =	vld [tilespmem:s20+$0xFFFFFFB8]  }
0x136: {  	s18 =	sand.u32 $0x280, s18;
	s17 =	sadd.s32 $0x12600, s17;
	v9 =	vld [tilespmem:s20+$0xFFFFFFC8]  }
0x137: {  	s18 =	sadd.s32 s18, s17;
	v10 =	vld [tilespmem:s20+$0xFFFFFFD8]  }
0x138: {  	v11 =	vld [tilespmem:s20+$0xFFFFFFE8];
	[tilespmem:s18+$0x2000] =	vst v4  }
0x139: {  	[tilespmem:s18+$0x2010] =	vst v5  }
0x13a: {  	[tilespmem:s18+$0x2020] =	vst v6  }
0x13b: {  	[tilespmem:s18+$0x2030] =	vst v7  }
0x13c: {  	[tilespmem:s18+$0x2040] =	vst v8  }
0x13d: {  	[tilespmem:s18+$0x2050] =	vst v9  }
0x13e: {  	[tilespmem:s18+$0x2060] =	vst v10  }
0x13f: {  	[tilespmem:s18+$0x2070] =	vst v11  }
0x140: {  	v4 =	vld [tilespmem:s20+$0x0]  }
0x141: {  	v5 =	vld [tilespmem:s20+$0x10]  }
0x142: {  	v6 =	vld [tilespmem:s20+$0x20]  }
0x143: {  	v7 =	vld [tilespmem:s20+$0x30]  }
0x144: {  	s18 =	sadd.s32 $0x100, s12;
	v8 =	vld [tilespmem:s20+$0x40]  }
0x145: {  	v9 =	vld [tilespmem:s20+$0x50];
	s18 =	sand.u32 $0x300, s18  }
0x146: {  	v10 =	vld [tilespmem:s20+$0x60];
	s18 =	sadd.s32 s18, s17  }
0x147: {  	v11 =	vld [tilespmem:s20+$0x70];
	[tilespmem:s18+$0x2000] =	vst v4  }
0x148: {  	[tilespmem:s18+$0x2010] =	vst v5  }
0x149: {  	[tilespmem:s18+$0x2020] =	vst v6  }
0x14a: {  	[tilespmem:s18+$0x2030] =	vst v7  }
0x14b: {  	[tilespmem:s18+$0x2040] =	vst v8  }
0x14c: {  	[tilespmem:s18+$0x2050] =	vst v9  }
0x14d: {  	[tilespmem:s18+$0x2060] =	vst v10  }
0x14e: {  	[tilespmem:s18+$0x2070] =	vst v11  }
0x14f: {  	v4 =	vld [tilespmem:s20+$0x88]  }
0x150: {  	v5 =	vld [tilespmem:s20+$0x98]  }
0x151: {  	v6 =	vld [tilespmem:s20+$0xA8]  }
0x152: {  	v7 =	vld [tilespmem:s20+$0xB8]  }
0x153: {  	s18 =	sadd.s32 $0x180, s12;
	v8 =	vld [tilespmem:s20+$0xC8]  }
0x154: {  	v9 =	vld [tilespmem:s20+$0xD8];
	s18 =	sand.u32 $0x380, s18  }
0x155: {  	v10 =	vld [tilespmem:s20+$0xE8];
	s17 =	sadd.s32 s18, s17  }
0x156: {  	v11 =	vld [tilespmem:s20+$0xF8];
	[tilespmem:s17+$0x2000] =	vst v4  }
0x157: {  	s19 =	sadd.s32 $0x4, s19;
	[tilespmem:s17+$0x2010] =	vst v5  }
0x158: {  	p2 =	slt.u32 s19, $0x3C;
	[tilespmem:s17+$0x2020] =	vst v6  }
.Ltmp3:
0x159: {  	[tilespmem:s17+$0x2030] =	vst v7;
	(pc) =	sbr.rel @p2 .LBB2_9-.Ltmp3, $4  }
0x15a: {  	[tilespmem:s17+$0x2040] =	vst v8  }
0x15b: {  	[tilespmem:s17+$0x2050] =	vst v9  }
0x15c: {  	[tilespmem:s17+$0x2060] =	vst v10  }
0x15d: {  	s16 =	sadd.s32 $0x200, s16;
	s12 =	sadd.s32 $0x200, s12;
	s20 =	sadd.s32 $0x220, s20;
	[tilespmem:s17+$0x2070] =	vst v11  }
0x15e: {  	s12 =	sadd.s32 @!p1 $0x300, s11;
	s16 =	simm.s32 @!p1 $0x80;
	s17 =	simm.s32 @!p1 $0x8400  }
0x15f: {  	[tilespmem:s17], [sflag:$0x2] =	stream.indirect.gather @!p1 [hbm4b:s4+s16], $0x40, s12, s16, $0xb8;
	[tilespmem:$0x1C600] =	vst v63  }
0x160: {  	s17 =	sadd.s32 s7, s6  }
0x161: {  	s12 =	sshrl.u32 s17, $0x3  }
0x162: {  	s12 =	sadd.s32 s2, s12  }
0x163: {  	[hbm4b:s12+s24] =	stream.strided.scatter [tilespmem:s29], [sflag:$0x7], $0x2000, s25, s24, $0x38;
	[tilespmem:$0x1C600] =	vst v63  }
0x164: {  	_ =	swait.ge [sflag:s30], $0x2000  }
0x165: {  	[sflag:s30] =	ssyncset.done $0x0  }
0x166: {  	s12 =	simm.s32 @!p0 $0x8;
	[sflag:s30] =	ssyncadd.s32 $0xFFFFE000  }
0x167: {  	_ =	swait.ge @!p0 [sflag:s12], $0x2000  }
0x168: {  	[sflag:s12] =	ssyncset.done @!p0 $0x0  }
0x169: {  	s17 =	simm.s32 $0xA4F0;
	[sflag:s12] =	ssyncadd.s32 @!p0 $0xFFFFE000;
	s12 =	simm.s32 $0x0  }
0x16a: {  	v4 =	vmov s12;
	v5 =	vld [tilespmem:s17+$0xFFFFFF10]  }
0x16b: {  	v6 =	vld [tilespmem:s17+$0xFFFFFF20];
	v4 =	vand.u32 $0x7C, v4  }
0x16c: {  	v7 =	vld [tilespmem:s17+$0xFFFFFF30];
	v8 =	vadd.s32 v0, v4  }
0x16d: {  	v9 =	vld [tilespmem:s17+$0xFFFFFF40];
	v10 =	vadd.s32 v1, v4  }
0x16e: {  	v11 =	vadd.s32 v2, v4  }
0x16f: {  	v4 =	vadd.s32 v3, v4;
	v5 =	vmul.f32 $8.000000000e+00, v5  }
0x170: {  	v6 =	vmul.f32 $8.000000000e+00, v6  }
0x171: {  	v7 =	vmul.f32 $8.000000000e+00, v7;
	[tilespmem:v8+s23+$0x0] =	vst.idx.msk $0xffff, v5  }
0x172: {  	v5 =	vmul.f32 $8.000000000e+00, v9;
	[tilespmem:v10+s23+$0x0] =	vst.idx.msk $0xffff, v6  }
0x173: {  	[tilespmem:v11+s23+$0x0] =	vst.idx.msk $0xffff, v7  }
0x174: {  	s18 =	simm.s32 $0x1;
	[tilespmem:v4+s23+$0x0] =	vst.idx.msk $0xffff, v5  }
0x175: {  	v4 =	vmov s18;
	v5 =	vld [tilespmem:s17+$0xFFFFFF50]  }
0x176: {  	v6 =	vld [tilespmem:s17+$0xFFFFFF60];
	v4 =	vand.u32 $0x7D, v4  }
0x177: {  	v7 =	vld [tilespmem:s17+$0xFFFFFF70];
	v53 =	vadd.s32 v0, v4  }
0x178: {  	v54 =	vld [tilespmem:s17+$0xFFFFFF80];
	v55 =	vadd.s32 v1, v4  }
0x179: {  	v56 =	vadd.s32 v2, v4  }
0x17a: {  	v4 =	vadd.s32 v3, v4;
	v5 =	vmul.f32 $8.000000000e+00, v5  }
0x17b: {  	v6 =	vmul.f32 $8.000000000e+00, v6  }
0x17c: {  	v7 =	vmul.f32 $8.000000000e+00, v7;
	[tilespmem:v53+s23+$0x0] =	vst.idx.msk $0xffff, v5  }
0x17d: {  	v5 =	vmul.f32 $8.000000000e+00, v54;
	[tilespmem:v55+s23+$0x0] =	vst.idx.msk $0xffff, v6  }
0x17e: {  	[tilespmem:v56+s23+$0x0] =	vst.idx.msk $0xffff, v7  }
0x17f: {  	s19 =	simm.s32 $0x2;
	[tilespmem:v4+s23+$0x0] =	vst.idx.msk $0xffff, v5  }
0x180: {  	v4 =	vmov s19;
	v5 =	vld [tilespmem:s17+$0xFFFFFF90]  }
0x181: {  	v6 =	vld [tilespmem:s17+$0xFFFFFFA0];
	v4 =	vand.u32 $0x7E, v4  }
0x182: {  	v7 =	vld [tilespmem:s17+$0xFFFFFFB0];
	v57 =	vadd.s32 v0, v4  }
0x183: {  	v58 =	vld [tilespmem:s17+$0xFFFFFFC0];
	v59 =	vadd.s32 v1, v4  }
0x184: {  	v60 =	vadd.s32 v2, v4  }
0x185: {  	v4 =	vadd.s32 v3, v4;
	v5 =	vmul.f32 $8.000000000e+00, v5  }
0x186: {  	v6 =	vmul.f32 $8.000000000e+00, v6  }
0x187: {  	v7 =	vmul.f32 $8.000000000e+00, v7;
	[tilespmem:v57+s23+$0x0] =	vst.idx.msk $0xffff, v5  }
0x188: {  	v5 =	vmul.f32 $8.000000000e+00, v58;
	[tilespmem:v59+s23+$0x0] =	vst.idx.msk $0xffff, v6  }
0x189: {  	[tilespmem:v60+s23+$0x0] =	vst.idx.msk $0xffff, v7  }
0x18a: {  	s20 =	simm.s32 $0x3;
	[tilespmem:v4+s23+$0x0] =	vst.idx.msk $0xffff, v5  }
0x18b: {  	v4 =	vmov s20;
	v5 =	vld [tilespmem:s17+$0xFFFFFFD0]  }
0x18c: {  	v6 =	vld [tilespmem:s17+$0xFFFFFFE0];
	v4 =	vand.u32 $0x7F, v4  }
0x18d: {  	v7 =	vld [tilespmem:s17+$0xFFFFFFF0];
	v61 =	vadd.s32 v0, v4  }
0x18e: {  	v62 =	vadd.s32 v1, v4  }
0x18f: {  	v10 =	vld [tilespmem:s17+$0x0];
	v63 =	vadd.s32 v2, v4  }
0x190: {  	v5 =	vmul.f32 $8.000000000e+00, v5  }
0x191: {  	v4 =	vadd.s32 v3, v4;
	v6 =	vmul.f32 $8.000000000e+00, v6  }
0x192: {  	v7 =	vmul.f32 $8.000000000e+00, v7;
	[tilespmem:v61+s23+$0x0] =	vst.idx.msk $0xffff, v5  }
0x193: {  	[tilespmem:v62+s23+$0x0] =	vst.idx.msk $0xffff, v6  }
0x194: {  	s16 =	simm.s32 $0x16670;
	s18 =	simm.s32 $0x4;
	v5 =	vmul.f32 $8.000000000e+00, v10;
	[tilespmem:v63+s23+$0x0] =	vst.idx.msk $0xffff, v7  }
.LBB2_11:
0x195: {  	p2 =	slt.u32 s18, $0x7C  }
0x196: {  	[tilespmem:v4+s23+$0x0] =	vst.idx.msk $0xffff, v5;
	s17 =	sadd.s32 $0x100, s17;
	s19 =	smov.u32 s18;
	s18 =	sadd.s32 $0x4, s18  }
0x197: {  	v4 =	vmov s19;
	v5 =	vld [tilespmem:s17+$0xFFFFFF10]  }
0x198: {  	v6 =	vld [tilespmem:s17+$0xFFFFFF20];
	v4 =	vand.u32 $0x7C, v4  }
0x199: {  	v7 =	vld [tilespmem:s17+$0xFFFFFF30];
	v8 =	vadd.s32 v0, v4  }
0x19a: {  	v10 =	vadd.s32 v1, v4;
	v9 =	vld [tilespmem:s17+$0xFFFFFF40]  }
0x19b: {  	v11 =	vadd.s32 v2, v4  }
0x19c: {  	v4 =	vadd.s32 v3, v4;
	v5 =	vmul.f32 $8.000000000e+00, v5  }
0x19d: {  	v6 =	vmul.f32 $8.000000000e+00, v6  }
0x19e: {  	v7 =	vmul.f32 $8.000000000e+00, v7;
	[tilespmem:v8+s23+$0x0] =	vst.idx.msk $0xffff, v5  }
0x19f: {  	v5 =	vmul.f32 $8.000000000e+00, v9;
	[tilespmem:v10+s23+$0x0] =	vst.idx.msk $0xffff, v6  }
0x1a0: {  	[tilespmem:v11+s23+$0x0] =	vst.idx.msk $0xffff, v7  }
0x1a1: {  	s20 =	sadd.s32 $0x1, s19;
	[tilespmem:v4+s23+$0x0] =	vst.idx.msk $0xffff, v5  }
0x1a2: {  	v4 =	vmov s20;
	v5 =	vld [tilespmem:s17+$0xFFFFFF50]  }
0x1a3: {  	v4 =	vand.u32 $0x7D, v4;
	v6 =	vld [tilespmem:s17+$0xFFFFFF60]  }
0x1a4: {  	v8 =	vadd.s32 v0, v4;
	v7 =	vld [tilespmem:s17+$0xFFFFFF70]  }
0x1a5: {  	v10 =	vadd.s32 v1, v4;
	v9 =	vld [tilespmem:s17+$0xFFFFFF80]  }
0x1a6: {  	v11 =	vadd.s32 v2, v4  }
0x1a7: {  	v4 =	vadd.s32 v3, v4;
	v5 =	vmul.f32 $8.000000000e+00, v5  }
0x1a8: {  	v6 =	vmul.f32 $8.000000000e+00, v6  }
0x1a9: {  	v7 =	vmul.f32 $8.000000000e+00, v7;
	[tilespmem:v8+s23+$0x0] =	vst.idx.msk $0xffff, v5  }
0x1aa: {  	v5 =	vmul.f32 $8.000000000e+00, v9;
	[tilespmem:v10+s23+$0x0] =	vst.idx.msk $0xffff, v6  }
0x1ab: {  	[tilespmem:v11+s23+$0x0] =	vst.idx.msk $0xffff, v7  }
0x1ac: {  	s20 =	sadd.s32 $0x2, s19;
	[tilespmem:v4+s23+$0x0] =	vst.idx.msk $0xffff, v5  }
0x1ad: {  	v4 =	vmov s20;
	v5 =	vld [tilespmem:s17+$0xFFFFFF90]  }
0x1ae: {  	v4 =	vand.u32 $0x7E, v4;
	v6 =	vld [tilespmem:s17+$0xFFFFFFA0]  }
0x1af: {  	v8 =	vadd.s32 v0, v4;
	v7 =	vld [tilespmem:s17+$0xFFFFFFB0]  }
0x1b0: {  	v10 =	vadd.s32 v1, v4;
	v9 =	vld [tilespmem:s17+$0xFFFFFFC0]  }
0x1b1: {  	v11 =	vadd.s32 v2, v4  }
0x1b2: {  	v4 =	vadd.s32 v3, v4;
	v5 =	vmul.f32 $8.000000000e+00, v5  }
0x1b3: {  	v6 =	vmul.f32 $8.000000000e+00, v6  }
0x1b4: {  	v7 =	vmul.f32 $8.000000000e+00, v7;
	[tilespmem:v8+s23+$0x0] =	vst.idx.msk $0xffff, v5  }
0x1b5: {  	v5 =	vmul.f32 $8.000000000e+00, v9;
	[tilespmem:v10+s23+$0x0] =	vst.idx.msk $0xffff, v6  }
0x1b6: {  	[tilespmem:v11+s23+$0x0] =	vst.idx.msk $0xffff, v7  }
0x1b7: {  	s19 =	sadd.s32 $0x3, s19;
	[tilespmem:v4+s23+$0x0] =	vst.idx.msk $0xffff, v5  }
0x1b8: {  	v4 =	vmov s19;
	v5 =	vld [tilespmem:s17+$0xFFFFFFD0]  }
0x1b9: {  	v4 =	vand.u32 $0x7F, v4;
	v6 =	vld [tilespmem:s17+$0xFFFFFFE0]  }
0x1ba: {  	v8 =	vadd.s32 v0, v4;
	v7 =	vld [tilespmem:s17+$0xFFFFFFF0]  }
0x1bb: {  	v10 =	vadd.s32 v1, v4;
	v9 =	vld [tilespmem:s17+$0x0]  }
0x1bc: {  	v11 =	vadd.s32 v2, v4  }
.Ltmp4:
0x1bd: {  	v4 =	vadd.s32 v3, v4;
	v5 =	vmul.f32 $8.000000000e+00, v5;
	(pc) =	sbr.rel @p2 .LBB2_11-.Ltmp4, $4  }
0x1be: {  	v6 =	vmul.f32 $8.000000000e+00, v6  }
0x1bf: {  	v7 =	vmul.f32 $8.000000000e+00, v7;
	[tilespmem:v8+s23+$0x0] =	vst.idx.msk $0xffff, v5  }
0x1c0: {  	v5 =	vmul.f32 $8.000000000e+00, v9;
	[tilespmem:v10+s23+$0x0] =	vst.idx.msk $0xffff, v6  }
0x1c1: {  	s20 =	simm.s32 $0x10510;
	s19 =	simm.s32 $0xFFFFFFFC;
	[tilespmem:v11+s23+$0x0] =	vst.idx.msk $0xffff, v7  }
0x1c2: {  	_ =	sdelay $0x3  }
0x1c3: {  	[tilespmem:v4+s23+$0x0] =	vst.idx.msk $0xffff, v5  }
.LBB2_13:
0x1c4: {  	v4 =	vld [tilespmem:s20+$0xFFFFFEF0]  }
0x1c5: {  	v5 =	vld [tilespmem:s20+$0xFFFFFF00]  }
0x1c6: {  	v6 =	vld [tilespmem:s20+$0xFFFFFF10]  }
0x1c7: {  	v7 =	vld [tilespmem:s20+$0xFFFFFF20]  }
0x1c8: {  	v8 =	vld [tilespmem:s20+$0xFFFFFF30]  }
0x1c9: {  	v9 =	vld [tilespmem:s20+$0xFFFFFF40]  }
0x1ca: {  	v10 =	vld [tilespmem:s20+$0xFFFFFF50]  }
0x1cb: {  	v11 =	vld [tilespmem:s20+$0xFFFFFF60];
	[tilespmem:s16+$0xFFFFFF90] =	vst v4  }
0x1cc: {  	[tilespmem:s16+$0xFFFFFFA0] =	vst v5  }
0x1cd: {  	[tilespmem:s16+$0xFFFFFFB0] =	vst v6  }
0x1ce: {  	[tilespmem:s16+$0xFFFFFFC0] =	vst v7  }
0x1cf: {  	[tilespmem:s16+$0xFFFFFFD0] =	vst v8  }
0x1d0: {  	[tilespmem:s16+$0xFFFFFFE0] =	vst v9  }
0x1d1: {  	[tilespmem:s16+$0xFFFFFFF0] =	vst v10  }
0x1d2: {  	[tilespmem:s16+$0x0] =	vst v11  }
0x1d3: {  	v4 =	vld [tilespmem:s20+$0xFFFFFF78]  }
0x1d4: {  	v5 =	vld [tilespmem:s20+$0xFFFFFF88]  }
0x1d5: {  	v6 =	vld [tilespmem:s20+$0xFFFFFF98]  }
0x1d6: {  	v7 =	vld [tilespmem:s20+$0xFFFFFFA8]  }
0x1d7: {  	s17 =	sand.u32 $0x1C00, s12;
	s18 =	sadd.s32 $0x80, s12;
	v8 =	vld [tilespmem:s20+$0xFFFFFFB8]  }
0x1d8: {  	s18 =	sand.u32 $0x280, s18;
	s17 =	sadd.s32 $0x12600, s17;
	v9 =	vld [tilespmem:s20+$0xFFFFFFC8]  }
0x1d9: {  	s18 =	sadd.s32 s18, s17;
	v10 =	vld [tilespmem:s20+$0xFFFFFFD8]  }
0x1da: {  	v11 =	vld [tilespmem:s20+$0xFFFFFFE8];
	[tilespmem:s18+$0x4000] =	vst v4  }
0x1db: {  	[tilespmem:s18+$0x4010] =	vst v5  }
0x1dc: {  	[tilespmem:s18+$0x4020] =	vst v6  }
0x1dd: {  	[tilespmem:s18+$0x4030] =	vst v7  }
0x1de: {  	[tilespmem:s18+$0x4040] =	vst v8  }
0x1df: {  	[tilespmem:s18+$0x4050] =	vst v9  }
0x1e0: {  	[tilespmem:s18+$0x4060] =	vst v10  }
0x1e1: {  	[tilespmem:s18+$0x4070] =	vst v11  }
0x1e2: {  	v4 =	vld [tilespmem:s20+$0x0]  }
0x1e3: {  	v5 =	vld [tilespmem:s20+$0x10]  }
0x1e4: {  	v6 =	vld [tilespmem:s20+$0x20]  }
0x1e5: {  	v7 =	vld [tilespmem:s20+$0x30]  }
0x1e6: {  	s18 =	sadd.s32 $0x100, s12;
	v8 =	vld [tilespmem:s20+$0x40]  }
0x1e7: {  	v9 =	vld [tilespmem:s20+$0x50];
	s18 =	sand.u32 $0x300, s18  }
0x1e8: {  	v10 =	vld [tilespmem:s20+$0x60];
	s18 =	sadd.s32 s18, s17  }
0x1e9: {  	v11 =	vld [tilespmem:s20+$0x70];
	[tilespmem:s18+$0x4000] =	vst v4  }
0x1ea: {  	[tilespmem:s18+$0x4010] =	vst v5  }
0x1eb: {  	[tilespmem:s18+$0x4020] =	vst v6  }
0x1ec: {  	[tilespmem:s18+$0x4030] =	vst v7  }
0x1ed: {  	[tilespmem:s18+$0x4040] =	vst v8  }
0x1ee: {  	[tilespmem:s18+$0x4050] =	vst v9  }
0x1ef: {  	[tilespmem:s18+$0x4060] =	vst v10  }
0x1f0: {  	[tilespmem:s18+$0x4070] =	vst v11  }
0x1f1: {  	v4 =	vld [tilespmem:s20+$0x88]  }
0x1f2: {  	v5 =	vld [tilespmem:s20+$0x98]  }
0x1f3: {  	v6 =	vld [tilespmem:s20+$0xA8]  }
0x1f4: {  	v7 =	vld [tilespmem:s20+$0xB8]  }
0x1f5: {  	s18 =	sadd.s32 $0x180, s12;
	v8 =	vld [tilespmem:s20+$0xC8]  }
0x1f6: {  	v9 =	vld [tilespmem:s20+$0xD8];
	s18 =	sand.u32 $0x380, s18  }
0x1f7: {  	v10 =	vld [tilespmem:s20+$0xE8];
	s17 =	sadd.s32 s18, s17  }
0x1f8: {  	v11 =	vld [tilespmem:s20+$0xF8];
	[tilespmem:s17+$0x4000] =	vst v4  }
0x1f9: {  	s19 =	sadd.s32 $0x4, s19;
	[tilespmem:s17+$0x4010] =	vst v5  }
0x1fa: {  	p2 =	slt.u32 s19, $0x3C;
	[tilespmem:s17+$0x4020] =	vst v6  }
.Ltmp5:
0x1fb: {  	[tilespmem:s17+$0x4030] =	vst v7;
	(pc) =	sbr.rel @p2 .LBB2_13-.Ltmp5, $4  }
0x1fc: {  	[tilespmem:s17+$0x4040] =	vst v8  }
0x1fd: {  	[tilespmem:s17+$0x4050] =	vst v9  }
0x1fe: {  	[tilespmem:s17+$0x4060] =	vst v10  }
0x1ff: {  	s16 =	sadd.s32 $0x200, s16;
	s12 =	sadd.s32 $0x200, s12;
	s20 =	sadd.s32 $0x220, s20;
	[tilespmem:s17+$0x4070] =	vst v11  }
0x200: {  	s12 =	sadd.s32 @!p1 $0x380, s11;
	s16 =	simm.s32 @!p1 $0x80;
	s17 =	simm.s32 @!p1 $0xA400  }
0x201: {  	[tilespmem:s17], [sflag:$0x3] =	stream.indirect.gather @!p1 [hbm4b:s4+s16], $0x40, s12, s16, $0xb8;
	[tilespmem:$0x1C600] =	vst v63  }
0x202: {  	s17 =	sadd.s32 s8, s6  }
0x203: {  	s12 =	sshrl.u32 s17, $0x3  }
0x204: {  	s12 =	sadd.s32 s2, s12  }
0x205: {  	[hbm4b:s12+s24] =	stream.strided.scatter [tilespmem:s31], [sflag:$0x8], $0x2000, s25, s24, $0x38;
	[tilespmem:$0x1C600] =	vst v63  }
0x206: {  	_ =	swait.ge [sflag:s1], $0x2000  }
0x207: {  	[sflag:s1] =	ssyncset.done $0x0  }
0x208: {  	s12 =	simm.s32 @!p0 $0x9;
	[sflag:s1] =	ssyncadd.s32 $0xFFFFE000  }
0x209: {  	_ =	swait.ge @!p0 [sflag:s12], $0x2000  }
0x20a: {  	[sflag:s12] =	ssyncset.done @!p0 $0x0  }
0x20b: {  	s17 =	simm.s32 $0xC4F0;
	[sflag:s12] =	ssyncadd.s32 @!p0 $0xFFFFE000;
	s12 =	simm.s32 $0x0  }
0x20c: {  	v4 =	vmov s12;
	v5 =	vld [tilespmem:s17+$0xFFFFFF10]  }
0x20d: {  	v6 =	vld [tilespmem:s17+$0xFFFFFF20];
	v4 =	vand.u32 $0x7C, v4  }
0x20e: {  	v7 =	vld [tilespmem:s17+$0xFFFFFF30];
	v8 =	vadd.s32 v0, v4  }
0x20f: {  	v9 =	vld [tilespmem:s17+$0xFFFFFF40];
	v10 =	vadd.s32 v1, v4  }
0x210: {  	v11 =	vadd.s32 v2, v4  }
0x211: {  	v4 =	vadd.s32 v3, v4;
	v5 =	vmul.f32 $8.000000000e+00, v5  }
0x212: {  	v6 =	vmul.f32 $8.000000000e+00, v6  }
0x213: {  	v7 =	vmul.f32 $8.000000000e+00, v7;
	[tilespmem:v8+s23+$0x0] =	vst.idx.msk $0xffff, v5  }
0x214: {  	v5 =	vmul.f32 $8.000000000e+00, v9;
	[tilespmem:v10+s23+$0x0] =	vst.idx.msk $0xffff, v6  }
0x215: {  	[tilespmem:v11+s23+$0x0] =	vst.idx.msk $0xffff, v7  }
0x216: {  	s18 =	simm.s32 $0x1;
	[tilespmem:v4+s23+$0x0] =	vst.idx.msk $0xffff, v5  }
0x217: {  	v4 =	vmov s18;
	v5 =	vld [tilespmem:s17+$0xFFFFFF50]  }
0x218: {  	v6 =	vld [tilespmem:s17+$0xFFFFFF60];
	v4 =	vand.u32 $0x7D, v4  }
0x219: {  	v7 =	vld [tilespmem:s17+$0xFFFFFF70];
	v53 =	vadd.s32 v0, v4  }
0x21a: {  	v54 =	vld [tilespmem:s17+$0xFFFFFF80];
	v55 =	vadd.s32 v1, v4  }
0x21b: {  	v56 =	vadd.s32 v2, v4  }
0x21c: {  	v4 =	vadd.s32 v3, v4;
	v5 =	vmul.f32 $8.000000000e+00, v5  }
0x21d: {  	v6 =	vmul.f32 $8.000000000e+00, v6  }
0x21e: {  	v7 =	vmul.f32 $8.000000000e+00, v7;
	[tilespmem:v53+s23+$0x0] =	vst.idx.msk $0xffff, v5  }
0x21f: {  	v5 =	vmul.f32 $8.000000000e+00, v54;
	[tilespmem:v55+s23+$0x0] =	vst.idx.msk $0xffff, v6  }
0x220: {  	[tilespmem:v56+s23+$0x0] =	vst.idx.msk $0xffff, v7  }
0x221: {  	s19 =	simm.s32 $0x2;
	[tilespmem:v4+s23+$0x0] =	vst.idx.msk $0xffff, v5  }
0x222: {  	v4 =	vmov s19;
	v5 =	vld [tilespmem:s17+$0xFFFFFF90]  }
0x223: {  	v6 =	vld [tilespmem:s17+$0xFFFFFFA0];
	v4 =	vand.u32 $0x7E, v4  }
0x224: {  	v7 =	vld [tilespmem:s17+$0xFFFFFFB0];
	v57 =	vadd.s32 v0, v4  }
0x225: {  	v58 =	vld [tilespmem:s17+$0xFFFFFFC0];
	v59 =	vadd.s32 v1, v4  }
0x226: {  	v60 =	vadd.s32 v2, v4  }
0x227: {  	v4 =	vadd.s32 v3, v4;
	v5 =	vmul.f32 $8.000000000e+00, v5  }
0x228: {  	v6 =	vmul.f32 $8.000000000e+00, v6  }
0x229: {  	v7 =	vmul.f32 $8.000000000e+00, v7;
	[tilespmem:v57+s23+$0x0] =	vst.idx.msk $0xffff, v5  }
0x22a: {  	v5 =	vmul.f32 $8.000000000e+00, v58;
	[tilespmem:v59+s23+$0x0] =	vst.idx.msk $0xffff, v6  }
0x22b: {  	[tilespmem:v60+s23+$0x0] =	vst.idx.msk $0xffff, v7  }
0x22c: {  	s20 =	simm.s32 $0x3;
	[tilespmem:v4+s23+$0x0] =	vst.idx.msk $0xffff, v5  }
0x22d: {  	v4 =	vmov s20;
	v5 =	vld [tilespmem:s17+$0xFFFFFFD0]  }
0x22e: {  	v6 =	vld [tilespmem:s17+$0xFFFFFFE0];
	v4 =	vand.u32 $0x7F, v4  }
0x22f: {  	v7 =	vld [tilespmem:s17+$0xFFFFFFF0];
	v61 =	vadd.s32 v0, v4  }
0x230: {  	v62 =	vadd.s32 v1, v4  }
0x231: {  	v10 =	vld [tilespmem:s17+$0x0];
	v63 =	vadd.s32 v2, v4  }
0x232: {  	v5 =	vmul.f32 $8.000000000e+00, v5  }
0x233: {  	v4 =	vadd.s32 v3, v4;
	v6 =	vmul.f32 $8.000000000e+00, v6  }
0x234: {  	v7 =	vmul.f32 $8.000000000e+00, v7;
	[tilespmem:v61+s23+$0x0] =	vst.idx.msk $0xffff, v5  }
0x235: {  	[tilespmem:v62+s23+$0x0] =	vst.idx.msk $0xffff, v6  }
0x236: {  	s16 =	simm.s32 $0x18670;
	s18 =	simm.s32 $0x4;
	v5 =	vmul.f32 $8.000000000e+00, v10;
	[tilespmem:v63+s23+$0x0] =	vst.idx.msk $0xffff, v7  }
.LBB2_15:
0x237: {  	p2 =	slt.u32 s18, $0x7C  }
0x238: {  	[tilespmem:v4+s23+$0x0] =	vst.idx.msk $0xffff, v5;
	s17 =	sadd.s32 $0x100, s17;
	s19 =	smov.u32 s18;
	s18 =	sadd.s32 $0x4, s18  }
0x239: {  	v4 =	vmov s19;
	v5 =	vld [tilespmem:s17+$0xFFFFFF10]  }
0x23a: {  	v6 =	vld [tilespmem:s17+$0xFFFFFF20];
	v4 =	vand.u32 $0x7C, v4  }
0x23b: {  	v7 =	vld [tilespmem:s17+$0xFFFFFF30];
	v8 =	vadd.s32 v0, v4  }
0x23c: {  	v10 =	vadd.s32 v1, v4;
	v9 =	vld [tilespmem:s17+$0xFFFFFF40]  }
0x23d: {  	v11 =	vadd.s32 v2, v4  }
0x23e: {  	v4 =	vadd.s32 v3, v4;
	v5 =	vmul.f32 $8.000000000e+00, v5  }
0x23f: {  	v6 =	vmul.f32 $8.000000000e+00, v6  }
0x240: {  	v7 =	vmul.f32 $8.000000000e+00, v7;
	[tilespmem:v8+s23+$0x0] =	vst.idx.msk $0xffff, v5  }
0x241: {  	v5 =	vmul.f32 $8.000000000e+00, v9;
	[tilespmem:v10+s23+$0x0] =	vst.idx.msk $0xffff, v6  }
0x242: {  	[tilespmem:v11+s23+$0x0] =	vst.idx.msk $0xffff, v7  }
0x243: {  	s20 =	sadd.s32 $0x1, s19;
	[tilespmem:v4+s23+$0x0] =	vst.idx.msk $0xffff, v5  }
0x244: {  	v4 =	vmov s20;
	v5 =	vld [tilespmem:s17+$0xFFFFFF50]  }
0x245: {  	v4 =	vand.u32 $0x7D, v4;
	v6 =	vld [tilespmem:s17+$0xFFFFFF60]  }
0x246: {  	v8 =	vadd.s32 v0, v4;
	v7 =	vld [tilespmem:s17+$0xFFFFFF70]  }
0x247: {  	v10 =	vadd.s32 v1, v4;
	v9 =	vld [tilespmem:s17+$0xFFFFFF80]  }
0x248: {  	v11 =	vadd.s32 v2, v4  }
0x249: {  	v4 =	vadd.s32 v3, v4;
	v5 =	vmul.f32 $8.000000000e+00, v5  }
0x24a: {  	v6 =	vmul.f32 $8.000000000e+00, v6  }
0x24b: {  	v7 =	vmul.f32 $8.000000000e+00, v7;
	[tilespmem:v8+s23+$0x0] =	vst.idx.msk $0xffff, v5  }
0x24c: {  	v5 =	vmul.f32 $8.000000000e+00, v9;
	[tilespmem:v10+s23+$0x0] =	vst.idx.msk $0xffff, v6  }
0x24d: {  	[tilespmem:v11+s23+$0x0] =	vst.idx.msk $0xffff, v7  }
0x24e: {  	s20 =	sadd.s32 $0x2, s19;
	[tilespmem:v4+s23+$0x0] =	vst.idx.msk $0xffff, v5  }
0x24f: {  	v4 =	vmov s20;
	v5 =	vld [tilespmem:s17+$0xFFFFFF90]  }
0x250: {  	v4 =	vand.u32 $0x7E, v4;
	v6 =	vld [tilespmem:s17+$0xFFFFFFA0]  }
0x251: {  	v8 =	vadd.s32 v0, v4;
	v7 =	vld [tilespmem:s17+$0xFFFFFFB0]  }
0x252: {  	v10 =	vadd.s32 v1, v4;
	v9 =	vld [tilespmem:s17+$0xFFFFFFC0]  }
0x253: {  	v11 =	vadd.s32 v2, v4  }
0x254: {  	v4 =	vadd.s32 v3, v4;
	v5 =	vmul.f32 $8.000000000e+00, v5  }
0x255: {  	v6 =	vmul.f32 $8.000000000e+00, v6  }
0x256: {  	v7 =	vmul.f32 $8.000000000e+00, v7;
	[tilespmem:v8+s23+$0x0] =	vst.idx.msk $0xffff, v5  }
0x257: {  	v5 =	vmul.f32 $8.000000000e+00, v9;
	[tilespmem:v10+s23+$0x0] =	vst.idx.msk $0xffff, v6  }
0x258: {  	[tilespmem:v11+s23+$0x0] =	vst.idx.msk $0xffff, v7  }
0x259: {  	s19 =	sadd.s32 $0x3, s19;
	[tilespmem:v4+s23+$0x0] =	vst.idx.msk $0xffff, v5  }
0x25a: {  	v4 =	vmov s19;
	v5 =	vld [tilespmem:s17+$0xFFFFFFD0]  }
0x25b: {  	v4 =	vand.u32 $0x7F, v4;
	v6 =	vld [tilespmem:s17+$0xFFFFFFE0]  }
0x25c: {  	v8 =	vadd.s32 v0, v4;
	v7 =	vld [tilespmem:s17+$0xFFFFFFF0]  }
0x25d: {  	v10 =	vadd.s32 v1, v4;
	v9 =	vld [tilespmem:s17+$0x0]  }
0x25e: {  	v11 =	vadd.s32 v2, v4  }
.Ltmp6:
0x25f: {  	v4 =	vadd.s32 v3, v4;
	v5 =	vmul.f32 $8.000000000e+00, v5;
	(pc) =	sbr.rel @p2 .LBB2_15-.Ltmp6, $4  }
0x260: {  	v6 =	vmul.f32 $8.000000000e+00, v6  }
0x261: {  	v7 =	vmul.f32 $8.000000000e+00, v7;
	[tilespmem:v8+s23+$0x0] =	vst.idx.msk $0xffff, v5  }
0x262: {  	v5 =	vmul.f32 $8.000000000e+00, v9;
	[tilespmem:v10+s23+$0x0] =	vst.idx.msk $0xffff, v6  }
0x263: {  	s20 =	simm.s32 $0x10510;
	s19 =	simm.s32 $0xFFFFFFFC;
	[tilespmem:v11+s23+$0x0] =	vst.idx.msk $0xffff, v7  }
0x264: {  	_ =	sdelay $0x3  }
0x265: {  	[tilespmem:v4+s23+$0x0] =	vst.idx.msk $0xffff, v5  }
.LBB2_17:
0x266: {  	v4 =	vld [tilespmem:s20+$0xFFFFFEF0]  }
0x267: {  	v5 =	vld [tilespmem:s20+$0xFFFFFF00]  }
0x268: {  	v6 =	vld [tilespmem:s20+$0xFFFFFF10]  }
0x269: {  	v7 =	vld [tilespmem:s20+$0xFFFFFF20]  }
0x26a: {  	v8 =	vld [tilespmem:s20+$0xFFFFFF30]  }
0x26b: {  	v9 =	vld [tilespmem:s20+$0xFFFFFF40]  }
0x26c: {  	v10 =	vld [tilespmem:s20+$0xFFFFFF50]  }
0x26d: {  	v11 =	vld [tilespmem:s20+$0xFFFFFF60];
	[tilespmem:s16+$0xFFFFFF90] =	vst v4  }
0x26e: {  	[tilespmem:s16+$0xFFFFFFA0] =	vst v5  }
0x26f: {  	[tilespmem:s16+$0xFFFFFFB0] =	vst v6  }
0x270: {  	[tilespmem:s16+$0xFFFFFFC0] =	vst v7  }
0x271: {  	[tilespmem:s16+$0xFFFFFFD0] =	vst v8  }
0x272: {  	[tilespmem:s16+$0xFFFFFFE0] =	vst v9  }
0x273: {  	[tilespmem:s16+$0xFFFFFFF0] =	vst v10  }
0x274: {  	[tilespmem:s16+$0x0] =	vst v11  }
0x275: {  	v4 =	vld [tilespmem:s20+$0xFFFFFF78]  }
0x276: {  	v5 =	vld [tilespmem:s20+$0xFFFFFF88]  }
0x277: {  	v6 =	vld [tilespmem:s20+$0xFFFFFF98]  }
0x278: {  	v7 =	vld [tilespmem:s20+$0xFFFFFFA8]  }
0x279: {  	s17 =	sand.u32 $0x1C00, s12;
	s18 =	sadd.s32 $0x80, s12;
	v8 =	vld [tilespmem:s20+$0xFFFFFFB8]  }
0x27a: {  	s18 =	sand.u32 $0x280, s18;
	s17 =	sadd.s32 $0x12600, s17;
	v9 =	vld [tilespmem:s20+$0xFFFFFFC8]  }
0x27b: {  	s18 =	sadd.s32 s18, s17;
	v10 =	vld [tilespmem:s20+$0xFFFFFFD8]  }
0x27c: {  	v11 =	vld [tilespmem:s20+$0xFFFFFFE8];
	[tilespmem:s18+$0x6000] =	vst v4  }
0x27d: {  	[tilespmem:s18+$0x6010] =	vst v5  }
0x27e: {  	[tilespmem:s18+$0x6020] =	vst v6  }
0x27f: {  	[tilespmem:s18+$0x6030] =	vst v7  }
0x280: {  	[tilespmem:s18+$0x6040] =	vst v8  }
0x281: {  	[tilespmem:s18+$0x6050] =	vst v9  }
0x282: {  	[tilespmem:s18+$0x6060] =	vst v10  }
0x283: {  	[tilespmem:s18+$0x6070] =	vst v11  }
0x284: {  	v4 =	vld [tilespmem:s20+$0x0]  }
0x285: {  	v5 =	vld [tilespmem:s20+$0x10]  }
0x286: {  	v6 =	vld [tilespmem:s20+$0x20]  }
0x287: {  	v7 =	vld [tilespmem:s20+$0x30]  }
0x288: {  	s18 =	sadd.s32 $0x100, s12;
	v8 =	vld [tilespmem:s20+$0x40]  }
0x289: {  	v9 =	vld [tilespmem:s20+$0x50];
	s18 =	sand.u32 $0x300, s18  }
0x28a: {  	v10 =	vld [tilespmem:s20+$0x60];
	s18 =	sadd.s32 s18, s17  }
0x28b: {  	v11 =	vld [tilespmem:s20+$0x70];
	[tilespmem:s18+$0x6000] =	vst v4  }
0x28c: {  	[tilespmem:s18+$0x6010] =	vst v5  }
0x28d: {  	[tilespmem:s18+$0x6020] =	vst v6  }
0x28e: {  	[tilespmem:s18+$0x6030] =	vst v7  }
0x28f: {  	[tilespmem:s18+$0x6040] =	vst v8  }
0x290: {  	[tilespmem:s18+$0x6050] =	vst v9  }
0x291: {  	[tilespmem:s18+$0x6060] =	vst v10  }
0x292: {  	[tilespmem:s18+$0x6070] =	vst v11  }
0x293: {  	v4 =	vld [tilespmem:s20+$0x88]  }
0x294: {  	v5 =	vld [tilespmem:s20+$0x98]  }
0x295: {  	v6 =	vld [tilespmem:s20+$0xA8]  }
0x296: {  	v7 =	vld [tilespmem:s20+$0xB8]  }
0x297: {  	s18 =	sadd.s32 $0x180, s12;
	v8 =	vld [tilespmem:s20+$0xC8]  }
0x298: {  	v9 =	vld [tilespmem:s20+$0xD8];
	s18 =	sand.u32 $0x380, s18  }
0x299: {  	v10 =	vld [tilespmem:s20+$0xE8];
	s17 =	sadd.s32 s18, s17  }
0x29a: {  	v11 =	vld [tilespmem:s20+$0xF8];
	[tilespmem:s17+$0x6000] =	vst v4  }
0x29b: {  	s19 =	sadd.s32 $0x4, s19;
	[tilespmem:s17+$0x6010] =	vst v5  }
0x29c: {  	p2 =	slt.u32 s19, $0x3C;
	[tilespmem:s17+$0x6020] =	vst v6  }
.Ltmp7:
0x29d: {  	[tilespmem:s17+$0x6030] =	vst v7;
	(pc) =	sbr.rel @p2 .LBB2_17-.Ltmp7, $4  }
0x29e: {  	[tilespmem:s17+$0x6040] =	vst v8  }
0x29f: {  	[tilespmem:s17+$0x6050] =	vst v9  }
0x2a0: {  	[tilespmem:s17+$0x6060] =	vst v10  }
0x2a1: {  	s16 =	sadd.s32 $0x200, s16;
	s12 =	sadd.s32 $0x200, s12;
	s20 =	sadd.s32 $0x220, s20;
	[tilespmem:s17+$0x6070] =	vst v11  }
0x2a2: {  	s12 =	sadd.s32 @!p1 $0x400, s11;
	s16 =	simm.s32 @!p1 $0x80;
	s17 =	simm.s32 @!p1 $0xC400  }
0x2a3: {  	[tilespmem:s17], [sflag:$0x4] =	stream.indirect.gather @!p1 [hbm4b:s4+s16], $0x40, s12, s16, $0xb8;
	[tilespmem:$0x1C600] =	vst v63  }
0x2a4: {  	s17 =	sadd.s32 s9, s6  }
0x2a5: {  	s12 =	sshrl.u32 s17, $0x3  }
0x2a6: {  	s12 =	sadd.s32 s2, s12  }
0x2a7: {  	[hbm4b:s12+s24] =	stream.strided.scatter [tilespmem:s0], [sflag:$0x9], $0x2000, s25, s24, $0x38;
	[tilespmem:$0x1C600] =	vst v63  }
0x2a8: {  	_ =	swait.ge [sflag:s14], $0x2000  }
0x2a9: {  	[sflag:s14] =	ssyncset.done $0x0  }
0x2aa: {  	s12 =	simm.s32 @!p0 $0xA;
	[sflag:s14] =	ssyncadd.s32 $0xFFFFE000  }
0x2ab: {  	_ =	swait.ge @!p0 [sflag:s12], $0x2000  }
0x2ac: {  	[sflag:s12] =	ssyncset.done @!p0 $0x0  }
0x2ad: {  	s17 =	simm.s32 $0xE4F0;
	[sflag:s12] =	ssyncadd.s32 @!p0 $0xFFFFE000;
	s12 =	simm.s32 $0x0  }
0x2ae: {  	v4 =	vmov s12;
	v5 =	vld [tilespmem:s17+$0xFFFFFF10]  }
0x2af: {  	v6 =	vld [tilespmem:s17+$0xFFFFFF20];
	v4 =	vand.u32 $0x7C, v4  }
0x2b0: {  	v7 =	vld [tilespmem:s17+$0xFFFFFF30];
	v8 =	vadd.s32 v0, v4  }
0x2b1: {  	v9 =	vld [tilespmem:s17+$0xFFFFFF40];
	v10 =	vadd.s32 v1, v4  }
0x2b2: {  	v11 =	vadd.s32 v2, v4  }
0x2b3: {  	v4 =	vadd.s32 v3, v4;
	v5 =	vmul.f32 $8.000000000e+00, v5  }
0x2b4: {  	v6 =	vmul.f32 $8.000000000e+00, v6  }
0x2b5: {  	v7 =	vmul.f32 $8.000000000e+00, v7;
	[tilespmem:v8+s23+$0x0] =	vst.idx.msk $0xffff, v5  }
0x2b6: {  	v5 =	vmul.f32 $8.000000000e+00, v9;
	[tilespmem:v10+s23+$0x0] =	vst.idx.msk $0xffff, v6  }
0x2b7: {  	[tilespmem:v11+s23+$0x0] =	vst.idx.msk $0xffff, v7  }
0x2b8: {  	s18 =	simm.s32 $0x1;
	[tilespmem:v4+s23+$0x0] =	vst.idx.msk $0xffff, v5  }
0x2b9: {  	v4 =	vmov s18;
	v5 =	vld [tilespmem:s17+$0xFFFFFF50]  }
0x2ba: {  	v6 =	vld [tilespmem:s17+$0xFFFFFF60];
	v4 =	vand.u32 $0x7D, v4  }
0x2bb: {  	v7 =	vld [tilespmem:s17+$0xFFFFFF70];
	v53 =	vadd.s32 v0, v4  }
0x2bc: {  	v54 =	vld [tilespmem:s17+$0xFFFFFF80];
	v55 =	vadd.s32 v1, v4  }
0x2bd: {  	v56 =	vadd.s32 v2, v4  }
0x2be: {  	v4 =	vadd.s32 v3, v4;
	v5 =	vmul.f32 $8.000000000e+00, v5  }
0x2bf: {  	v6 =	vmul.f32 $8.000000000e+00, v6  }
0x2c0: {  	v7 =	vmul.f32 $8.000000000e+00, v7;
	[tilespmem:v53+s23+$0x0] =	vst.idx.msk $0xffff, v5  }
0x2c1: {  	v5 =	vmul.f32 $8.000000000e+00, v54;
	[tilespmem:v55+s23+$0x0] =	vst.idx.msk $0xffff, v6  }
0x2c2: {  	[tilespmem:v56+s23+$0x0] =	vst.idx.msk $0xffff, v7  }
0x2c3: {  	s19 =	simm.s32 $0x2;
	[tilespmem:v4+s23+$0x0] =	vst.idx.msk $0xffff, v5  }
0x2c4: {  	v4 =	vmov s19;
	v5 =	vld [tilespmem:s17+$0xFFFFFF90]  }
0x2c5: {  	v6 =	vld [tilespmem:s17+$0xFFFFFFA0];
	v4 =	vand.u32 $0x7E, v4  }
0x2c6: {  	v7 =	vld [tilespmem:s17+$0xFFFFFFB0];
	v57 =	vadd.s32 v0, v4  }
0x2c7: {  	v58 =	vld [tilespmem:s17+$0xFFFFFFC0];
	v59 =	vadd.s32 v1, v4  }
0x2c8: {  	v60 =	vadd.s32 v2, v4  }
0x2c9: {  	v4 =	vadd.s32 v3, v4;
	v5 =	vmul.f32 $8.000000000e+00, v5  }
0x2ca: {  	v6 =	vmul.f32 $8.000000000e+00, v6  }
0x2cb: {  	v7 =	vmul.f32 $8.000000000e+00, v7;
	[tilespmem:v57+s23+$0x0] =	vst.idx.msk $0xffff, v5  }
0x2cc: {  	v5 =	vmul.f32 $8.000000000e+00, v58;
	[tilespmem:v59+s23+$0x0] =	vst.idx.msk $0xffff, v6  }
0x2cd: {  	[tilespmem:v60+s23+$0x0] =	vst.idx.msk $0xffff, v7  }
0x2ce: {  	s20 =	simm.s32 $0x3;
	[tilespmem:v4+s23+$0x0] =	vst.idx.msk $0xffff, v5  }
0x2cf: {  	v4 =	vmov s20;
	v5 =	vld [tilespmem:s17+$0xFFFFFFD0]  }
0x2d0: {  	v6 =	vld [tilespmem:s17+$0xFFFFFFE0];
	v4 =	vand.u32 $0x7F, v4  }
0x2d1: {  	v7 =	vld [tilespmem:s17+$0xFFFFFFF0];
	v61 =	vadd.s32 v0, v4  }
0x2d2: {  	v62 =	vadd.s32 v1, v4  }
0x2d3: {  	v10 =	vld [tilespmem:s17+$0x0];
	v63 =	vadd.s32 v2, v4  }
0x2d4: {  	v5 =	vmul.f32 $8.000000000e+00, v5  }
0x2d5: {  	v4 =	vadd.s32 v3, v4;
	v6 =	vmul.f32 $8.000000000e+00, v6  }
0x2d6: {  	v7 =	vmul.f32 $8.000000000e+00, v7;
	[tilespmem:v61+s23+$0x0] =	vst.idx.msk $0xffff, v5  }
0x2d7: {  	[tilespmem:v62+s23+$0x0] =	vst.idx.msk $0xffff, v6  }
0x2d8: {  	s16 =	simm.s32 $0x1A670;
	s18 =	simm.s32 $0x4;
	v5 =	vmul.f32 $8.000000000e+00, v10;
	[tilespmem:v63+s23+$0x0] =	vst.idx.msk $0xffff, v7  }
.LBB2_19:
0x2d9: {  	p0 =	slt.u32 s18, $0x7C  }
0x2da: {  	[tilespmem:v4+s23+$0x0] =	vst.idx.msk $0xffff, v5;
	s17 =	sadd.s32 $0x100, s17;
	s19 =	smov.u32 s18;
	s18 =	sadd.s32 $0x4, s18  }
0x2db: {  	v4 =	vmov s19;
	v5 =	vld [tilespmem:s17+$0xFFFFFF10]  }
0x2dc: {  	v6 =	vld [tilespmem:s17+$0xFFFFFF20];
	v4 =	vand.u32 $0x7C, v4  }
0x2dd: {  	v7 =	vld [tilespmem:s17+$0xFFFFFF30];
	v8 =	vadd.s32 v0, v4  }
0x2de: {  	v10 =	vadd.s32 v1, v4;
	v9 =	vld [tilespmem:s17+$0xFFFFFF40]  }
0x2df: {  	v11 =	vadd.s32 v2, v4  }
0x2e0: {  	v4 =	vadd.s32 v3, v4;
	v5 =	vmul.f32 $8.000000000e+00, v5  }
0x2e1: {  	v6 =	vmul.f32 $8.000000000e+00, v6  }
0x2e2: {  	v7 =	vmul.f32 $8.000000000e+00, v7;
	[tilespmem:v8+s23+$0x0] =	vst.idx.msk $0xffff, v5  }
0x2e3: {  	v5 =	vmul.f32 $8.000000000e+00, v9;
	[tilespmem:v10+s23+$0x0] =	vst.idx.msk $0xffff, v6  }
0x2e4: {  	[tilespmem:v11+s23+$0x0] =	vst.idx.msk $0xffff, v7  }
0x2e5: {  	s20 =	sadd.s32 $0x1, s19;
	[tilespmem:v4+s23+$0x0] =	vst.idx.msk $0xffff, v5  }
0x2e6: {  	v4 =	vmov s20;
	v5 =	vld [tilespmem:s17+$0xFFFFFF50]  }
0x2e7: {  	v4 =	vand.u32 $0x7D, v4;
	v6 =	vld [tilespmem:s17+$0xFFFFFF60]  }
0x2e8: {  	v8 =	vadd.s32 v0, v4;
	v7 =	vld [tilespmem:s17+$0xFFFFFF70]  }
0x2e9: {  	v10 =	vadd.s32 v1, v4;
	v9 =	vld [tilespmem:s17+$0xFFFFFF80]  }
0x2ea: {  	v11 =	vadd.s32 v2, v4  }
0x2eb: {  	v4 =	vadd.s32 v3, v4;
	v5 =	vmul.f32 $8.000000000e+00, v5  }
0x2ec: {  	v6 =	vmul.f32 $8.000000000e+00, v6  }
0x2ed: {  	v7 =	vmul.f32 $8.000000000e+00, v7;
	[tilespmem:v8+s23+$0x0] =	vst.idx.msk $0xffff, v5  }
0x2ee: {  	v5 =	vmul.f32 $8.000000000e+00, v9;
	[tilespmem:v10+s23+$0x0] =	vst.idx.msk $0xffff, v6  }
0x2ef: {  	[tilespmem:v11+s23+$0x0] =	vst.idx.msk $0xffff, v7  }
0x2f0: {  	s20 =	sadd.s32 $0x2, s19;
	[tilespmem:v4+s23+$0x0] =	vst.idx.msk $0xffff, v5  }
0x2f1: {  	v4 =	vmov s20;
	v5 =	vld [tilespmem:s17+$0xFFFFFF90]  }
0x2f2: {  	v4 =	vand.u32 $0x7E, v4;
	v6 =	vld [tilespmem:s17+$0xFFFFFFA0]  }
0x2f3: {  	v8 =	vadd.s32 v0, v4;
	v7 =	vld [tilespmem:s17+$0xFFFFFFB0]  }
0x2f4: {  	v10 =	vadd.s32 v1, v4;
	v9 =	vld [tilespmem:s17+$0xFFFFFFC0]  }
0x2f5: {  	v11 =	vadd.s32 v2, v4  }
0x2f6: {  	v4 =	vadd.s32 v3, v4;
	v5 =	vmul.f32 $8.000000000e+00, v5  }
0x2f7: {  	v6 =	vmul.f32 $8.000000000e+00, v6  }
0x2f8: {  	v7 =	vmul.f32 $8.000000000e+00, v7;
	[tilespmem:v8+s23+$0x0] =	vst.idx.msk $0xffff, v5  }
0x2f9: {  	v5 =	vmul.f32 $8.000000000e+00, v9;
	[tilespmem:v10+s23+$0x0] =	vst.idx.msk $0xffff, v6  }
0x2fa: {  	[tilespmem:v11+s23+$0x0] =	vst.idx.msk $0xffff, v7  }
0x2fb: {  	s19 =	sadd.s32 $0x3, s19;
	[tilespmem:v4+s23+$0x0] =	vst.idx.msk $0xffff, v5  }
0x2fc: {  	v4 =	vmov s19;
	v5 =	vld [tilespmem:s17+$0xFFFFFFD0]  }
0x2fd: {  	v4 =	vand.u32 $0x7F, v4;
	v6 =	vld [tilespmem:s17+$0xFFFFFFE0]  }
0x2fe: {  	v8 =	vadd.s32 v0, v4;
	v7 =	vld [tilespmem:s17+$0xFFFFFFF0]  }
0x2ff: {  	v10 =	vadd.s32 v1, v4;
	v9 =	vld [tilespmem:s17+$0x0]  }
0x300: {  	v11 =	vadd.s32 v2, v4  }
.Ltmp8:
0x301: {  	v4 =	vadd.s32 v3, v4;
	v5 =	vmul.f32 $8.000000000e+00, v5;
	(pc) =	sbr.rel @p0 .LBB2_19-.Ltmp8, $4  }
0x302: {  	v6 =	vmul.f32 $8.000000000e+00, v6  }
0x303: {  	v7 =	vmul.f32 $8.000000000e+00, v7;
	[tilespmem:v8+s23+$0x0] =	vst.idx.msk $0xffff, v5  }
0x304: {  	v5 =	vmul.f32 $8.000000000e+00, v9;
	[tilespmem:v10+s23+$0x0] =	vst.idx.msk $0xffff, v6  }
0x305: {  	s20 =	simm.s32 $0x10510;
	s19 =	simm.s32 $0xFFFFFFFC;
	[tilespmem:v11+s23+$0x0] =	vst.idx.msk $0xffff, v7  }
0x306: {  	_ =	sdelay $0x3  }
0x307: {  	[tilespmem:v4+s23+$0x0] =	vst.idx.msk $0xffff, v5  }
.LBB2_21:
0x308: {  	v4 =	vld [tilespmem:s20+$0xFFFFFEF0]  }
0x309: {  	v5 =	vld [tilespmem:s20+$0xFFFFFF00]  }
0x30a: {  	v6 =	vld [tilespmem:s20+$0xFFFFFF10]  }
0x30b: {  	v7 =	vld [tilespmem:s20+$0xFFFFFF20]  }
0x30c: {  	v8 =	vld [tilespmem:s20+$0xFFFFFF30]  }
0x30d: {  	v9 =	vld [tilespmem:s20+$0xFFFFFF40]  }
0x30e: {  	v10 =	vld [tilespmem:s20+$0xFFFFFF50]  }
0x30f: {  	v11 =	vld [tilespmem:s20+$0xFFFFFF60];
	[tilespmem:s16+$0xFFFFFF90] =	vst v4  }
0x310: {  	[tilespmem:s16+$0xFFFFFFA0] =	vst v5  }
0x311: {  	[tilespmem:s16+$0xFFFFFFB0] =	vst v6  }
0x312: {  	[tilespmem:s16+$0xFFFFFFC0] =	vst v7  }
0x313: {  	[tilespmem:s16+$0xFFFFFFD0] =	vst v8  }
0x314: {  	[tilespmem:s16+$0xFFFFFFE0] =	vst v9  }
0x315: {  	[tilespmem:s16+$0xFFFFFFF0] =	vst v10  }
0x316: {  	[tilespmem:s16+$0x0] =	vst v11  }
0x317: {  	v4 =	vld [tilespmem:s20+$0xFFFFFF78]  }
0x318: {  	v5 =	vld [tilespmem:s20+$0xFFFFFF88]  }
0x319: {  	v6 =	vld [tilespmem:s20+$0xFFFFFF98]  }
0x31a: {  	v7 =	vld [tilespmem:s20+$0xFFFFFFA8]  }
0x31b: {  	s17 =	sand.u32 $0x1C00, s12;
	s18 =	sadd.s32 $0x80, s12;
	v8 =	vld [tilespmem:s20+$0xFFFFFFB8]  }
0x31c: {  	s18 =	sand.u32 $0x280, s18;
	s17 =	sadd.s32 $0x12600, s17;
	v9 =	vld [tilespmem:s20+$0xFFFFFFC8]  }
0x31d: {  	s18 =	sadd.s32 s18, s17;
	v10 =	vld [tilespmem:s20+$0xFFFFFFD8]  }
0x31e: {  	v11 =	vld [tilespmem:s20+$0xFFFFFFE8];
	[tilespmem:s18+$0x8000] =	vst v4  }
0x31f: {  	[tilespmem:s18+$0x8010] =	vst v5  }
0x320: {  	[tilespmem:s18+$0x8020] =	vst v6  }
0x321: {  	[tilespmem:s18+$0x8030] =	vst v7  }
0x322: {  	[tilespmem:s18+$0x8040] =	vst v8  }
0x323: {  	[tilespmem:s18+$0x8050] =	vst v9  }
0x324: {  	[tilespmem:s18+$0x8060] =	vst v10  }
0x325: {  	[tilespmem:s18+$0x8070] =	vst v11  }
0x326: {  	v4 =	vld [tilespmem:s20+$0x0]  }
0x327: {  	v5 =	vld [tilespmem:s20+$0x10]  }
0x328: {  	v6 =	vld [tilespmem:s20+$0x20]  }
0x329: {  	v7 =	vld [tilespmem:s20+$0x30]  }
0x32a: {  	s18 =	sadd.s32 $0x100, s12;
	v8 =	vld [tilespmem:s20+$0x40]  }
0x32b: {  	v9 =	vld [tilespmem:s20+$0x50];
	s18 =	sand.u32 $0x300, s18  }
0x32c: {  	v10 =	vld [tilespmem:s20+$0x60];
	s18 =	sadd.s32 s18, s17  }
0x32d: {  	v11 =	vld [tilespmem:s20+$0x70];
	[tilespmem:s18+$0x8000] =	vst v4  }
0x32e: {  	[tilespmem:s18+$0x8010] =	vst v5  }
0x32f: {  	[tilespmem:s18+$0x8020] =	vst v6  }
0x330: {  	[tilespmem:s18+$0x8030] =	vst v7  }
0x331: {  	[tilespmem:s18+$0x8040] =	vst v8  }
0x332: {  	[tilespmem:s18+$0x8050] =	vst v9  }
0x333: {  	[tilespmem:s18+$0x8060] =	vst v10  }
0x334: {  	[tilespmem:s18+$0x8070] =	vst v11  }
0x335: {  	v4 =	vld [tilespmem:s20+$0x88]  }
0x336: {  	v5 =	vld [tilespmem:s20+$0x98]  }
0x337: {  	v6 =	vld [tilespmem:s20+$0xA8]  }
0x338: {  	v7 =	vld [tilespmem:s20+$0xB8]  }
0x339: {  	s18 =	sadd.s32 $0x180, s12;
	v8 =	vld [tilespmem:s20+$0xC8]  }
0x33a: {  	v9 =	vld [tilespmem:s20+$0xD8];
	s18 =	sand.u32 $0x380, s18  }
0x33b: {  	v10 =	vld [tilespmem:s20+$0xE8];
	s17 =	sadd.s32 s18, s17  }
0x33c: {  	v11 =	vld [tilespmem:s20+$0xF8];
	[tilespmem:s17+$0x8000] =	vst v4  }
0x33d: {  	s19 =	sadd.s32 $0x4, s19;
	[tilespmem:s17+$0x8010] =	vst v5  }
0x33e: {  	p0 =	slt.u32 s19, $0x3C;
	[tilespmem:s17+$0x8020] =	vst v6  }
.Ltmp9:
0x33f: {  	[tilespmem:s17+$0x8030] =	vst v7;
	(pc) =	sbr.rel @p0 .LBB2_21-.Ltmp9, $4  }
0x340: {  	[tilespmem:s17+$0x8040] =	vst v8  }
0x341: {  	[tilespmem:s17+$0x8050] =	vst v9  }
0x342: {  	[tilespmem:s17+$0x8060] =	vst v10  }
0x343: {  	s16 =	sadd.s32 $0x200, s16;
	s12 =	sadd.s32 $0x200, s12;
	s20 =	sadd.s32 $0x220, s20;
	[tilespmem:s17+$0x8070] =	vst v11  }
0x344: {  	s3 =	sadd.s32 $0x1, s3  }
0x345: {  	s11 =	sadd.s32 @!p1 $0x480, s11;
	s12 =	simm.s32 @!p1 $0x80;
	p0 =	sne.s32 s3, $0x28  }
.Ltmp10:
0x346: {  	s16 =	simm.s32 @!p1 $0xE400;
	s6 =	sadd.s32 s10, s6;
	(pc) =	sbr.rel @p0 .LBB2_2-.Ltmp10, $4  }
0x347: {  	[tilespmem:s16], [sflag:$0x5] =	stream.indirect.gather @!p1 [hbm4b:s4+s12], $0x40, s11, s12, $0xb8;
	[tilespmem:$0x1C600] =	vst v63  }
0x348: {  	s6 =	sshrl.u32 s6, $0x3  }
0x349: {  	s6 =	sadd.s32 s2, s6  }
0x34a: {  	[hbm4b:s6+s24] =	stream.strided.scatter [tilespmem:s15], [sflag:$0xA], $0x2000, s25, s24, $0x38;
	[tilespmem:$0x1C600] =	vst v63  }
0x34b: {  	s3 =	simm.s32 $0x6  }
0x34c: {  	_ =	swait.ge [sflag:s3], $0x2000  }
0x34d: {  	[sflag:s3] =	ssyncset.done $0x0  }
0x34e: {  	s17 =	simm.s32 $0x7;
	[sflag:s3] =	ssyncadd.s32 $0xFFFFE000  }
0x34f: {  	_ =	swait.ge [sflag:s17], $0x2000  }
0x350: {  	[sflag:s17] =	ssyncset.done $0x0  }
0x351: {  	s18 =	simm.s32 $0x8;
	[sflag:s17] =	ssyncadd.s32 $0xFFFFE000  }
0x352: {  	_ =	swait.ge [sflag:s18], $0x2000  }
0x353: {  	[sflag:s18] =	ssyncset.done $0x0  }
0x354: {  	s19 =	simm.s32 $0x9;
	[sflag:s18] =	ssyncadd.s32 $0xFFFFE000  }
0x355: {  	_ =	swait.ge [sflag:s19], $0x2000  }
0x356: {  	[sflag:s19] =	ssyncset.done $0x0  }
0x357: {  	s6 =	simm.s32 $0xA;
	[sflag:s19] =	ssyncadd.s32 $0xFFFFE000  }
0x358: {  	_ =	swait.ge [sflag:s6], $0x2000  }
0x359: {  	s21 =	sadd.s32 $0x1, s21;
	s20 =	rddreg [dreg:$0x4]  }
0x35a: {  	p0 =	sne.s32 s21, s20  }
.Ltmp11:
0x35b: {  	_ = 	snop;
	(pc) =	sbr.rel @p0 .LBB2_1-.Ltmp11, $3  }
0x35c: {  	_ =	sdelay $0x1  }
0x35d: {  	[sflag:s6] =	ssyncset.done $0x0  }
0x35e: {  	[sflag:s6] =	ssyncadd.s32 $0xFFFFE000  }
0x35f: {  	_ =	sfence.sel $0x180000  }
0x360: {  	[bflag:$0x0] =	sbarrier.arrive $0xFFFF  }
0x361: {  	_ =	strace $0x90000047  }
0x362: {  	s0 =	stileid.u32;
	[bflag:$0x2] =	sbarrier.arrive $0xFFFF  }
0x363: {  	p0 =	sne.s32 s0, $0x0;
	s0 =	rddreg [dreg:$0x2]  }
0x364: {  	s0 =	sadd.s32 @!p0 $0x100000, s0  }
0x365: {  	[sflag:s0] =	ssyncadd.tile.s32 @!p0 $0x1;
	_ =	shalt  }
.Lfunc_end2:
_tile_overlayer_lowered:
.L_overlay_start_2:
0x366: {  	(tag) =	ssettag $0x2  }
0x367: {  	s0 =	rddreg [dreg:$0x0];
	s2 =	stileid.u32  }
0x368: {  	s1 =	rddreg [dreg:$0x1];
	p0 =	sne.s32 s2, $0x0  }
0x369: {  	s3 =	rddreg [dreg:$0x2];
	[bflag:$0x3] =	sbarrier.arrive $0xFFFF;
	s2 =	simm.s32 @!p0 $0x1C0B  }
0x36a: {  	[timem:s3], [sflag:s2] =	dma.local @!p0 [hbm:s0], s1  }
0x36b: {  	s0 =	simm.s32 @!p0 $0xB  }
0x36c: {  	_ =	swait.ge @!p0 [sflag:s0], s1  }
0x36d: {  	s1 =	ssub.s32 @!p0 $0x0, s1;
	[sflag:s0] =	ssyncset.done @!p0 $0x0  }
0x36e: {  	[sflag:s0] =	ssyncadd.s32 @!p0 s1  }
0x36f: {  	[bflag:$0x3] =	sbarrier.arrive $0xFFFF  }
0x370: {  	_ =	shalt  }

</sc_bundles>
